<compile_context>
chip_gen: v7x
topology: tpu7x:2x2x1
jax: 0.10.2.dev20260603
libtpu: 0.0.44.dev20260713+nightly
codegen_flags: <defaults>
</compile_context>

<pallas_src>
import functools

import jax
import jax.numpy as jnp
from jax import lax
from jax.experimental import pallas as pl
from jax.experimental.pallas import tpu as pltpu
from jax.experimental.pallas import tpu_sc as plsc

N = 10000
E = 320000
D = 128
NC = 2
NS = 16
TILES = NC * NS
NPAD = 10240
CHUNK = 128
CPT = 80
EPAD = TILES * CPT * CHUNK
RPT = NPAD // NS

_MESH = plsc.VectorSubcoreMesh(
    core_axis_name="c", subcore_axis_name="s", num_cores=NC, num_subcores=NS
)


_BROWS = 64
_DCPT = TILES * CPT // NS


@functools.partial(
    pl.kernel,
    out_type=jax.ShapeDtypeStruct((NC, NPAD, D), jnp.float32),
    mesh=_MESH,
    scratch_types=[
        pltpu.VMEM((_DCPT, CHUNK), jnp.int32),
        pltpu.VMEM((CHUNK, D), jnp.float32),
        pltpu.VMEM((_BROWS, D), jnp.float32),
        pltpu.VMEM_SHARED((NPAD, D), jnp.float32),
    ],
)
def _deg_kernel(idx_hbm, out_hbm, idx_t, ones_v, bounce, acc):
    c = lax.axis_index("c")
    s = lax.axis_index("s")

    pltpu.sync_copy(idx_hbm.at[c, s], idx_t)

    ones16 = jnp.full((16,), 1.0, jnp.float32)
    zero16 = jnp.zeros((16,), jnp.float32)

    def _fill(i, carry):
        ones_v[i // 8, pl.ds((i % 8) * 16, 16)] = ones16
        return carry

    lax.fori_loop(0, CHUNK * 8, _fill, 0)

    def _zero(i, carry):
        bounce[i // 8, pl.ds((i % 8) * 16, 16)] = zero16
        return carry

    lax.fori_loop(0, _BROWS * 8, _zero, 0)

    t0 = s * RPT

    def _zacc(b, carry):
        pltpu.sync_copy(bounce, acc.at[pl.ds(t0 + b * _BROWS, _BROWS)])
        return carry

    lax.fori_loop(0, RPT // _BROWS, _zacc, 0)
    plsc.subcore_barrier()

    def _acc(c0, carry):
        pltpu.sync_copy(ones_v, acc.at[idx_t.at[c0]], add=True)
        return carry

    lax.fori_loop(0, _DCPT, _acc, 0)

    plsc.subcore_barrier()

    def _wb(b, carry):
        rr = t0 + b * _BROWS
        pltpu.sync_copy(acc.at[pl.ds(rr, _BROWS)], bounce)
        pltpu.sync_copy(bounce, out_hbm.at[c, pl.ds(rr, _BROWS)])
        return carry

    lax.fori_loop(0, RPT // _BROWS, _wb, 0)


_HALF = CPT // 2


@functools.partial(
    pl.kernel,
    out_type=jax.ShapeDtypeStruct((NC, NPAD, D), jnp.float32),
    mesh=_MESH,
    scratch_types=[
        pltpu.VMEM((_HALF, 2, CHUNK), jnp.int32),
        pltpu.VMEM((CHUNK, D), jnp.float32),
        pltpu.VMEM((CHUNK, D), jnp.float32),
        pltpu.VMEM_SHARED((NPAD, D), jnp.float32),
        pltpu.SemaphoreType.DMA,
        pltpu.SemaphoreType.DMA,
    ],
)
def _gs_kernel(src_hbm, idx_hbm, out_hbm,
               idx_t, rows_a, rows_b, acc, sem_a, sem_b):
    c = lax.axis_index("c")
    s = lax.axis_index("s")
    wid = c * NS + s

    zero16 = jnp.zeros((16,), jnp.float32)

    def _zero(i, carry):
        rows_a[i // 8, pl.ds((i % 8) * 16, 16)] = zero16
        return carry

    lax.fori_loop(0, CHUNK * 8, _zero, 0)

    t0 = s * RPT

    def _zacc(b, carry):
        pltpu.sync_copy(rows_a, acc.at[pl.ds(t0 + b * CHUNK, CHUNK)])
        return carry

    lax.fori_loop(0, RPT // CHUNK, _zacc, 0)
    plsc.subcore_barrier()

    for h in range(2):
        pltpu.sync_copy(idx_hbm.at[wid, pl.ds(h * _HALF, _HALF)], idx_t)

        pltpu.async_copy(src_hbm.at[idx_t.at[0].at[0]], rows_a, sem_a)

        def _body(g, carry):
            c0 = 2 * g
            i0 = idx_t.at[c0]
            i1 = idx_t.at[c0 + 1]
            i2 = idx_t.at[c0 + 2]
            pltpu.async_copy(src_hbm.at[i1.at[0]], rows_b, sem_b)
            pltpu.make_async_copy(src_hbm.at[i0.at[0]], rows_a, sem_a).wait()
            pltpu.sync_copy(rows_a, acc.at[i0.at[1]], add=True)
            pltpu.async_copy(src_hbm.at[i2.at[0]], rows_a, sem_a)
            pltpu.make_async_copy(src_hbm.at[i1.at[0]], rows_b, sem_b).wait()
            pltpu.sync_copy(rows_b, acc.at[i1.at[1]], add=True)
            return carry

        lax.fori_loop(0, _HALF // 2 - 1, _body, 0)

        ia = idx_t.at[_HALF - 2]
        ib = idx_t.at[_HALF - 1]
        pltpu.async_copy(src_hbm.at[ib.at[0]], rows_b, sem_b)
        pltpu.make_async_copy(src_hbm.at[ia.at[0]], rows_a, sem_a).wait()
        pltpu.sync_copy(rows_a, acc.at[ia.at[1]], add=True)
        pltpu.make_async_copy(src_hbm.at[ib.at[0]], rows_b, sem_b).wait()
        pltpu.sync_copy(rows_b, acc.at[ib.at[1]], add=True)

    plsc.subcore_barrier()

    def _wb(b, carry):
        rr = t0 + b * CHUNK
        pltpu.sync_copy(acc.at[pl.ds(rr, CHUNK)], rows_a)
        pltpu.sync_copy(rows_a, out_hbm.at[c, pl.ds(rr, CHUNK)])
        return carry

    lax.fori_loop(0, RPT // CHUNK, _wb, 0)


_BLK = 1024
_GRID = NPAD // _BLK


def _feat_spec():
    return pl.BlockSpec((_BLK, D), lambda i: (i, 0))


def _col_spec():
    return pl.BlockSpec((_BLK, 1), lambda i: (i, 0))


def _fixed_spec(shape):
    return pl.BlockSpec(shape, lambda i: tuple(0 for _ in shape))


def _mm_body(x_ref, w_ref, o_ref):
    o_ref[...] = jnp.dot(x_ref[...], w_ref[...],
                         preferred_element_type=jnp.float32)


def _matmul(x, w):
    return pl.pallas_call(
        _mm_body,
        grid=(_GRID,),
        in_specs=[_feat_spec(), _fixed_spec((D, D))],
        out_specs=_feat_spec(),
        out_shape=jax.ShapeDtypeStruct((NPAD, D), jnp.float32),
    )(x, w)


def _combine_hedge_body(h0, h1, bd, o):
    deg = bd[...]
    inv = jnp.where(deg > 0, 1.0 / deg, 0.0)
    o[...] = (h0[...] + h1[...]) * inv


def _combine_hedge(h0, h1, bd):
    return pl.pallas_call(
        _combine_hedge_body,
        grid=(_GRID,),
        in_specs=[_feat_spec(), _feat_spec(), _col_spec()],
        out_specs=_feat_spec(),
        out_shape=jax.ShapeDtypeStruct((NPAD, D), jnp.float32),
    )(h0, h1, bd)


def _mid_body(q0, q1, dd, b1r, w2, a, o):
    deg = dd[...]
    inv = jnp.where(deg > 0, 1.0 / deg, 0.0)
    t = (q0[...] + q1[...]) * inv + b1r[...]
    av = a[0, 0]
    t = jnp.where(t >= 0, t, av * t)
    o[...] = jnp.dot(t, w2[...], preferred_element_type=jnp.float32)


def _mid(q0, q1, dd, b1r, w2, a):
    return pl.pallas_call(
        _mid_body,
        grid=(_GRID,),
        in_specs=[_feat_spec(), _feat_spec(), _col_spec(),
                  _fixed_spec((1, D)), _fixed_spec((D, D)),
                  _fixed_spec((1, 1))],
        out_specs=_feat_spec(),
        out_shape=jax.ShapeDtypeStruct((NPAD, D), jnp.float32),
    )(q0, q1, dd, b1r, w2, a)


def _final_body(q0, q1, dd, b2r, xr, a, o):
    deg = dd[...]
    inv = jnp.where(deg > 0, 1.0 / deg, 0.0)
    t = (q0[...] + q1[...]) * inv + b2r[...] + xr[...]
    av = a[0, 0]
    o[...] = jnp.where(t >= 0, t, av * t)


def _final(q0, q1, dd, b2r, xr, a):
    return pl.pallas_call(
        _final_body,
        grid=(_GRID,),
        in_specs=[_feat_spec(), _feat_spec(), _col_spec(),
                  _fixed_spec((1, D)), _feat_spec(), _fixed_spec((1, 1))],
        out_specs=_feat_spec(),
        out_shape=jax.ShapeDtypeStruct((NPAD, D), jnp.float32),
    )(q0, q1, dd, b2r, xr, a)


def kernel(x, edge_index, W1, b1, W2, b2, prelu_a):
    nidx = edge_index[0]
    hidx = edge_index[1]
    pad = N + (jnp.arange(EPAD - E, dtype=jnp.int32) % (NPAD - N))
    nidx_r = jnp.concatenate([nidx, pad]).reshape(TILES, CPT, CHUNK)
    hidx_r = jnp.concatenate([hidx, pad]).reshape(TILES, CPT, CHUNK)
    n2h = jnp.stack([nidx_r, hidx_r], axis=2)
    h2n = jnp.stack([hidx_r, nidx_r], axis=2)
    x_pad = jnp.pad(x, ((0, NPAD - N), (0, 0)))

    deg_idx = jnp.stack([nidx_r.reshape(NS, _DCPT, CHUNK),
                         hidx_r.reshape(NS, _DCPT, CHUNK)], axis=0)
    degs = _deg_kernel(deg_idx)
    dd = degs[0, :, 0:1]
    bd = degs[1, :, 0:1]

    b1r = b1.reshape(1, D)
    b2r = b2.reshape(1, D)
    a2 = jnp.asarray(prelu_a, jnp.float32).reshape(1, 1)

    xt1 = _matmul(x_pad, W1)
    hp = _gs_kernel(xt1, n2h)
    hf1 = _combine_hedge(hp[0], hp[1], bd)
    qp = _gs_kernel(hf1, h2n)
    xt2 = _mid(qp[0], qp[1], dd, b1r, W2, a2)
    hp2 = _gs_kernel(xt2, n2h)
    hf2 = _combine_hedge(hp2[0], hp2[1], bd)
    qp2 = _gs_kernel(hf2, h2n)
    out = _final(qp2[0], qp2[1], dd, b2r, x_pad, a2)
    return out[:N]

# --- scband reference (transcript-rebuilt; emitter-appended) ---
"""Pipeline reference for scband-hyper-graph-structural-layer-sample-19825569038839 (READ-ONLY COPY).

The authoritative reference and input builder live on the scoring server;
editing this copy changes nothing except your own understanding.
"""

import jax, jax.numpy as jnp
import numpy as np

N = 10000
E = 320000
D_FEAT = 128
NUM_HEDGES = 10000


def setup_inputs(seed: int = 0) -> dict:
    key = jax.random.key(seed)
    ks = jax.random.split(key, 8)
    x = jax.random.normal(ks[0], (N, D_FEAT), dtype=jnp.float32)
    edge_index = jax.random.randint(ks[1], (2, E), 0, N, dtype=jnp.int32)
    scale = float(np.sqrt(2.0 / D_FEAT))  # kaiming_normal on [out,in] linear weights
    W1 = jax.random.normal(ks[2], (D_FEAT, D_FEAT), dtype=jnp.float32) * scale
    b1 = jnp.zeros((D_FEAT,), dtype=jnp.float32)
    W2 = jax.random.normal(ks[3], (D_FEAT, D_FEAT), dtype=jnp.float32) * scale
    b2 = jnp.zeros((D_FEAT,), dtype=jnp.float32)
    prelu_a = jnp.float32(0.25)
    return {"x": x, "edge_index": edge_index, "W1": W1, "b1": b1, "W2": W2, "b2": b2, "prelu_a": prelu_a}


def _hypergraph_conv(x, edge_index, W, b):
    # PyG HypergraphConv (use_attention=False, hyperedge_weight=1):
    # out = D^{-1} H B^{-1} H^T (X Theta) + bias
    xt = x @ W
    node_idx = edge_index[0]
    hedge_idx = edge_index[1]
    ones = jnp.ones((edge_index.shape[1],), dtype=jnp.float32)
    Ddeg = jax.ops.segment_sum(ones, node_idx, num_segments=N)
    Dinv = jnp.where(Ddeg > 0, 1.0 / Ddeg, 0.0)
    Bdeg = jax.ops.segment_sum(ones, hedge_idx, num_segments=NUM_HEDGES)
    Binv = jnp.where(Bdeg > 0, 1.0 / Bdeg, 0.0)
    # node -> hyperedge aggregation with B^{-1} norm
    hedge_feat = jax.ops.segment_sum(jnp.take(xt, node_idx, axis=0), hedge_idx, num_segments=NUM_HEDGES)
    hedge_feat = hedge_feat * Binv[:, None]
    # hyperedge -> node aggregation with D^{-1} norm
    out = jax.ops.segment_sum(jnp.take(hedge_feat, hedge_idx, axis=0), node_idx, num_segments=N)
    out = out * Dinv[:, None]
    return out + b


def _prelu(x, a):
    return jnp.where(x >= 0, x, a * x)


def reference(x, edge_index, W1, b1, W2, b2, prelu_a):
    out1 = _hypergraph_conv(x, edge_index, W1, b1)
    out1 = _prelu(out1, prelu_a)
    out1 = _hypergraph_conv(out1, edge_index, W2, b2)
    out1 = out1 + x
    out1 = _prelu(out1, prelu_a)
    return out1

if __name__ == "__main__":
    import jax
    _d = setup_inputs()
    print(jax.jit(kernel)(*tuple(_d.values())))

</pallas_src>

<mosaic_0001>
#map = affine_map<(d0, d1) -> (0, 0)>
#map1 = affine_map<(d0, d1) -> (0, 0, 0, 0)>
#map2 = affine_map<(d0, d1) -> (0, 0, 0)>
module attributes {stable_mosaic.version = 14 : i64} {
  func.func @_gs_kernel(%arg0: i32, %arg1: i32, %arg2: memref<10240x128xf32, #tpu.memory_space<hbm>>, %arg3: memref<32x80x2x128xi32, #tpu.memory_space<hbm>>, %arg4: memref<2x10240x128xf32, #tpu.memory_space<hbm>>, %arg5: memref<40x2x128xi32, #tpu.memory_space<vmem>>, %arg6: memref<128x128xf32, #tpu.memory_space<vmem>>, %arg7: memref<128x128xf32, #tpu.memory_space<vmem>>, %arg8: memref<10240x128xf32, #tpu.memory_space<vmem_shared>>, %arg9: memref<!tpu.dma_semaphore, #tpu.memory_space<semaphore_mem>>, %arg10: memref<!tpu.dma_semaphore, #tpu.memory_space<semaphore_mem>>) attributes {dimension_semantics = [#tpu.dimension_semantics<core_parallel>, #tpu.dimension_semantics<subcore_parallel>], iteration_bounds = array<i64: 2, 16>, scalar_prefetch = 0 : i64, scratch_operands = 6 : i64, tpu.core_type = #tpu.core_type<sc_vector_subcore>, window_params = [{transform_indices = #map}, {transform_indices = #map1}, {transform_indices = #map2}]} {
    %mul3A = arith.constant 16 : i32
    %mul3A_0 = arith.muli %arg0, %mul3A : i32
    %add3A = arith.addi %mul3A_0, %arg1 : i32
    %broadcast_in_dim3A = arith.constant 0.000000e+00 : f32
    %broadcast_in_dim3A_1 = vector.broadcast %broadcast_in_dim3A : f32 to vector<16xf32>
    %scan3A = arith.constant 0 : i32
    %scan3A_2 = arith.constant 0 : i32
    %scan3A_3 = arith.constant 1024 : i32
    %scan3A_4 = arith.addi %scan3A_2, %scan3A_3 : i32
    %scan3A_5 = arith.constant 1 : i32
    scf.for %scan3A_135 = %scan3A_2 to %scan3A_4 step %scan3A_5  : i32 {
      %jit3A = arith.constant 8 : i32
      %div3A = arith.divsi %scan3A_135, %jit3A : i32
      %sign3A = arith.constant 0 : i32
      %sign3A_136 = arith.cmpi sgt, %scan3A_135, %sign3A : i32
      %sign3A_137 = arith.extui %sign3A_136 : i1 to i32
      %sign3A_138 = arith.constant 0 : i32
      %sign3A_139 = arith.cmpi slt, %scan3A_135, %sign3A_138 : i32
      %sign3A_140 = arith.extui %sign3A_139 : i1 to i32
      %sign3A_141 = arith.subi %sign3A_137, %sign3A_140 : i32
      %sign3A_142 = arith.constant 0 : i32
      %sign3A_143 = arith.cmpi sgt, %jit3A, %sign3A_142 : i32
      %sign3A_144 = arith.extui %sign3A_143 : i1 to i32
      %sign3A_145 = arith.constant 0 : i32
      %sign3A_146 = arith.cmpi slt, %jit3A, %sign3A_145 : i32
      %sign3A_147 = arith.extui %sign3A_146 : i1 to i32
      %sign3A_148 = arith.subi %sign3A_144, %sign3A_147 : i32
      %ne3A = arith.cmpi ne, %sign3A_141, %sign3A_148 : i32
      %rem3A = arith.remsi %scan3A_135, %jit3A : i32
      %ne3A_149 = arith.constant 0 : i32
      %ne3A_150 = arith.cmpi ne, %rem3A, %ne3A_149 : i32
      %and3A = arith.andi %ne3A, %ne3A_150 : i1
      %sub3A = arith.constant 1 : i32
      %sub3A_151 = arith.subi %div3A, %sub3A : i32
      %select_n3A = arith.select %and3A, %sub3A_151, %div3A : i32
      %jit3A_152 = arith.constant 8 : i32
      %eq3A = arith.constant 0 : i32
      %eq3A_153 = arith.cmpi eq, %jit3A_152, %eq3A : i32
      %jit3A_154 = arith.constant 1 : i32
      %select_n3A_155 = arith.select %eq3A_153, %jit3A_154, %jit3A_152 : i32
      %rem3A_156 = arith.remsi %scan3A_135, %select_n3A_155 : i32
      %ne3A_157 = arith.constant 0 : i32
      %ne3A_158 = arith.cmpi ne, %rem3A_156, %ne3A_157 : i32
      %lt3A = arith.constant 0 : i32
      %lt3A_159 = arith.cmpi slt, %rem3A_156, %lt3A : i32
      %lt3A_160 = arith.constant 0 : i32
      %lt3A_161 = arith.cmpi slt, %select_n3A_155, %lt3A_160 : i32
      %ne3A_162 = arith.xori %lt3A_159, %lt3A_161 : i1
      %and3A_163 = arith.andi %ne3A_162, %ne3A_158 : i1
      %add3A_164 = arith.addi %rem3A_156, %select_n3A_155 : i32
      %select_n3A_165 = arith.select %and3A_163, %add3A_164, %rem3A_156 : i32
      %mul3A_166 = arith.constant 16 : i32
      %mul3A_167 = arith.muli %select_n3A_165, %mul3A_166 : i32
      %swap3A = arith.index_cast %select_n3A : i32 to index
      %swap3A_168 = arith.index_cast %mul3A_167 : i32 to index
      %swap3A_169 = tpu.vector_load %arg6[%swap3A, %swap3A_168] {strides = array<i32>} : memref<128x128xf32, #tpu.memory_space<vmem>>, vector<1x16xf32>,
      %swap3A_170 = vector.shape_cast %swap3A_169 : vector<1x16xf32> to vector<16xf32>
      %swap3A_171 = vector.shape_cast %broadcast_in_dim3A_1 : vector<16xf32> to vector<1x16xf32>
      tpu.vector_store %arg6[%swap3A, %swap3A_168], %swap3A_171 {strides = array<i32>} : memref<128x128xf32, #tpu.memory_space<vmem>>, vector<1x16xf32>,
    }
    %scan3A_6 = arith.constant 1024 : i32
    %mul3A_7 = arith.constant 640 : i32
    %mul3A_8 = arith.muli %arg1, %mul3A_7 : i32
    %scan3A_9 = arith.constant 0 : i32
    %scan3A_10 = arith.constant 0 : i32
    %scan3A_11 = arith.constant 5 : i32
    %scan3A_12 = arith.addi %scan3A_10, %scan3A_11 : i32
    %scan3A_13 = arith.constant 1 : i32
    scf.for %scan3A_135 = %scan3A_10 to %scan3A_12 step %scan3A_13  : i32 {
      %mul3A_136 = arith.constant 128 : i32
      %mul3A_137 = arith.muli %scan3A_135, %mul3A_136 : i32
      %add3A_138 = arith.addi %mul3A_8, %mul3A_137 : i32
      "tpu.region"() ({
        %run_scoped3A_139 = tpu.sem_alloc : memref<!tpu.dma_semaphore, #tpu.memory_space<semaphore_mem>>
        %dma_start3A_140 = arith.constant 0 : i32
        %dma_start3A_141 = tpu.memref_slice %arg8[%add3A_138, %dma_start3A_140] : memref<10240x128xf32, #tpu.memory_space<vmem_shared>> -> memref<128x128xf32, #tpu.memory_space<vmem_shared>>
        %dma_start3A_142 = arith.constant 0 : i32
        %dma_start3A_143 = tpu.memref_slice %arg8[%add3A_138, %dma_start3A_142] : memref<10240x128xf32, #tpu.memory_space<vmem_shared>> -> memref<128x128xf32, #tpu.memory_space<vmem_shared>>
        tpu.enqueue_dma source(%arg6 : memref<128x128xf32, #tpu.memory_space<vmem>>) target(%dma_start3A_143 : memref<128x128xf32, #tpu.memory_space<vmem_shared>>) target_semaphore(%run_scoped3A_139 : memref<!tpu.dma_semaphore, #tpu.memory_space<semaphore_mem>>)
        %dma_wait3A_144 = arith.constant 0 : i32
        %dma_wait3A_145 = tpu.memref_slice %arg8[%add3A_138, %dma_wait3A_144] : memref<10240x128xf32, #tpu.memory_space<vmem_shared>> -> memref<128x128xf32, #tpu.memory_space<vmem_shared>>
        %dma_wait3A_146 = arith.constant 0 : i32
        %dma_wait3A_147 = tpu.memref_slice %arg8[%add3A_138, %dma_wait3A_146] : memref<10240x128xf32, #tpu.memory_space<vmem_shared>> -> memref<128x128xf32, #tpu.memory_space<vmem_shared>>
        tpu.wait_dma2 semaphore(%run_scoped3A_139 : memref<!tpu.dma_semaphore, #tpu.memory_space<semaphore_mem>>) src(%arg6 : memref<128x128xf32, #tpu.memory_space<vmem>>) dst(%dma_wait3A_147 : memref<128x128xf32, #tpu.memory_space<vmem_shared>>)
        tpu.yield
      }) : () -> ()
    }
    %scan3A_14 = arith.constant 5 : i32
    %barrier3A = arith.constant 0 : index
    tpu.barrier barrier_id(%barrier3A)
    "tpu.region"() ({
      %run_scoped3A_135 = tpu.sem_alloc : memref<!tpu.dma_semaphore, #tpu.memory_space<semaphore_mem>>
      %dma_start3A_136 = arith.constant 0 : i32
      %dma_start3A_137 = arith.constant 0 : i32
      %dma_start3A_138 = arith.constant 0 : i32
      %dma_start3A_139 = tpu.memref_slice %arg3[%add3A, %dma_start3A_136, %dma_start3A_137, %dma_start3A_138] : memref<32x80x2x128xi32, #tpu.memory_space<hbm>> -> memref<1x40x2x128xi32, #tpu.memory_space<hbm>>
      %dma_start3A_140 = tpu.memref_squeeze %dma_start3A_139 : memref<1x40x2x128xi32, #tpu.memory_space<hbm>> -> memref<40x2x128xi32, #tpu.memory_space<hbm>>
      %dma_start3A_141 = arith.constant 0 : i32
      %dma_start3A_142 = arith.constant 0 : i32
      %dma_start3A_143 = arith.constant 0 : i32
      %dma_start3A_144 = tpu.memref_slice %arg3[%add3A, %dma_start3A_141, %dma_start3A_142, %dma_start3A_143] : memref<32x80x2x128xi32, #tpu.memory_space<hbm>> -> memref<1x40x2x128xi32, #tpu.memory_space<hbm>>
      %dma_start3A_145 = tpu.memref_squeeze %dma_start3A_144 : memref<1x40x2x128xi32, #tpu.memory_space<hbm>> -> memref<40x2x128xi32, #tpu.memory_space<hbm>>
      tpu.enqueue_dma source(%dma_start3A_145 : memref<40x2x128xi32, #tpu.memory_space<hbm>>) target(%arg5 : memref<40x2x128xi32, #tpu.memory_space<vmem>>) target_semaphore(%run_scoped3A_135 : memref<!tpu.dma_semaphore, #tpu.memory_space<semaphore_mem>>)
      %dma_wait3A_146 = arith.constant 0 : i32
      %dma_wait3A_147 = arith.constant 0 : i32
      %dma_wait3A_148 = arith.constant 0 : i32
      %dma_wait3A_149 = tpu.memref_slice %arg3[%add3A, %dma_wait3A_146, %dma_wait3A_147, %dma_wait3A_148] : memref<32x80x2x128xi32, #tpu.memory_space<hbm>> -> memref<1x40x2x128xi32, #tpu.memory_space<hbm>>
      %dma_wait3A_150 = tpu.memref_squeeze %dma_wait3A_149 : memref<1x40x2x128xi32, #tpu.memory_space<hbm>> -> memref<40x2x128xi32, #tpu.memory_space<hbm>>
      %dma_wait3A_151 = arith.constant 0 : i32
      %dma_wait3A_152 = arith.constant 0 : i32
      %dma_wait3A_153 = arith.constant 0 : i32
      %dma_wait3A_154 = tpu.memref_slice %arg3[%add3A, %dma_wait3A_151, %dma_wait3A_152, %dma_wait3A_153] : memref<32x80x2x128xi32, #tpu.memory_space<hbm>> -> memref<1x40x2x128xi32, #tpu.memory_space<hbm>>
      %dma_wait3A_155 = tpu.memref_squeeze %dma_wait3A_154 : memref<1x40x2x128xi32, #tpu.memory_space<hbm>> -> memref<40x2x128xi32, #tpu.memory_space<hbm>>
      tpu.wait_dma2 semaphore(%run_scoped3A_135 : memref<!tpu.dma_semaphore, #tpu.memory_space<semaphore_mem>>) src(%dma_wait3A_155 : memref<40x2x128xi32, #tpu.memory_space<hbm>>) dst(%arg5 : memref<40x2x128xi32, #tpu.memory_space<vmem>>)
      tpu.yield
    }) : () -> ()
    %dma_start3A = arith.constant 0 : i32
    %dma_start3A_15 = arith.constant 0 : i32
    %dma_start3A_16 = arith.constant 0 : i32
    %dma_start3A_17 = arith.constant 0 : i32
    %dma_start3A_18 = tpu.memref_slice %arg5[%dma_start3A, %dma_start3A_16, %dma_start3A_17] : memref<40x2x128xi32, #tpu.memory_space<vmem>> -> memref<1x2x128xi32, #tpu.memory_space<vmem>>
    %dma_start3A_19 = tpu.memref_squeeze %dma_start3A_18 : memref<1x2x128xi32, #tpu.memory_space<vmem>> -> memref<2x128xi32, #tpu.memory_space<vmem>>
    %dma_start3A_20 = arith.constant 0 : i32
    %dma_start3A_21 = tpu.memref_slice %dma_start3A_19[%dma_start3A_15, %dma_start3A_20] : memref<2x128xi32, #tpu.memory_space<vmem>> -> memref<1x128xi32, #tpu.memory_space<vmem>>
    %dma_start3A_22 = tpu.memref_squeeze %dma_start3A_21 : memref<1x128xi32, #tpu.memory_space<vmem>> -> memref<128xi32, #tpu.memory_space<vmem>>
    %dma_start3A_23 = arith.constant 0 : i32
    %dma_start3A_24 = arith.constant 0 : i32
    %dma_start3A_25 = tpu.memref_slice %arg2[%dma_start3A_23, %dma_start3A_24] : memref<10240x128xf32, #tpu.memory_space<hbm>> -> memref<10240x128xf32, #tpu.memory_space<hbm>>
    tpu.enqueue_indirect_dma source(%dma_start3A_25 : memref<10240x128xf32, #tpu.memory_space<hbm>>) target(%arg6 : memref<128x128xf32, #tpu.memory_space<vmem>>) offsets(%dma_start3A_22 : memref<128xi32, #tpu.memory_space<vmem>>) semaphore(%arg9 : memref<!tpu.dma_semaphore, #tpu.memory_space<semaphore_mem>>)
    %scan3A_26 = arith.constant 0 : i32
    %scan3A_27 = arith.constant 0 : i32
    %scan3A_28 = arith.constant 19 : i32
    %scan3A_29 = arith.addi %scan3A_27, %scan3A_28 : i32
    %scan3A_30 = arith.constant 1 : i32
    scf.for %scan3A_135 = %scan3A_27 to %scan3A_29 step %scan3A_30  : i32 {
      %mul3A_136 = arith.constant 2 : i32
      %mul3A_137 = arith.muli %mul3A_136, %scan3A_135 : i32
      %add3A_138 = arith.constant 1 : i32
      %add3A_139 = arith.addi %mul3A_137, %add3A_138 : i32
      %add3A_140 = arith.constant 2 : i32
      %add3A_141 = arith.addi %mul3A_137, %add3A_140 : i32
      %dma_start3A_142 = arith.constant 0 : i32
      %dma_start3A_143 = arith.constant 0 : i32
      %dma_start3A_144 = arith.constant 0 : i32
      %dma_start3A_145 = tpu.memref_slice %arg5[%add3A_139, %dma_start3A_143, %dma_start3A_144] : memref<40x2x128xi32, #tpu.memory_space<vmem>> -> memref<1x2x128xi32, #tpu.memory_space<vmem>>
      %dma_start3A_146 = tpu.memref_squeeze %dma_start3A_145 : memref<1x2x128xi32, #tpu.memory_space<vmem>> -> memref<2x128xi32, #tpu.memory_space<vmem>>
      %dma_start3A_147 = arith.constant 0 : i32
      %dma_start3A_148 = tpu.memref_slice %dma_start3A_146[%dma_start3A_142, %dma_start3A_147] : memref<2x128xi32, #tpu.memory_space<vmem>> -> memref<1x128xi32, #tpu.memory_space<vmem>>
      %dma_start3A_149 = tpu.memref_squeeze %dma_start3A_148 : memref<1x128xi32, #tpu.memory_space<vmem>> -> memref<128xi32, #tpu.memory_space<vmem>>
      %dma_start3A_150 = arith.constant 0 : i32
      %dma_start3A_151 = arith.constant 0 : i32
      %dma_start3A_152 = tpu.memref_slice %arg2[%dma_start3A_150, %dma_start3A_151] : memref<10240x128xf32, #tpu.memory_space<hbm>> -> memref<10240x128xf32, #tpu.memory_space<hbm>>
      tpu.enqueue_indirect_dma source(%dma_start3A_152 : memref<10240x128xf32, #tpu.memory_space<hbm>>) target(%arg7 : memref<128x128xf32, #tpu.memory_space<vmem>>) offsets(%dma_start3A_149 : memref<128xi32, #tpu.memory_space<vmem>>) semaphore(%arg10 : memref<!tpu.dma_semaphore, #tpu.memory_space<semaphore_mem>>)
      %dma_wait3A_153 = arith.constant 0 : i32
      %dma_wait3A_154 = arith.constant 0 : i32
      %dma_wait3A_155 = arith.constant 0 : i32
      %dma_wait3A_156 = tpu.memref_slice %arg5[%mul3A_137, %dma_wait3A_154, %dma_wait3A_155] : memref<40x2x128xi32, #tpu.memory_space<vmem>> -> memref<1x2x128xi32, #tpu.memory_space<vmem>>
      %dma_wait3A_157 = tpu.memref_squeeze %dma_wait3A_156 : memref<1x2x128xi32, #tpu.memory_space<vmem>> -> memref<2x128xi32, #tpu.memory_space<vmem>>
      %dma_wait3A_158 = arith.constant 0 : i32
      %dma_wait3A_159 = tpu.memref_slice %dma_wait3A_157[%dma_wait3A_153, %dma_wait3A_158] : memref<2x128xi32, #tpu.memory_space<vmem>> -> memref<1x128xi32, #tpu.memory_space<vmem>>
      %dma_wait3A_160 = tpu.memref_squeeze %dma_wait3A_159 : memref<1x128xi32, #tpu.memory_space<vmem>> -> memref<128xi32, #tpu.memory_space<vmem>>
      %dma_wait3A_161 = arith.constant 0 : i32
      %dma_wait3A_162 = arith.constant 0 : i32
      %dma_wait3A_163 = tpu.memref_slice %arg2[%dma_wait3A_161, %dma_wait3A_162] : memref<10240x128xf32, #tpu.memory_space<hbm>> -> memref<10240x128xf32, #tpu.memory_space<hbm>>
      tpu.wait_indirect_dma semaphore(%arg9 : memref<!tpu.dma_semaphore, #tpu.memory_space<semaphore_mem>>) src(%dma_wait3A_163 : memref<10240x128xf32, #tpu.memory_space<hbm>>) dst(%arg6 : memref<128x128xf32, #tpu.memory_space<vmem>>)
      %run_scoped3A_164 = arith.constant 1 : i32
      "tpu.region"() ({
        %run_scoped3A_188 = tpu.sem_alloc : memref<!tpu.dma_semaphore, #tpu.memory_space<semaphore_mem>>
        %dma_start3A_189 = arith.constant 0 : i32
        %dma_start3A_190 = arith.constant 0 : i32
        %dma_start3A_191 = tpu.memref_slice %arg5[%mul3A_137, %dma_start3A_189, %dma_start3A_190] : memref<40x2x128xi32, #tpu.memory_space<vmem>> -> memref<1x2x128xi32, #tpu.memory_space<vmem>>
        %dma_start3A_192 = tpu.memref_squeeze %dma_start3A_191 : memref<1x2x128xi32, #tpu.memory_space<vmem>> -> memref<2x128xi32, #tpu.memory_space<vmem>>
        %dma_start3A_193 = arith.constant 0 : i32
        %dma_start3A_194 = tpu.memref_slice %dma_start3A_192[%run_scoped3A_164, %dma_start3A_193] : memref<2x128xi32, #tpu.memory_space<vmem>> -> memref<1x128xi32, #tpu.memory_space<vmem>>
        %dma_start3A_195 = tpu.memref_squeeze %dma_start3A_194 : memref<1x128xi32, #tpu.memory_space<vmem>> -> memref<128xi32, #tpu.memory_space<vmem>>
        %dma_start3A_196 = arith.constant 0 : i32
        %dma_start3A_197 = arith.constant 0 : i32
        %dma_start3A_198 = tpu.memref_slice %arg8[%dma_start3A_196, %dma_start3A_197] : memref<10240x128xf32, #tpu.memory_space<vmem_shared>> -> memref<10240x128xf32, #tpu.memory_space<vmem_shared>>
        tpu.enqueue_indirect_dma source(%arg6 : memref<128x128xf32, #tpu.memory_space<vmem>>) target(%dma_start3A_198 : memref<10240x128xf32, #tpu.memory_space<vmem_shared>>) offsets(%dma_start3A_195 : memref<128xi32, #tpu.memory_space<vmem>>) semaphore(%run_scoped3A_188 : memref<!tpu.dma_semaphore, #tpu.memory_space<semaphore_mem>>) {add = true}
        %dma_wait3A_199 = arith.constant 0 : i32
        %dma_wait3A_200 = arith.constant 0 : i32
        %dma_wait3A_201 = tpu.memref_slice %arg5[%mul3A_137, %dma_wait3A_199, %dma_wait3A_200] : memref<40x2x128xi32, #tpu.memory_space<vmem>> -> memref<1x2x128xi32, #tpu.memory_space<vmem>>
        %dma_wait3A_202 = tpu.memref_squeeze %dma_wait3A_201 : memref<1x2x128xi32, #tpu.memory_space<vmem>> -> memref<2x128xi32, #tpu.memory_space<vmem>>
        %dma_wait3A_203 = arith.constant 0 : i32
        %dma_wait3A_204 = tpu.memref_slice %dma_wait3A_202[%run_scoped3A_164, %dma_wait3A_203] : memref<2x128xi32, #tpu.memory_space<vmem>> -> memref<1x128xi32, #tpu.memory_space<vmem>>
        %dma_wait3A_205 = tpu.memref_squeeze %dma_wait3A_204 : memref<1x128xi32, #tpu.memory_space<vmem>> -> memref<128xi32, #tpu.memory_space<vmem>>
        %dma_wait3A_206 = arith.constant 0 : i32
        %dma_wait3A_207 = arith.constant 0 : i32
        %dma_wait3A_208 = tpu.memref_slice %arg8[%dma_wait3A_206, %dma_wait3A_207] : memref<10240x128xf32, #tpu.memory_space<vmem_shared>> -> memref<10240x128xf32, #tpu.memory_space<vmem_shared>>
        tpu.wait_indirect_dma semaphore(%run_scoped3A_188 : memref<!tpu.dma_semaphore, #tpu.memory_space<semaphore_mem>>) src(%arg6 : memref<128x128xf32, #tpu.memory_space<vmem>>) dst(%dma_wait3A_208 : memref<10240x128xf32, #tpu.memory_space<vmem_shared>>)
        tpu.yield
      }) : () -> ()
      %dma_start3A_165 = arith.constant 0 : i32
      %dma_start3A_166 = arith.constant 0 : i32
      %dma_start3A_167 = arith.constant 0 : i32
      %dma_start3A_168 = tpu.memref_slice %arg5[%add3A_141, %dma_start3A_166, %dma_start3A_167] : memref<40x2x128xi32, #tpu.memory_space<vmem>> -> memref<1x2x128xi32, #tpu.memory_space<vmem>>
      %dma_start3A_169 = tpu.memref_squeeze %dma_start3A_168 : memref<1x2x128xi32, #tpu.memory_space<vmem>> -> memref<2x128xi32, #tpu.memory_space<vmem>>
      %dma_start3A_170 = arith.constant 0 : i32
      %dma_start3A_171 = tpu.memref_slice %dma_start3A_169[%dma_start3A_165, %dma_start3A_170] : memref<2x128xi32, #tpu.memory_space<vmem>> -> memref<1x128xi32, #tpu.memory_space<vmem>>
      %dma_start3A_172 = tpu.memref_squeeze %dma_start3A_171 : memref<1x128xi32, #tpu.memory_space<vmem>> -> memref<128xi32, #tpu.memory_space<vmem>>
      %dma_start3A_173 = arith.constant 0 : i32
      %dma_start3A_174 = arith.constant 0 : i32
      %dma_start3A_175 = tpu.memref_slice %arg2[%dma_start3A_173, %dma_start3A_174] : memref<10240x128xf32, #tpu.memory_space<hbm>> -> memref<10240x128xf32, #tpu.memory_space<hbm>>
      tpu.enqueue_indirect_dma source(%dma_start3A_175 : memref<10240x128xf32, #tpu.memory_space<hbm>>) target(%arg6 : memref<128x128xf32, #tpu.memory_space<vmem>>) offsets(%dma_start3A_172 : memref<128xi32, #tpu.memory_space<vmem>>) semaphore(%arg9 : memref<!tpu.dma_semaphore, #tpu.memory_space<semaphore_mem>>)
      %dma_wait3A_176 = arith.constant 0 : i32
      %dma_wait3A_177 = arith.constant 0 : i32
      %dma_wait3A_178 = arith.constant 0 : i32
      %dma_wait3A_179 = tpu.memref_slice %arg5[%add3A_139, %dma_wait3A_177, %dma_wait3A_178] : memref<40x2x128xi32, #tpu.memory_space<vmem>> -> memref<1x2x128xi32, #tpu.memory_space<vmem>>
      %dma_wait3A_180 = tpu.memref_squeeze %dma_wait3A_179 : memref<1x2x128xi32, #tpu.memory_space<vmem>> -> memref<2x128xi32, #tpu.memory_space<vmem>>
      %dma_wait3A_181 = arith.constant 0 : i32
      %dma_wait3A_182 = tpu.memref_slice %dma_wait3A_180[%dma_wait3A_176, %dma_wait3A_181] : memref<2x128xi32, #tpu.memory_space<vmem>> -> memref<1x128xi32, #tpu.memory_space<vmem>>
      %dma_wait3A_183 = tpu.memref_squeeze %dma_wait3A_182 : memref<1x128xi32, #tpu.memory_space<vmem>> -> memref<128xi32, #tpu.memory_space<vmem>>
      %dma_wait3A_184 = arith.constant 0 : i32
      %dma_wait3A_185 = arith.constant 0 : i32
      %dma_wait3A_186 = tpu.memref_slice %arg2[%dma_wait3A_184, %dma_wait3A_185] : memref<10240x128xf32, #tpu.memory_space<hbm>> -> memref<10240x128xf32, #tpu.memory_space<hbm>>
      tpu.wait_indirect_dma semaphore(%arg10 : memref<!tpu.dma_semaphore, #tpu.memory_space<semaphore_mem>>) src(%dma_wait3A_186 : memref<10240x128xf32, #tpu.memory_space<hbm>>) dst(%arg7 : memref<128x128xf32, #tpu.memory_space<vmem>>)
      %run_scoped3A_187 = arith.constant 1 : i32
      "tpu.region"() ({
        %run_scoped3A_188 = tpu.sem_alloc : memref<!tpu.dma_semaphore, #tpu.memory_space<semaphore_mem>>
        %dma_start3A_189 = arith.constant 0 : i32
        %dma_start3A_190 = arith.constant 0 : i32
        %dma_start3A_191 = tpu.memref_slice %arg5[%add3A_139, %dma_start3A_189, %dma_start3A_190] : memref<40x2x128xi32, #tpu.memory_space<vmem>> -> memref<1x2x128xi32, #tpu.memory_space<vmem>>
        %dma_start3A_192 = tpu.memref_squeeze %dma_start3A_191 : memref<1x2x128xi32, #tpu.memory_space<vmem>> -> memref<2x128xi32, #tpu.memory_space<vmem>>
        %dma_start3A_193 = arith.constant 0 : i32
        %dma_start3A_194 = tpu.memref_slice %dma_start3A_192[%run_scoped3A_187, %dma_start3A_193] : memref<2x128xi32, #tpu.memory_space<vmem>> -> memref<1x128xi32, #tpu.memory_space<vmem>>
        %dma_start3A_195 = tpu.memref_squeeze %dma_start3A_194 : memref<1x128xi32, #tpu.memory_space<vmem>> -> memref<128xi32, #tpu.memory_space<vmem>>
        %dma_start3A_196 = arith.constant 0 : i32
        %dma_start3A_197 = arith.constant 0 : i32
        %dma_start3A_198 = tpu.memref_slice %arg8[%dma_start3A_196, %dma_start3A_197] : memref<10240x128xf32, #tpu.memory_space<vmem_shared>> -> memref<10240x128xf32, #tpu.memory_space<vmem_shared>>
        tpu.enqueue_indirect_dma source(%arg7 : memref<128x128xf32, #tpu.memory_space<vmem>>) target(%dma_start3A_198 : memref<10240x128xf32, #tpu.memory_space<vmem_shared>>) offsets(%dma_start3A_195 : memref<128xi32, #tpu.memory_space<vmem>>) semaphore(%run_scoped3A_188 : memref<!tpu.dma_semaphore, #tpu.memory_space<semaphore_mem>>) {add = true}
        %dma_wait3A_199 = arith.constant 0 : i32
        %dma_wait3A_200 = arith.constant 0 : i32
        %dma_wait3A_201 = tpu.memref_slice %arg5[%add3A_139, %dma_wait3A_199, %dma_wait3A_200] : memref<40x2x128xi32, #tpu.memory_space<vmem>> -> memref<1x2x128xi32, #tpu.memory_space<vmem>>
        %dma_wait3A_202 = tpu.memref_squeeze %dma_wait3A_201 : memref<1x2x128xi32, #tpu.memory_space<vmem>> -> memref<2x128xi32, #tpu.memory_space<vmem>>
        %dma_wait3A_203 = arith.constant 0 : i32
        %dma_wait3A_204 = tpu.memref_slice %dma_wait3A_202[%run_scoped3A_187, %dma_wait3A_203] : memref<2x128xi32, #tpu.memory_space<vmem>> -> memref<1x128xi32, #tpu.memory_space<vmem>>
        %dma_wait3A_205 = tpu.memref_squeeze %dma_wait3A_204 : memref<1x128xi32, #tpu.memory_space<vmem>> -> memref<128xi32, #tpu.memory_space<vmem>>
        %dma_wait3A_206 = arith.constant 0 : i32
        %dma_wait3A_207 = arith.constant 0 : i32
        %dma_wait3A_208 = tpu.memref_slice %arg8[%dma_wait3A_206, %dma_wait3A_207] : memref<10240x128xf32, #tpu.memory_space<vmem_shared>> -> memref<10240x128xf32, #tpu.memory_space<vmem_shared>>
        tpu.wait_indirect_dma semaphore(%run_scoped3A_188 : memref<!tpu.dma_semaphore, #tpu.memory_space<semaphore_mem>>) src(%arg7 : memref<128x128xf32, #tpu.memory_space<vmem>>) dst(%dma_wait3A_208 : memref<10240x128xf32, #tpu.memory_space<vmem_shared>>)
        tpu.yield
      }) : () -> ()
    }
    %scan3A_31 = arith.constant 19 : i32
    %dma_start3A_32 = arith.constant 39 : i32
    %dma_start3A_33 = arith.constant 0 : i32
    %dma_start3A_34 = arith.constant 0 : i32
    %dma_start3A_35 = arith.constant 0 : i32
    %dma_start3A_36 = tpu.memref_slice %arg5[%dma_start3A_32, %dma_start3A_34, %dma_start3A_35] : memref<40x2x128xi32, #tpu.memory_space<vmem>> -> memref<1x2x128xi32, #tpu.memory_space<vmem>>
    %dma_start3A_37 = tpu.memref_squeeze %dma_start3A_36 : memref<1x2x128xi32, #tpu.memory_space<vmem>> -> memref<2x128xi32, #tpu.memory_space<vmem>>
    %dma_start3A_38 = arith.constant 0 : i32
    %dma_start3A_39 = tpu.memref_slice %dma_start3A_37[%dma_start3A_33, %dma_start3A_38] : memref<2x128xi32, #tpu.memory_space<vmem>> -> memref<1x128xi32, #tpu.memory_space<vmem>>
    %dma_start3A_40 = tpu.memref_squeeze %dma_start3A_39 : memref<1x128xi32, #tpu.memory_space<vmem>> -> memref<128xi32, #tpu.memory_space<vmem>>
    %dma_start3A_41 = arith.constant 0 : i32
    %dma_start3A_42 = arith.constant 0 : i32
    %dma_start3A_43 = tpu.memref_slice %arg2[%dma_start3A_41, %dma_start3A_42] : memref<10240x128xf32, #tpu.memory_space<hbm>> -> memref<10240x128xf32, #tpu.memory_space<hbm>>
    tpu.enqueue_indirect_dma source(%dma_start3A_43 : memref<10240x128xf32, #tpu.memory_space<hbm>>) target(%arg7 : memref<128x128xf32, #tpu.memory_space<vmem>>) offsets(%dma_start3A_40 : memref<128xi32, #tpu.memory_space<vmem>>) semaphore(%arg10 : memref<!tpu.dma_semaphore, #tpu.memory_space<semaphore_mem>>)
    %dma_wait3A = arith.constant 38 : i32
    %dma_wait3A_44 = arith.constant 0 : i32
    %dma_wait3A_45 = arith.constant 0 : i32
    %dma_wait3A_46 = arith.constant 0 : i32
    %dma_wait3A_47 = tpu.memref_slice %arg5[%dma_wait3A, %dma_wait3A_45, %dma_wait3A_46] : memref<40x2x128xi32, #tpu.memory_space<vmem>> -> memref<1x2x128xi32, #tpu.memory_space<vmem>>
    %dma_wait3A_48 = tpu.memref_squeeze %dma_wait3A_47 : memref<1x2x128xi32, #tpu.memory_space<vmem>> -> memref<2x128xi32, #tpu.memory_space<vmem>>
    %dma_wait3A_49 = arith.constant 0 : i32
    %dma_wait3A_50 = tpu.memref_slice %dma_wait3A_48[%dma_wait3A_44, %dma_wait3A_49] : memref<2x128xi32, #tpu.memory_space<vmem>> -> memref<1x128xi32, #tpu.memory_space<vmem>>
    %dma_wait3A_51 = tpu.memref_squeeze %dma_wait3A_50 : memref<1x128xi32, #tpu.memory_space<vmem>> -> memref<128xi32, #tpu.memory_space<vmem>>
    %dma_wait3A_52 = arith.constant 0 : i32
    %dma_wait3A_53 = arith.constant 0 : i32
    %dma_wait3A_54 = tpu.memref_slice %arg2[%dma_wait3A_52, %dma_wait3A_53] : memref<10240x128xf32, #tpu.memory_space<hbm>> -> memref<10240x128xf32, #tpu.memory_space<hbm>>
    tpu.wait_indirect_dma semaphore(%arg9 : memref<!tpu.dma_semaphore, #tpu.memory_space<semaphore_mem>>) src(%dma_wait3A_54 : memref<10240x128xf32, #tpu.memory_space<hbm>>) dst(%arg6 : memref<128x128xf32, #tpu.memory_space<vmem>>)
    %run_scoped3A = arith.constant 38 : i32
    %run_scoped3A_55 = arith.constant 1 : i32
    "tpu.region"() ({
      %run_scoped3A_135 = tpu.sem_alloc : memref<!tpu.dma_semaphore, #tpu.memory_space<semaphore_mem>>
      %dma_start3A_136 = arith.constant 0 : i32
      %dma_start3A_137 = arith.constant 0 : i32
      %dma_start3A_138 = tpu.memref_slice %arg5[%run_scoped3A, %dma_start3A_136, %dma_start3A_137] : memref<40x2x128xi32, #tpu.memory_space<vmem>> -> memref<1x2x128xi32, #tpu.memory_space<vmem>>
      %dma_start3A_139 = tpu.memref_squeeze %dma_start3A_138 : memref<1x2x128xi32, #tpu.memory_space<vmem>> -> memref<2x128xi32, #tpu.memory_space<vmem>>
      %dma_start3A_140 = arith.constant 0 : i32
      %dma_start3A_141 = tpu.memref_slice %dma_start3A_139[%run_scoped3A_55, %dma_start3A_140] : memref<2x128xi32, #tpu.memory_space<vmem>> -> memref<1x128xi32, #tpu.memory_space<vmem>>
      %dma_start3A_142 = tpu.memref_squeeze %dma_start3A_141 : memref<1x128xi32, #tpu.memory_space<vmem>> -> memref<128xi32, #tpu.memory_space<vmem>>
      %dma_start3A_143 = arith.constant 0 : i32
      %dma_start3A_144 = arith.constant 0 : i32
      %dma_start3A_145 = tpu.memref_slice %arg8[%dma_start3A_143, %dma_start3A_144] : memref<10240x128xf32, #tpu.memory_space<vmem_shared>> -> memref<10240x128xf32, #tpu.memory_space<vmem_shared>>
      tpu.enqueue_indirect_dma source(%arg6 : memref<128x128xf32, #tpu.memory_space<vmem>>) target(%dma_start3A_145 : memref<10240x128xf32, #tpu.memory_space<vmem_shared>>) offsets(%dma_start3A_142 : memref<128xi32, #tpu.memory_space<vmem>>) semaphore(%run_scoped3A_135 : memref<!tpu.dma_semaphore, #tpu.memory_space<semaphore_mem>>) {add = true}
      %dma_wait3A_146 = arith.constant 0 : i32
      %dma_wait3A_147 = arith.constant 0 : i32
      %dma_wait3A_148 = tpu.memref_slice %arg5[%run_scoped3A, %dma_wait3A_146, %dma_wait3A_147] : memref<40x2x128xi32, #tpu.memory_space<vmem>> -> memref<1x2x128xi32, #tpu.memory_space<vmem>>
      %dma_wait3A_149 = tpu.memref_squeeze %dma_wait3A_148 : memref<1x2x128xi32, #tpu.memory_space<vmem>> -> memref<2x128xi32, #tpu.memory_space<vmem>>
      %dma_wait3A_150 = arith.constant 0 : i32
      %dma_wait3A_151 = tpu.memref_slice %dma_wait3A_149[%run_scoped3A_55, %dma_wait3A_150] : memref<2x128xi32, #tpu.memory_space<vmem>> -> memref<1x128xi32, #tpu.memory_space<vmem>>
      %dma_wait3A_152 = tpu.memref_squeeze %dma_wait3A_151 : memref<1x128xi32, #tpu.memory_space<vmem>> -> memref<128xi32, #tpu.memory_space<vmem>>
      %dma_wait3A_153 = arith.constant 0 : i32
      %dma_wait3A_154 = arith.constant 0 : i32
      %dma_wait3A_155 = tpu.memref_slice %arg8[%dma_wait3A_153, %dma_wait3A_154] : memref<10240x128xf32, #tpu.memory_space<vmem_shared>> -> memref<10240x128xf32, #tpu.memory_space<vmem_shared>>
      tpu.wait_indirect_dma semaphore(%run_scoped3A_135 : memref<!tpu.dma_semaphore, #tpu.memory_space<semaphore_mem>>) src(%arg6 : memref<128x128xf32, #tpu.memory_space<vmem>>) dst(%dma_wait3A_155 : memref<10240x128xf32, #tpu.memory_space<vmem_shared>>)
      tpu.yield
    }) : () -> ()
    %dma_wait3A_56 = arith.constant 39 : i32
    %dma_wait3A_57 = arith.constant 0 : i32
    %dma_wait3A_58 = arith.constant 0 : i32
    %dma_wait3A_59 = arith.constant 0 : i32
    %dma_wait3A_60 = tpu.memref_slice %arg5[%dma_wait3A_56, %dma_wait3A_58, %dma_wait3A_59] : memref<40x2x128xi32, #tpu.memory_space<vmem>> -> memref<1x2x128xi32, #tpu.memory_space<vmem>>
    %dma_wait3A_61 = tpu.memref_squeeze %dma_wait3A_60 : memref<1x2x128xi32, #tpu.memory_space<vmem>> -> memref<2x128xi32, #tpu.memory_space<vmem>>
    %dma_wait3A_62 = arith.constant 0 : i32
    %dma_wait3A_63 = tpu.memref_slice %dma_wait3A_61[%dma_wait3A_57, %dma_wait3A_62] : memref<2x128xi32, #tpu.memory_space<vmem>> -> memref<1x128xi32, #tpu.memory_space<vmem>>
    %dma_wait3A_64 = tpu.memref_squeeze %dma_wait3A_63 : memref<1x128xi32, #tpu.memory_space<vmem>> -> memref<128xi32, #tpu.memory_space<vmem>>
    %dma_wait3A_65 = arith.constant 0 : i32
    %dma_wait3A_66 = arith.constant 0 : i32
    %dma_wait3A_67 = tpu.memref_slice %arg2[%dma_wait3A_65, %dma_wait3A_66] : memref<10240x128xf32, #tpu.memory_space<hbm>> -> memref<10240x128xf32, #tpu.memory_space<hbm>>
    tpu.wait_indirect_dma semaphore(%arg10 : memref<!tpu.dma_semaphore, #tpu.memory_space<semaphore_mem>>) src(%dma_wait3A_67 : memref<10240x128xf32, #tpu.memory_space<hbm>>) dst(%arg7 : memref<128x128xf32, #tpu.memory_space<vmem>>)
    %run_scoped3A_68 = arith.constant 39 : i32
    %run_scoped3A_69 = arith.constant 1 : i32
    "tpu.region"() ({
      %run_scoped3A_135 = tpu.sem_alloc : memref<!tpu.dma_semaphore, #tpu.memory_space<semaphore_mem>>
      %dma_start3A_136 = arith.constant 0 : i32
      %dma_start3A_137 = arith.constant 0 : i32
      %dma_start3A_138 = tpu.memref_slice %arg5[%run_scoped3A_68, %dma_start3A_136, %dma_start3A_137] : memref<40x2x128xi32, #tpu.memory_space<vmem>> -> memref<1x2x128xi32, #tpu.memory_space<vmem>>
      %dma_start3A_139 = tpu.memref_squeeze %dma_start3A_138 : memref<1x2x128xi32, #tpu.memory_space<vmem>> -> memref<2x128xi32, #tpu.memory_space<vmem>>
      %dma_start3A_140 = arith.constant 0 : i32
      %dma_start3A_141 = tpu.memref_slice %dma_start3A_139[%run_scoped3A_69, %dma_start3A_140] : memref<2x128xi32, #tpu.memory_space<vmem>> -> memref<1x128xi32, #tpu.memory_space<vmem>>
      %dma_start3A_142 = tpu.memref_squeeze %dma_start3A_141 : memref<1x128xi32, #tpu.memory_space<vmem>> -> memref<128xi32, #tpu.memory_space<vmem>>
      %dma_start3A_143 = arith.constant 0 : i32
      %dma_start3A_144 = arith.constant 0 : i32
      %dma_start3A_145 = tpu.memref_slice %arg8[%dma_start3A_143, %dma_start3A_144] : memref<10240x128xf32, #tpu.memory_space<vmem_shared>> -> memref<10240x128xf32, #tpu.memory_space<vmem_shared>>
      tpu.enqueue_indirect_dma source(%arg7 : memref<128x128xf32, #tpu.memory_space<vmem>>) target(%dma_start3A_145 : memref<10240x128xf32, #tpu.memory_space<vmem_shared>>) offsets(%dma_start3A_142 : memref<128xi32, #tpu.memory_space<vmem>>) semaphore(%run_scoped3A_135 : memref<!tpu.dma_semaphore, #tpu.memory_space<semaphore_mem>>) {add = true}
      %dma_wait3A_146 = arith.constant 0 : i32
      %dma_wait3A_147 = arith.constant 0 : i32
      %dma_wait3A_148 = tpu.memref_slice %arg5[%run_scoped3A_68, %dma_wait3A_146, %dma_wait3A_147] : memref<40x2x128xi32, #tpu.memory_space<vmem>> -> memref<1x2x128xi32, #tpu.memory_space<vmem>>
      %dma_wait3A_149 = tpu.memref_squeeze %dma_wait3A_148 : memref<1x2x128xi32, #tpu.memory_space<vmem>> -> memref<2x128xi32, #tpu.memory_space<vmem>>
      %dma_wait3A_150 = arith.constant 0 : i32
      %dma_wait3A_151 = tpu.memref_slice %dma_wait3A_149[%run_scoped3A_69, %dma_wait3A_150] : memref<2x128xi32, #tpu.memory_space<vmem>> -> memref<1x128xi32, #tpu.memory_space<vmem>>
      %dma_wait3A_152 = tpu.memref_squeeze %dma_wait3A_151 : memref<1x128xi32, #tpu.memory_space<vmem>> -> memref<128xi32, #tpu.memory_space<vmem>>
      %dma_wait3A_153 = arith.constant 0 : i32
      %dma_wait3A_154 = arith.constant 0 : i32
      %dma_wait3A_155 = tpu.memref_slice %arg8[%dma_wait3A_153, %dma_wait3A_154] : memref<10240x128xf32, #tpu.memory_space<vmem_shared>> -> memref<10240x128xf32, #tpu.memory_space<vmem_shared>>
      tpu.wait_indirect_dma semaphore(%run_scoped3A_135 : memref<!tpu.dma_semaphore, #tpu.memory_space<semaphore_mem>>) src(%arg7 : memref<128x128xf32, #tpu.memory_space<vmem>>) dst(%dma_wait3A_155 : memref<10240x128xf32, #tpu.memory_space<vmem_shared>>)
      tpu.yield
    }) : () -> ()
    "tpu.region"() ({
      %run_scoped3A_135 = tpu.sem_alloc : memref<!tpu.dma_semaphore, #tpu.memory_space<semaphore_mem>>
      %dma_start3A_136 = arith.constant 40 : i32
      %dma_start3A_137 = arith.constant 0 : i32
      %dma_start3A_138 = arith.constant 0 : i32
      %dma_start3A_139 = tpu.memref_slice %arg3[%add3A, %dma_start3A_136, %dma_start3A_137, %dma_start3A_138] : memref<32x80x2x128xi32, #tpu.memory_space<hbm>> -> memref<1x40x2x128xi32, #tpu.memory_space<hbm>>
      %dma_start3A_140 = tpu.memref_squeeze %dma_start3A_139 : memref<1x40x2x128xi32, #tpu.memory_space<hbm>> -> memref<40x2x128xi32, #tpu.memory_space<hbm>>
      %dma_start3A_141 = arith.constant 40 : i32
      %dma_start3A_142 = arith.constant 0 : i32
      %dma_start3A_143 = arith.constant 0 : i32
      %dma_start3A_144 = tpu.memref_slice %arg3[%add3A, %dma_start3A_141, %dma_start3A_142, %dma_start3A_143] : memref<32x80x2x128xi32, #tpu.memory_space<hbm>> -> memref<1x40x2x128xi32, #tpu.memory_space<hbm>>
      %dma_start3A_145 = tpu.memref_squeeze %dma_start3A_144 : memref<1x40x2x128xi32, #tpu.memory_space<hbm>> -> memref<40x2x128xi32, #tpu.memory_space<hbm>>
      tpu.enqueue_dma source(%dma_start3A_145 : memref<40x2x128xi32, #tpu.memory_space<hbm>>) target(%arg5 : memref<40x2x128xi32, #tpu.memory_space<vmem>>) target_semaphore(%run_scoped3A_135 : memref<!tpu.dma_semaphore, #tpu.memory_space<semaphore_mem>>)
      %dma_wait3A_146 = arith.constant 40 : i32
      %dma_wait3A_147 = arith.constant 0 : i32
      %dma_wait3A_148 = arith.constant 0 : i32
      %dma_wait3A_149 = tpu.memref_slice %arg3[%add3A, %dma_wait3A_146, %dma_wait3A_147, %dma_wait3A_148] : memref<32x80x2x128xi32, #tpu.memory_space<hbm>> -> memref<1x40x2x128xi32, #tpu.memory_space<hbm>>
      %dma_wait3A_150 = tpu.memref_squeeze %dma_wait3A_149 : memref<1x40x2x128xi32, #tpu.memory_space<hbm>> -> memref<40x2x128xi32, #tpu.memory_space<hbm>>
      %dma_wait3A_151 = arith.constant 40 : i32
      %dma_wait3A_152 = arith.constant 0 : i32
      %dma_wait3A_153 = arith.constant 0 : i32
      %dma_wait3A_154 = tpu.memref_slice %arg3[%add3A, %dma_wait3A_151, %dma_wait3A_152, %dma_wait3A_153] : memref<32x80x2x128xi32, #tpu.memory_space<hbm>> -> memref<1x40x2x128xi32, #tpu.memory_space<hbm>>
      %dma_wait3A_155 = tpu.memref_squeeze %dma_wait3A_154 : memref<1x40x2x128xi32, #tpu.memory_space<hbm>> -> memref<40x2x128xi32, #tpu.memory_space<hbm>>
      tpu.wait_dma2 semaphore(%run_scoped3A_135 : memref<!tpu.dma_semaphore, #tpu.memory_space<semaphore_mem>>) src(%dma_wait3A_155 : memref<40x2x128xi32, #tpu.memory_space<hbm>>) dst(%arg5 : memref<40x2x128xi32, #tpu.memory_space<vmem>>)
      tpu.yield
    }) : () -> ()
    %dma_start3A_70 = arith.constant 0 : i32
    %dma_start3A_71 = arith.constant 0 : i32
    %dma_start3A_72 = arith.constant 0 : i32
    %dma_start3A_73 = arith.constant 0 : i32
    %dma_start3A_74 = tpu.memref_slice %arg5[%dma_start3A_70, %dma_start3A_72, %dma_start3A_73] : memref<40x2x128xi32, #tpu.memory_space<vmem>> -> memref<1x2x128xi32, #tpu.memory_space<vmem>>
    %dma_start3A_75 = tpu.memref_squeeze %dma_start3A_74 : memref<1x2x128xi32, #tpu.memory_space<vmem>> -> memref<2x128xi32, #tpu.memory_space<vmem>>
    %dma_start3A_76 = arith.constant 0 : i32
    %dma_start3A_77 = tpu.memref_slice %dma_start3A_75[%dma_start3A_71, %dma_start3A_76] : memref<2x128xi32, #tpu.memory_space<vmem>> -> memref<1x128xi32, #tpu.memory_space<vmem>>
    %dma_start3A_78 = tpu.memref_squeeze %dma_start3A_77 : memref<1x128xi32, #tpu.memory_space<vmem>> -> memref<128xi32, #tpu.memory_space<vmem>>
    %dma_start3A_79 = arith.constant 0 : i32
    %dma_start3A_80 = arith.constant 0 : i32
    %dma_start3A_81 = tpu.memref_slice %arg2[%dma_start3A_79, %dma_start3A_80] : memref<10240x128xf32, #tpu.memory_space<hbm>> -> memref<10240x128xf32, #tpu.memory_space<hbm>>
    tpu.enqueue_indirect_dma source(%dma_start3A_81 : memref<10240x128xf32, #tpu.memory_space<hbm>>) target(%arg6 : memref<128x128xf32, #tpu.memory_space<vmem>>) offsets(%dma_start3A_78 : memref<128xi32, #tpu.memory_space<vmem>>) semaphore(%arg9 : memref<!tpu.dma_semaphore, #tpu.memory_space<semaphore_mem>>)
    %scan3A_82 = arith.constant 0 : i32
    %scan3A_83 = arith.constant 0 : i32
    %scan3A_84 = arith.constant 19 : i32
    %scan3A_85 = arith.addi %scan3A_83, %scan3A_84 : i32
    %scan3A_86 = arith.constant 1 : i32
    scf.for %scan3A_135 = %scan3A_83 to %scan3A_85 step %scan3A_86  : i32 {
      %mul3A_136 = arith.constant 2 : i32
      %mul3A_137 = arith.muli %mul3A_136, %scan3A_135 : i32
      %add3A_138 = arith.constant 1 : i32
      %add3A_139 = arith.addi %mul3A_137, %add3A_138 : i32
      %add3A_140 = arith.constant 2 : i32
      %add3A_141 = arith.addi %mul3A_137, %add3A_140 : i32
      %dma_start3A_142 = arith.constant 0 : i32
      %dma_start3A_143 = arith.constant 0 : i32
      %dma_start3A_144 = arith.constant 0 : i32
      %dma_start3A_145 = tpu.memref_slice %arg5[%add3A_139, %dma_start3A_143, %dma_start3A_144] : memref<40x2x128xi32, #tpu.memory_space<vmem>> -> memref<1x2x128xi32, #tpu.memory_space<vmem>>
      %dma_start3A_146 = tpu.memref_squeeze %dma_start3A_145 : memref<1x2x128xi32, #tpu.memory_space<vmem>> -> memref<2x128xi32, #tpu.memory_space<vmem>>
      %dma_start3A_147 = arith.constant 0 : i32
      %dma_start3A_148 = tpu.memref_slice %dma_start3A_146[%dma_start3A_142, %dma_start3A_147] : memref<2x128xi32, #tpu.memory_space<vmem>> -> memref<1x128xi32, #tpu.memory_space<vmem>>
      %dma_start3A_149 = tpu.memref_squeeze %dma_start3A_148 : memref<1x128xi32, #tpu.memory_space<vmem>> -> memref<128xi32, #tpu.memory_space<vmem>>
      %dma_start3A_150 = arith.constant 0 : i32
      %dma_start3A_151 = arith.constant 0 : i32
      %dma_start3A_152 = tpu.memref_slice %arg2[%dma_start3A_150, %dma_start3A_151] : memref<10240x128xf32, #tpu.memory_space<hbm>> -> memref<10240x128xf32, #tpu.memory_space<hbm>>
      tpu.enqueue_indirect_dma source(%dma_start3A_152 : memref<10240x128xf32, #tpu.memory_space<hbm>>) target(%arg7 : memref<128x128xf32, #tpu.memory_space<vmem>>) offsets(%dma_start3A_149 : memref<128xi32, #tpu.memory_space<vmem>>) semaphore(%arg10 : memref<!tpu.dma_semaphore, #tpu.memory_space<semaphore_mem>>)
      %dma_wait3A_153 = arith.constant 0 : i32
      %dma_wait3A_154 = arith.constant 0 : i32
      %dma_wait3A_155 = arith.constant 0 : i32
      %dma_wait3A_156 = tpu.memref_slice %arg5[%mul3A_137, %dma_wait3A_154, %dma_wait3A_155] : memref<40x2x128xi32, #tpu.memory_space<vmem>> -> memref<1x2x128xi32, #tpu.memory_space<vmem>>
      %dma_wait3A_157 = tpu.memref_squeeze %dma_wait3A_156 : memref<1x2x128xi32, #tpu.memory_space<vmem>> -> memref<2x128xi32, #tpu.memory_space<vmem>>
      %dma_wait3A_158 = arith.constant 0 : i32
      %dma_wait3A_159 = tpu.memref_slice %dma_wait3A_157[%dma_wait3A_153, %dma_wait3A_158] : memref<2x128xi32, #tpu.memory_space<vmem>> -> memref<1x128xi32, #tpu.memory_space<vmem>>
      %dma_wait3A_160 = tpu.memref_squeeze %dma_wait3A_159 : memref<1x128xi32, #tpu.memory_space<vmem>> -> memref<128xi32, #tpu.memory_space<vmem>>
      %dma_wait3A_161 = arith.constant 0 : i32
      %dma_wait3A_162 = arith.constant 0 : i32
      %dma_wait3A_163 = tpu.memref_slice %arg2[%dma_wait3A_161, %dma_wait3A_162] : memref<10240x128xf32, #tpu.memory_space<hbm>> -> memref<10240x128xf32, #tpu.memory_space<hbm>>
      tpu.wait_indirect_dma semaphore(%arg9 : memref<!tpu.dma_semaphore, #tpu.memory_space<semaphore_mem>>) src(%dma_wait3A_163 : memref<10240x128xf32, #tpu.memory_space<hbm>>) dst(%arg6 : memref<128x128xf32, #tpu.memory_space<vmem>>)
      %run_scoped3A_164 = arith.constant 1 : i32
      "tpu.region"() ({
        %run_scoped3A_188 = tpu.sem_alloc : memref<!tpu.dma_semaphore, #tpu.memory_space<semaphore_mem>>
        %dma_start3A_189 = arith.constant 0 : i32
        %dma_start3A_190 = arith.constant 0 : i32
        %dma_start3A_191 = tpu.memref_slice %arg5[%mul3A_137, %dma_start3A_189, %dma_start3A_190] : memref<40x2x128xi32, #tpu.memory_space<vmem>> -> memref<1x2x128xi32, #tpu.memory_space<vmem>>
        %dma_start3A_192 = tpu.memref_squeeze %dma_start3A_191 : memref<1x2x128xi32, #tpu.memory_space<vmem>> -> memref<2x128xi32, #tpu.memory_space<vmem>>
        %dma_start3A_193 = arith.constant 0 : i32
        %dma_start3A_194 = tpu.memref_slice %dma_start3A_192[%run_scoped3A_164, %dma_start3A_193] : memref<2x128xi32, #tpu.memory_space<vmem>> -> memref<1x128xi32, #tpu.memory_space<vmem>>
        %dma_start3A_195 = tpu.memref_squeeze %dma_start3A_194 : memref<1x128xi32, #tpu.memory_space<vmem>> -> memref<128xi32, #tpu.memory_space<vmem>>
        %dma_start3A_196 = arith.constant 0 : i32
        %dma_start3A_197 = arith.constant 0 : i32
        %dma_start3A_198 = tpu.memref_slice %arg8[%dma_start3A_196, %dma_start3A_197] : memref<10240x128xf32, #tpu.memory_space<vmem_shared>> -> memref<10240x128xf32, #tpu.memory_space<vmem_shared>>
        tpu.enqueue_indirect_dma source(%arg6 : memref<128x128xf32, #tpu.memory_space<vmem>>) target(%dma_start3A_198 : memref<10240x128xf32, #tpu.memory_space<vmem_shared>>) offsets(%dma_start3A_195 : memref<128xi32, #tpu.memory_space<vmem>>) semaphore(%run_scoped3A_188 : memref<!tpu.dma_semaphore, #tpu.memory_space<semaphore_mem>>) {add = true}
        %dma_wait3A_199 = arith.constant 0 : i32
        %dma_wait3A_200 = arith.constant 0 : i32
        %dma_wait3A_201 = tpu.memref_slice %arg5[%mul3A_137, %dma_wait3A_199, %dma_wait3A_200] : memref<40x2x128xi32, #tpu.memory_space<vmem>> -> memref<1x2x128xi32, #tpu.memory_space<vmem>>
        %dma_wait3A_202 = tpu.memref_squeeze %dma_wait3A_201 : memref<1x2x128xi32, #tpu.memory_space<vmem>> -> memref<2x128xi32, #tpu.memory_space<vmem>>
        %dma_wait3A_203 = arith.constant 0 : i32
        %dma_wait3A_204 = tpu.memref_slice %dma_wait3A_202[%run_scoped3A_164, %dma_wait3A_203] : memref<2x128xi32, #tpu.memory_space<vmem>> -> memref<1x128xi32, #tpu.memory_space<vmem>>
        %dma_wait3A_205 = tpu.memref_squeeze %dma_wait3A_204 : memref<1x128xi32, #tpu.memory_space<vmem>> -> memref<128xi32, #tpu.memory_space<vmem>>
        %dma_wait3A_206 = arith.constant 0 : i32
        %dma_wait3A_207 = arith.constant 0 : i32
        %dma_wait3A_208 = tpu.memref_slice %arg8[%dma_wait3A_206, %dma_wait3A_207] : memref<10240x128xf32, #tpu.memory_space<vmem_shared>> -> memref<10240x128xf32, #tpu.memory_space<vmem_shared>>
        tpu.wait_indirect_dma semaphore(%run_scoped3A_188 : memref<!tpu.dma_semaphore, #tpu.memory_space<semaphore_mem>>) src(%arg6 : memref<128x128xf32, #tpu.memory_space<vmem>>) dst(%dma_wait3A_208 : memref<10240x128xf32, #tpu.memory_space<vmem_shared>>)
        tpu.yield
      }) : () -> ()
      %dma_start3A_165 = arith.constant 0 : i32
      %dma_start3A_166 = arith.constant 0 : i32
      %dma_start3A_167 = arith.constant 0 : i32
      %dma_start3A_168 = tpu.memref_slice %arg5[%add3A_141, %dma_start3A_166, %dma_start3A_167] : memref<40x2x128xi32, #tpu.memory_space<vmem>> -> memref<1x2x128xi32, #tpu.memory_space<vmem>>
      %dma_start3A_169 = tpu.memref_squeeze %dma_start3A_168 : memref<1x2x128xi32, #tpu.memory_space<vmem>> -> memref<2x128xi32, #tpu.memory_space<vmem>>
      %dma_start3A_170 = arith.constant 0 : i32
      %dma_start3A_171 = tpu.memref_slice %dma_start3A_169[%dma_start3A_165, %dma_start3A_170] : memref<2x128xi32, #tpu.memory_space<vmem>> -> memref<1x128xi32, #tpu.memory_space<vmem>>
      %dma_start3A_172 = tpu.memref_squeeze %dma_start3A_171 : memref<1x128xi32, #tpu.memory_space<vmem>> -> memref<128xi32, #tpu.memory_space<vmem>>
      %dma_start3A_173 = arith.constant 0 : i32
      %dma_start3A_174 = arith.constant 0 : i32
      %dma_start3A_175 = tpu.memref_slice %arg2[%dma_start3A_173, %dma_start3A_174] : memref<10240x128xf32, #tpu.memory_space<hbm>> -> memref<10240x128xf32, #tpu.memory_space<hbm>>
      tpu.enqueue_indirect_dma source(%dma_start3A_175 : memref<10240x128xf32, #tpu.memory_space<hbm>>) target(%arg6 : memref<128x128xf32, #tpu.memory_space<vmem>>) offsets(%dma_start3A_172 : memref<128xi32, #tpu.memory_space<vmem>>) semaphore(%arg9 : memref<!tpu.dma_semaphore, #tpu.memory_space<semaphore_mem>>)
      %dma_wait3A_176 = arith.constant 0 : i32
      %dma_wait3A_177 = arith.constant 0 : i32
      %dma_wait3A_178 = arith.constant 0 : i32
      %dma_wait3A_179 = tpu.memref_slice %arg5[%add3A_139, %dma_wait3A_177, %dma_wait3A_178] : memref<40x2x128xi32, #tpu.memory_space<vmem>> -> memref<1x2x128xi32, #tpu.memory_space<vmem>>
      %dma_wait3A_180 = tpu.memref_squeeze %dma_wait3A_179 : memref<1x2x128xi32, #tpu.memory_space<vmem>> -> memref<2x128xi32, #tpu.memory_space<vmem>>
      %dma_wait3A_181 = arith.constant 0 : i32
      %dma_wait3A_182 = tpu.memref_slice %dma_wait3A_180[%dma_wait3A_176, %dma_wait3A_181] : memref<2x128xi32, #tpu.memory_space<vmem>> -> memref<1x128xi32, #tpu.memory_space<vmem>>
      %dma_wait3A_183 = tpu.memref_squeeze %dma_wait3A_182 : memref<1x128xi32, #tpu.memory_space<vmem>> -> memref<128xi32, #tpu.memory_space<vmem>>
      %dma_wait3A_184 = arith.constant 0 : i32
      %dma_wait3A_185 = arith.constant 0 : i32
      %dma_wait3A_186 = tpu.memref_slice %arg2[%dma_wait3A_184, %dma_wait3A_185] : memref<10240x128xf32, #tpu.memory_space<hbm>> -> memref<10240x128xf32, #tpu.memory_space<hbm>>
      tpu.wait_indirect_dma semaphore(%arg10 : memref<!tpu.dma_semaphore, #tpu.memory_space<semaphore_mem>>) src(%dma_wait3A_186 : memref<10240x128xf32, #tpu.memory_space<hbm>>) dst(%arg7 : memref<128x128xf32, #tpu.memory_space<vmem>>)
      %run_scoped3A_187 = arith.constant 1 : i32
      "tpu.region"() ({
        %run_scoped3A_188 = tpu.sem_alloc : memref<!tpu.dma_semaphore, #tpu.memory_space<semaphore_mem>>
        %dma_start3A_189 = arith.constant 0 : i32
        %dma_start3A_190 = arith.constant 0 : i32
        %dma_start3A_191 = tpu.memref_slice %arg5[%add3A_139, %dma_start3A_189, %dma_start3A_190] : memref<40x2x128xi32, #tpu.memory_space<vmem>> -> memref<1x2x128xi32, #tpu.memory_space<vmem>>
        %dma_start3A_192 = tpu.memref_squeeze %dma_start3A_191 : memref<1x2x128xi32, #tpu.memory_space<vmem>> -> memref<2x128xi32, #tpu.memory_space<vmem>>
        %dma_start3A_193 = arith.constant 0 : i32
        %dma_start3A_194 = tpu.memref_slice %dma_start3A_192[%run_scoped3A_187, %dma_start3A_193] : memref<2x128xi32, #tpu.memory_space<vmem>> -> memref<1x128xi32, #tpu.memory_space<vmem>>
        %dma_start3A_195 = tpu.memref_squeeze %dma_start3A_194 : memref<1x128xi32, #tpu.memory_space<vmem>> -> memref<128xi32, #tpu.memory_space<vmem>>
        %dma_start3A_196 = arith.constant 0 : i32
        %dma_start3A_197 = arith.constant 0 : i32
        %dma_start3A_198 = tpu.memref_slice %arg8[%dma_start3A_196, %dma_start3A_197] : memref<10240x128xf32, #tpu.memory_space<vmem_shared>> -> memref<10240x128xf32, #tpu.memory_space<vmem_shared>>
        tpu.enqueue_indirect_dma source(%arg7 : memref<128x128xf32, #tpu.memory_space<vmem>>) target(%dma_start3A_198 : memref<10240x128xf32, #tpu.memory_space<vmem_shared>>) offsets(%dma_start3A_195 : memref<128xi32, #tpu.memory_space<vmem>>) semaphore(%run_scoped3A_188 : memref<!tpu.dma_semaphore, #tpu.memory_space<semaphore_mem>>) {add = true}
        %dma_wait3A_199 = arith.constant 0 : i32
        %dma_wait3A_200 = arith.constant 0 : i32
        %dma_wait3A_201 = tpu.memref_slice %arg5[%add3A_139, %dma_wait3A_199, %dma_wait3A_200] : memref<40x2x128xi32, #tpu.memory_space<vmem>> -> memref<1x2x128xi32, #tpu.memory_space<vmem>>
        %dma_wait3A_202 = tpu.memref_squeeze %dma_wait3A_201 : memref<1x2x128xi32, #tpu.memory_space<vmem>> -> memref<2x128xi32, #tpu.memory_space<vmem>>
        %dma_wait3A_203 = arith.constant 0 : i32
        %dma_wait3A_204 = tpu.memref_slice %dma_wait3A_202[%run_scoped3A_187, %dma_wait3A_203] : memref<2x128xi32, #tpu.memory_space<vmem>> -> memref<1x128xi32, #tpu.memory_space<vmem>>
        %dma_wait3A_205 = tpu.memref_squeeze %dma_wait3A_204 : memref<1x128xi32, #tpu.memory_space<vmem>> -> memref<128xi32, #tpu.memory_space<vmem>>
        %dma_wait3A_206 = arith.constant 0 : i32
        %dma_wait3A_207 = arith.constant 0 : i32
        %dma_wait3A_208 = tpu.memref_slice %arg8[%dma_wait3A_206, %dma_wait3A_207] : memref<10240x128xf32, #tpu.memory_space<vmem_shared>> -> memref<10240x128xf32, #tpu.memory_space<vmem_shared>>
        tpu.wait_indirect_dma semaphore(%run_scoped3A_188 : memref<!tpu.dma_semaphore, #tpu.memory_space<semaphore_mem>>) src(%arg7 : memref<128x128xf32, #tpu.memory_space<vmem>>) dst(%dma_wait3A_208 : memref<10240x128xf32, #tpu.memory_space<vmem_shared>>)
        tpu.yield
      }) : () -> ()
    }
    %scan3A_87 = arith.constant 19 : i32
    %dma_start3A_88 = arith.constant 39 : i32
    %dma_start3A_89 = arith.constant 0 : i32
    %dma_start3A_90 = arith.constant 0 : i32
    %dma_start3A_91 = arith.constant 0 : i32
    %dma_start3A_92 = tpu.memref_slice %arg5[%dma_start3A_88, %dma_start3A_90, %dma_start3A_91] : memref<40x2x128xi32, #tpu.memory_space<vmem>> -> memref<1x2x128xi32, #tpu.memory_space<vmem>>
    %dma_start3A_93 = tpu.memref_squeeze %dma_start3A_92 : memref<1x2x128xi32, #tpu.memory_space<vmem>> -> memref<2x128xi32, #tpu.memory_space<vmem>>
    %dma_start3A_94 = arith.constant 0 : i32
    %dma_start3A_95 = tpu.memref_slice %dma_start3A_93[%dma_start3A_89, %dma_start3A_94] : memref<2x128xi32, #tpu.memory_space<vmem>> -> memref<1x128xi32, #tpu.memory_space<vmem>>
    %dma_start3A_96 = tpu.memref_squeeze %dma_start3A_95 : memref<1x128xi32, #tpu.memory_space<vmem>> -> memref<128xi32, #tpu.memory_space<vmem>>
    %dma_start3A_97 = arith.constant 0 : i32
    %dma_start3A_98 = arith.constant 0 : i32
    %dma_start3A_99 = tpu.memref_slice %arg2[%dma_start3A_97, %dma_start3A_98] : memref<10240x128xf32, #tpu.memory_space<hbm>> -> memref<10240x128xf32, #tpu.memory_space<hbm>>
    tpu.enqueue_indirect_dma source(%dma_start3A_99 : memref<10240x128xf32, #tpu.memory_space<hbm>>) target(%arg7 : memref<128x128xf32, #tpu.memory_space<vmem>>) offsets(%dma_start3A_96 : memref<128xi32, #tpu.memory_space<vmem>>) semaphore(%arg10 : memref<!tpu.dma_semaphore, #tpu.memory_space<semaphore_mem>>)
    %dma_wait3A_100 = arith.constant 38 : i32
    %dma_wait3A_101 = arith.constant 0 : i32
    %dma_wait3A_102 = arith.constant 0 : i32
    %dma_wait3A_103 = arith.constant 0 : i32
    %dma_wait3A_104 = tpu.memref_slice %arg5[%dma_wait3A_100, %dma_wait3A_102, %dma_wait3A_103] : memref<40x2x128xi32, #tpu.memory_space<vmem>> -> memref<1x2x128xi32, #tpu.memory_space<vmem>>
    %dma_wait3A_105 = tpu.memref_squeeze %dma_wait3A_104 : memref<1x2x128xi32, #tpu.memory_space<vmem>> -> memref<2x128xi32, #tpu.memory_space<vmem>>
    %dma_wait3A_106 = arith.constant 0 : i32
    %dma_wait3A_107 = tpu.memref_slice %dma_wait3A_105[%dma_wait3A_101, %dma_wait3A_106] : memref<2x128xi32, #tpu.memory_space<vmem>> -> memref<1x128xi32, #tpu.memory_space<vmem>>
    %dma_wait3A_108 = tpu.memref_squeeze %dma_wait3A_107 : memref<1x128xi32, #tpu.memory_space<vmem>> -> memref<128xi32, #tpu.memory_space<vmem>>
    %dma_wait3A_109 = arith.constant 0 : i32
    %dma_wait3A_110 = arith.constant 0 : i32
    %dma_wait3A_111 = tpu.memref_slice %arg2[%dma_wait3A_109, %dma_wait3A_110] : memref<10240x128xf32, #tpu.memory_space<hbm>> -> memref<10240x128xf32, #tpu.memory_space<hbm>>
    tpu.wait_indirect_dma semaphore(%arg9 : memref<!tpu.dma_semaphore, #tpu.memory_space<semaphore_mem>>) src(%dma_wait3A_111 : memref<10240x128xf32, #tpu.memory_space<hbm>>) dst(%arg6 : memref<128x128xf32, #tpu.memory_space<vmem>>)
    %run_scoped3A_112 = arith.constant 38 : i32
    %run_scoped3A_113 = arith.constant 1 : i32
    "tpu.region"() ({
      %run_scoped3A_135 = tpu.sem_alloc : memref<!tpu.dma_semaphore, #tpu.memory_space<semaphore_mem>>
      %dma_start3A_136 = arith.constant 0 : i32
      %dma_start3A_137 = arith.constant 0 : i32
      %dma_start3A_138 = tpu.memref_slice %arg5[%run_scoped3A_112, %dma_start3A_136, %dma_start3A_137] : memref<40x2x128xi32, #tpu.memory_space<vmem>> -> memref<1x2x128xi32, #tpu.memory_space<vmem>>
      %dma_start3A_139 = tpu.memref_squeeze %dma_start3A_138 : memref<1x2x128xi32, #tpu.memory_space<vmem>> -> memref<2x128xi32, #tpu.memory_space<vmem>>
      %dma_start3A_140 = arith.constant 0 : i32
      %dma_start3A_141 = tpu.memref_slice %dma_start3A_139[%run_scoped3A_113, %dma_start3A_140] : memref<2x128xi32, #tpu.memory_space<vmem>> -> memref<1x128xi32, #tpu.memory_space<vmem>>
      %dma_start3A_142 = tpu.memref_squeeze %dma_start3A_141 : memref<1x128xi32, #tpu.memory_space<vmem>> -> memref<128xi32, #tpu.memory_space<vmem>>
      %dma_start3A_143 = arith.constant 0 : i32
      %dma_start3A_144 = arith.constant 0 : i32
      %dma_start3A_145 = tpu.memref_slice %arg8[%dma_start3A_143, %dma_start3A_144] : memref<10240x128xf32, #tpu.memory_space<vmem_shared>> -> memref<10240x128xf32, #tpu.memory_space<vmem_shared>>
      tpu.enqueue_indirect_dma source(%arg6 : memref<128x128xf32, #tpu.memory_space<vmem>>) target(%dma_start3A_145 : memref<10240x128xf32, #tpu.memory_space<vmem_shared>>) offsets(%dma_start3A_142 : memref<128xi32, #tpu.memory_space<vmem>>) semaphore(%run_scoped3A_135 : memref<!tpu.dma_semaphore, #tpu.memory_space<semaphore_mem>>) {add = true}
      %dma_wait3A_146 = arith.constant 0 : i32
      %dma_wait3A_147 = arith.constant 0 : i32
      %dma_wait3A_148 = tpu.memref_slice %arg5[%run_scoped3A_112, %dma_wait3A_146, %dma_wait3A_147] : memref<40x2x128xi32, #tpu.memory_space<vmem>> -> memref<1x2x128xi32, #tpu.memory_space<vmem>>
      %dma_wait3A_149 = tpu.memref_squeeze %dma_wait3A_148 : memref<1x2x128xi32, #tpu.memory_space<vmem>> -> memref<2x128xi32, #tpu.memory_space<vmem>>
      %dma_wait3A_150 = arith.constant 0 : i32
      %dma_wait3A_151 = tpu.memref_slice %dma_wait3A_149[%run_scoped3A_113, %dma_wait3A_150] : memref<2x128xi32, #tpu.memory_space<vmem>> -> memref<1x128xi32, #tpu.memory_space<vmem>>
      %dma_wait3A_152 = tpu.memref_squeeze %dma_wait3A_151 : memref<1x128xi32, #tpu.memory_space<vmem>> -> memref<128xi32, #tpu.memory_space<vmem>>
      %dma_wait3A_153 = arith.constant 0 : i32
      %dma_wait3A_154 = arith.constant 0 : i32
      %dma_wait3A_155 = tpu.memref_slice %arg8[%dma_wait3A_153, %dma_wait3A_154] : memref<10240x128xf32, #tpu.memory_space<vmem_shared>> -> memref<10240x128xf32, #tpu.memory_space<vmem_shared>>
      tpu.wait_indirect_dma semaphore(%run_scoped3A_135 : memref<!tpu.dma_semaphore, #tpu.memory_space<semaphore_mem>>) src(%arg6 : memref<128x128xf32, #tpu.memory_space<vmem>>) dst(%dma_wait3A_155 : memref<10240x128xf32, #tpu.memory_space<vmem_shared>>)
      tpu.yield
    }) : () -> ()
    %dma_wait3A_114 = arith.constant 39 : i32
    %dma_wait3A_115 = arith.constant 0 : i32
    %dma_wait3A_116 = arith.constant 0 : i32
    %dma_wait3A_117 = arith.constant 0 : i32
    %dma_wait3A_118 = tpu.memref_slice %arg5[%dma_wait3A_114, %dma_wait3A_116, %dma_wait3A_117] : memref<40x2x128xi32, #tpu.memory_space<vmem>> -> memref<1x2x128xi32, #tpu.memory_space<vmem>>
    %dma_wait3A_119 = tpu.memref_squeeze %dma_wait3A_118 : memref<1x2x128xi32, #tpu.memory_space<vmem>> -> memref<2x128xi32, #tpu.memory_space<vmem>>
    %dma_wait3A_120 = arith.constant 0 : i32
    %dma_wait3A_121 = tpu.memref_slice %dma_wait3A_119[%dma_wait3A_115, %dma_wait3A_120] : memref<2x128xi32, #tpu.memory_space<vmem>> -> memref<1x128xi32, #tpu.memory_space<vmem>>
    %dma_wait3A_122 = tpu.memref_squeeze %dma_wait3A_121 : memref<1x128xi32, #tpu.memory_space<vmem>> -> memref<128xi32, #tpu.memory_space<vmem>>
    %dma_wait3A_123 = arith.constant 0 : i32
    %dma_wait3A_124 = arith.constant 0 : i32
    %dma_wait3A_125 = tpu.memref_slice %arg2[%dma_wait3A_123, %dma_wait3A_124] : memref<10240x128xf32, #tpu.memory_space<hbm>> -> memref<10240x128xf32, #tpu.memory_space<hbm>>
    tpu.wait_indirect_dma semaphore(%arg10 : memref<!tpu.dma_semaphore, #tpu.memory_space<semaphore_mem>>) src(%dma_wait3A_125 : memref<10240x128xf32, #tpu.memory_space<hbm>>) dst(%arg7 : memref<128x128xf32, #tpu.memory_space<vmem>>)
    %run_scoped3A_126 = arith.constant 39 : i32
    %run_scoped3A_127 = arith.constant 1 : i32
    "tpu.region"() ({
      %run_scoped3A_135 = tpu.sem_alloc : memref<!tpu.dma_semaphore, #tpu.memory_space<semaphore_mem>>
      %dma_start3A_136 = arith.constant 0 : i32
      %dma_start3A_137 = arith.constant 0 : i32
      %dma_start3A_138 = tpu.memref_slice %arg5[%run_scoped3A_126, %dma_start3A_136, %dma_start3A_137] : memref<40x2x128xi32, #tpu.memory_space<vmem>> -> memref<1x2x128xi32, #tpu.memory_space<vmem>>
      %dma_start3A_139 = tpu.memref_squeeze %dma_start3A_138 : memref<1x2x128xi32, #tpu.memory_space<vmem>> -> memref<2x128xi32, #tpu.memory_space<vmem>>
      %dma_start3A_140 = arith.constant 0 : i32
      %dma_start3A_141 = tpu.memref_slice %dma_start3A_139[%run_scoped3A_127, %dma_start3A_140] : memref<2x128xi32, #tpu.memory_space<vmem>> -> memref<1x128xi32, #tpu.memory_space<vmem>>
      %dma_start3A_142 = tpu.memref_squeeze %dma_start3A_141 : memref<1x128xi32, #tpu.memory_space<vmem>> -> memref<128xi32, #tpu.memory_space<vmem>>
      %dma_start3A_143 = arith.constant 0 : i32
      %dma_start3A_144 = arith.constant 0 : i32
      %dma_start3A_145 = tpu.memref_slice %arg8[%dma_start3A_143, %dma_start3A_144] : memref<10240x128xf32, #tpu.memory_space<vmem_shared>> -> memref<10240x128xf32, #tpu.memory_space<vmem_shared>>
      tpu.enqueue_indirect_dma source(%arg7 : memref<128x128xf32, #tpu.memory_space<vmem>>) target(%dma_start3A_145 : memref<10240x128xf32, #tpu.memory_space<vmem_shared>>) offsets(%dma_start3A_142 : memref<128xi32, #tpu.memory_space<vmem>>) semaphore(%run_scoped3A_135 : memref<!tpu.dma_semaphore, #tpu.memory_space<semaphore_mem>>) {add = true}
      %dma_wait3A_146 = arith.constant 0 : i32
      %dma_wait3A_147 = arith.constant 0 : i32
      %dma_wait3A_148 = tpu.memref_slice %arg5[%run_scoped3A_126, %dma_wait3A_146, %dma_wait3A_147] : memref<40x2x128xi32, #tpu.memory_space<vmem>> -> memref<1x2x128xi32, #tpu.memory_space<vmem>>
      %dma_wait3A_149 = tpu.memref_squeeze %dma_wait3A_148 : memref<1x2x128xi32, #tpu.memory_space<vmem>> -> memref<2x128xi32, #tpu.memory_space<vmem>>
      %dma_wait3A_150 = arith.constant 0 : i32
      %dma_wait3A_151 = tpu.memref_slice %dma_wait3A_149[%run_scoped3A_127, %dma_wait3A_150] : memref<2x128xi32, #tpu.memory_space<vmem>> -> memref<1x128xi32, #tpu.memory_space<vmem>>
      %dma_wait3A_152 = tpu.memref_squeeze %dma_wait3A_151 : memref<1x128xi32, #tpu.memory_space<vmem>> -> memref<128xi32, #tpu.memory_space<vmem>>
      %dma_wait3A_153 = arith.constant 0 : i32
      %dma_wait3A_154 = arith.constant 0 : i32
      %dma_wait3A_155 = tpu.memref_slice %arg8[%dma_wait3A_153, %dma_wait3A_154] : memref<10240x128xf32, #tpu.memory_space<vmem_shared>> -> memref<10240x128xf32, #tpu.memory_space<vmem_shared>>
      tpu.wait_indirect_dma semaphore(%run_scoped3A_135 : memref<!tpu.dma_semaphore, #tpu.memory_space<semaphore_mem>>) src(%arg7 : memref<128x128xf32, #tpu.memory_space<vmem>>) dst(%dma_wait3A_155 : memref<10240x128xf32, #tpu.memory_space<vmem_shared>>)
      tpu.yield
    }) : () -> ()
    %barrier3A_128 = arith.constant 0 : index
    tpu.barrier barrier_id(%barrier3A_128)
    %scan3A_129 = arith.constant 0 : i32
    %scan3A_130 = arith.constant 0 : i32
    %scan3A_131 = arith.constant 5 : i32
    %scan3A_132 = arith.addi %scan3A_130, %scan3A_131 : i32
    %scan3A_133 = arith.constant 1 : i32
    scf.for %scan3A_135 = %scan3A_130 to %scan3A_132 step %scan3A_133  : i32 {
      %mul3A_136 = arith.constant 128 : i32
      %mul3A_137 = arith.muli %scan3A_135, %mul3A_136 : i32
      %add3A_138 = arith.addi %mul3A_8, %mul3A_137 : i32
      "tpu.region"() ({
        %run_scoped3A_139 = tpu.sem_alloc : memref<!tpu.dma_semaphore, #tpu.memory_space<semaphore_mem>>
        %dma_start3A_140 = arith.constant 0 : i32
        %dma_start3A_141 = tpu.memref_slice %arg8[%add3A_138, %dma_start3A_140] : memref<10240x128xf32, #tpu.memory_space<vmem_shared>> -> memref<128x128xf32, #tpu.memory_space<vmem_shared>>
        %dma_start3A_142 = arith.constant 0 : i32
        %dma_start3A_143 = tpu.memref_slice %arg8[%add3A_138, %dma_start3A_142] : memref<10240x128xf32, #tpu.memory_space<vmem_shared>> -> memref<128x128xf32, #tpu.memory_space<vmem_shared>>
        tpu.enqueue_dma source(%dma_start3A_143 : memref<128x128xf32, #tpu.memory_space<vmem_shared>>) target(%arg6 : memref<128x128xf32, #tpu.memory_space<vmem>>) target_semaphore(%run_scoped3A_139 : memref<!tpu.dma_semaphore, #tpu.memory_space<semaphore_mem>>)
        %dma_wait3A_144 = arith.constant 0 : i32
        %dma_wait3A_145 = tpu.memref_slice %arg8[%add3A_138, %dma_wait3A_144] : memref<10240x128xf32, #tpu.memory_space<vmem_shared>> -> memref<128x128xf32, #tpu.memory_space<vmem_shared>>
        %dma_wait3A_146 = arith.constant 0 : i32
        %dma_wait3A_147 = tpu.memref_slice %arg8[%add3A_138, %dma_wait3A_146] : memref<10240x128xf32, #tpu.memory_space<vmem_shared>> -> memref<128x128xf32, #tpu.memory_space<vmem_shared>>
        tpu.wait_dma2 semaphore(%run_scoped3A_139 : memref<!tpu.dma_semaphore, #tpu.memory_space<semaphore_mem>>) src(%dma_wait3A_147 : memref<128x128xf32, #tpu.memory_space<vmem_shared>>) dst(%arg6 : memref<128x128xf32, #tpu.memory_space<vmem>>)
        tpu.yield
      }) : () -> ()
      "tpu.region"() ({
        %run_scoped3A_139 = tpu.sem_alloc : memref<!tpu.dma_semaphore, #tpu.memory_space<semaphore_mem>>
        %dma_start3A_140 = arith.constant 0 : i32
        %dma_start3A_141 = tpu.memref_slice %arg4[%arg0, %add3A_138, %dma_start3A_140] : memref<2x10240x128xf32, #tpu.memory_space<hbm>> -> memref<1x128x128xf32, #tpu.memory_space<hbm>>
        %dma_start3A_142 = tpu.memref_squeeze %dma_start3A_141 : memref<1x128x128xf32, #tpu.memory_space<hbm>> -> memref<128x128xf32, #tpu.memory_space<hbm>>
        %dma_start3A_143 = arith.constant 0 : i32
        %dma_start3A_144 = tpu.memref_slice %arg4[%arg0, %add3A_138, %dma_start3A_143] : memref<2x10240x128xf32, #tpu.memory_space<hbm>> -> memref<1x128x128xf32, #tpu.memory_space<hbm>>
        %dma_start3A_145 = tpu.memref_squeeze %dma_start3A_144 : memref<1x128x128xf32, #tpu.memory_space<hbm>> -> memref<128x128xf32, #tpu.memory_space<hbm>>
        tpu.enqueue_dma source(%arg6 : memref<128x128xf32, #tpu.memory_space<vmem>>) target(%dma_start3A_145 : memref<128x128xf32, #tpu.memory_space<hbm>>) target_semaphore(%run_scoped3A_139 : memref<!tpu.dma_semaphore, #tpu.memory_space<semaphore_mem>>)
        %dma_wait3A_146 = arith.constant 0 : i32
        %dma_wait3A_147 = tpu.memref_slice %arg4[%arg0, %add3A_138, %dma_wait3A_146] : memref<2x10240x128xf32, #tpu.memory_space<hbm>> -> memref<1x128x128xf32, #tpu.memory_space<hbm>>
        %dma_wait3A_148 = tpu.memref_squeeze %dma_wait3A_147 : memref<1x128x128xf32, #tpu.memory_space<hbm>> -> memref<128x128xf32, #tpu.memory_space<hbm>>
        %dma_wait3A_149 = arith.constant 0 : i32
        %dma_wait3A_150 = tpu.memref_slice %arg4[%arg0, %add3A_138, %dma_wait3A_149] : memref<2x10240x128xf32, #tpu.memory_space<hbm>> -> memref<1x128x128xf32, #tpu.memory_space<hbm>>
        %dma_wait3A_151 = tpu.memref_squeeze %dma_wait3A_150 : memref<1x128x128xf32, #tpu.memory_space<hbm>> -> memref<128x128xf32, #tpu.memory_space<hbm>>
        tpu.wait_dma2 semaphore(%run_scoped3A_139 : memref<!tpu.dma_semaphore, #tpu.memory_space<semaphore_mem>>) src(%arg6 : memref<128x128xf32, #tpu.memory_space<vmem>>) dst(%dma_wait3A_151 : memref<128x128xf32, #tpu.memory_space<hbm>>)
        tpu.yield
      }) : () -> ()
    }
    %scan3A_134 = arith.constant 5 : i32
    return
  }
}

#map = affine_map<(d0, d1) -> (0, 0)>
#map1 = affine_map<(d0, d1) -> (0, 0, 0, 0)>
#map2 = affine_map<(d0, d1) -> (0, 0, 0)>
module attributes {stable_mosaic.version = 14 : i64} {
  func.func @_gs_kernel(%arg0: i32, %arg1: i32, %arg2: memref<10240x128xf32, #tpu.memory_space<hbm>>, %arg3: memref<32x80x2x128xi32, #tpu.memory_space<hbm>>, %arg4: memref<2x10240x128xf32, #tpu.memory_space<hbm>>, %arg5: memref<40x2x128xi32, #tpu.memory_space<vmem>>, %arg6: memref<128x128xf32, #tpu.memory_space<vmem>>, %arg7: memref<128x128xf32, #tpu.memory_space<vmem>>, %arg8: memref<10240x128xf32, #tpu.memory_space<vmem_shared>>, %arg9: memref<!tpu.dma_semaphore, #tpu.memory_space<semaphore_mem>>, %arg10: memref<!tpu.dma_semaphore, #tpu.memory_space<semaphore_mem>>) attributes {dimension_semantics = [#tpu.dimension_semantics<core_parallel>, #tpu.dimension_semantics<subcore_parallel>], iteration_bounds = array<i64: 2, 16>, scalar_prefetch = 0 : i64, scratch_operands = 6 : i64, tpu.core_type = #tpu.core_type<sc_vector_subcore>, window_params = [{transform_indices = #map}, {transform_indices = #map1}, {transform_indices = #map2}]} {
    %mul3A = arith.constant 16 : i32
    %mul3A_0 = arith.muli %arg0, %mul3A : i32
    %add3A = arith.addi %mul3A_0, %arg1 : i32
    %broadcast_in_dim3A = arith.constant 0.000000e+00 : f32
    %broadcast_in_dim3A_1 = vector.broadcast %broadcast_in_dim3A : f32 to vector<16xf32>
    %scan3A = arith.constant 0 : i32
    %scan3A_2 = arith.constant 0 : i32
    %scan3A_3 = arith.constant 1024 : i32
    %scan3A_4 = arith.addi %scan3A_2, %scan3A_3 : i32
    %scan3A_5 = arith.constant 1 : i32
    scf.for %scan3A_135 = %scan3A_2 to %scan3A_4 step %scan3A_5  : i32 {
      %jit3A = arith.constant 8 : i32
      %div3A = arith.divsi %scan3A_135, %jit3A : i32
      %sign3A = arith.constant 0 : i32
      %sign3A_136 = arith.cmpi sgt, %scan3A_135, %sign3A : i32
      %sign3A_137 = arith.extui %sign3A_136 : i1 to i32
      %sign3A_138 = arith.constant 0 : i32
      %sign3A_139 = arith.cmpi slt, %scan3A_135, %sign3A_138 : i32
      %sign3A_140 = arith.extui %sign3A_139 : i1 to i32
      %sign3A_141 = arith.subi %sign3A_137, %sign3A_140 : i32
      %sign3A_142 = arith.constant 0 : i32
      %sign3A_143 = arith.cmpi sgt, %jit3A, %sign3A_142 : i32
      %sign3A_144 = arith.extui %sign3A_143 : i1 to i32
      %sign3A_145 = arith.constant 0 : i32
      %sign3A_146 = arith.cmpi slt, %jit3A, %sign3A_145 : i32
      %sign3A_147 = arith.extui %sign3A_146 : i1 to i32
      %sign3A_148 = arith.subi %sign3A_144, %sign3A_147 : i32
      %ne3A = arith.cmpi ne, %sign3A_141, %sign3A_148 : i32
      %rem3A = arith.remsi %scan3A_135, %jit3A : i32
      %ne3A_149 = arith.constant 0 : i32
      %ne3A_150 = arith.cmpi ne, %rem3A, %ne3A_149 : i32
      %and3A = arith.andi %ne3A, %ne3A_150 : i1
      %sub3A = arith.constant 1 : i32
      %sub3A_151 = arith.subi %div3A, %sub3A : i32
      %select_n3A = arith.select %and3A, %sub3A_151, %div3A : i32
      %jit3A_152 = arith.constant 8 : i32
      %eq3A = arith.constant 0 : i32
      %eq3A_153 = arith.cmpi eq, %jit3A_152, %eq3A : i32
      %jit3A_154 = arith.constant 1 : i32
      %select_n3A_155 = arith.select %eq3A_153, %jit3A_154, %jit3A_152 : i32
      %rem3A_156 = arith.remsi %scan3A_135, %select_n3A_155 : i32
      %ne3A_157 = arith.constant 0 : i32
      %ne3A_158 = arith.cmpi ne, %rem3A_156, %ne3A_157 : i32
      %lt3A = arith.constant 0 : i32
      %lt3A_159 = arith.cmpi slt, %rem3A_156, %lt3A : i32
      %lt3A_160 = arith.constant 0 : i32
      %lt3A_161 = arith.cmpi slt, %select_n3A_155, %lt3A_160 : i32
      %ne3A_162 = arith.xori %lt3A_159, %lt3A_161 : i1
      %and3A_163 = arith.andi %ne3A_162, %ne3A_158 : i1
      %add3A_164 = arith.addi %rem3A_156, %select_n3A_155 : i32
      %select_n3A_165 = arith.select %and3A_163, %add3A_164, %rem3A_156 : i32
      %mul3A_166 = arith.constant 16 : i32
      %mul3A_167 = arith.muli %select_n3A_165, %mul3A_166 : i32
      %swap3A = arith.index_cast %select_n3A : i32 to index
      %swap3A_168 = arith.index_cast %mul3A_167 : i32 to index
      %swap3A_169 = tpu.vector_load %arg6[%swap3A, %swap3A_168] {strides = array<i32>} : memref<128x128xf32, #tpu.memory_space<vmem>>, vector<1x16xf32>,
      %swap3A_170 = vector.shape_cast %swap3A_169 : vector<1x16xf32> to vector<16xf32>
      %swap3A_171 = vector.shape_cast %broadcast_in_dim3A_1 : vector<16xf32> to vector<1x16xf32>
      tpu.vector_store %arg6[%swap3A, %swap3A_168], %swap3A_171 {strides = array<i32>} : memref<128x128xf32, #tpu.memory_space<vmem>>, vector<1x16xf32>,
    }
    %scan3A_6 = arith.constant 1024 : i32
    %mul3A_7 = arith.constant 640 : i32
    %mul3A_8 = arith.muli %arg1, %mul3A_7 : i32
    %scan3A_9 = arith.constant 0 : i32
    %scan3A_10 = arith.constant 0 : i32
    %scan3A_11 = arith.constant 5 : i32
    %scan3A_12 = arith.addi %scan3A_10, %scan3A_11 : i32
    %scan3A_13 = arith.constant 1 : i32
    scf.for %scan3A_135 = %scan3A_10 to %scan3A_12 step %scan3A_13  : i32 {
      %mul3A_136 = arith.constant 128 : i32
      %mul3A_137 = arith.muli %scan3A_135, %mul3A_136 : i32
      %add3A_138 = arith.addi %mul3A_8, %mul3A_137 : i32
      "tpu.region"() ({
        %run_scoped3A_139 = tpu.sem_alloc : memref<!tpu.dma_semaphore, #tpu.memory_space<semaphore_mem>>
        %dma_start3A_140 = arith.constant 0 : i32
        %dma_start3A_141 = tpu.memref_slice %arg8[%add3A_138, %dma_start3A_140] : memref<10240x128xf32, #tpu.memory_space<vmem_shared>> -> memref<128x128xf32, #tpu.memory_space<vmem_shared>>
        %dma_start3A_142 = arith.constant 0 : i32
        %dma_start3A_143 = tpu.memref_slice %arg8[%add3A_138, %dma_start3A_142] : memref<10240x128xf32, #tpu.memory_space<vmem_shared>> -> memref<128x128xf32, #tpu.memory_space<vmem_shared>>
        tpu.enqueue_dma source(%arg6 : memref<128x128xf32, #tpu.memory_space<vmem>>) target(%dma_start3A_143 : memref<128x128xf32, #tpu.memory_space<vmem_shared>>) target_semaphore(%run_scoped3A_139 : memref<!tpu.dma_semaphore, #tpu.memory_space<semaphore_mem>>)
        %dma_wait3A_144 = arith.constant 0 : i32
        %dma_wait3A_145 = tpu.memref_slice %arg8[%add3A_138, %dma_wait3A_144] : memref<10240x128xf32, #tpu.memory_space<vmem_shared>> -> memref<128x128xf32, #tpu.memory_space<vmem_shared>>
        %dma_wait3A_146 = arith.constant 0 : i32
        %dma_wait3A_147 = tpu.memref_slice %arg8[%add3A_138, %dma_wait3A_146] : memref<10240x128xf32, #tpu.memory_space<vmem_shared>> -> memref<128x128xf32, #tpu.memory_space<vmem_shared>>
        tpu.wait_dma2 semaphore(%run_scoped3A_139 : memref<!tpu.dma_semaphore, #tpu.memory_space<semaphore_mem>>) src(%arg6 : memref<128x128xf32, #tpu.memory_space<vmem>>) dst(%dma_wait3A_147 : memref<128x128xf32, #tpu.memory_space<vmem_shared>>)
        tpu.yield
      }) : () -> ()
    }
    %scan3A_14 = arith.constant 5 : i32
    %barrier3A = arith.constant 0 : index
    tpu.barrier barrier_id(%barrier3A)
    "tpu.region"() ({
      %run_scoped3A_135 = tpu.sem_alloc : memref<!tpu.dma_semaphore, #tpu.memory_space<semaphore_mem>>
      %dma_start3A_136 = arith.constant 0 : i32
      %dma_start3A_137 = arith.constant 0 : i32
      %dma_start3A_138 = arith.constant 0 : i32
      %dma_start3A_139 = tpu.memref_slice %arg3[%add3A, %dma_start3A_136, %dma_start3A_137, %dma_start3A_138] : memref<32x80x2x128xi32, #tpu.memory_space<hbm>> -> memref<1x40x2x128xi32, #tpu.memory_space<hbm>>
      %dma_start3A_140 = tpu.memref_squeeze %dma_start3A_139 : memref<1x40x2x128xi32, #tpu.memory_space<hbm>> -> memref<40x2x128xi32, #tpu.memory_space<hbm>>
      %dma_start3A_141 = arith.constant 0 : i32
      %dma_start3A_142 = arith.constant 0 : i32
      %dma_start3A_143 = arith.constant 0 : i32
      %dma_start3A_144 = tpu.memref_slice %arg3[%add3A, %dma_start3A_141, %dma_start3A_142, %dma_start3A_143] : memref<32x80x2x128xi32, #tpu.memory_space<hbm>> -> memref<1x40x2x128xi32, #tpu.memory_space<hbm>>
      %dma_start3A_145 = tpu.memref_squeeze %dma_start3A_144 : memref<1x40x2x128xi32, #tpu.memory_space<hbm>> -> memref<40x2x128xi32, #tpu.memory_space<hbm>>
      tpu.enqueue_dma source(%dma_start3A_145 : memref<40x2x128xi32, #tpu.memory_space<hbm>>) target(%arg5 : memref<40x2x128xi32, #tpu.memory_space<vmem>>) target_semaphore(%run_scoped3A_135 : memref<!tpu.dma_semaphore, #tpu.memory_space<semaphore_mem>>)
      %dma_wait3A_146 = arith.constant 0 : i32
      %dma_wait3A_147 = arith.constant 0 : i32
      %dma_wait3A_148 = arith.constant 0 : i32
      %dma_wait3A_149 = tpu.memref_slice %arg3[%add3A, %dma_wait3A_146, %dma_wait3A_147, %dma_wait3A_148] : memref<32x80x2x128xi32, #tpu.memory_space<hbm>> -> memref<1x40x2x128xi32, #tpu.memory_space<hbm>>
      %dma_wait3A_150 = tpu.memref_squeeze %dma_wait3A_149 : memref<1x40x2x128xi32, #tpu.memory_space<hbm>> -> memref<40x2x128xi32, #tpu.memory_space<hbm>>
      %dma_wait3A_151 = arith.constant 0 : i32
      %dma_wait3A_152 = arith.constant 0 : i32
      %dma_wait3A_153 = arith.constant 0 : i32
      %dma_wait3A_154 = tpu.memref_slice %arg3[%add3A, %dma_wait3A_151, %dma_wait3A_152, %dma_wait3A_153] : memref<32x80x2x128xi32, #tpu.memory_space<hbm>> -> memref<1x40x2x128xi32, #tpu.memory_space<hbm>>
      %dma_wait3A_155 = tpu.memref_squeeze %dma_wait3A_154 : memref<1x40x2x128xi32, #tpu.memory_space<hbm>> -> memref<40x2x128xi32, #tpu.memory_space<hbm>>
      tpu.wait_dma2 semaphore(%run_scoped3A_135 : memref<!tpu.dma_semaphore, #tpu.memory_space<semaphore_mem>>) src(%dma_wait3A_155 : memref<40x2x128xi32, #tpu.memory_space<hbm>>) dst(%arg5 : memref<40x2x128xi32, #tpu.memory_space<vmem>>)
      tpu.yield
    }) : () -> ()
    %dma_start3A = arith.constant 0 : i32
    %dma_start3A_15 = arith.constant 0 : i32
    %dma_start3A_16 = arith.constant 0 : i32
    %dma_start3A_17 = arith.constant 0 : i32
    %dma_start3A_18 = tpu.memref_slice %arg5[%dma_start3A, %dma_start3A_16, %dma_start3A_17] : memref<40x2x128xi32, #tpu.memory_space<vmem>> -> memref<1x2x128xi32, #tpu.memory_space<vmem>>
    %dma_start3A_19 = tpu.memref_squeeze %dma_start3A_18 : memref<1x2x128xi32, #tpu.memory_space<vmem>> -> memref<2x128xi32, #tpu.memory_space<vmem>>
    %dma_start3A_20 = arith.constant 0 : i32
    %dma_start3A_21 = tpu.memref_slice %dma_start3A_19[%dma_start3A_15, %dma_start3A_20] : memref<2x128xi32, #tpu.memory_space<vmem>> -> memref<1x128xi32, #tpu.memory_space<vmem>>
    %dma_start3A_22 = tpu.memref_squeeze %dma_start3A_21 : memref<1x128xi32, #tpu.memory_space<vmem>> -> memref<128xi32, #tpu.memory_space<vmem>>
    %dma_start3A_23 = arith.constant 0 : i32
    %dma_start3A_24 = arith.constant 0 : i32
    %dma_start3A_25 = tpu.memref_slice %arg2[%dma_start3A_23, %dma_start3A_24] : memref<10240x128xf32, #tpu.memory_space<hbm>> -> memref<10240x128xf32, #tpu.memory_space<hbm>>
    tpu.enqueue_indirect_dma source(%dma_start3A_25 : memref<10240x128xf32, #tpu.memory_space<hbm>>) target(%arg6 : memref<128x128xf32, #tpu.memory_space<vmem>>) offsets(%dma_start3A_22 : memref<128xi32, #tpu.memory_space<vmem>>) semaphore(%arg9 : memref<!tpu.dma_semaphore, #tpu.memory_space<semaphore_mem>>)
    %scan3A_26 = arith.constant 0 : i32
    %scan3A_27 = arith.constant 0 : i32
    %scan3A_28 = arith.constant 19 : i32
    %scan3A_29 = arith.addi %scan3A_27, %scan3A_28 : i32
    %scan3A_30 = arith.constant 1 : i32
    scf.for %scan3A_135 = %scan3A_27 to %scan3A_29 step %scan3A_30  : i32 {
      %mul3A_136 = arith.constant 2 : i32
      %mul3A_137 = arith.muli %mul3A_136, %scan3A_135 : i32
      %add3A_138 = arith.constant 1 : i32
      %add3A_139 = arith.addi %mul3A_137, %add3A_138 : i32
      %add3A_140 = arith.constant 2 : i32
      %add3A_141 = arith.addi %mul3A_137, %add3A_140 : i32
      %dma_start3A_142 = arith.constant 0 : i32
      %dma_start3A_143 = arith.constant 0 : i32
      %dma_start3A_144 = arith.constant 0 : i32
      %dma_start3A_145 = tpu.memref_slice %arg5[%add3A_139, %dma_start3A_143, %dma_start3A_144] : memref<40x2x128xi32, #tpu.memory_space<vmem>> -> memref<1x2x128xi32, #tpu.memory_space<vmem>>
      %dma_start3A_146 = tpu.memref_squeeze %dma_start3A_145 : memref<1x2x128xi32, #tpu.memory_space<vmem>> -> memref<2x128xi32, #tpu.memory_space<vmem>>
      %dma_start3A_147 = arith.constant 0 : i32
      %dma_start3A_148 = tpu.memref_slice %dma_start3A_146[%dma_start3A_142, %dma_start3A_147] : memref<2x128xi32, #tpu.memory_space<vmem>> -> memref<1x128xi32, #tpu.memory_space<vmem>>
      %dma_start3A_149 = tpu.memref_squeeze %dma_start3A_148 : memref<1x128xi32, #tpu.memory_space<vmem>> -> memref<128xi32, #tpu.memory_space<vmem>>
      %dma_start3A_150 = arith.constant 0 : i32
      %dma_start3A_151 = arith.constant 0 : i32
      %dma_start3A_152 = tpu.memref_slice %arg2[%dma_start3A_150, %dma_start3A_151] : memref<10240x128xf32, #tpu.memory_space<hbm>> -> memref<10240x128xf32, #tpu.memory_space<hbm>>
      tpu.enqueue_indirect_dma source(%dma_start3A_152 : memref<10240x128xf32, #tpu.memory_space<hbm>>) target(%arg7 : memref<128x128xf32, #tpu.memory_space<vmem>>) offsets(%dma_start3A_149 : memref<128xi32, #tpu.memory_space<vmem>>) semaphore(%arg10 : memref<!tpu.dma_semaphore, #tpu.memory_space<semaphore_mem>>)
      %dma_wait3A_153 = arith.constant 0 : i32
      %dma_wait3A_154 = arith.constant 0 : i32
      %dma_wait3A_155 = arith.constant 0 : i32
      %dma_wait3A_156 = tpu.memref_slice %arg5[%mul3A_137, %dma_wait3A_154, %dma_wait3A_155] : memref<40x2x128xi32, #tpu.memory_space<vmem>> -> memref<1x2x128xi32, #tpu.memory_space<vmem>>
      %dma_wait3A_157 = tpu.memref_squeeze %dma_wait3A_156 : memref<1x2x128xi32, #tpu.memory_space<vmem>> -> memref<2x128xi32, #tpu.memory_space<vmem>>
      %dma_wait3A_158 = arith.constant 0 : i32
      %dma_wait3A_159 = tpu.memref_slice %dma_wait3A_157[%dma_wait3A_153, %dma_wait3A_158] : memref<2x128xi32, #tpu.memory_space<vmem>> -> memref<1x128xi32, #tpu.memory_space<vmem>>
      %dma_wait3A_160 = tpu.memref_squeeze %dma_wait3A_159 : memref<1x128xi32, #tpu.memory_space<vmem>> -> memref<128xi32, #tpu.memory_space<vmem>>
      %dma_wait3A_161 = arith.constant 0 : i32
      %dma_wait3A_162 = arith.constant 0 : i32
      %dma_wait3A_163 = tpu.memref_slice %arg2[%dma_wait3A_161, %dma_wait3A_162] : memref<10240x128xf32, #tpu.memory_space<hbm>> -> memref<10240x128xf32, #tpu.memory_space<hbm>>
      tpu.wait_indirect_dma semaphore(%arg9 : memref<!tpu.dma_semaphore, #tpu.memory_space<semaphore_mem>>) src(%dma_wait3A_163 : memref<10240x128xf32, #tpu.memory_space<hbm>>) dst(%arg6 : memref<128x128xf32, #tpu.memory_space<vmem>>)
      %run_scoped3A_164 = arith.constant 1 : i32
      "tpu.region"() ({
        %run_scoped3A_188 = tpu.sem_alloc : memref<!tpu.dma_semaphore, #tpu.memory_space<semaphore_mem>>
        %dma_start3A_189 = arith.constant 0 : i32
        %dma_start3A_190 = arith.constant 0 : i32
        %dma_start3A_191 = tpu.memref_slice %arg5[%mul3A_137, %dma_start3A_189, %dma_start3A_190] : memref<40x2x128xi32, #tpu.memory_space<vmem>> -> memref<1x2x128xi32, #tpu.memory_space<vmem>>
        %dma_start3A_192 = tpu.memref_squeeze %dma_start3A_191 : memref<1x2x128xi32, #tpu.memory_space<vmem>> -> memref<2x128xi32, #tpu.memory_space<vmem>>
        %dma_start3A_193 = arith.constant 0 : i32
        %dma_start3A_194 = tpu.memref_slice %dma_start3A_192[%run_scoped3A_164, %dma_start3A_193] : memref<2x128xi32, #tpu.memory_space<vmem>> -> memref<1x128xi32, #tpu.memory_space<vmem>>
        %dma_start3A_195 = tpu.memref_squeeze %dma_start3A_194 : memref<1x128xi32, #tpu.memory_space<vmem>> -> memref<128xi32, #tpu.memory_space<vmem>>
        %dma_start3A_196 = arith.constant 0 : i32
        %dma_start3A_197 = arith.constant 0 : i32
        %dma_start3A_198 = tpu.memref_slice %arg8[%dma_start3A_196, %dma_start3A_197] : memref<10240x128xf32, #tpu.memory_space<vmem_shared>> -> memref<10240x128xf32, #tpu.memory_space<vmem_shared>>
        tpu.enqueue_indirect_dma source(%arg6 : memref<128x128xf32, #tpu.memory_space<vmem>>) target(%dma_start3A_198 : memref<10240x128xf32, #tpu.memory_space<vmem_shared>>) offsets(%dma_start3A_195 : memref<128xi32, #tpu.memory_space<vmem>>) semaphore(%run_scoped3A_188 : memref<!tpu.dma_semaphore, #tpu.memory_space<semaphore_mem>>) {add = true}
        %dma_wait3A_199 = arith.constant 0 : i32
        %dma_wait3A_200 = arith.constant 0 : i32
        %dma_wait3A_201 = tpu.memref_slice %arg5[%mul3A_137, %dma_wait3A_199, %dma_wait3A_200] : memref<40x2x128xi32, #tpu.memory_space<vmem>> -> memref<1x2x128xi32, #tpu.memory_space<vmem>>
        %dma_wait3A_202 = tpu.memref_squeeze %dma_wait3A_201 : memref<1x2x128xi32, #tpu.memory_space<vmem>> -> memref<2x128xi32, #tpu.memory_space<vmem>>
        %dma_wait3A_203 = arith.constant 0 : i32
        %dma_wait3A_204 = tpu.memref_slice %dma_wait3A_202[%run_scoped3A_164, %dma_wait3A_203] : memref<2x128xi32, #tpu.memory_space<vmem>> -> memref<1x128xi32, #tpu.memory_space<vmem>>
        %dma_wait3A_205 = tpu.memref_squeeze %dma_wait3A_204 : memref<1x128xi32, #tpu.memory_space<vmem>> -> memref<128xi32, #tpu.memory_space<vmem>>
        %dma_wait3A_206 = arith.constant 0 : i32
        %dma_wait3A_207 = arith.constant 0 : i32
        %dma_wait3A_208 = tpu.memref_slice %arg8[%dma_wait3A_206, %dma_wait3A_207] : memref<10240x128xf32, #tpu.memory_space<vmem_shared>> -> memref<10240x128xf32, #tpu.memory_space<vmem_shared>>
        tpu.wait_indirect_dma semaphore(%run_scoped3A_188 : memref<!tpu.dma_semaphore, #tpu.memory_space<semaphore_mem>>) src(%arg6 : memref<128x128xf32, #tpu.memory_space<vmem>>) dst(%dma_wait3A_208 : memref<10240x128xf32, #tpu.memory_space<vmem_shared>>)
        tpu.yield
      }) : () -> ()
      %dma_start3A_165 = arith.constant 0 : i32
      %dma_start3A_166 = arith.constant 0 : i32
      %dma_start3A_167 = arith.constant 0 : i32
      %dma_start3A_168 = tpu.memref_slice %arg5[%add3A_141, %dma_start3A_166, %dma_start3A_167] : memref<40x2x128xi32, #tpu.memory_space<vmem>> -> memref<1x2x128xi32, #tpu.memory_space<vmem>>
      %dma_start3A_169 = tpu.memref_squeeze %dma_start3A_168 : memref<1x2x128xi32, #tpu.memory_space<vmem>> -> memref<2x128xi32, #tpu.memory_space<vmem>>
      %dma_start3A_170 = arith.constant 0 : i32
      %dma_start3A_171 = tpu.memref_slice %dma_start3A_169[%dma_start3A_165, %dma_start3A_170] : memref<2x128xi32, #tpu.memory_space<vmem>> -> memref<1x128xi32, #tpu.memory_space<vmem>>
      %dma_start3A_172 = tpu.memref_squeeze %dma_start3A_171 : memref<1x128xi32, #tpu.memory_space<vmem>> -> memref<128xi32, #tpu.memory_space<vmem>>
      %dma_start3A_173 = arith.constant 0 : i32
      %dma_start3A_174 = arith.constant 0 : i32
      %dma_start3A_175 = tpu.memref_slice %arg2[%dma_start3A_173, %dma_start3A_174] : memref<10240x128xf32, #tpu.memory_space<hbm>> -> memref<10240x128xf32, #tpu.memory_space<hbm>>
      tpu.enqueue_indirect_dma source(%dma_start3A_175 : memref<10240x128xf32, #tpu.memory_space<hbm>>) target(%arg6 : memref<128x128xf32, #tpu.memory_space<vmem>>) offsets(%dma_start3A_172 : memref<128xi32, #tpu.memory_space<vmem>>) semaphore(%arg9 : memref<!tpu.dma_semaphore, #tpu.memory_space<semaphore_mem>>)
      %dma_wait3A_176 = arith.constant 0 : i32
      %dma_wait3A_177 = arith.constant 0 : i32
      %dma_wait3A_178 = arith.constant 0 : i32
      %dma_wait3A_179 = tpu.memref_slice %arg5[%add3A_139, %dma_wait3A_177, %dma_wait3A_178] : memref<40x2x128xi32, #tpu.memory_space<vmem>> -> memref<1x2x128xi32, #tpu.memory_space<vmem>>
      %dma_wait3A_180 = tpu.memref_squeeze %dma_wait3A_179 : memref<1x2x128xi32, #tpu.memory_space<vmem>> -> memref<2x128xi32, #tpu.memory_space<vmem>>
      %dma_wait3A_181 = arith.constant 0 : i32
      %dma_wait3A_182 = tpu.memref_slice %dma_wait3A_180[%dma_wait3A_176, %dma_wait3A_181] : memref<2x128xi32, #tpu.memory_space<vmem>> -> memref<1x128xi32, #tpu.memory_space<vmem>>
      %dma_wait3A_183 = tpu.memref_squeeze %dma_wait3A_182 : memref<1x128xi32, #tpu.memory_space<vmem>> -> memref<128xi32, #tpu.memory_space<vmem>>
      %dma_wait3A_184 = arith.constant 0 : i32
      %dma_wait3A_185 = arith.constant 0 : i32
      %dma_wait3A_186 = tpu.memref_slice %arg2[%dma_wait3A_184, %dma_wait3A_185] : memref<10240x128xf32, #tpu.memory_space<hbm>> -> memref<10240x128xf32, #tpu.memory_space<hbm>>
      tpu.wait_indirect_dma semaphore(%arg10 : memref<!tpu.dma_semaphore, #tpu.memory_space<semaphore_mem>>) src(%dma_wait3A_186 : memref<10240x128xf32, #tpu.memory_space<hbm>>) dst(%arg7 : memref<128x128xf32, #tpu.memory_space<vmem>>)
      %run_scoped3A_187 = arith.constant 1 : i32
      "tpu.region"() ({
        %run_scoped3A_188 = tpu.sem_alloc : memref<!tpu.dma_semaphore, #tpu.memory_space<semaphore_mem>>
        %dma_start3A_189 = arith.constant 0 : i32
        %dma_start3A_190 = arith.constant 0 : i32
        %dma_start3A_191 = tpu.memref_slice %arg5[%add3A_139, %dma_start3A_189, %dma_start3A_190] : memref<40x2x128xi32, #tpu.memory_space<vmem>> -> memref<1x2x128xi32, #tpu.memory_space<vmem>>
        %dma_start3A_192 = tpu.memref_squeeze %dma_start3A_191 : memref<1x2x128xi32, #tpu.memory_space<vmem>> -> memref<2x128xi32, #tpu.memory_space<vmem>>
        %dma_start3A_193 = arith.constant 0 : i32
        %dma_start3A_194 = tpu.memref_slice %dma_start3A_192[%run_scoped3A_187, %dma_start3A_193] : memref<2x128xi32, #tpu.memory_space<vmem>> -> memref<1x128xi32, #tpu.memory_space<vmem>>
        %dma_start3A_195 = tpu.memref_squeeze %dma_start3A_194 : memref<1x128xi32, #tpu.memory_space<vmem>> -> memref<128xi32, #tpu.memory_space<vmem>>
        %dma_start3A_196 = arith.constant 0 : i32
        %dma_start3A_197 = arith.constant 0 : i32
        %dma_start3A_198 = tpu.memref_slice %arg8[%dma_start3A_196, %dma_start3A_197] : memref<10240x128xf32, #tpu.memory_space<vmem_shared>> -> memref<10240x128xf32, #tpu.memory_space<vmem_shared>>
        tpu.enqueue_indirect_dma source(%arg7 : memref<128x128xf32, #tpu.memory_space<vmem>>) target(%dma_start3A_198 : memref<10240x128xf32, #tpu.memory_space<vmem_shared>>) offsets(%dma_start3A_195 : memref<128xi32, #tpu.memory_space<vmem>>) semaphore(%run_scoped3A_188 : memref<!tpu.dma_semaphore, #tpu.memory_space<semaphore_mem>>) {add = true}
        %dma_wait3A_199 = arith.constant 0 : i32
        %dma_wait3A_200 = arith.constant 0 : i32
        %dma_wait3A_201 = tpu.memref_slice %arg5[%add3A_139, %dma_wait3A_199, %dma_wait3A_200] : memref<40x2x128xi32, #tpu.memory_space<vmem>> -> memref<1x2x128xi32, #tpu.memory_space<vmem>>
        %dma_wait3A_202 = tpu.memref_squeeze %dma_wait3A_201 : memref<1x2x128xi32, #tpu.memory_space<vmem>> -> memref<2x128xi32, #tpu.memory_space<vmem>>
        %dma_wait3A_203 = arith.constant 0 : i32
        %dma_wait3A_204 = tpu.memref_slice %dma_wait3A_202[%run_scoped3A_187, %dma_wait3A_203] : memref<2x128xi32, #tpu.memory_space<vmem>> -> memref<1x128xi32, #tpu.memory_space<vmem>>
        %dma_wait3A_205 = tpu.memref_squeeze %dma_wait3A_204 : memref<1x128xi32, #tpu.memory_space<vmem>> -> memref<128xi32, #tpu.memory_space<vmem>>
        %dma_wait3A_206 = arith.constant 0 : i32
        %dma_wait3A_207 = arith.constant 0 : i32
        %dma_wait3A_208 = tpu.memref_slice %arg8[%dma_wait3A_206, %dma_wait3A_207] : memref<10240x128xf32, #tpu.memory_space<vmem_shared>> -> memref<10240x128xf32, #tpu.memory_space<vmem_shared>>
        tpu.wait_indirect_dma semaphore(%run_scoped3A_188 : memref<!tpu.dma_semaphore, #tpu.memory_space<semaphore_mem>>) src(%arg7 : memref<128x128xf32, #tpu.memory_space<vmem>>) dst(%dma_wait3A_208 : memref<10240x128xf32, #tpu.memory_space<vmem_shared>>)
        tpu.yield
      }) : () -> ()
    }
    %scan3A_31 = arith.constant 19 : i32
    %dma_start3A_32 = arith.constant 39 : i32
    %dma_start3A_33 = arith.constant 0 : i32
    %dma_start3A_34 = arith.constant 0 : i32
    %dma_start3A_35 = arith.constant 0 : i32
    %dma_start3A_36 = tpu.memref_slice %arg5[%dma_start3A_32, %dma_start3A_34, %dma_start3A_35] : memref<40x2x128xi32, #tpu.memory_space<vmem>> -> memref<1x2x128xi32, #tpu.memory_space<vmem>>
    %dma_start3A_37 = tpu.memref_squeeze %dma_start3A_36 : memref<1x2x128xi32, #tpu.memory_space<vmem>> -> memref<2x128xi32, #tpu.memory_space<vmem>>
    %dma_start3A_38 = arith.constant 0 : i32
    %dma_start3A_39 = tpu.memref_slice %dma_start3A_37[%dma_start3A_33, %dma_start3A_38] : memref<2x128xi32, #tpu.memory_space<vmem>> -> memref<1x128xi32, #tpu.memory_space<vmem>>
    %dma_start3A_40 = tpu.memref_squeeze %dma_start3A_39 : memref<1x128xi32, #tpu.memory_space<vmem>> -> memref<128xi32, #tpu.memory_space<vmem>>
    %dma_start3A_41 = arith.constant 0 : i32
    %dma_start3A_42 = arith.constant 0 : i32
    %dma_start3A_43 = tpu.memref_slice %arg2[%dma_start3A_41, %dma_start3A_42] : memref<10240x128xf32, #tpu.memory_space<hbm>> -> memref<10240x128xf32, #tpu.memory_space<hbm>>
    tpu.enqueue_indirect_dma source(%dma_start3A_43 : memref<10240x128xf32, #tpu.memory_space<hbm>>) target(%arg7 : memref<128x128xf32, #tpu.memory_space<vmem>>) offsets(%dma_start3A_40 : memref<128xi32, #tpu.memory_space<vmem>>) semaphore(%arg10 : memref<!tpu.dma_semaphore, #tpu.memory_space<semaphore_mem>>)
    %dma_wait3A = arith.constant 38 : i32
    %dma_wait3A_44 = arith.constant 0 : i32
    %dma_wait3A_45 = arith.constant 0 : i32
    %dma_wait3A_46 = arith.constant 0 : i32
    %dma_wait3A_47 = tpu.memref_slice %arg5[%dma_wait3A, %dma_wait3A_45, %dma_wait3A_46] : memref<40x2x128xi32, #tpu.memory_space<vmem>> -> memref<1x2x128xi32, #tpu.memory_space<vmem>>
    %dma_wait3A_48 = tpu.memref_squeeze %dma_wait3A_47 : memref<1x2x128xi32, #tpu.memory_space<vmem>> -> memref<2x128xi32, #tpu.memory_space<vmem>>
    %dma_wait3A_49 = arith.constant 0 : i32
    %dma_wait3A_50 = tpu.memref_slice %dma_wait3A_48[%dma_wait3A_44, %dma_wait3A_49] : memref<2x128xi32, #tpu.memory_space<vmem>> -> memref<1x128xi32, #tpu.memory_space<vmem>>
    %dma_wait3A_51 = tpu.memref_squeeze %dma_wait3A_50 : memref<1x128xi32, #tpu.memory_space<vmem>> -> memref<128xi32, #tpu.memory_space<vmem>>
    %dma_wait3A_52 = arith.constant 0 : i32
    %dma_wait3A_53 = arith.constant 0 : i32
    %dma_wait3A_54 = tpu.memref_slice %arg2[%dma_wait3A_52, %dma_wait3A_53] : memref<10240x128xf32, #tpu.memory_space<hbm>> -> memref<10240x128xf32, #tpu.memory_space<hbm>>
    tpu.wait_indirect_dma semaphore(%arg9 : memref<!tpu.dma_semaphore, #tpu.memory_space<semaphore_mem>>) src(%dma_wait3A_54 : memref<10240x128xf32, #tpu.memory_space<hbm>>) dst(%arg6 : memref<128x128xf32, #tpu.memory_space<vmem>>)
    %run_scoped3A = arith.constant 38 : i32
    %run_scoped3A_55 = arith.constant 1 : i32
    "tpu.region"() ({
      %run_scoped3A_135 = tpu.sem_alloc : memref<!tpu.dma_semaphore, #tpu.memory_space<semaphore_mem>>
      %dma_start3A_136 = arith.constant 0 : i32
      %dma_start3A_137 = arith.constant 0 : i32
      %dma_start3A_138 = tpu.memref_slice %arg5[%run_scoped3A, %dma_start3A_136, %dma_start3A_137] : memref<40x2x128xi32, #tpu.memory_space<vmem>> -> memref<1x2x128xi32, #tpu.memory_space<vmem>>
      %dma_start3A_139 = tpu.memref_squeeze %dma_start3A_138 : memref<1x2x128xi32, #tpu.memory_space<vmem>> -> memref<2x128xi32, #tpu.memory_space<vmem>>
      %dma_start3A_140 = arith.constant 0 : i32
      %dma_start3A_141 = tpu.memref_slice %dma_start3A_139[%run_scoped3A_55, %dma_start3A_140] : memref<2x128xi32, #tpu.memory_space<vmem>> -> memref<1x128xi32, #tpu.memory_space<vmem>>
      %dma_start3A_142 = tpu.memref_squeeze %dma_start3A_141 : memref<1x128xi32, #tpu.memory_space<vmem>> -> memref<128xi32, #tpu.memory_space<vmem>>
      %dma_start3A_143 = arith.constant 0 : i32
      %dma_start3A_144 = arith.constant 0 : i32
      %dma_start3A_145 = tpu.memref_slice %arg8[%dma_start3A_143, %dma_start3A_144] : memref<10240x128xf32, #tpu.memory_space<vmem_shared>> -> memref<10240x128xf32, #tpu.memory_space<vmem_shared>>
      tpu.enqueue_indirect_dma source(%arg6 : memref<128x128xf32, #tpu.memory_space<vmem>>) target(%dma_start3A_145 : memref<10240x128xf32, #tpu.memory_space<vmem_shared>>) offsets(%dma_start3A_142 : memref<128xi32, #tpu.memory_space<vmem>>) semaphore(%run_scoped3A_135 : memref<!tpu.dma_semaphore, #tpu.memory_space<semaphore_mem>>) {add = true}
      %dma_wait3A_146 = arith.constant 0 : i32
      %dma_wait3A_147 = arith.constant 0 : i32
      %dma_wait3A_148 = tpu.memref_slice %arg5[%run_scoped3A, %dma_wait3A_146, %dma_wait3A_147] : memref<40x2x128xi32, #tpu.memory_space<vmem>> -> memref<1x2x128xi32, #tpu.memory_space<vmem>>
      %dma_wait3A_149 = tpu.memref_squeeze %dma_wait3A_148 : memref<1x2x128xi32, #tpu.memory_space<vmem>> -> memref<2x128xi32, #tpu.memory_space<vmem>>
      %dma_wait3A_150 = arith.constant 0 : i32
      %dma_wait3A_151 = tpu.memref_slice %dma_wait3A_149[%run_scoped3A_55, %dma_wait3A_150] : memref<2x128xi32, #tpu.memory_space<vmem>> -> memref<1x128xi32, #tpu.memory_space<vmem>>
      %dma_wait3A_152 = tpu.memref_squeeze %dma_wait3A_151 : memref<1x128xi32, #tpu.memory_space<vmem>> -> memref<128xi32, #tpu.memory_space<vmem>>
      %dma_wait3A_153 = arith.constant 0 : i32
      %dma_wait3A_154 = arith.constant 0 : i32
      %dma_wait3A_155 = tpu.memref_slice %arg8[%dma_wait3A_153, %dma_wait3A_154] : memref<10240x128xf32, #tpu.memory_space<vmem_shared>> -> memref<10240x128xf32, #tpu.memory_space<vmem_shared>>
      tpu.wait_indirect_dma semaphore(%run_scoped3A_135 : memref<!tpu.dma_semaphore, #tpu.memory_space<semaphore_mem>>) src(%arg6 : memref<128x128xf32, #tpu.memory_space<vmem>>) dst(%dma_wait3A_155 : memref<10240x128xf32, #tpu.memory_space<vmem_shared>>)
      tpu.yield
    }) : () -> ()
    %dma_wait3A_56 = arith.constant 39 : i32
    %dma_wait3A_57 = arith.constant 0 : i32
    %dma_wait3A_58 = arith.constant 0 : i32
    %dma_wait3A_59 = arith.constant 0 : i32
    %dma_wait3A_60 = tpu.memref_slice %arg5[%dma_wait3A_56, %dma_wait3A_58, %dma_wait3A_59] : memref<40x2x128xi32, #tpu.memory_space<vmem>> -> memref<1x2x128xi32, #tpu.memory_space<vmem>>
    %dma_wait3A_61 = tpu.memref_squeeze %dma_wait3A_60 : memref<1x2x128xi32, #tpu.memory_space<vmem>> -> memref<2x128xi32, #tpu.memory_space<vmem>>
    %dma_wait3A_62 = arith.constant 0 : i32
    %dma_wait3A_63 = tpu.memref_slice %dma_wait3A_61[%dma_wait3A_57, %dma_wait3A_62] : memref<2x128xi32, #tpu.memory_space<vmem>> -> memref<1x128xi32, #tpu.memory_space<vmem>>
    %dma_wait3A_64 = tpu.memref_squeeze %dma_wait3A_63 : memref<1x128xi32, #tpu.memory_space<vmem>> -> memref<128xi32, #tpu.memory_space<vmem>>
    %dma_wait3A_65 = arith.constant 0 : i32
    %dma_wait3A_66 = arith.constant 0 : i32
    %dma_wait3A_67 = tpu.memref_slice %arg2[%dma_wait3A_65, %dma_wait3A_66] : memref<10240x128xf32, #tpu.memory_space<hbm>> -> memref<10240x128xf32, #tpu.memory_space<hbm>>
    tpu.wait_indirect_dma semaphore(%arg10 : memref<!tpu.dma_semaphore, #tpu.memory_space<semaphore_mem>>) src(%dma_wait3A_67 : memref<10240x128xf32, #tpu.memory_space<hbm>>) dst(%arg7 : memref<128x128xf32, #tpu.memory_space<vmem>>)
    %run_scoped3A_68 = arith.constant 39 : i32
    %run_scoped3A_69 = arith.constant 1 : i32
    "tpu.region"() ({
      %run_scoped3A_135 = tpu.sem_alloc : memref<!tpu.dma_semaphore, #tpu.memory_space<semaphore_mem>>
      %dma_start3A_136 = arith.constant 0 : i32
      %dma_start3A_137 = arith.constant 0 : i32
      %dma_start3A_138 = tpu.memref_slice %arg5[%run_scoped3A_68, %dma_start3A_136, %dma_start3A_137] : memref<40x2x128xi32, #tpu.memory_space<vmem>> -> memref<1x2x128xi32, #tpu.memory_space<vmem>>
      %dma_start3A_139 = tpu.memref_squeeze %dma_start3A_138 : memref<1x2x128xi32, #tpu.memory_space<vmem>> -> memref<2x128xi32, #tpu.memory_space<vmem>>
      %dma_start3A_140 = arith.constant 0 : i32
      %dma_start3A_141 = tpu.memref_slice %dma_start3A_139[%run_scoped3A_69, %dma_start3A_140] : memref<2x128xi32, #tpu.memory_space<vmem>> -> memref<1x128xi32, #tpu.memory_space<vmem>>
      %dma_start3A_142 = tpu.memref_squeeze %dma_start3A_141 : memref<1x128xi32, #tpu.memory_space<vmem>> -> memref<128xi32, #tpu.memory_space<vmem>>
      %dma_start3A_143 = arith.constant 0 : i32
      %dma_start3A_144 = arith.constant 0 : i32
      %dma_start3A_145 = tpu.memref_slice %arg8[%dma_start3A_143, %dma_start3A_144] : memref<10240x128xf32, #tpu.memory_space<vmem_shared>> -> memref<10240x128xf32, #tpu.memory_space<vmem_shared>>
      tpu.enqueue_indirect_dma source(%arg7 : memref<128x128xf32, #tpu.memory_space<vmem>>) target(%dma_start3A_145 : memref<10240x128xf32, #tpu.memory_space<vmem_shared>>) offsets(%dma_start3A_142 : memref<128xi32, #tpu.memory_space<vmem>>) semaphore(%run_scoped3A_135 : memref<!tpu.dma_semaphore, #tpu.memory_space<semaphore_mem>>) {add = true}
      %dma_wait3A_146 = arith.constant 0 : i32
      %dma_wait3A_147 = arith.constant 0 : i32
      %dma_wait3A_148 = tpu.memref_slice %arg5[%run_scoped3A_68, %dma_wait3A_146, %dma_wait3A_147] : memref<40x2x128xi32, #tpu.memory_space<vmem>> -> memref<1x2x128xi32, #tpu.memory_space<vmem>>
      %dma_wait3A_149 = tpu.memref_squeeze %dma_wait3A_148 : memref<1x2x128xi32, #tpu.memory_space<vmem>> -> memref<2x128xi32, #tpu.memory_space<vmem>>
      %dma_wait3A_150 = arith.constant 0 : i32
      %dma_wait3A_151 = tpu.memref_slice %dma_wait3A_149[%run_scoped3A_69, %dma_wait3A_150] : memref<2x128xi32, #tpu.memory_space<vmem>> -> memref<1x128xi32, #tpu.memory_space<vmem>>
      %dma_wait3A_152 = tpu.memref_squeeze %dma_wait3A_151 : memref<1x128xi32, #tpu.memory_space<vmem>> -> memref<128xi32, #tpu.memory_space<vmem>>
      %dma_wait3A_153 = arith.constant 0 : i32
      %dma_wait3A_154 = arith.constant 0 : i32
      %dma_wait3A_155 = tpu.memref_slice %arg8[%dma_wait3A_153, %dma_wait3A_154] : memref<10240x128xf32, #tpu.memory_space<vmem_shared>> -> memref<10240x128xf32, #tpu.memory_space<vmem_shared>>
      tpu.wait_indirect_dma semaphore(%run_scoped3A_135 : memref<!tpu.dma_semaphore, #tpu.memory_space<semaphore_mem>>) src(%arg7 : memref<128x128xf32, #tpu.memory_space<vmem>>) dst(%dma_wait3A_155 : memref<10240x128xf32, #tpu.memory_space<vmem_shared>>)
      tpu.yield
    }) : () -> ()
    "tpu.region"() ({
      %run_scoped3A_135 = tpu.sem_alloc : memref<!tpu.dma_semaphore, #tpu.memory_space<semaphore_mem>>
      %dma_start3A_136 = arith.constant 40 : i32
      %dma_start3A_137 = arith.constant 0 : i32
      %dma_start3A_138 = arith.constant 0 : i32
      %dma_start3A_139 = tpu.memref_slice %arg3[%add3A, %dma_start3A_136, %dma_start3A_137, %dma_start3A_138] : memref<32x80x2x128xi32, #tpu.memory_space<hbm>> -> memref<1x40x2x128xi32, #tpu.memory_space<hbm>>
      %dma_start3A_140 = tpu.memref_squeeze %dma_start3A_139 : memref<1x40x2x128xi32, #tpu.memory_space<hbm>> -> memref<40x2x128xi32, #tpu.memory_space<hbm>>
      %dma_start3A_141 = arith.constant 40 : i32
      %dma_start3A_142 = arith.constant 0 : i32
      %dma_start3A_143 = arith.constant 0 : i32
      %dma_start3A_144 = tpu.memref_slice %arg3[%add3A, %dma_start3A_141, %dma_start3A_142, %dma_start3A_143] : memref<32x80x2x128xi32, #tpu.memory_space<hbm>> -> memref<1x40x2x128xi32, #tpu.memory_space<hbm>>
      %dma_start3A_145 = tpu.memref_squeeze %dma_start3A_144 : memref<1x40x2x128xi32, #tpu.memory_space<hbm>> -> memref<40x2x128xi32, #tpu.memory_space<hbm>>
      tpu.enqueue_dma source(%dma_start3A_145 : memref<40x2x128xi32, #tpu.memory_space<hbm>>) target(%arg5 : memref<40x2x128xi32, #tpu.memory_space<vmem>>) target_semaphore(%run_scoped3A_135 : memref<!tpu.dma_semaphore, #tpu.memory_space<semaphore_mem>>)
      %dma_wait3A_146 = arith.constant 40 : i32
      %dma_wait3A_147 = arith.constant 0 : i32
      %dma_wait3A_148 = arith.constant 0 : i32
      %dma_wait3A_149 = tpu.memref_slice %arg3[%add3A, %dma_wait3A_146, %dma_wait3A_147, %dma_wait3A_148] : memref<32x80x2x128xi32, #tpu.memory_space<hbm>> -> memref<1x40x2x128xi32, #tpu.memory_space<hbm>>
      %dma_wait3A_150 = tpu.memref_squeeze %dma_wait3A_149 : memref<1x40x2x128xi32, #tpu.memory_space<hbm>> -> memref<40x2x128xi32, #tpu.memory_space<hbm>>
      %dma_wait3A_151 = arith.constant 40 : i32
      %dma_wait3A_152 = arith.constant 0 : i32
      %dma_wait3A_153 = arith.constant 0 : i32
      %dma_wait3A_154 = tpu.memref_slice %arg3[%add3A, %dma_wait3A_151, %dma_wait3A_152, %dma_wait3A_153] : memref<32x80x2x128xi32, #tpu.memory_space<hbm>> -> memref<1x40x2x128xi32, #tpu.memory_space<hbm>>
      %dma_wait3A_155 = tpu.memref_squeeze %dma_wait3A_154 : memref<1x40x2x128xi32, #tpu.memory_space<hbm>> -> memref<40x2x128xi32, #tpu.memory_space<hbm>>
      tpu.wait_dma2 semaphore(%run_scoped3A_135 : memref<!tpu.dma_semaphore, #tpu.memory_space<semaphore_mem>>) src(%dma_wait3A_155 : memref<40x2x128xi32, #tpu.memory_space<hbm>>) dst(%arg5 : memref<40x2x128xi32, #tpu.memory_space<vmem>>)
      tpu.yield
    }) : () -> ()
    %dma_start3A_70 = arith.constant 0 : i32
    %dma_start3A_71 = arith.constant 0 : i32
    %dma_start3A_72 = arith.constant 0 : i32
    %dma_start3A_73 = arith.constant 0 : i32
    %dma_start3A_74 = tpu.memref_slice %arg5[%dma_start3A_70, %dma_start3A_72, %dma_start3A_73] : memref<40x2x128xi32, #tpu.memory_space<vmem>> -> memref<1x2x128xi32, #tpu.memory_space<vmem>>
    %dma_start3A_75 = tpu.memref_squeeze %dma_start3A_74 : memref<1x2x128xi32, #tpu.memory_space<vmem>> -> memref<2x128xi32, #tpu.memory_space<vmem>>
    %dma_start3A_76 = arith.constant 0 : i32
    %dma_start3A_77 = tpu.memref_slice %dma_start3A_75[%dma_start3A_71, %dma_start3A_76] : memref<2x128xi32, #tpu.memory_space<vmem>> -> memref<1x128xi32, #tpu.memory_space<vmem>>
    %dma_start3A_78 = tpu.memref_squeeze %dma_start3A_77 : memref<1x128xi32, #tpu.memory_space<vmem>> -> memref<128xi32, #tpu.memory_space<vmem>>
    %dma_start3A_79 = arith.constant 0 : i32
    %dma_start3A_80 = arith.constant 0 : i32
    %dma_start3A_81 = tpu.memref_slice %arg2[%dma_start3A_79, %dma_start3A_80] : memref<10240x128xf32, #tpu.memory_space<hbm>> -> memref<10240x128xf32, #tpu.memory_space<hbm>>
    tpu.enqueue_indirect_dma source(%dma_start3A_81 : memref<10240x128xf32, #tpu.memory_space<hbm>>) target(%arg6 : memref<128x128xf32, #tpu.memory_space<vmem>>) offsets(%dma_start3A_78 : memref<128xi32, #tpu.memory_space<vmem>>) semaphore(%arg9 : memref<!tpu.dma_semaphore, #tpu.memory_space<semaphore_mem>>)
    %scan3A_82 = arith.constant 0 : i32
    %scan3A_83 = arith.constant 0 : i32
    %scan3A_84 = arith.constant 19 : i32
    %scan3A_85 = arith.addi %scan3A_83, %scan3A_84 : i32
    %scan3A_86 = arith.constant 1 : i32
    scf.for %scan3A_135 = %scan3A_83 to %scan3A_85 step %scan3A_86  : i32 {
      %mul3A_136 = arith.constant 2 : i32
      %mul3A_137 = arith.muli %mul3A_136, %scan3A_135 : i32
      %add3A_138 = arith.constant 1 : i32
      %add3A_139 = arith.addi %mul3A_137, %add3A_138 : i32
      %add3A_140 = arith.constant 2 : i32
      %add3A_141 = arith.addi %mul3A_137, %add3A_140 : i32
      %dma_start3A_142 = arith.constant 0 : i32
      %dma_start3A_143 = arith.constant 0 : i32
      %dma_start3A_144 = arith.constant 0 : i32
      %dma_start3A_145 = tpu.memref_slice %arg5[%add3A_139, %dma_start3A_143, %dma_start3A_144] : memref<40x2x128xi32, #tpu.memory_space<vmem>> -> memref<1x2x128xi32, #tpu.memory_space<vmem>>
      %dma_start3A_146 = tpu.memref_squeeze %dma_start3A_145 : memref<1x2x128xi32, #tpu.memory_space<vmem>> -> memref<2x128xi32, #tpu.memory_space<vmem>>
      %dma_start3A_147 = arith.constant 0 : i32
      %dma_start3A_148 = tpu.memref_slice %dma_start3A_146[%dma_start3A_142, %dma_start3A_147] : memref<2x128xi32, #tpu.memory_space<vmem>> -> memref<1x128xi32, #tpu.memory_space<vmem>>
      %dma_start3A_149 = tpu.memref_squeeze %dma_start3A_148 : memref<1x128xi32, #tpu.memory_space<vmem>> -> memref<128xi32, #tpu.memory_space<vmem>>
      %dma_start3A_150 = arith.constant 0 : i32
      %dma_start3A_151 = arith.constant 0 : i32
      %dma_start3A_152 = tpu.memref_slice %arg2[%dma_start3A_150, %dma_start3A_151] : memref<10240x128xf32, #tpu.memory_space<hbm>> -> memref<10240x128xf32, #tpu.memory_space<hbm>>
      tpu.enqueue_indirect_dma source(%dma_start3A_152 : memref<10240x128xf32, #tpu.memory_space<hbm>>) target(%arg7 : memref<128x128xf32, #tpu.memory_space<vmem>>) offsets(%dma_start3A_149 : memref<128xi32, #tpu.memory_space<vmem>>) semaphore(%arg10 : memref<!tpu.dma_semaphore, #tpu.memory_space<semaphore_mem>>)
      %dma_wait3A_153 = arith.constant 0 : i32
      %dma_wait3A_154 = arith.constant 0 : i32
      %dma_wait3A_155 = arith.constant 0 : i32
      %dma_wait3A_156 = tpu.memref_slice %arg5[%mul3A_137, %dma_wait3A_154, %dma_wait3A_155] : memref<40x2x128xi32, #tpu.memory_space<vmem>> -> memref<1x2x128xi32, #tpu.memory_space<vmem>>
      %dma_wait3A_157 = tpu.memref_squeeze %dma_wait3A_156 : memref<1x2x128xi32, #tpu.memory_space<vmem>> -> memref<2x128xi32, #tpu.memory_space<vmem>>
      %dma_wait3A_158 = arith.constant 0 : i32
      %dma_wait3A_159 = tpu.memref_slice %dma_wait3A_157[%dma_wait3A_153, %dma_wait3A_158] : memref<2x128xi32, #tpu.memory_space<vmem>> -> memref<1x128xi32, #tpu.memory_space<vmem>>
      %dma_wait3A_160 = tpu.memref_squeeze %dma_wait3A_159 : memref<1x128xi32, #tpu.memory_space<vmem>> -> memref<128xi32, #tpu.memory_space<vmem>>
      %dma_wait3A_161 = arith.constant 0 : i32
      %dma_wait3A_162 = arith.constant 0 : i32
      %dma_wait3A_163 = tpu.memref_slice %arg2[%dma_wait3A_161, %dma_wait3A_162] : memref<10240x128xf32, #tpu.memory_space<hbm>> -> memref<10240x128xf32, #tpu.memory_space<hbm>>
      tpu.wait_indirect_dma semaphore(%arg9 : memref<!tpu.dma_semaphore, #tpu.memory_space<semaphore_mem>>) src(%dma_wait3A_163 : memref<10240x128xf32, #tpu.memory_space<hbm>>) dst(%arg6 : memref<128x128xf32, #tpu.memory_space<vmem>>)
      %run_scoped3A_164 = arith.constant 1 : i32
      "tpu.region"() ({
        %run_scoped3A_188 = tpu.sem_alloc : memref<!tpu.dma_semaphore, #tpu.memory_space<semaphore_mem>>
        %dma_start3A_189 = arith.constant 0 : i32
        %dma_start3A_190 = arith.constant 0 : i32
        %dma_start3A_191 = tpu.memref_slice %arg5[%mul3A_137, %dma_start3A_189, %dma_start3A_190] : memref<40x2x128xi32, #tpu.memory_space<vmem>> -> memref<1x2x128xi32, #tpu.memory_space<vmem>>
        %dma_start3A_192 = tpu.memref_squeeze %dma_start3A_191 : memref<1x2x128xi32, #tpu.memory_space<vmem>> -> memref<2x128xi32, #tpu.memory_space<vmem>>
        %dma_start3A_193 = arith.constant 0 : i32
        %dma_start3A_194 = tpu.memref_slice %dma_start3A_192[%run_scoped3A_164, %dma_start3A_193] : memref<2x128xi32, #tpu.memory_space<vmem>> -> memref<1x128xi32, #tpu.memory_space<vmem>>
        %dma_start3A_195 = tpu.memref_squeeze %dma_start3A_194 : memref<1x128xi32, #tpu.memory_space<vmem>> -> memref<128xi32, #tpu.memory_space<vmem>>
        %dma_start3A_196 = arith.constant 0 : i32
        %dma_start3A_197 = arith.constant 0 : i32
        %dma_start3A_198 = tpu.memref_slice %arg8[%dma_start3A_196, %dma_start3A_197] : memref<10240x128xf32, #tpu.memory_space<vmem_shared>> -> memref<10240x128xf32, #tpu.memory_space<vmem_shared>>
        tpu.enqueue_indirect_dma source(%arg6 : memref<128x128xf32, #tpu.memory_space<vmem>>) target(%dma_start3A_198 : memref<10240x128xf32, #tpu.memory_space<vmem_shared>>) offsets(%dma_start3A_195 : memref<128xi32, #tpu.memory_space<vmem>>) semaphore(%run_scoped3A_188 : memref<!tpu.dma_semaphore, #tpu.memory_space<semaphore_mem>>) {add = true}
        %dma_wait3A_199 = arith.constant 0 : i32
        %dma_wait3A_200 = arith.constant 0 : i32
        %dma_wait3A_201 = tpu.memref_slice %arg5[%mul3A_137, %dma_wait3A_199, %dma_wait3A_200] : memref<40x2x128xi32, #tpu.memory_space<vmem>> -> memref<1x2x128xi32, #tpu.memory_space<vmem>>
        %dma_wait3A_202 = tpu.memref_squeeze %dma_wait3A_201 : memref<1x2x128xi32, #tpu.memory_space<vmem>> -> memref<2x128xi32, #tpu.memory_space<vmem>>
        %dma_wait3A_203 = arith.constant 0 : i32
        %dma_wait3A_204 = tpu.memref_slice %dma_wait3A_202[%run_scoped3A_164, %dma_wait3A_203] : memref<2x128xi32, #tpu.memory_space<vmem>> -> memref<1x128xi32, #tpu.memory_space<vmem>>
        %dma_wait3A_205 = tpu.memref_squeeze %dma_wait3A_204 : memref<1x128xi32, #tpu.memory_space<vmem>> -> memref<128xi32, #tpu.memory_space<vmem>>
        %dma_wait3A_206 = arith.constant 0 : i32
        %dma_wait3A_207 = arith.constant 0 : i32
        %dma_wait3A_208 = tpu.memref_slice %arg8[%dma_wait3A_206, %dma_wait3A_207] : memref<10240x128xf32, #tpu.memory_space<vmem_shared>> -> memref<10240x128xf32, #tpu.memory_space<vmem_shared>>
        tpu.wait_indirect_dma semaphore(%run_scoped3A_188 : memref<!tpu.dma_semaphore, #tpu.memory_space<semaphore_mem>>) src(%arg6 : memref<128x128xf32, #tpu.memory_space<vmem>>) dst(%dma_wait3A_208 : memref<10240x128xf32, #tpu.memory_space<vmem_shared>>)
        tpu.yield
      }) : () -> ()
      %dma_start3A_165 = arith.constant 0 : i32
      %dma_start3A_166 = arith.constant 0 : i32
      %dma_start3A_167 = arith.constant 0 : i32
      %dma_start3A_168 = tpu.memref_slice %arg5[%add3A_141, %dma_start3A_166, %dma_start3A_167] : memref<40x2x128xi32, #tpu.memory_space<vmem>> -> memref<1x2x128xi32, #tpu.memory_space<vmem>>
      %dma_start3A_169 = tpu.memref_squeeze %dma_start3A_168 : memref<1x2x128xi32, #tpu.memory_space<vmem>> -> memref<2x128xi32, #tpu.memory_space<vmem>>
      %dma_start3A_170 = arith.constant 0 : i32
      %dma_start3A_171 = tpu.memref_slice %dma_start3A_169[%dma_start3A_165, %dma_start3A_170] : memref<2x128xi32, #tpu.memory_space<vmem>> -> memref<1x128xi32, #tpu.memory_space<vmem>>
      %dma_start3A_172 = tpu.memref_squeeze %dma_start3A_171 : memref<1x128xi32, #tpu.memory_space<vmem>> -> memref<128xi32, #tpu.memory_space<vmem>>
      %dma_start3A_173 = arith.constant 0 : i32
      %dma_start3A_174 = arith.constant 0 : i32
      %dma_start3A_175 = tpu.memref_slice %arg2[%dma_start3A_173, %dma_start3A_174] : memref<10240x128xf32, #tpu.memory_space<hbm>> -> memref<10240x128xf32, #tpu.memory_space<hbm>>
      tpu.enqueue_indirect_dma source(%dma_start3A_175 : memref<10240x128xf32, #tpu.memory_space<hbm>>) target(%arg6 : memref<128x128xf32, #tpu.memory_space<vmem>>) offsets(%dma_start3A_172 : memref<128xi32, #tpu.memory_space<vmem>>) semaphore(%arg9 : memref<!tpu.dma_semaphore, #tpu.memory_space<semaphore_mem>>)
      %dma_wait3A_176 = arith.constant 0 : i32
      %dma_wait3A_177 = arith.constant 0 : i32
      %dma_wait3A_178 = arith.constant 0 : i32
      %dma_wait3A_179 = tpu.memref_slice %arg5[%add3A_139, %dma_wait3A_177, %dma_wait3A_178] : memref<40x2x128xi32, #tpu.memory_space<vmem>> -> memref<1x2x128xi32, #tpu.memory_space<vmem>>
      %dma_wait3A_180 = tpu.memref_squeeze %dma_wait3A_179 : memref<1x2x128xi32, #tpu.memory_space<vmem>> -> memref<2x128xi32, #tpu.memory_space<vmem>>
      %dma_wait3A_181 = arith.constant 0 : i32
      %dma_wait3A_182 = tpu.memref_slice %dma_wait3A_180[%dma_wait3A_176, %dma_wait3A_181] : memref<2x128xi32, #tpu.memory_space<vmem>> -> memref<1x128xi32, #tpu.memory_space<vmem>>
      %dma_wait3A_183 = tpu.memref_squeeze %dma_wait3A_182 : memref<1x128xi32, #tpu.memory_space<vmem>> -> memref<128xi32, #tpu.memory_space<vmem>>
      %dma_wait3A_184 = arith.constant 0 : i32
      %dma_wait3A_185 = arith.constant 0 : i32
      %dma_wait3A_186 = tpu.memref_slice %arg2[%dma_wait3A_184, %dma_wait3A_185] : memref<10240x128xf32, #tpu.memory_space<hbm>> -> memref<10240x128xf32, #tpu.memory_space<hbm>>
      tpu.wait_indirect_dma semaphore(%arg10 : memref<!tpu.dma_semaphore, #tpu.memory_space<semaphore_mem>>) src(%dma_wait3A_186 : memref<10240x128xf32, #tpu.memory_space<hbm>>) dst(%arg7 : memref<128x128xf32, #tpu.memory_space<vmem>>)
      %run_scoped3A_187 = arith.constant 1 : i32
      "tpu.region"() ({
        %run_scoped3A_188 = tpu.sem_alloc : memref<!tpu.dma_semaphore, #tpu.memory_space<semaphore_mem>>
        %dma_start3A_189 = arith.constant 0 : i32
        %dma_start3A_190 = arith.constant 0 : i32
        %dma_start3A_191 = tpu.memref_slice %arg5[%add3A_139, %dma_start3A_189, %dma_start3A_190] : memref<40x2x128xi32, #tpu.memory_space<vmem>> -> memref<1x2x128xi32, #tpu.memory_space<vmem>>
        %dma_start3A_192 = tpu.memref_squeeze %dma_start3A_191 : memref<1x2x128xi32, #tpu.memory_space<vmem>> -> memref<2x128xi32, #tpu.memory_space<vmem>>
        %dma_start3A_193 = arith.constant 0 : i32
        %dma_start3A_194 = tpu.memref_slice %dma_start3A_192[%run_scoped3A_187, %dma_start3A_193] : memref<2x128xi32, #tpu.memory_space<vmem>> -> memref<1x128xi32, #tpu.memory_space<vmem>>
        %dma_start3A_195 = tpu.memref_squeeze %dma_start3A_194 : memref<1x128xi32, #tpu.memory_space<vmem>> -> memref<128xi32, #tpu.memory_space<vmem>>
        %dma_start3A_196 = arith.constant 0 : i32
        %dma_start3A_197 = arith.constant 0 : i32
        %dma_start3A_198 = tpu.memref_slice %arg8[%dma_start3A_196, %dma_start3A_197] : memref<10240x128xf32, #tpu.memory_space<vmem_shared>> -> memref<10240x128xf32, #tpu.memory_space<vmem_shared>>
        tpu.enqueue_indirect_dma source(%arg7 : memref<128x128xf32, #tpu.memory_space<vmem>>) target(%dma_start3A_198 : memref<10240x128xf32, #tpu.memory_space<vmem_shared>>) offsets(%dma_start3A_195 : memref<128xi32, #tpu.memory_space<vmem>>) semaphore(%run_scoped3A_188 : memref<!tpu.dma_semaphore, #tpu.memory_space<semaphore_mem>>) {add = true}
        %dma_wait3A_199 = arith.constant 0 : i32
        %dma_wait3A_200 = arith.constant 0 : i32
        %dma_wait3A_201 = tpu.memref_slice %arg5[%add3A_139, %dma_wait3A_199, %dma_wait3A_200] : memref<40x2x128xi32, #tpu.memory_space<vmem>> -> memref<1x2x128xi32, #tpu.memory_space<vmem>>
        %dma_wait3A_202 = tpu.memref_squeeze %dma_wait3A_201 : memref<1x2x128xi32, #tpu.memory_space<vmem>> -> memref<2x128xi32, #tpu.memory_space<vmem>>
        %dma_wait3A_203 = arith.constant 0 : i32
        %dma_wait3A_204 = tpu.memref_slice %dma_wait3A_202[%run_scoped3A_187, %dma_wait3A_203] : memref<2x128xi32, #tpu.memory_space<vmem>> -> memref<1x128xi32, #tpu.memory_space<vmem>>
        %dma_wait3A_205 = tpu.memref_squeeze %dma_wait3A_204 : memref<1x128xi32, #tpu.memory_space<vmem>> -> memref<128xi32, #tpu.memory_space<vmem>>
        %dma_wait3A_206 = arith.constant 0 : i32
        %dma_wait3A_207 = arith.constant 0 : i32
        %dma_wait3A_208 = tpu.memref_slice %arg8[%dma_wait3A_206, %dma_wait3A_207] : memref<10240x128xf32, #tpu.memory_space<vmem_shared>> -> memref<10240x128xf32, #tpu.memory_space<vmem_shared>>
        tpu.wait_indirect_dma semaphore(%run_scoped3A_188 : memref<!tpu.dma_semaphore, #tpu.memory_space<semaphore_mem>>) src(%arg7 : memref<128x128xf32, #tpu.memory_space<vmem>>) dst(%dma_wait3A_208 : memref<10240x128xf32, #tpu.memory_space<vmem_shared>>)
        tpu.yield
      }) : () -> ()
    }
    %scan3A_87 = arith.constant 19 : i32
    %dma_start3A_88 = arith.constant 39 : i32
    %dma_start3A_89 = arith.constant 0 : i32
    %dma_start3A_90 = arith.constant 0 : i32
    %dma_start3A_91 = arith.constant 0 : i32
    %dma_start3A_92 = tpu.memref_slice %arg5[%dma_start3A_88, %dma_start3A_90, %dma_start3A_91] : memref<40x2x128xi32, #tpu.memory_space<vmem>> -> memref<1x2x128xi32, #tpu.memory_space<vmem>>
    %dma_start3A_93 = tpu.memref_squeeze %dma_start3A_92 : memref<1x2x128xi32, #tpu.memory_space<vmem>> -> memref<2x128xi32, #tpu.memory_space<vmem>>
    %dma_start3A_94 = arith.constant 0 : i32
    %dma_start3A_95 = tpu.memref_slice %dma_start3A_93[%dma_start3A_89, %dma_start3A_94] : memref<2x128xi32, #tpu.memory_space<vmem>> -> memref<1x128xi32, #tpu.memory_space<vmem>>
    %dma_start3A_96 = tpu.memref_squeeze %dma_start3A_95 : memref<1x128xi32, #tpu.memory_space<vmem>> -> memref<128xi32, #tpu.memory_space<vmem>>
    %dma_start3A_97 = arith.constant 0 : i32
    %dma_start3A_98 = arith.constant 0 : i32
    %dma_start3A_99 = tpu.memref_slice %arg2[%dma_start3A_97, %dma_start3A_98] : memref<10240x128xf32, #tpu.memory_space<hbm>> -> memref<10240x128xf32, #tpu.memory_space<hbm>>
    tpu.enqueue_indirect_dma source(%dma_start3A_99 : memref<10240x128xf32, #tpu.memory_space<hbm>>) target(%arg7 : memref<128x128xf32, #tpu.memory_space<vmem>>) offsets(%dma_start3A_96 : memref<128xi32, #tpu.memory_space<vmem>>) semaphore(%arg10 : memref<!tpu.dma_semaphore, #tpu.memory_space<semaphore_mem>>)
    %dma_wait3A_100 = arith.constant 38 : i32
    %dma_wait3A_101 = arith.constant 0 : i32
    %dma_wait3A_102 = arith.constant 0 : i32
    %dma_wait3A_103 = arith.constant 0 : i32
    %dma_wait3A_104 = tpu.memref_slice %arg5[%dma_wait3A_100, %dma_wait3A_102, %dma_wait3A_103] : memref<40x2x128xi32, #tpu.memory_space<vmem>> -> memref<1x2x128xi32, #tpu.memory_space<vmem>>
    %dma_wait3A_105 = tpu.memref_squeeze %dma_wait3A_104 : memref<1x2x128xi32, #tpu.memory_space<vmem>> -> memref<2x128xi32, #tpu.memory_space<vmem>>
    %dma_wait3A_106 = arith.constant 0 : i32
    %dma_wait3A_107 = tpu.memref_slice %dma_wait3A_105[%dma_wait3A_101, %dma_wait3A_106] : memref<2x128xi32, #tpu.memory_space<vmem>> -> memref<1x128xi32, #tpu.memory_space<vmem>>
    %dma_wait3A_108 = tpu.memref_squeeze %dma_wait3A_107 : memref<1x128xi32, #tpu.memory_space<vmem>> -> memref<128xi32, #tpu.memory_space<vmem>>
    %dma_wait3A_109 = arith.constant 0 : i32
    %dma_wait3A_110 = arith.constant 0 : i32
    %dma_wait3A_111 = tpu.memref_slice %arg2[%dma_wait3A_109, %dma_wait3A_110] : memref<10240x128xf32, #tpu.memory_space<hbm>> -> memref<10240x128xf32, #tpu.memory_space<hbm>>
    tpu.wait_indirect_dma semaphore(%arg9 : memref<!tpu.dma_semaphore, #tpu.memory_space<semaphore_mem>>) src(%dma_wait3A_111 : memref<10240x128xf32, #tpu.memory_space<hbm>>) dst(%arg6 : memref<128x128xf32, #tpu.memory_space<vmem>>)
    %run_scoped3A_112 = arith.constant 38 : i32
    %run_scoped3A_113 = arith.constant 1 : i32
    "tpu.region"() ({
      %run_scoped3A_135 = tpu.sem_alloc : memref<!tpu.dma_semaphore, #tpu.memory_space<semaphore_mem>>
      %dma_start3A_136 = arith.constant 0 : i32
      %dma_start3A_137 = arith.constant 0 : i32
      %dma_start3A_138 = tpu.memref_slice %arg5[%run_scoped3A_112, %dma_start3A_136, %dma_start3A_137] : memref<40x2x128xi32, #tpu.memory_space<vmem>> -> memref<1x2x128xi32, #tpu.memory_space<vmem>>
      %dma_start3A_139 = tpu.memref_squeeze %dma_start3A_138 : memref<1x2x128xi32, #tpu.memory_space<vmem>> -> memref<2x128xi32, #tpu.memory_space<vmem>>
      %dma_start3A_140 = arith.constant 0 : i32
      %dma_start3A_141 = tpu.memref_slice %dma_start3A_139[%run_scoped3A_113, %dma_start3A_140] : memref<2x128xi32, #tpu.memory_space<vmem>> -> memref<1x128xi32, #tpu.memory_space<vmem>>
      %dma_start3A_142 = tpu.memref_squeeze %dma_start3A_141 : memref<1x128xi32, #tpu.memory_space<vmem>> -> memref<128xi32, #tpu.memory_space<vmem>>
      %dma_start3A_143 = arith.constant 0 : i32
      %dma_start3A_144 = arith.constant 0 : i32
      %dma_start3A_145 = tpu.memref_slice %arg8[%dma_start3A_143, %dma_start3A_144] : memref<10240x128xf32, #tpu.memory_space<vmem_shared>> -> memref<10240x128xf32, #tpu.memory_space<vmem_shared>>
      tpu.enqueue_indirect_dma source(%arg6 : memref<128x128xf32, #tpu.memory_space<vmem>>) target(%dma_start3A_145 : memref<10240x128xf32, #tpu.memory_space<vmem_shared>>) offsets(%dma_start3A_142 : memref<128xi32, #tpu.memory_space<vmem>>) semaphore(%run_scoped3A_135 : memref<!tpu.dma_semaphore, #tpu.memory_space<semaphore_mem>>) {add = true}
      %dma_wait3A_146 = arith.constant 0 : i32
      %dma_wait3A_147 = arith.constant 0 : i32
      %dma_wait3A_148 = tpu.memref_slice %arg5[%run_scoped3A_112, %dma_wait3A_146, %dma_wait3A_147] : memref<40x2x128xi32, #tpu.memory_space<vmem>> -> memref<1x2x128xi32, #tpu.memory_space<vmem>>
      %dma_wait3A_149 = tpu.memref_squeeze %dma_wait3A_148 : memref<1x2x128xi32, #tpu.memory_space<vmem>> -> memref<2x128xi32, #tpu.memory_space<vmem>>
      %dma_wait3A_150 = arith.constant 0 : i32
      %dma_wait3A_151 = tpu.memref_slice %dma_wait3A_149[%run_scoped3A_113, %dma_wait3A_150] : memref<2x128xi32, #tpu.memory_space<vmem>> -> memref<1x128xi32, #tpu.memory_space<vmem>>
      %dma_wait3A_152 = tpu.memref_squeeze %dma_wait3A_151 : memref<1x128xi32, #tpu.memory_space<vmem>> -> memref<128xi32, #tpu.memory_space<vmem>>
      %dma_wait3A_153 = arith.constant 0 : i32
      %dma_wait3A_154 = arith.constant 0 : i32
      %dma_wait3A_155 = tpu.memref_slice %arg8[%dma_wait3A_153, %dma_wait3A_154] : memref<10240x128xf32, #tpu.memory_space<vmem_shared>> -> memref<10240x128xf32, #tpu.memory_space<vmem_shared>>
      tpu.wait_indirect_dma semaphore(%run_scoped3A_135 : memref<!tpu.dma_semaphore, #tpu.memory_space<semaphore_mem>>) src(%arg6 : memref<128x128xf32, #tpu.memory_space<vmem>>) dst(%dma_wait3A_155 : memref<10240x128xf32, #tpu.memory_space<vmem_shared>>)
      tpu.yield
    }) : () -> ()
    %dma_wait3A_114 = arith.constant 39 : i32
    %dma_wait3A_115 = arith.constant 0 : i32
    %dma_wait3A_116 = arith.constant 0 : i32
    %dma_wait3A_117 = arith.constant 0 : i32
    %dma_wait3A_118 = tpu.memref_slice %arg5[%dma_wait3A_114, %dma_wait3A_116, %dma_wait3A_117] : memref<40x2x128xi32, #tpu.memory_space<vmem>> -> memref<1x2x128xi32, #tpu.memory_space<vmem>>
    %dma_wait3A_119 = tpu.memref_squeeze %dma_wait3A_118 : memref<1x2x128xi32, #tpu.memory_space<vmem>> -> memref<2x128xi32, #tpu.memory_space<vmem>>
    %dma_wait3A_120 = arith.constant 0 : i32
    %dma_wait3A_121 = tpu.memref_slice %dma_wait3A_119[%dma_wait3A_115, %dma_wait3A_120] : memref<2x128xi32, #tpu.memory_space<vmem>> -> memref<1x128xi32, #tpu.memory_space<vmem>>
    %dma_wait3A_122 = tpu.memref_squeeze %dma_wait3A_121 : memref<1x128xi32, #tpu.memory_space<vmem>> -> memref<128xi32, #tpu.memory_space<vmem>>
    %dma_wait3A_123 = arith.constant 0 : i32
    %dma_wait3A_124 = arith.constant 0 : i32
    %dma_wait3A_125 = tpu.memref_slice %arg2[%dma_wait3A_123, %dma_wait3A_124] : memref<10240x128xf32, #tpu.memory_space<hbm>> -> memref<10240x128xf32, #tpu.memory_space<hbm>>
    tpu.wait_indirect_dma semaphore(%arg10 : memref<!tpu.dma_semaphore, #tpu.memory_space<semaphore_mem>>) src(%dma_wait3A_125 : memref<10240x128xf32, #tpu.memory_space<hbm>>) dst(%arg7 : memref<128x128xf32, #tpu.memory_space<vmem>>)
    %run_scoped3A_126 = arith.constant 39 : i32
    %run_scoped3A_127 = arith.constant 1 : i32
    "tpu.region"() ({
      %run_scoped3A_135 = tpu.sem_alloc : memref<!tpu.dma_semaphore, #tpu.memory_space<semaphore_mem>>
      %dma_start3A_136 = arith.constant 0 : i32
      %dma_start3A_137 = arith.constant 0 : i32
      %dma_start3A_138 = tpu.memref_slice %arg5[%run_scoped3A_126, %dma_start3A_136, %dma_start3A_137] : memref<40x2x128xi32, #tpu.memory_space<vmem>> -> memref<1x2x128xi32, #tpu.memory_space<vmem>>
      %dma_start3A_139 = tpu.memref_squeeze %dma_start3A_138 : memref<1x2x128xi32, #tpu.memory_space<vmem>> -> memref<2x128xi32, #tpu.memory_space<vmem>>
      %dma_start3A_140 = arith.constant 0 : i32
      %dma_start3A_141 = tpu.memref_slice %dma_start3A_139[%run_scoped3A_127, %dma_start3A_140] : memref<2x128xi32, #tpu.memory_space<vmem>> -> memref<1x128xi32, #tpu.memory_space<vmem>>
      %dma_start3A_142 = tpu.memref_squeeze %dma_start3A_141 : memref<1x128xi32, #tpu.memory_space<vmem>> -> memref<128xi32, #tpu.memory_space<vmem>>
      %dma_start3A_143 = arith.constant 0 : i32
      %dma_start3A_144 = arith.constant 0 : i32
      %dma_start3A_145 = tpu.memref_slice %arg8[%dma_start3A_143, %dma_start3A_144] : memref<10240x128xf32, #tpu.memory_space<vmem_shared>> -> memref<10240x128xf32, #tpu.memory_space<vmem_shared>>
      tpu.enqueue_indirect_dma source(%arg7 : memref<128x128xf32, #tpu.memory_space<vmem>>) target(%dma_start3A_145 : memref<10240x128xf32, #tpu.memory_space<vmem_shared>>) offsets(%dma_start3A_142 : memref<128xi32, #tpu.memory_space<vmem>>) semaphore(%run_scoped3A_135 : memref<!tpu.dma_semaphore, #tpu.memory_space<semaphore_mem>>) {add = true}
      %dma_wait3A_146 = arith.constant 0 : i32
      %dma_wait3A_147 = arith.constant 0 : i32
      %dma_wait3A_148 = tpu.memref_slice %arg5[%run_scoped3A_126, %dma_wait3A_146, %dma_wait3A_147] : memref<40x2x128xi32, #tpu.memory_space<vmem>> -> memref<1x2x128xi32, #tpu.memory_space<vmem>>
      %dma_wait3A_149 = tpu.memref_squeeze %dma_wait3A_148 : memref<1x2x128xi32, #tpu.memory_space<vmem>> -> memref<2x128xi32, #tpu.memory_space<vmem>>
      %dma_wait3A_150 = arith.constant 0 : i32
      %dma_wait3A_151 = tpu.memref_slice %dma_wait3A_149[%run_scoped3A_127, %dma_wait3A_150] : memref<2x128xi32, #tpu.memory_space<vmem>> -> memref<1x128xi32, #tpu.memory_space<vmem>>
      %dma_wait3A_152 = tpu.memref_squeeze %dma_wait3A_151 : memref<1x128xi32, #tpu.memory_space<vmem>> -> memref<128xi32, #tpu.memory_space<vmem>>
      %dma_wait3A_153 = arith.constant 0 : i32
      %dma_wait3A_154 = arith.constant 0 : i32
      %dma_wait3A_155 = tpu.memref_slice %arg8[%dma_wait3A_153, %dma_wait3A_154] : memref<10240x128xf32, #tpu.memory_space<vmem_shared>> -> memref<10240x128xf32, #tpu.memory_space<vmem_shared>>
      tpu.wait_indirect_dma semaphore(%run_scoped3A_135 : memref<!tpu.dma_semaphore, #tpu.memory_space<semaphore_mem>>) src(%arg7 : memref<128x128xf32, #tpu.memory_space<vmem>>) dst(%dma_wait3A_155 : memref<10240x128xf32, #tpu.memory_space<vmem_shared>>)
      tpu.yield
    }) : () -> ()
    %barrier3A_128 = arith.constant 0 : index
    tpu.barrier barrier_id(%barrier3A_128)
    %scan3A_129 = arith.constant 0 : i32
    %scan3A_130 = arith.constant 0 : i32
    %scan3A_131 = arith.constant 5 : i32
    %scan3A_132 = arith.addi %scan3A_130, %scan3A_131 : i32
    %scan3A_133 = arith.constant 1 : i32
    scf.for %scan3A_135 = %scan3A_130 to %scan3A_132 step %scan3A_133  : i32 {
      %mul3A_136 = arith.constant 128 : i32
      %mul3A_137 = arith.muli %scan3A_135, %mul3A_136 : i32
      %add3A_138 = arith.addi %mul3A_8, %mul3A_137 : i32
      "tpu.region"() ({
        %run_scoped3A_139 = tpu.sem_alloc : memref<!tpu.dma_semaphore, #tpu.memory_space<semaphore_mem>>
        %dma_start3A_140 = arith.constant 0 : i32
        %dma_start3A_141 = tpu.memref_slice %arg8[%add3A_138, %dma_start3A_140] : memref<10240x128xf32, #tpu.memory_space<vmem_shared>> -> memref<128x128xf32, #tpu.memory_space<vmem_shared>>
        %dma_start3A_142 = arith.constant 0 : i32
        %dma_start3A_143 = tpu.memref_slice %arg8[%add3A_138, %dma_start3A_142] : memref<10240x128xf32, #tpu.memory_space<vmem_shared>> -> memref<128x128xf32, #tpu.memory_space<vmem_shared>>
        tpu.enqueue_dma source(%dma_start3A_143 : memref<128x128xf32, #tpu.memory_space<vmem_shared>>) target(%arg6 : memref<128x128xf32, #tpu.memory_space<vmem>>) target_semaphore(%run_scoped3A_139 : memref<!tpu.dma_semaphore, #tpu.memory_space<semaphore_mem>>)
        %dma_wait3A_144 = arith.constant 0 : i32
        %dma_wait3A_145 = tpu.memref_slice %arg8[%add3A_138, %dma_wait3A_144] : memref<10240x128xf32, #tpu.memory_space<vmem_shared>> -> memref<128x128xf32, #tpu.memory_space<vmem_shared>>
        %dma_wait3A_146 = arith.constant 0 : i32
        %dma_wait3A_147 = tpu.memref_slice %arg8[%add3A_138, %dma_wait3A_146] : memref<10240x128xf32, #tpu.memory_space<vmem_shared>> -> memref<128x128xf32, #tpu.memory_space<vmem_shared>>
        tpu.wait_dma2 semaphore(%run_scoped3A_139 : memref<!tpu.dma_semaphore, #tpu.memory_space<semaphore_mem>>) src(%dma_wait3A_147 : memref<128x128xf32, #tpu.memory_space<vmem_shared>>) dst(%arg6 : memref<128x128xf32, #tpu.memory_space<vmem>>)
        tpu.yield
      }) : () -> ()
      "tpu.region"() ({
        %run_scoped3A_139 = tpu.sem_alloc : memref<!tpu.dma_semaphore, #tpu.memory_space<semaphore_mem>>
        %dma_start3A_140 = arith.constant 0 : i32
        %dma_start3A_141 = tpu.memref_slice %arg4[%arg0, %add3A_138, %dma_start3A_140] : memref<2x10240x128xf32, #tpu.memory_space<hbm>> -> memref<1x128x128xf32, #tpu.memory_space<hbm>>
        %dma_start3A_142 = tpu.memref_squeeze %dma_start3A_141 : memref<1x128x128xf32, #tpu.memory_space<hbm>> -> memref<128x128xf32, #tpu.memory_space<hbm>>
        %dma_start3A_143 = arith.constant 0 : i32
        %dma_start3A_144 = tpu.memref_slice %arg4[%arg0, %add3A_138, %dma_start3A_143] : memref<2x10240x128xf32, #tpu.memory_space<hbm>> -> memref<1x128x128xf32, #tpu.memory_space<hbm>>
        %dma_start3A_145 = tpu.memref_squeeze %dma_start3A_144 : memref<1x128x128xf32, #tpu.memory_space<hbm>> -> memref<128x128xf32, #tpu.memory_space<hbm>>
        tpu.enqueue_dma source(%arg6 : memref<128x128xf32, #tpu.memory_space<vmem>>) target(%dma_start3A_145 : memref<128x128xf32, #tpu.memory_space<hbm>>) target_semaphore(%run_scoped3A_139 : memref<!tpu.dma_semaphore, #tpu.memory_space<semaphore_mem>>)
        %dma_wait3A_146 = arith.constant 0 : i32
        %dma_wait3A_147 = tpu.memref_slice %arg4[%arg0, %add3A_138, %dma_wait3A_146] : memref<2x10240x128xf32, #tpu.memory_space<hbm>> -> memref<1x128x128xf32, #tpu.memory_space<hbm>>
        %dma_wait3A_148 = tpu.memref_squeeze %dma_wait3A_147 : memref<1x128x128xf32, #tpu.memory_space<hbm>> -> memref<128x128xf32, #tpu.memory_space<hbm>>
        %dma_wait3A_149 = arith.constant 0 : i32
        %dma_wait3A_150 = tpu.memref_slice %arg4[%arg0, %add3A_138, %dma_wait3A_149] : memref<2x10240x128xf32, #tpu.memory_space<hbm>> -> memref<1x128x128xf32, #tpu.memory_space<hbm>>
        %dma_wait3A_151 = tpu.memref_squeeze %dma_wait3A_150 : memref<1x128x128xf32, #tpu.memory_space<hbm>> -> memref<128x128xf32, #tpu.memory_space<hbm>>
        tpu.wait_dma2 semaphore(%run_scoped3A_139 : memref<!tpu.dma_semaphore, #tpu.memory_space<semaphore_mem>>) src(%arg6 : memref<128x128xf32, #tpu.memory_space<vmem>>) dst(%dma_wait3A_151 : memref<128x128xf32, #tpu.memory_space<hbm>>)
        tpu.yield
      }) : () -> ()
    }
    %scan3A_134 = arith.constant 5 : i32
    return
  }
}

#map = affine_map<(d0, d1) -> (0, 0)>
#map1 = affine_map<(d0, d1) -> (0, 0, 0, 0)>
#map2 = affine_map<(d0, d1) -> (0, 0, 0)>
module attributes {stable_mosaic.version = 14 : i64} {
  func.func @_gs_kernel(%arg0: i32, %arg1: i32, %arg2: memref<10240x128xf32, #tpu.memory_space<hbm>>, %arg3: memref<32x80x2x128xi32, #tpu.memory_space<hbm>>, %arg4: memref<2x10240x128xf32, #tpu.memory_space<hbm>>, %arg5: memref<40x2x128xi32, #tpu.memory_space<vmem>>, %arg6: memref<128x128xf32, #tpu.memory_space<vmem>>, %arg7: memref<128x128xf32, #tpu.memory_space<vmem>>, %arg8: memref<10240x128xf32, #tpu.memory_space<vmem_shared>>, %arg9: memref<!tpu.dma_semaphore, #tpu.memory_space<semaphore_mem>>, %arg10: memref<!tpu.dma_semaphore, #tpu.memory_space<semaphore_mem>>) attributes {dimension_semantics = [#tpu.dimension_semantics<core_parallel>, #tpu.dimension_semantics<subcore_parallel>], iteration_bounds = array<i64: 2, 16>, scalar_prefetch = 0 : i64, scratch_operands = 6 : i64, tpu.core_type = #tpu.core_type<sc_vector_subcore>, window_params = [{transform_indices = #map}, {transform_indices = #map1}, {transform_indices = #map2}]} {
    %mul3A = arith.constant 16 : i32
    %mul3A_0 = arith.muli %arg0, %mul3A : i32
    %add3A = arith.addi %mul3A_0, %arg1 : i32
    %broadcast_in_dim3A = arith.constant 0.000000e+00 : f32
    %broadcast_in_dim3A_1 = vector.broadcast %broadcast_in_dim3A : f32 to vector<16xf32>
    %scan3A = arith.constant 0 : i32
    %scan3A_2 = arith.constant 0 : i32
    %scan3A_3 = arith.constant 1024 : i32
    %scan3A_4 = arith.addi %scan3A_2, %scan3A_3 : i32
    %scan3A_5 = arith.constant 1 : i32
    scf.for %scan3A_135 = %scan3A_2 to %scan3A_4 step %scan3A_5  : i32 {
      %jit3A = arith.constant 8 : i32
      %div3A = arith.divsi %scan3A_135, %jit3A : i32
      %sign3A = arith.constant 0 : i32
      %sign3A_136 = arith.cmpi sgt, %scan3A_135, %sign3A : i32
      %sign3A_137 = arith.extui %sign3A_136 : i1 to i32
      %sign3A_138 = arith.constant 0 : i32
      %sign3A_139 = arith.cmpi slt, %scan3A_135, %sign3A_138 : i32
      %sign3A_140 = arith.extui %sign3A_139 : i1 to i32
      %sign3A_141 = arith.subi %sign3A_137, %sign3A_140 : i32
      %sign3A_142 = arith.constant 0 : i32
      %sign3A_143 = arith.cmpi sgt, %jit3A, %sign3A_142 : i32
      %sign3A_144 = arith.extui %sign3A_143 : i1 to i32
      %sign3A_145 = arith.constant 0 : i32
      %sign3A_146 = arith.cmpi slt, %jit3A, %sign3A_145 : i32
      %sign3A_147 = arith.extui %sign3A_146 : i1 to i32
      %sign3A_148 = arith.subi %sign3A_144, %sign3A_147 : i32
      %ne3A = arith.cmpi ne, %sign3A_141, %sign3A_148 : i32
      %rem3A = arith.remsi %scan3A_135, %jit3A : i32
      %ne3A_149 = arith.constant 0 : i32
      %ne3A_150 = arith.cmpi ne, %rem3A, %ne3A_149 : i32
      %and3A = arith.andi %ne3A, %ne3A_150 : i1
      %sub3A = arith.constant 1 : i32
      %sub3A_151 = arith.subi %div3A, %sub3A : i32
      %select_n3A = arith.select %and3A, %sub3A_151, %div3A : i32
      %jit3A_152 = arith.constant 8 : i32
      %eq3A = arith.constant 0 : i32
      %eq3A_153 = arith.cmpi eq, %jit3A_152, %eq3A : i32
      %jit3A_154 = arith.constant 1 : i32
      %select_n3A_155 = arith.select %eq3A_153, %jit3A_154, %jit3A_152 : i32
      %rem3A_156 = arith.remsi %scan3A_135, %select_n3A_155 : i32
      %ne3A_157 = arith.constant 0 : i32
      %ne3A_158 = arith.cmpi ne, %rem3A_156, %ne3A_157 : i32
      %lt3A = arith.constant 0 : i32
      %lt3A_159 = arith.cmpi slt, %rem3A_156, %lt3A : i32
      %lt3A_160 = arith.constant 0 : i32
      %lt3A_161 = arith.cmpi slt, %select_n3A_155, %lt3A_160 : i32
      %ne3A_162 = arith.xori %lt3A_159, %lt3A_161 : i1
      %and3A_163 = arith.andi %ne3A_162, %ne3A_158 : i1
      %add3A_164 = arith.addi %rem3A_156, %select_n3A_155 : i32
      %select_n3A_165 = arith.select %and3A_163, %add3A_164, %rem3A_156 : i32
      %mul3A_166 = arith.constant 16 : i32
      %mul3A_167 = arith.muli %select_n3A_165, %mul3A_166 : i32
      %swap3A = arith.index_cast %select_n3A : i32 to index
      %swap3A_168 = arith.index_cast %mul3A_167 : i32 to index
      %swap3A_169 = tpu.vector_load %arg6[%swap3A, %swap3A_168] {strides = array<i32>} : memref<128x128xf32, #tpu.memory_space<vmem>>, vector<1x16xf32>,
      %swap3A_170 = vector.shape_cast %swap3A_169 : vector<1x16xf32> to vector<16xf32>
      %swap3A_171 = vector.shape_cast %broadcast_in_dim3A_1 : vector<16xf32> to vector<1x16xf32>
      tpu.vector_store %arg6[%swap3A, %swap3A_168], %swap3A_171 {strides = array<i32>} : memref<128x128xf32, #tpu.memory_space<vmem>>, vector<1x16xf32>,
    }
    %scan3A_6 = arith.constant 1024 : i32
    %mul3A_7 = arith.constant 640 : i32
    %mul3A_8 = arith.muli %arg1, %mul3A_7 : i32
    %scan3A_9 = arith.constant 0 : i32
    %scan3A_10 = arith.constant 0 : i32
    %scan3A_11 = arith.constant 5 : i32
    %scan3A_12 = arith.addi %scan3A_10, %scan3A_11 : i32
    %scan3A_13 = arith.constant 1 : i32
    scf.for %scan3A_135 = %scan3A_10 to %scan3A_12 step %scan3A_13  : i32 {
      %mul3A_136 = arith.constant 128 : i32
      %mul3A_137 = arith.muli %scan3A_135, %mul3A_136 : i32
      %add3A_138 = arith.addi %mul3A_8, %mul3A_137 : i32
      "tpu.region"() ({
        %run_scoped3A_139 = tpu.sem_alloc : memref<!tpu.dma_semaphore, #tpu.memory_space<semaphore_mem>>
        %dma_start3A_140 = arith.constant 0 : i32
        %dma_start3A_141 = tpu.memref_slice %arg8[%add3A_138, %dma_start3A_140] : memref<10240x128xf32, #tpu.memory_space<vmem_shared>> -> memref<128x128xf32, #tpu.memory_space<vmem_shared>>
        %dma_start3A_142 = arith.constant 0 : i32
        %dma_start3A_143 = tpu.memref_slice %arg8[%add3A_138, %dma_start3A_142] : memref<10240x128xf32, #tpu.memory_space<vmem_shared>> -> memref<128x128xf32, #tpu.memory_space<vmem_shared>>
        tpu.enqueue_dma source(%arg6 : memref<128x128xf32, #tpu.memory_space<vmem>>) target(%dma_start3A_143 : memref<128x128xf32, #tpu.memory_space<vmem_shared>>) target_semaphore(%run_scoped3A_139 : memref<!tpu.dma_semaphore, #tpu.memory_space<semaphore_mem>>)
        %dma_wait3A_144 = arith.constant 0 : i32
        %dma_wait3A_145 = tpu.memref_slice %arg8[%add3A_138, %dma_wait3A_144] : memref<10240x128xf32, #tpu.memory_space<vmem_shared>> -> memref<128x128xf32, #tpu.memory_space<vmem_shared>>
        %dma_wait3A_146 = arith.constant 0 : i32
        %dma_wait3A_147 = tpu.memref_slice %arg8[%add3A_138, %dma_wait3A_146] : memref<10240x128xf32, #tpu.memory_space<vmem_shared>> -> memref<128x128xf32, #tpu.memory_space<vmem_shared>>
        tpu.wait_dma2 semaphore(%run_scoped3A_139 : memref<!tpu.dma_semaphore, #tpu.memory_space<semaphore_mem>>) src(%arg6 : memref<128x128xf32, #tpu.memory_space<vmem>>) dst(%dma_wait3A_147 : memref<128x128xf32, #tpu.memory_space<vmem_shared>>)
        tpu.yield
      }) : () -> ()
    }
    %scan3A_14 = arith.constant 5 : i32
    %barrier3A = arith.constant 0 : index
    tpu.barrier barrier_id(%barrier3A)
    "tpu.region"() ({
      %run_scoped3A_135 = tpu.sem_alloc : memref<!tpu.dma_semaphore, #tpu.memory_space<semaphore_mem>>
      %dma_start3A_136 = arith.constant 0 : i32
      %dma_start3A_137 = arith.constant 0 : i32
      %dma_start3A_138 = arith.constant 0 : i32
      %dma_start3A_139 = tpu.memref_slice %arg3[%add3A, %dma_start3A_136, %dma_start3A_137, %dma_start3A_138] : memref<32x80x2x128xi32, #tpu.memory_space<hbm>> -> memref<1x40x2x128xi32, #tpu.memory_space<hbm>>
      %dma_start3A_140 = tpu.memref_squeeze %dma_start3A_139 : memref<1x40x2x128xi32, #tpu.memory_space<hbm>> -> memref<40x2x128xi32, #tpu.memory_space<hbm>>
      %dma_start3A_141 = arith.constant 0 : i32
      %dma_start3A_142 = arith.constant 0 : i32
      %dma_start3A_143 = arith.constant 0 : i32
      %dma_start3A_144 = tpu.memref_slice %arg3[%add3A, %dma_start3A_141, %dma_start3A_142, %dma_start3A_143] : memref<32x80x2x128xi32, #tpu.memory_space<hbm>> -> memref<1x40x2x128xi32, #tpu.memory_space<hbm>>
      %dma_start3A_145 = tpu.memref_squeeze %dma_start3A_144 : memref<1x40x2x128xi32, #tpu.memory_space<hbm>> -> memref<40x2x128xi32, #tpu.memory_space<hbm>>
      tpu.enqueue_dma source(%dma_start3A_145 : memref<40x2x128xi32, #tpu.memory_space<hbm>>) target(%arg5 : memref<40x2x128xi32, #tpu.memory_space<vmem>>) target_semaphore(%run_scoped3A_135 : memref<!tpu.dma_semaphore, #tpu.memory_space<semaphore_mem>>)
      %dma_wait3A_146 = arith.constant 0 : i32
      %dma_wait3A_147 = arith.constant 0 : i32
      %dma_wait3A_148 = arith.constant 0 : i32
      %dma_wait3A_149 = tpu.memref_slice %arg3[%add3A, %dma_wait3A_146, %dma_wait3A_147, %dma_wait3A_148] : memref<32x80x2x128xi32, #tpu.memory_space<hbm>> -> memref<1x40x2x128xi32, #tpu.memory_space<hbm>>
      %dma_wait3A_150 = tpu.memref_squeeze %dma_wait3A_149 : memref<1x40x2x128xi32, #tpu.memory_space<hbm>> -> memref<40x2x128xi32, #tpu.memory_space<hbm>>
      %dma_wait3A_151 = arith.constant 0 : i32
      %dma_wait3A_152 = arith.constant 0 : i32
      %dma_wait3A_153 = arith.constant 0 : i32
      %dma_wait3A_154 = tpu.memref_slice %arg3[%add3A, %dma_wait3A_151, %dma_wait3A_152, %dma_wait3A_153] : memref<32x80x2x128xi32, #tpu.memory_space<hbm>> -> memref<1x40x2x128xi32, #tpu.memory_space<hbm>>
      %dma_wait3A_155 = tpu.memref_squeeze %dma_wait3A_154 : memref<1x40x2x128xi32, #tpu.memory_space<hbm>> -> memref<40x2x128xi32, #tpu.memory_space<hbm>>
      tpu.wait_dma2 semaphore(%run_scoped3A_135 : memref<!tpu.dma_semaphore, #tpu.memory_space<semaphore_mem>>) src(%dma_wait3A_155 : memref<40x2x128xi32, #tpu.memory_space<hbm>>) dst(%arg5 : memref<40x2x128xi32, #tpu.memory_space<vmem>>)
      tpu.yield
    }) : () -> ()
    %dma_start3A = arith.constant 0 : i32
    %dma_start3A_15 = arith.constant 0 : i32
    %dma_start3A_16 = arith.constant 0 : i32
    %dma_start3A_17 = arith.constant 0 : i32
    %dma_start3A_18 = tpu.memref_slice %arg5[%dma_start3A, %dma_start3A_16, %dma_start3A_17] : memref<40x2x128xi32, #tpu.memory_space<vmem>> -> memref<1x2x128xi32, #tpu.memory_space<vmem>>
    %dma_start3A_19 = tpu.memref_squeeze %dma_start3A_18 : memref<1x2x128xi32, #tpu.memory_space<vmem>> -> memref<2x128xi32, #tpu.memory_space<vmem>>
    %dma_start3A_20 = arith.constant 0 : i32
    %dma_start3A_21 = tpu.memref_slice %dma_start3A_19[%dma_start3A_15, %dma_start3A_20] : memref<2x128xi32, #tpu.memory_space<vmem>> -> memref<1x128xi32, #tpu.memory_space<vmem>>
    %dma_start3A_22 = tpu.memref_squeeze %dma_start3A_21 : memref<1x128xi32, #tpu.memory_space<vmem>> -> memref<128xi32, #tpu.memory_space<vmem>>
    %dma_start3A_23 = arith.constant 0 : i32
    %dma_start3A_24 = arith.constant 0 : i32
    %dma_start3A_25 = tpu.memref_slice %arg2[%dma_start3A_23, %dma_start3A_24] : memref<10240x128xf32, #tpu.memory_space<hbm>> -> memref<10240x128xf32, #tpu.memory_space<hbm>>
    tpu.enqueue_indirect_dma source(%dma_start3A_25 : memref<10240x128xf32, #tpu.memory_space<hbm>>) target(%arg6 : memref<128x128xf32, #tpu.memory_space<vmem>>) offsets(%dma_start3A_22 : memref<128xi32, #tpu.memory_space<vmem>>) semaphore(%arg9 : memref<!tpu.dma_semaphore, #tpu.memory_space<semaphore_mem>>)
    %scan3A_26 = arith.constant 0 : i32
    %scan3A_27 = arith.constant 0 : i32
    %scan3A_28 = arith.constant 19 : i32
    %scan3A_29 = arith.addi %scan3A_27, %scan3A_28 : i32
    %scan3A_30 = arith.constant 1 : i32
    scf.for %scan3A_135 = %scan3A_27 to %scan3A_29 step %scan3A_30  : i32 {
      %mul3A_136 = arith.constant 2 : i32
      %mul3A_137 = arith.muli %mul3A_136, %scan3A_135 : i32
      %add3A_138 = arith.constant 1 : i32
      %add3A_139 = arith.addi %mul3A_137, %add3A_138 : i32
      %add3A_140 = arith.constant 2 : i32
      %add3A_141 = arith.addi %mul3A_137, %add3A_140 : i32
      %dma_start3A_142 = arith.constant 0 : i32
      %dma_start3A_143 = arith.constant 0 : i32
      %dma_start3A_144 = arith.constant 0 : i32
      %dma_start3A_145 = tpu.memref_slice %arg5[%add3A_139, %dma_start3A_143, %dma_start3A_144] : memref<40x2x128xi32, #tpu.memory_space<vmem>> -> memref<1x2x128xi32, #tpu.memory_space<vmem>>
      %dma_start3A_146 = tpu.memref_squeeze %dma_start3A_145 : memref<1x2x128xi32, #tpu.memory_space<vmem>> -> memref<2x128xi32, #tpu.memory_space<vmem>>
      %dma_start3A_147 = arith.constant 0 : i32
      %dma_start3A_148 = tpu.memref_slice %dma_start3A_146[%dma_start3A_142, %dma_start3A_147] : memref<2x128xi32, #tpu.memory_space<vmem>> -> memref<1x128xi32, #tpu.memory_space<vmem>>
      %dma_start3A_149 = tpu.memref_squeeze %dma_start3A_148 : memref<1x128xi32, #tpu.memory_space<vmem>> -> memref<128xi32, #tpu.memory_space<vmem>>
      %dma_start3A_150 = arith.constant 0 : i32
      %dma_start3A_151 = arith.constant 0 : i32
      %dma_start3A_152 = tpu.memref_slice %arg2[%dma_start3A_150, %dma_start3A_151] : memref<10240x128xf32, #tpu.memory_space<hbm>> -> memref<10240x128xf32, #tpu.memory_space<hbm>>
      tpu.enqueue_indirect_dma source(%dma_start3A_152 : memref<10240x128xf32, #tpu.memory_space<hbm>>) target(%arg7 : memref<128x128xf32, #tpu.memory_space<vmem>>) offsets(%dma_start3A_149 : memref<128xi32, #tpu.memory_space<vmem>>) semaphore(%arg10 : memref<!tpu.dma_semaphore, #tpu.memory_space<semaphore_mem>>)
      %dma_wait3A_153 = arith.constant 0 : i32
      %dma_wait3A_154 = arith.constant 0 : i32
      %dma_wait3A_155 = arith.constant 0 : i32
      %dma_wait3A_156 = tpu.memref_slice %arg5[%mul3A_137, %dma_wait3A_154, %dma_wait3A_155] : memref<40x2x128xi32, #tpu.memory_space<vmem>> -> memref<1x2x128xi32, #tpu.memory_space<vmem>>
      %dma_wait3A_157 = tpu.memref_squeeze %dma_wait3A_156 : memref<1x2x128xi32, #tpu.memory_space<vmem>> -> memref<2x128xi32, #tpu.memory_space<vmem>>
      %dma_wait3A_158 = arith.constant 0 : i32
      %dma_wait3A_159 = tpu.memref_slice %dma_wait3A_157[%dma_wait3A_153, %dma_wait3A_158] : memref<2x128xi32, #tpu.memory_space<vmem>> -> memref<1x128xi32, #tpu.memory_space<vmem>>
      %dma_wait3A_160 = tpu.memref_squeeze %dma_wait3A_159 : memref<1x128xi32, #tpu.memory_space<vmem>> -> memref<128xi32, #tpu.memory_space<vmem>>
      %dma_wait3A_161 = arith.constant 0 : i32
      %dma_wait3A_162 = arith.constant 0 : i32
      %dma_wait3A_163 = tpu.memref_slice %arg2[%dma_wait3A_161, %dma_wait3A_162] : memref<10240x128xf32, #tpu.memory_space<hbm>> -> memref<10240x128xf32, #tpu.memory_space<hbm>>
      tpu.wait_indirect_dma semaphore(%arg9 : memref<!tpu.dma_semaphore, #tpu.memory_space<semaphore_mem>>) src(%dma_wait3A_163 : memref<10240x128xf32, #tpu.memory_space<hbm>>) dst(%arg6 : memref<128x128xf32, #tpu.memory_space<vmem>>)
      %run_scoped3A_164 = arith.constant 1 : i32
      "tpu.region"() ({
        %run_scoped3A_188 = tpu.sem_alloc : memref<!tpu.dma_semaphore, #tpu.memory_space<semaphore_mem>>
        %dma_start3A_189 = arith.constant 0 : i32
        %dma_start3A_190 = arith.constant 0 : i32
        %dma_start3A_191 = tpu.memref_slice %arg5[%mul3A_137, %dma_start3A_189, %dma_start3A_190] : memref<40x2x128xi32, #tpu.memory_space<vmem>> -> memref<1x2x128xi32, #tpu.memory_space<vmem>>
        %dma_start3A_192 = tpu.memref_squeeze %dma_start3A_191 : memref<1x2x128xi32, #tpu.memory_space<vmem>> -> memref<2x128xi32, #tpu.memory_space<vmem>>
        %dma_start3A_193 = arith.constant 0 : i32
        %dma_start3A_194 = tpu.memref_slice %dma_start3A_192[%run_scoped3A_164, %dma_start3A_193] : memref<2x128xi32, #tpu.memory_space<vmem>> -> memref<1x128xi32, #tpu.memory_space<vmem>>
        %dma_start3A_195 = tpu.memref_squeeze %dma_start3A_194 : memref<1x128xi32, #tpu.memory_space<vmem>> -> memref<128xi32, #tpu.memory_space<vmem>>
        %dma_start3A_196 = arith.constant 0 : i32
        %dma_start3A_197 = arith.constant 0 : i32
        %dma_start3A_198 = tpu.memref_slice %arg8[%dma_start3A_196, %dma_start3A_197] : memref<10240x128xf32, #tpu.memory_space<vmem_shared>> -> memref<10240x128xf32, #tpu.memory_space<vmem_shared>>
        tpu.enqueue_indirect_dma source(%arg6 : memref<128x128xf32, #tpu.memory_space<vmem>>) target(%dma_start3A_198 : memref<10240x128xf32, #tpu.memory_space<vmem_shared>>) offsets(%dma_start3A_195 : memref<128xi32, #tpu.memory_space<vmem>>) semaphore(%run_scoped3A_188 : memref<!tpu.dma_semaphore, #tpu.memory_space<semaphore_mem>>) {add = true}
        %dma_wait3A_199 = arith.constant 0 : i32
        %dma_wait3A_200 = arith.constant 0 : i32
        %dma_wait3A_201 = tpu.memref_slice %arg5[%mul3A_137, %dma_wait3A_199, %dma_wait3A_200] : memref<40x2x128xi32, #tpu.memory_space<vmem>> -> memref<1x2x128xi32, #tpu.memory_space<vmem>>
        %dma_wait3A_202 = tpu.memref_squeeze %dma_wait3A_201 : memref<1x2x128xi32, #tpu.memory_space<vmem>> -> memref<2x128xi32, #tpu.memory_space<vmem>>
        %dma_wait3A_203 = arith.constant 0 : i32
        %dma_wait3A_204 = tpu.memref_slice %dma_wait3A_202[%run_scoped3A_164, %dma_wait3A_203] : memref<2x128xi32, #tpu.memory_space<vmem>> -> memref<1x128xi32, #tpu.memory_space<vmem>>
        %dma_wait3A_205 = tpu.memref_squeeze %dma_wait3A_204 : memref<1x128xi32, #tpu.memory_space<vmem>> -> memref<128xi32, #tpu.memory_space<vmem>>
        %dma_wait3A_206 = arith.constant 0 : i32
        %dma_wait3A_207 = arith.constant 0 : i32
        %dma_wait3A_208 = tpu.memref_slice %arg8[%dma_wait3A_206, %dma_wait3A_207] : memref<10240x128xf32, #tpu.memory_space<vmem_shared>> -> memref<10240x128xf32, #tpu.memory_space<vmem_shared>>
        tpu.wait_indirect_dma semaphore(%run_scoped3A_188 : memref<!tpu.dma_semaphore, #tpu.memory_space<semaphore_mem>>) src(%arg6 : memref<128x128xf32, #tpu.memory_space<vmem>>) dst(%dma_wait3A_208 : memref<10240x128xf32, #tpu.memory_space<vmem_shared>>)
        tpu.yield
      }) : () -> ()
      %dma_start3A_165 = arith.constant 0 : i32
      %dma_start3A_166 = arith.constant 0 : i32
      %dma_start3A_167 = arith.constant 0 : i32
      %dma_start3A_168 = tpu.memref_slice %arg5[%add3A_141, %dma_start3A_166, %dma_start3A_167] : memref<40x2x128xi32, #tpu.memory_space<vmem>> -> memref<1x2x128xi32, #tpu.memory_space<vmem>>
      %dma_start3A_169 = tpu.memref_squeeze %dma_start3A_168 : memref<1x2x128xi32, #tpu.memory_space<vmem>> -> memref<2x128xi32, #tpu.memory_space<vmem>>
      %dma_start3A_170 = arith.constant 0 : i32
      %dma_start3A_171 = tpu.memref_slice %dma_start3A_169[%dma_start3A_165, %dma_start3A_170] : memref<2x128xi32, #tpu.memory_space<vmem>> -> memref<1x128xi32, #tpu.memory_space<vmem>>
      %dma_start3A_172 = tpu.memref_squeeze %dma_start3A_171 : memref<1x128xi32, #tpu.memory_space<vmem>> -> memref<128xi32, #tpu.memory_space<vmem>>
      %dma_start3A_173 = arith.constant 0 : i32
      %dma_start3A_174 = arith.constant 0 : i32
      %dma_start3A_175 = tpu.memref_slice %arg2[%dma_start3A_173, %dma_start3A_174] : memref<10240x128xf32, #tpu.memory_space<hbm>> -> memref<10240x128xf32, #tpu.memory_space<hbm>>
      tpu.enqueue_indirect_dma source(%dma_start3A_175 : memref<10240x128xf32, #tpu.memory_space<hbm>>) target(%arg6 : memref<128x128xf32, #tpu.memory_space<vmem>>) offsets(%dma_start3A_172 : memref<128xi32, #tpu.memory_space<vmem>>) semaphore(%arg9 : memref<!tpu.dma_semaphore, #tpu.memory_space<semaphore_mem>>)
      %dma_wait3A_176 = arith.constant 0 : i32
      %dma_wait3A_177 = arith.constant 0 : i32
      %dma_wait3A_178 = arith.constant 0 : i32
      %dma_wait3A_179 = tpu.memref_slice %arg5[%add3A_139, %dma_wait3A_177, %dma_wait3A_178] : memref<40x2x128xi32, #tpu.memory_space<vmem>> -> memref<1x2x128xi32, #tpu.memory_space<vmem>>
      %dma_wait3A_180 = tpu.memref_squeeze %dma_wait3A_179 : memref<1x2x128xi32, #tpu.memory_space<vmem>> -> memref<2x128xi32, #tpu.memory_space<vmem>>
      %dma_wait3A_181 = arith.constant 0 : i32
      %dma_wait3A_182 = tpu.memref_slice %dma_wait3A_180[%dma_wait3A_176, %dma_wait3A_181] : memref<2x128xi32, #tpu.memory_space<vmem>> -> memref<1x128xi32, #tpu.memory_space<vmem>>
      %dma_wait3A_183 = tpu.memref_squeeze %dma_wait3A_182 : memref<1x128xi32, #tpu.memory_space<vmem>> -> memref<128xi32, #tpu.memory_space<vmem>>
      %dma_wait3A_184 = arith.constant 0 : i32
      %dma_wait3A_185 = arith.constant 0 : i32
      %dma_wait3A_186 = tpu.memref_slice %arg2[%dma_wait3A_184, %dma_wait3A_185] : memref<10240x128xf32, #tpu.memory_space<hbm>> -> memref<10240x128xf32, #tpu.memory_space<hbm>>
      tpu.wait_indirect_dma semaphore(%arg10 : memref<!tpu.dma_semaphore, #tpu.memory_space<semaphore_mem>>) src(%dma_wait3A_186 : memref<10240x128xf32, #tpu.memory_space<hbm>>) dst(%arg7 : memref<128x128xf32, #tpu.memory_space<vmem>>)
      %run_scoped3A_187 = arith.constant 1 : i32
      "tpu.region"() ({
        %run_scoped3A_188 = tpu.sem_alloc : memref<!tpu.dma_semaphore, #tpu.memory_space<semaphore_mem>>
        %dma_start3A_189 = arith.constant 0 : i32
        %dma_start3A_190 = arith.constant 0 : i32
        %dma_start3A_191 = tpu.memref_slice %arg5[%add3A_139, %dma_start3A_189, %dma_start3A_190] : memref<40x2x128xi32, #tpu.memory_space<vmem>> -> memref<1x2x128xi32, #tpu.memory_space<vmem>>
        %dma_start3A_192 = tpu.memref_squeeze %dma_start3A_191 : memref<1x2x128xi32, #tpu.memory_space<vmem>> -> memref<2x128xi32, #tpu.memory_space<vmem>>
        %dma_start3A_193 = arith.constant 0 : i32
        %dma_start3A_194 = tpu.memref_slice %dma_start3A_192[%run_scoped3A_187, %dma_start3A_193] : memref<2x128xi32, #tpu.memory_space<vmem>> -> memref<1x128xi32, #tpu.memory_space<vmem>>
        %dma_start3A_195 = tpu.memref_squeeze %dma_start3A_194 : memref<1x128xi32, #tpu.memory_space<vmem>> -> memref<128xi32, #tpu.memory_space<vmem>>
        %dma_start3A_196 = arith.constant 0 : i32
        %dma_start3A_197 = arith.constant 0 : i32
        %dma_start3A_198 = tpu.memref_slice %arg8[%dma_start3A_196, %dma_start3A_197] : memref<10240x128xf32, #tpu.memory_space<vmem_shared>> -> memref<10240x128xf32, #tpu.memory_space<vmem_shared>>
        tpu.enqueue_indirect_dma source(%arg7 : memref<128x128xf32, #tpu.memory_space<vmem>>) target(%dma_start3A_198 : memref<10240x128xf32, #tpu.memory_space<vmem_shared>>) offsets(%dma_start3A_195 : memref<128xi32, #tpu.memory_space<vmem>>) semaphore(%run_scoped3A_188 : memref<!tpu.dma_semaphore, #tpu.memory_space<semaphore_mem>>) {add = true}
        %dma_wait3A_199 = arith.constant 0 : i32
        %dma_wait3A_200 = arith.constant 0 : i32
        %dma_wait3A_201 = tpu.memref_slice %arg5[%add3A_139, %dma_wait3A_199, %dma_wait3A_200] : memref<40x2x128xi32, #tpu.memory_space<vmem>> -> memref<1x2x128xi32, #tpu.memory_space<vmem>>
        %dma_wait3A_202 = tpu.memref_squeeze %dma_wait3A_201 : memref<1x2x128xi32, #tpu.memory_space<vmem>> -> memref<2x128xi32, #tpu.memory_space<vmem>>
        %dma_wait3A_203 = arith.constant 0 : i32
        %dma_wait3A_204 = tpu.memref_slice %dma_wait3A_202[%run_scoped3A_187, %dma_wait3A_203] : memref<2x128xi32, #tpu.memory_space<vmem>> -> memref<1x128xi32, #tpu.memory_space<vmem>>
        %dma_wait3A_205 = tpu.memref_squeeze %dma_wait3A_204 : memref<1x128xi32, #tpu.memory_space<vmem>> -> memref<128xi32, #tpu.memory_space<vmem>>
        %dma_wait3A_206 = arith.constant 0 : i32
        %dma_wait3A_207 = arith.constant 0 : i32
        %dma_wait3A_208 = tpu.memref_slice %arg8[%dma_wait3A_206, %dma_wait3A_207] : memref<10240x128xf32, #tpu.memory_space<vmem_shared>> -> memref<10240x128xf32, #tpu.memory_space<vmem_shared>>
        tpu.wait_indirect_dma semaphore(%run_scoped3A_188 : memref<!tpu.dma_semaphore, #tpu.memory_space<semaphore_mem>>) src(%arg7 : memref<128x128xf32, #tpu.memory_space<vmem>>) dst(%dma_wait3A_208 : memref<10240x128xf32, #tpu.memory_space<vmem_shared>>)
        tpu.yield
      }) : () -> ()
    }
    %scan3A_31 = arith.constant 19 : i32
    %dma_start3A_32 = arith.constant 39 : i32
    %dma_start3A_33 = arith.constant 0 : i32
    %dma_start3A_34 = arith.constant 0 : i32
    %dma_start3A_35 = arith.constant 0 : i32
    %dma_start3A_36 = tpu.memref_slice %arg5[%dma_start3A_32, %dma_start3A_34, %dma_start3A_35] : memref<40x2x128xi32, #tpu.memory_space<vmem>> -> memref<1x2x128xi32, #tpu.memory_space<vmem>>
    %dma_start3A_37 = tpu.memref_squeeze %dma_start3A_36 : memref<1x2x128xi32, #tpu.memory_space<vmem>> -> memref<2x128xi32, #tpu.memory_space<vmem>>
    %dma_start3A_38 = arith.constant 0 : i32
    %dma_start3A_39 = tpu.memref_slice %dma_start3A_37[%dma_start3A_33, %dma_start3A_38] : memref<2x128xi32, #tpu.memory_space<vmem>> -> memref<1x128xi32, #tpu.memory_space<vmem>>
    %dma_start3A_40 = tpu.memref_squeeze %dma_start3A_39 : memref<1x128xi32, #tpu.memory_space<vmem>> -> memref<128xi32, #tpu.memory_space<vmem>>
    %dma_start3A_41 = arith.constant 0 : i32
    %dma_start3A_42 = arith.constant 0 : i32
    %dma_start3A_43 = tpu.memref_slice %arg2[%dma_start3A_41, %dma_start3A_42] : memref<10240x128xf32, #tpu.memory_space<hbm>> -> memref<10240x128xf32, #tpu.memory_space<hbm>>
    tpu.enqueue_indirect_dma source(%dma_start3A_43 : memref<10240x128xf32, #tpu.memory_space<hbm>>) target(%arg7 : memref<128x128xf32, #tpu.memory_space<vmem>>) offsets(%dma_start3A_40 : memref<128xi32, #tpu.memory_space<vmem>>) semaphore(%arg10 : memref<!tpu.dma_semaphore, #tpu.memory_space<semaphore_mem>>)
    %dma_wait3A = arith.constant 38 : i32
    %dma_wait3A_44 = arith.constant 0 : i32
    %dma_wait3A_45 = arith.constant 0 : i32
    %dma_wait3A_46 = arith.constant 0 : i32
    %dma_wait3A_47 = tpu.memref_slice %arg5[%dma_wait3A, %dma_wait3A_45, %dma_wait3A_46] : memref<40x2x128xi32, #tpu.memory_space<vmem>> -> memref<1x2x128xi32, #tpu.memory_space<vmem>>
    %dma_wait3A_48 = tpu.memref_squeeze %dma_wait3A_47 : memref<1x2x128xi32, #tpu.memory_space<vmem>> -> memref<2x128xi32, #tpu.memory_space<vmem>>
    %dma_wait3A_49 = arith.constant 0 : i32
    %dma_wait3A_50 = tpu.memref_slice %dma_wait3A_48[%dma_wait3A_44, %dma_wait3A_49] : memref<2x128xi32, #tpu.memory_space<vmem>> -> memref<1x128xi32, #tpu.memory_space<vmem>>
    %dma_wait3A_51 = tpu.memref_squeeze %dma_wait3A_50 : memref<1x128xi32, #tpu.memory_space<vmem>> -> memref<128xi32, #tpu.memory_space<vmem>>
    %dma_wait3A_52 = arith.constant 0 : i32
    %dma_wait3A_53 = arith.constant 0 : i32
    %dma_wait3A_54 = tpu.memref_slice %arg2[%dma_wait3A_52, %dma_wait3A_53] : memref<10240x128xf32, #tpu.memory_space<hbm>> -> memref<10240x128xf32, #tpu.memory_space<hbm>>
    tpu.wait_indirect_dma semaphore(%arg9 : memref<!tpu.dma_semaphore, #tpu.memory_space<semaphore_mem>>) src(%dma_wait3A_54 : memref<10240x128xf32, #tpu.memory_space<hbm>>) dst(%arg6 : memref<128x128xf32, #tpu.memory_space<vmem>>)
    %run_scoped3A = arith.constant 38 : i32
    %run_scoped3A_55 = arith.constant 1 : i32
    "tpu.region"() ({
      %run_scoped3A_135 = tpu.sem_alloc : memref<!tpu.dma_semaphore, #tpu.memory_space<semaphore_mem>>
      %dma_start3A_136 = arith.constant 0 : i32
      %dma_start3A_137 = arith.constant 0 : i32
      %dma_start3A_138 = tpu.memref_slice %arg5[%run_scoped3A, %dma_start3A_136, %dma_start3A_137] : memref<40x2x128xi32, #tpu.memory_space<vmem>> -> memref<1x2x128xi32, #tpu.memory_space<vmem>>
      %dma_start3A_139 = tpu.memref_squeeze %dma_start3A_138 : memref<1x2x128xi32, #tpu.memory_space<vmem>> -> memref<2x128xi32, #tpu.memory_space<vmem>>
      %dma_start3A_140 = arith.constant 0 : i32
      %dma_start3A_141 = tpu.memref_slice %dma_start3A_139[%run_scoped3A_55, %dma_start3A_140] : memref<2x128xi32, #tpu.memory_space<vmem>> -> memref<1x128xi32, #tpu.memory_space<vmem>>
      %dma_start3A_142 = tpu.memref_squeeze %dma_start3A_141 : memref<1x128xi32, #tpu.memory_space<vmem>> -> memref<128xi32, #tpu.memory_space<vmem>>
      %dma_start3A_143 = arith.constant 0 : i32
      %dma_start3A_144 = arith.constant 0 : i32
      %dma_start3A_145 = tpu.memref_slice %arg8[%dma_start3A_143, %dma_start3A_144] : memref<10240x128xf32, #tpu.memory_space<vmem_shared>> -> memref<10240x128xf32, #tpu.memory_space<vmem_shared>>
      tpu.enqueue_indirect_dma source(%arg6 : memref<128x128xf32, #tpu.memory_space<vmem>>) target(%dma_start3A_145 : memref<10240x128xf32, #tpu.memory_space<vmem_shared>>) offsets(%dma_start3A_142 : memref<128xi32, #tpu.memory_space<vmem>>) semaphore(%run_scoped3A_135 : memref<!tpu.dma_semaphore, #tpu.memory_space<semaphore_mem>>) {add = true}
      %dma_wait3A_146 = arith.constant 0 : i32
      %dma_wait3A_147 = arith.constant 0 : i32
      %dma_wait3A_148 = tpu.memref_slice %arg5[%run_scoped3A, %dma_wait3A_146, %dma_wait3A_147] : memref<40x2x128xi32, #tpu.memory_space<vmem>> -> memref<1x2x128xi32, #tpu.memory_space<vmem>>
      %dma_wait3A_149 = tpu.memref_squeeze %dma_wait3A_148 : memref<1x2x128xi32, #tpu.memory_space<vmem>> -> memref<2x128xi32, #tpu.memory_space<vmem>>
      %dma_wait3A_150 = arith.constant 0 : i32
      %dma_wait3A_151 = tpu.memref_slice %dma_wait3A_149[%run_scoped3A_55, %dma_wait3A_150] : memref<2x128xi32, #tpu.memory_space<vmem>> -> memref<1x128xi32, #tpu.memory_space<vmem>>
      %dma_wait3A_152 = tpu.memref_squeeze %dma_wait3A_151 : memref<1x128xi32, #tpu.memory_space<vmem>> -> memref<128xi32, #tpu.memory_space<vmem>>
      %dma_wait3A_153 = arith.constant 0 : i32
      %dma_wait3A_154 = arith.constant 0 : i32
      %dma_wait3A_155 = tpu.memref_slice %arg8[%dma_wait3A_153, %dma_wait3A_154] : memref<10240x128xf32, #tpu.memory_space<vmem_shared>> -> memref<10240x128xf32, #tpu.memory_space<vmem_shared>>
      tpu.wait_indirect_dma semaphore(%run_scoped3A_135 : memref<!tpu.dma_semaphore, #tpu.memory_space<semaphore_mem>>) src(%arg6 : memref<128x128xf32, #tpu.memory_space<vmem>>) dst(%dma_wait3A_155 : memref<10240x128xf32, #tpu.memory_space<vmem_shared>>)
      tpu.yield
    }) : () -> ()
    %dma_wait3A_56 = arith.constant 39 : i32
    %dma_wait3A_57 = arith.constant 0 : i32
    %dma_wait3A_58 = arith.constant 0 : i32
    %dma_wait3A_59 = arith.constant 0 : i32
    %dma_wait3A_60 = tpu.memref_slice %arg5[%dma_wait3A_56, %dma_wait3A_58, %dma_wait3A_59] : memref<40x2x128xi32, #tpu.memory_space<vmem>> -> memref<1x2x128xi32, #tpu.memory_space<vmem>>
    %dma_wait3A_61 = tpu.memref_squeeze %dma_wait3A_60 : memref<1x2x128xi32, #tpu.memory_space<vmem>> -> memref<2x128xi32, #tpu.memory_space<vmem>>
    %dma_wait3A_62 = arith.constant 0 : i32
    %dma_wait3A_63 = tpu.memref_slice %dma_wait3A_61[%dma_wait3A_57, %dma_wait3A_62] : memref<2x128xi32, #tpu.memory_space<vmem>> -> memref<1x128xi32, #tpu.memory_space<vmem>>
    %dma_wait3A_64 = tpu.memref_squeeze %dma_wait3A_63 : memref<1x128xi32, #tpu.memory_space<vmem>> -> memref<128xi32, #tpu.memory_space<vmem>>
    %dma_wait3A_65 = arith.constant 0 : i32
    %dma_wait3A_66 = arith.constant 0 : i32
    %dma_wait3A_67 = tpu.memref_slice %arg2[%dma_wait3A_65, %dma_wait3A_66] : memref<10240x128xf32, #tpu.memory_space<hbm>> -> memref<10240x128xf32, #tpu.memory_space<hbm>>
    tpu.wait_indirect_dma semaphore(%arg10 : memref<!tpu.dma_semaphore, #tpu.memory_space<semaphore_mem>>) src(%dma_wait3A_67 : memref<10240x128xf32, #tpu.memory_space<hbm>>) dst(%arg7 : memref<128x128xf32, #tpu.memory_space<vmem>>)
    %run_scoped3A_68 = arith.constant 39 : i32
    %run_scoped3A_69 = arith.constant 1 : i32
    "tpu.region"() ({
      %run_scoped3A_135 = tpu.sem_alloc : memref<!tpu.dma_semaphore, #tpu.memory_space<semaphore_mem>>
      %dma_start3A_136 = arith.constant 0 : i32
      %dma_start3A_137 = arith.constant 0 : i32
      %dma_start3A_138 = tpu.memref_slice %arg5[%run_scoped3A_68, %dma_start3A_136, %dma_start3A_137] : memref<40x2x128xi32, #tpu.memory_space<vmem>> -> memref<1x2x128xi32, #tpu.memory_space<vmem>>
      %dma_start3A_139 = tpu.memref_squeeze %dma_start3A_138 : memref<1x2x128xi32, #tpu.memory_space<vmem>> -> memref<2x128xi32, #tpu.memory_space<vmem>>
      %dma_start3A_140 = arith.constant 0 : i32
      %dma_start3A_141 = tpu.memref_slice %dma_start3A_139[%run_scoped3A_69, %dma_start3A_140] : memref<2x128xi32, #tpu.memory_space<vmem>> -> memref<1x128xi32, #tpu.memory_space<vmem>>
      %dma_start3A_142 = tpu.memref_squeeze %dma_start3A_141 : memref<1x128xi32, #tpu.memory_space<vmem>> -> memref<128xi32, #tpu.memory_space<vmem>>
      %dma_start3A_143 = arith.constant 0 : i32
      %dma_start3A_144 = arith.constant 0 : i32
      %dma_start3A_145 = tpu.memref_slice %arg8[%dma_start3A_143, %dma_start3A_144] : memref<10240x128xf32, #tpu.memory_space<vmem_shared>> -> memref<10240x128xf32, #tpu.memory_space<vmem_shared>>
      tpu.enqueue_indirect_dma source(%arg7 : memref<128x128xf32, #tpu.memory_space<vmem>>) target(%dma_start3A_145 : memref<10240x128xf32, #tpu.memory_space<vmem_shared>>) offsets(%dma_start3A_142 : memref<128xi32, #tpu.memory_space<vmem>>) semaphore(%run_scoped3A_135 : memref<!tpu.dma_semaphore, #tpu.memory_space<semaphore_mem>>) {add = true}
      %dma_wait3A_146 = arith.constant 0 : i32
      %dma_wait3A_147 = arith.constant 0 : i32
      %dma_wait3A_148 = tpu.memref_slice %arg5[%run_scoped3A_68, %dma_wait3A_146, %dma_wait3A_147] : memref<40x2x128xi32, #tpu.memory_space<vmem>> -> memref<1x2x128xi32, #tpu.memory_space<vmem>>
      %dma_wait3A_149 = tpu.memref_squeeze %dma_wait3A_148 : memref<1x2x128xi32, #tpu.memory_space<vmem>> -> memref<2x128xi32, #tpu.memory_space<vmem>>
      %dma_wait3A_150 = arith.constant 0 : i32
      %dma_wait3A_151 = tpu.memref_slice %dma_wait3A_149[%run_scoped3A_69, %dma_wait3A_150] : memref<2x128xi32, #tpu.memory_space<vmem>> -> memref<1x128xi32, #tpu.memory_space<vmem>>
      %dma_wait3A_152 = tpu.memref_squeeze %dma_wait3A_151 : memref<1x128xi32, #tpu.memory_space<vmem>> -> memref<128xi32, #tpu.memory_space<vmem>>
      %dma_wait3A_153 = arith.constant 0 : i32
      %dma_wait3A_154 = arith.constant 0 : i32
      %dma_wait3A_155 = tpu.memref_slice %arg8[%dma_wait3A_153, %dma_wait3A_154] : memref<10240x128xf32, #tpu.memory_space<vmem_shared>> -> memref<10240x128xf32, #tpu.memory_space<vmem_shared>>
      tpu.wait_indirect_dma semaphore(%run_scoped3A_135 : memref<!tpu.dma_semaphore, #tpu.memory_space<semaphore_mem>>) src(%arg7 : memref<128x128xf32, #tpu.memory_space<vmem>>) dst(%dma_wait3A_155 : memref<10240x128xf32, #tpu.memory_space<vmem_shared>>)
      tpu.yield
    }) : () -> ()
    "tpu.region"() ({
      %run_scoped3A_135 = tpu.sem_alloc : memref<!tpu.dma_semaphore, #tpu.memory_space<semaphore_mem>>
      %dma_start3A_136 = arith.constant 40 : i32
      %dma_start3A_137 = arith.constant 0 : i32
      %dma_start3A_138 = arith.constant 0 : i32
      %dma_start3A_139 = tpu.memref_slice %arg3[%add3A, %dma_start3A_136, %dma_start3A_137, %dma_start3A_138] : memref<32x80x2x128xi32, #tpu.memory_space<hbm>> -> memref<1x40x2x128xi32, #tpu.memory_space<hbm>>
      %dma_start3A_140 = tpu.memref_squeeze %dma_start3A_139 : memref<1x40x2x128xi32, #tpu.memory_space<hbm>> -> memref<40x2x128xi32, #tpu.memory_space<hbm>>
      %dma_start3A_141 = arith.constant 40 : i32
      %dma_start3A_142 = arith.constant 0 : i32
      %dma_start3A_143 = arith.constant 0 : i32
      %dma_start3A_144 = tpu.memref_slice %arg3[%add3A, %dma_start3A_141, %dma_start3A_142, %dma_start3A_143] : memref<32x80x2x128xi32, #tpu.memory_space<hbm>> -> memref<1x40x2x128xi32, #tpu.memory_space<hbm>>
      %dma_start3A_145 = tpu.memref_squeeze %dma_start3A_144 : memref<1x40x2x128xi32, #tpu.memory_space<hbm>> -> memref<40x2x128xi32, #tpu.memory_space<hbm>>
      tpu.enqueue_dma source(%dma_start3A_145 : memref<40x2x128xi32, #tpu.memory_space<hbm>>) target(%arg5 : memref<40x2x128xi32, #tpu.memory_space<vmem>>) target_semaphore(%run_scoped3A_135 : memref<!tpu.dma_semaphore, #tpu.memory_space<semaphore_mem>>)
      %dma_wait3A_146 = arith.constant 40 : i32
      %dma_wait3A_147 = arith.constant 0 : i32
      %dma_wait3A_148 = arith.constant 0 : i32
      %dma_wait3A_149 = tpu.memref_slice %arg3[%add3A, %dma_wait3A_146, %dma_wait3A_147, %dma_wait3A_148] : memref<32x80x2x128xi32, #tpu.memory_space<hbm>> -> memref<1x40x2x128xi32, #tpu.memory_space<hbm>>
      %dma_wait3A_150 = tpu.memref_squeeze %dma_wait3A_149 : memref<1x40x2x128xi32, #tpu.memory_space<hbm>> -> memref<40x2x128xi32, #tpu.memory_space<hbm>>
      %dma_wait3A_151 = arith.constant 40 : i32
      %dma_wait3A_152 = arith.constant 0 : i32
      %dma_wait3A_153 = arith.constant 0 : i32
      %dma_wait3A_154 = tpu.memref_slice %arg3[%add3A, %dma_wait3A_151, %dma_wait3A_152, %dma_wait3A_153] : memref<32x80x2x128xi32, #tpu.memory_space<hbm>> -> memref<1x40x2x128xi32, #tpu.memory_space<hbm>>
      %dma_wait3A_155 = tpu.memref_squeeze %dma_wait3A_154 : memref<1x40x2x128xi32, #tpu.memory_space<hbm>> -> memref<40x2x128xi32, #tpu.memory_space<hbm>>
      tpu.wait_dma2 semaphore(%run_scoped3A_135 : memref<!tpu.dma_semaphore, #tpu.memory_space<semaphore_mem>>) src(%dma_wait3A_155 : memref<40x2x128xi32, #tpu.memory_space<hbm>>) dst(%arg5 : memref<40x2x128xi32, #tpu.memory_space<vmem>>)
      tpu.yield
    }) : () -> ()
    %dma_start3A_70 = arith.constant 0 : i32
    %dma_start3A_71 = arith.constant 0 : i32
    %dma_start3A_72 = arith.constant 0 : i32
    %dma_start3A_73 = arith.constant 0 : i32
    %dma_start3A_74 = tpu.memref_slice %arg5[%dma_start3A_70, %dma_start3A_72, %dma_start3A_73] : memref<40x2x128xi32, #tpu.memory_space<vmem>> -> memref<1x2x128xi32, #tpu.memory_space<vmem>>
    %dma_start3A_75 = tpu.memref_squeeze %dma_start3A_74 : memref<1x2x128xi32, #tpu.memory_space<vmem>> -> memref<2x128xi32, #tpu.memory_space<vmem>>
    %dma_start3A_76 = arith.constant 0 : i32
    %dma_start3A_77 = tpu.memref_slice %dma_start3A_75[%dma_start3A_71, %dma_start3A_76] : memref<2x128xi32, #tpu.memory_space<vmem>> -> memref<1x128xi32, #tpu.memory_space<vmem>>
    %dma_start3A_78 = tpu.memref_squeeze %dma_start3A_77 : memref<1x128xi32, #tpu.memory_space<vmem>> -> memref<128xi32, #tpu.memory_space<vmem>>
    %dma_start3A_79 = arith.constant 0 : i32
    %dma_start3A_80 = arith.constant 0 : i32
    %dma_start3A_81 = tpu.memref_slice %arg2[%dma_start3A_79, %dma_start3A_80] : memref<10240x128xf32, #tpu.memory_space<hbm>> -> memref<10240x128xf32, #tpu.memory_space<hbm>>
    tpu.enqueue_indirect_dma source(%dma_start3A_81 : memref<10240x128xf32, #tpu.memory_space<hbm>>) target(%arg6 : memref<128x128xf32, #tpu.memory_space<vmem>>) offsets(%dma_start3A_78 : memref<128xi32, #tpu.memory_space<vmem>>) semaphore(%arg9 : memref<!tpu.dma_semaphore, #tpu.memory_space<semaphore_mem>>)
    %scan3A_82 = arith.constant 0 : i32
    %scan3A_83 = arith.constant 0 : i32
    %scan3A_84 = arith.constant 19 : i32
    %scan3A_85 = arith.addi %scan3A_83, %scan3A_84 : i32
    %scan3A_86 = arith.constant 1 : i32
    scf.for %scan3A_135 = %scan3A_83 to %scan3A_85 step %scan3A_86  : i32 {
      %mul3A_136 = arith.constant 2 : i32
      %mul3A_137 = arith.muli %mul3A_136, %scan3A_135 : i32
      %add3A_138 = arith.constant 1 : i32
      %add3A_139 = arith.addi %mul3A_137, %add3A_138 : i32
      %add3A_140 = arith.constant 2 : i32
      %add3A_141 = arith.addi %mul3A_137, %add3A_140 : i32
      %dma_start3A_142 = arith.constant 0 : i32
      %dma_start3A_143 = arith.constant 0 : i32
      %dma_start3A_144 = arith.constant 0 : i32
      %dma_start3A_145 = tpu.memref_slice %arg5[%add3A_139, %dma_start3A_143, %dma_start3A_144] : memref<40x2x128xi32, #tpu.memory_space<vmem>> -> memref<1x2x128xi32, #tpu.memory_space<vmem>>
      %dma_start3A_146 = tpu.memref_squeeze %dma_start3A_145 : memref<1x2x128xi32, #tpu.memory_space<vmem>> -> memref<2x128xi32, #tpu.memory_space<vmem>>
      %dma_start3A_147 = arith.constant 0 : i32
      %dma_start3A_148 = tpu.memref_slice %dma_start3A_146[%dma_start3A_142, %dma_start3A_147] : memref<2x128xi32, #tpu.memory_space<vmem>> -> memref<1x128xi32, #tpu.memory_space<vmem>>
      %dma_start3A_149 = tpu.memref_squeeze %dma_start3A_148 : memref<1x128xi32, #tpu.memory_space<vmem>> -> memref<128xi32, #tpu.memory_space<vmem>>
      %dma_start3A_150 = arith.constant 0 : i32
      %dma_start3A_151 = arith.constant 0 : i32
      %dma_start3A_152 = tpu.memref_slice %arg2[%dma_start3A_150, %dma_start3A_151] : memref<10240x128xf32, #tpu.memory_space<hbm>> -> memref<10240x128xf32, #tpu.memory_space<hbm>>
      tpu.enqueue_indirect_dma source(%dma_start3A_152 : memref<10240x128xf32, #tpu.memory_space<hbm>>) target(%arg7 : memref<128x128xf32, #tpu.memory_space<vmem>>) offsets(%dma_start3A_149 : memref<128xi32, #tpu.memory_space<vmem>>) semaphore(%arg10 : memref<!tpu.dma_semaphore, #tpu.memory_space<semaphore_mem>>)
      %dma_wait3A_153 = arith.constant 0 : i32
      %dma_wait3A_154 = arith.constant 0 : i32
      %dma_wait3A_155 = arith.constant 0 : i32
      %dma_wait3A_156 = tpu.memref_slice %arg5[%mul3A_137, %dma_wait3A_154, %dma_wait3A_155] : memref<40x2x128xi32, #tpu.memory_space<vmem>> -> memref<1x2x128xi32, #tpu.memory_space<vmem>>
      %dma_wait3A_157 = tpu.memref_squeeze %dma_wait3A_156 : memref<1x2x128xi32, #tpu.memory_space<vmem>> -> memref<2x128xi32, #tpu.memory_space<vmem>>
      %dma_wait3A_158 = arith.constant 0 : i32
      %dma_wait3A_159 = tpu.memref_slice %dma_wait3A_157[%dma_wait3A_153, %dma_wait3A_158] : memref<2x128xi32, #tpu.memory_space<vmem>> -> memref<1x128xi32, #tpu.memory_space<vmem>>
      %dma_wait3A_160 = tpu.memref_squeeze %dma_wait3A_159 : memref<1x128xi32, #tpu.memory_space<vmem>> -> memref<128xi32, #tpu.memory_space<vmem>>
      %dma_wait3A_161 = arith.constant 0 : i32
      %dma_wait3A_162 = arith.constant 0 : i32
      %dma_wait3A_163 = tpu.memref_slice %arg2[%dma_wait3A_161, %dma_wait3A_162] : memref<10240x128xf32, #tpu.memory_space<hbm>> -> memref<10240x128xf32, #tpu.memory_space<hbm>>
      tpu.wait_indirect_dma semaphore(%arg9 : memref<!tpu.dma_semaphore, #tpu.memory_space<semaphore_mem>>) src(%dma_wait3A_163 : memref<10240x128xf32, #tpu.memory_space<hbm>>) dst(%arg6 : memref<128x128xf32, #tpu.memory_space<vmem>>)
      %run_scoped3A_164 = arith.constant 1 : i32
      "tpu.region"() ({
        %run_scoped3A_188 = tpu.sem_alloc : memref<!tpu.dma_semaphore, #tpu.memory_space<semaphore_mem>>
        %dma_start3A_189 = arith.constant 0 : i32
        %dma_start3A_190 = arith.constant 0 : i32
        %dma_start3A_191 = tpu.memref_slice %arg5[%mul3A_137, %dma_start3A_189, %dma_start3A_190] : memref<40x2x128xi32, #tpu.memory_space<vmem>> -> memref<1x2x128xi32, #tpu.memory_space<vmem>>
        %dma_start3A_192 = tpu.memref_squeeze %dma_start3A_191 : memref<1x2x128xi32, #tpu.memory_space<vmem>> -> memref<2x128xi32, #tpu.memory_space<vmem>>
        %dma_start3A_193 = arith.constant 0 : i32
        %dma_start3A_194 = tpu.memref_slice %dma_start3A_192[%run_scoped3A_164, %dma_start3A_193] : memref<2x128xi32, #tpu.memory_space<vmem>> -> memref<1x128xi32, #tpu.memory_space<vmem>>
        %dma_start3A_195 = tpu.memref_squeeze %dma_start3A_194 : memref<1x128xi32, #tpu.memory_space<vmem>> -> memref<128xi32, #tpu.memory_space<vmem>>
        %dma_start3A_196 = arith.constant 0 : i32
        %dma_start3A_197 = arith.constant 0 : i32
        %dma_start3A_198 = tpu.memref_slice %arg8[%dma_start3A_196, %dma_start3A_197] : memref<10240x128xf32, #tpu.memory_space<vmem_shared>> -> memref<10240x128xf32, #tpu.memory_space<vmem_shared>>
        tpu.enqueue_indirect_dma source(%arg6 : memref<128x128xf32, #tpu.memory_space<vmem>>) target(%dma_start3A_198 : memref<10240x128xf32, #tpu.memory_space<vmem_shared>>) offsets(%dma_start3A_195 : memref<128xi32, #tpu.memory_space<vmem>>) semaphore(%run_scoped3A_188 : memref<!tpu.dma_semaphore, #tpu.memory_space<semaphore_mem>>) {add = true}
        %dma_wait3A_199 = arith.constant 0 : i32
        %dma_wait3A_200 = arith.constant 0 : i32
        %dma_wait3A_201 = tpu.memref_slice %arg5[%mul3A_137, %dma_wait3A_199, %dma_wait3A_200] : memref<40x2x128xi32, #tpu.memory_space<vmem>> -> memref<1x2x128xi32, #tpu.memory_space<vmem>>
        %dma_wait3A_202 = tpu.memref_squeeze %dma_wait3A_201 : memref<1x2x128xi32, #tpu.memory_space<vmem>> -> memref<2x128xi32, #tpu.memory_space<vmem>>
        %dma_wait3A_203 = arith.constant 0 : i32
        %dma_wait3A_204 = tpu.memref_slice %dma_wait3A_202[%run_scoped3A_164, %dma_wait3A_203] : memref<2x128xi32, #tpu.memory_space<vmem>> -> memref<1x128xi32, #tpu.memory_space<vmem>>
        %dma_wait3A_205 = tpu.memref_squeeze %dma_wait3A_204 : memref<1x128xi32, #tpu.memory_space<vmem>> -> memref<128xi32, #tpu.memory_space<vmem>>
        %dma_wait3A_206 = arith.constant 0 : i32
        %dma_wait3A_207 = arith.constant 0 : i32
        %dma_wait3A_208 = tpu.memref_slice %arg8[%dma_wait3A_206, %dma_wait3A_207] : memref<10240x128xf32, #tpu.memory_space<vmem_shared>> -> memref<10240x128xf32, #tpu.memory_space<vmem_shared>>
        tpu.wait_indirect_dma semaphore(%run_scoped3A_188 : memref<!tpu.dma_semaphore, #tpu.memory_space<semaphore_mem>>) src(%arg6 : memref<128x128xf32, #tpu.memory_space<vmem>>) dst(%dma_wait3A_208 : memref<10240x128xf32, #tpu.memory_space<vmem_shared>>)
        tpu.yield
      }) : () -> ()
      %dma_start3A_165 = arith.constant 0 : i32
      %dma_start3A_166 = arith.constant 0 : i32
      %dma_start3A_167 = arith.constant 0 : i32
      %dma_start3A_168 = tpu.memref_slice %arg5[%add3A_141, %dma_start3A_166, %dma_start3A_167] : memref<40x2x128xi32, #tpu.memory_space<vmem>> -> memref<1x2x128xi32, #tpu.memory_space<vmem>>
      %dma_start3A_169 = tpu.memref_squeeze %dma_start3A_168 : memref<1x2x128xi32, #tpu.memory_space<vmem>> -> memref<2x128xi32, #tpu.memory_space<vmem>>
      %dma_start3A_170 = arith.constant 0 : i32
      %dma_start3A_171 = tpu.memref_slice %dma_start3A_169[%dma_start3A_165, %dma_start3A_170] : memref<2x128xi32, #tpu.memory_space<vmem>> -> memref<1x128xi32, #tpu.memory_space<vmem>>
      %dma_start3A_172 = tpu.memref_squeeze %dma_start3A_171 : memref<1x128xi32, #tpu.memory_space<vmem>> -> memref<128xi32, #tpu.memory_space<vmem>>
      %dma_start3A_173 = arith.constant 0 : i32
      %dma_start3A_174 = arith.constant 0 : i32
      %dma_start3A_175 = tpu.memref_slice %arg2[%dma_start3A_173, %dma_start3A_174] : memref<10240x128xf32, #tpu.memory_space<hbm>> -> memref<10240x128xf32, #tpu.memory_space<hbm>>
      tpu.enqueue_indirect_dma source(%dma_start3A_175 : memref<10240x128xf32, #tpu.memory_space<hbm>>) target(%arg6 : memref<128x128xf32, #tpu.memory_space<vmem>>) offsets(%dma_start3A_172 : memref<128xi32, #tpu.memory_space<vmem>>) semaphore(%arg9 : memref<!tpu.dma_semaphore, #tpu.memory_space<semaphore_mem>>)
      %dma_wait3A_176 = arith.constant 0 : i32
      %dma_wait3A_177 = arith.constant 0 : i32
      %dma_wait3A_178 = arith.constant 0 : i32
      %dma_wait3A_179 = tpu.memref_slice %arg5[%add3A_139, %dma_wait3A_177, %dma_wait3A_178] : memref<40x2x128xi32, #tpu.memory_space<vmem>> -> memref<1x2x128xi32, #tpu.memory_space<vmem>>
      %dma_wait3A_180 = tpu.memref_squeeze %dma_wait3A_179 : memref<1x2x128xi32, #tpu.memory_space<vmem>> -> memref<2x128xi32, #tpu.memory_space<vmem>>
      %dma_wait3A_181 = arith.constant 0 : i32
      %dma_wait3A_182 = tpu.memref_slice %dma_wait3A_180[%dma_wait3A_176, %dma_wait3A_181] : memref<2x128xi32, #tpu.memory_space<vmem>> -> memref<1x128xi32, #tpu.memory_space<vmem>>
      %dma_wait3A_183 = tpu.memref_squeeze %dma_wait3A_182 : memref<1x128xi32, #tpu.memory_space<vmem>> -> memref<128xi32, #tpu.memory_space<vmem>>
      %dma_wait3A_184 = arith.constant 0 : i32
      %dma_wait3A_185 = arith.constant 0 : i32
      %dma_wait3A_186 = tpu.memref_slice %arg2[%dma_wait3A_184, %dma_wait3A_185] : memref<10240x128xf32, #tpu.memory_space<hbm>> -> memref<10240x128xf32, #tpu.memory_space<hbm>>
      tpu.wait_indirect_dma semaphore(%arg10 : memref<!tpu.dma_semaphore, #tpu.memory_space<semaphore_mem>>) src(%dma_wait3A_186 : memref<10240x128xf32, #tpu.memory_space<hbm>>) dst(%arg7 : memref<128x128xf32, #tpu.memory_space<vmem>>)
      %run_scoped3A_187 = arith.constant 1 : i32
      "tpu.region"() ({
        %run_scoped3A_188 = tpu.sem_alloc : memref<!tpu.dma_semaphore, #tpu.memory_space<semaphore_mem>>
        %dma_start3A_189 = arith.constant 0 : i32
        %dma_start3A_190 = arith.constant 0 : i32
        %dma_start3A_191 = tpu.memref_slice %arg5[%add3A_139, %dma_start3A_189, %dma_start3A_190] : memref<40x2x128xi32, #tpu.memory_space<vmem>> -> memref<1x2x128xi32, #tpu.memory_space<vmem>>
        %dma_start3A_192 = tpu.memref_squeeze %dma_start3A_191 : memref<1x2x128xi32, #tpu.memory_space<vmem>> -> memref<2x128xi32, #tpu.memory_space<vmem>>
        %dma_start3A_193 = arith.constant 0 : i32
        %dma_start3A_194 = tpu.memref_slice %dma_start3A_192[%run_scoped3A_187, %dma_start3A_193] : memref<2x128xi32, #tpu.memory_space<vmem>> -> memref<1x128xi32, #tpu.memory_space<vmem>>
        %dma_start3A_195 = tpu.memref_squeeze %dma_start3A_194 : memref<1x128xi32, #tpu.memory_space<vmem>> -> memref<128xi32, #tpu.memory_space<vmem>>
        %dma_start3A_196 = arith.constant 0 : i32
        %dma_start3A_197 = arith.constant 0 : i32
        %dma_start3A_198 = tpu.memref_slice %arg8[%dma_start3A_196, %dma_start3A_197] : memref<10240x128xf32, #tpu.memory_space<vmem_shared>> -> memref<10240x128xf32, #tpu.memory_space<vmem_shared>>
        tpu.enqueue_indirect_dma source(%arg7 : memref<128x128xf32, #tpu.memory_space<vmem>>) target(%dma_start3A_198 : memref<10240x128xf32, #tpu.memory_space<vmem_shared>>) offsets(%dma_start3A_195 : memref<128xi32, #tpu.memory_space<vmem>>) semaphore(%run_scoped3A_188 : memref<!tpu.dma_semaphore, #tpu.memory_space<semaphore_mem>>) {add = true}
        %dma_wait3A_199 = arith.constant 0 : i32
        %dma_wait3A_200 = arith.constant 0 : i32
        %dma_wait3A_201 = tpu.memref_slice %arg5[%add3A_139, %dma_wait3A_199, %dma_wait3A_200] : memref<40x2x128xi32, #tpu.memory_space<vmem>> -> memref<1x2x128xi32, #tpu.memory_space<vmem>>
        %dma_wait3A_202 = tpu.memref_squeeze %dma_wait3A_201 : memref<1x2x128xi32, #tpu.memory_space<vmem>> -> memref<2x128xi32, #tpu.memory_space<vmem>>
        %dma_wait3A_203 = arith.constant 0 : i32
        %dma_wait3A_204 = tpu.memref_slice %dma_wait3A_202[%run_scoped3A_187, %dma_wait3A_203] : memref<2x128xi32, #tpu.memory_space<vmem>> -> memref<1x128xi32, #tpu.memory_space<vmem>>
        %dma_wait3A_205 = tpu.memref_squeeze %dma_wait3A_204 : memref<1x128xi32, #tpu.memory_space<vmem>> -> memref<128xi32, #tpu.memory_space<vmem>>
        %dma_wait3A_206 = arith.constant 0 : i32
        %dma_wait3A_207 = arith.constant 0 : i32
        %dma_wait3A_208 = tpu.memref_slice %arg8[%dma_wait3A_206, %dma_wait3A_207] : memref<10240x128xf32, #tpu.memory_space<vmem_shared>> -> memref<10240x128xf32, #tpu.memory_space<vmem_shared>>
        tpu.wait_indirect_dma semaphore(%run_scoped3A_188 : memref<!tpu.dma_semaphore, #tpu.memory_space<semaphore_mem>>) src(%arg7 : memref<128x128xf32, #tpu.memory_space<vmem>>) dst(%dma_wait3A_208 : memref<10240x128xf32, #tpu.memory_space<vmem_shared>>)
        tpu.yield
      }) : () -> ()
    }
    %scan3A_87 = arith.constant 19 : i32
    %dma_start3A_88 = arith.constant 39 : i32
    %dma_start3A_89 = arith.constant 0 : i32
    %dma_start3A_90 = arith.constant 0 : i32
    %dma_start3A_91 = arith.constant 0 : i32
    %dma_start3A_92 = tpu.memref_slice %arg5[%dma_start3A_88, %dma_start3A_90, %dma_start3A_91] : memref<40x2x128xi32, #tpu.memory_space<vmem>> -> memref<1x2x128xi32, #tpu.memory_space<vmem>>
    %dma_start3A_93 = tpu.memref_squeeze %dma_start3A_92 : memref<1x2x128xi32, #tpu.memory_space<vmem>> -> memref<2x128xi32, #tpu.memory_space<vmem>>
    %dma_start3A_94 = arith.constant 0 : i32
    %dma_start3A_95 = tpu.memref_slice %dma_start3A_93[%dma_start3A_89, %dma_start3A_94] : memref<2x128xi32, #tpu.memory_space<vmem>> -> memref<1x128xi32, #tpu.memory_space<vmem>>
    %dma_start3A_96 = tpu.memref_squeeze %dma_start3A_95 : memref<1x128xi32, #tpu.memory_space<vmem>> -> memref<128xi32, #tpu.memory_space<vmem>>
    %dma_start3A_97 = arith.constant 0 : i32
    %dma_start3A_98 = arith.constant 0 : i32
    %dma_start3A_99 = tpu.memref_slice %arg2[%dma_start3A_97, %dma_start3A_98] : memref<10240x128xf32, #tpu.memory_space<hbm>> -> memref<10240x128xf32, #tpu.memory_space<hbm>>
    tpu.enqueue_indirect_dma source(%dma_start3A_99 : memref<10240x128xf32, #tpu.memory_space<hbm>>) target(%arg7 : memref<128x128xf32, #tpu.memory_space<vmem>>) offsets(%dma_start3A_96 : memref<128xi32, #tpu.memory_space<vmem>>) semaphore(%arg10 : memref<!tpu.dma_semaphore, #tpu.memory_space<semaphore_mem>>)
    %dma_wait3A_100 = arith.constant 38 : i32
    %dma_wait3A_101 = arith.constant 0 : i32
    %dma_wait3A_102 = arith.constant 0 : i32
    %dma_wait3A_103 = arith.constant 0 : i32
    %dma_wait3A_104 = tpu.memref_slice %arg5[%dma_wait3A_100, %dma_wait3A_102, %dma_wait3A_103] : memref<40x2x128xi32, #tpu.memory_space<vmem>> -> memref<1x2x128xi32, #tpu.memory_space<vmem>>
    %dma_wait3A_105 = tpu.memref_squeeze %dma_wait3A_104 : memref<1x2x128xi32, #tpu.memory_space<vmem>> -> memref<2x128xi32, #tpu.memory_space<vmem>>
    %dma_wait3A_106 = arith.constant 0 : i32
    %dma_wait3A_107 = tpu.memref_slice %dma_wait3A_105[%dma_wait3A_101, %dma_wait3A_106] : memref<2x128xi32, #tpu.memory_space<vmem>> -> memref<1x128xi32, #tpu.memory_space<vmem>>
    %dma_wait3A_108 = tpu.memref_squeeze %dma_wait3A_107 : memref<1x128xi32, #tpu.memory_space<vmem>> -> memref<128xi32, #tpu.memory_space<vmem>>
    %dma_wait3A_109 = arith.constant 0 : i32
    %dma_wait3A_110 = arith.constant 0 : i32
    %dma_wait3A_111 = tpu.memref_slice %arg2[%dma_wait3A_109, %dma_wait3A_110] : memref<10240x128xf32, #tpu.memory_space<hbm>> -> memref<10240x128xf32, #tpu.memory_space<hbm>>
    tpu.wait_indirect_dma semaphore(%arg9 : memref<!tpu.dma_semaphore, #tpu.memory_space<semaphore_mem>>) src(%dma_wait3A_111 : memref<10240x128xf32, #tpu.memory_space<hbm>>) dst(%arg6 : memref<128x128xf32, #tpu.memory_space<vmem>>)
    %run_scoped3A_112 = arith.constant 38 : i32
    %run_scoped3A_113 = arith.constant 1 : i32
    "tpu.region"() ({
      %run_scoped3A_135 = tpu.sem_alloc : memref<!tpu.dma_semaphore, #tpu.memory_space<semaphore_mem>>
      %dma_start3A_136 = arith.constant 0 : i32
      %dma_start3A_137 = arith.constant 0 : i32
      %dma_start3A_138 = tpu.memref_slice %arg5[%run_scoped3A_112, %dma_start3A_136, %dma_start3A_137] : memref<40x2x128xi32, #tpu.memory_space<vmem>> -> memref<1x2x128xi32, #tpu.memory_space<vmem>>
      %dma_start3A_139 = tpu.memref_squeeze %dma_start3A_138 : memref<1x2x128xi32, #tpu.memory_space<vmem>> -> memref<2x128xi32, #tpu.memory_space<vmem>>
      %dma_start3A_140 = arith.constant 0 : i32
      %dma_start3A_141 = tpu.memref_slice %dma_start3A_139[%run_scoped3A_113, %dma_start3A_140] : memref<2x128xi32, #tpu.memory_space<vmem>> -> memref<1x128xi32, #tpu.memory_space<vmem>>
      %dma_start3A_142 = tpu.memref_squeeze %dma_start3A_141 : memref<1x128xi32, #tpu.memory_space<vmem>> -> memref<128xi32, #tpu.memory_space<vmem>>
      %dma_start3A_143 = arith.constant 0 : i32
      %dma_start3A_144 = arith.constant 0 : i32
      %dma_start3A_145 = tpu.memref_slice %arg8[%dma_start3A_143, %dma_start3A_144] : memref<10240x128xf32, #tpu.memory_space<vmem_shared>> -> memref<10240x128xf32, #tpu.memory_space<vmem_shared>>
      tpu.enqueue_indirect_dma source(%arg6 : memref<128x128xf32, #tpu.memory_space<vmem>>) target(%dma_start3A_145 : memref<10240x128xf32, #tpu.memory_space<vmem_shared>>) offsets(%dma_start3A_142 : memref<128xi32, #tpu.memory_space<vmem>>) semaphore(%run_scoped3A_135 : memref<!tpu.dma_semaphore, #tpu.memory_space<semaphore_mem>>) {add = true}
      %dma_wait3A_146 = arith.constant 0 : i32
      %dma_wait3A_147 = arith.constant 0 : i32
      %dma_wait3A_148 = tpu.memref_slice %arg5[%run_scoped3A_112, %dma_wait3A_146, %dma_wait3A_147] : memref<40x2x128xi32, #tpu.memory_space<vmem>> -> memref<1x2x128xi32, #tpu.memory_space<vmem>>
      %dma_wait3A_149 = tpu.memref_squeeze %dma_wait3A_148 : memref<1x2x128xi32, #tpu.memory_space<vmem>> -> memref<2x128xi32, #tpu.memory_space<vmem>>
      %dma_wait3A_150 = arith.constant 0 : i32
      %dma_wait3A_151 = tpu.memref_slice %dma_wait3A_149[%run_scoped3A_113, %dma_wait3A_150] : memref<2x128xi32, #tpu.memory_space<vmem>> -> memref<1x128xi32, #tpu.memory_space<vmem>>
      %dma_wait3A_152 = tpu.memref_squeeze %dma_wait3A_151 : memref<1x128xi32, #tpu.memory_space<vmem>> -> memref<128xi32, #tpu.memory_space<vmem>>
      %dma_wait3A_153 = arith.constant 0 : i32
      %dma_wait3A_154 = arith.constant 0 : i32
      %dma_wait3A_155 = tpu.memref_slice %arg8[%dma_wait3A_153, %dma_wait3A_154] : memref<10240x128xf32, #tpu.memory_space<vmem_shared>> -> memref<10240x128xf32, #tpu.memory_space<vmem_shared>>
      tpu.wait_indirect_dma semaphore(%run_scoped3A_135 : memref<!tpu.dma_semaphore, #tpu.memory_space<semaphore_mem>>) src(%arg6 : memref<128x128xf32, #tpu.memory_space<vmem>>) dst(%dma_wait3A_155 : memref<10240x128xf32, #tpu.memory_space<vmem_shared>>)
      tpu.yield
    }) : () -> ()
    %dma_wait3A_114 = arith.constant 39 : i32
    %dma_wait3A_115 = arith.constant 0 : i32
    %dma_wait3A_116 = arith.constant 0 : i32
    %dma_wait3A_117 = arith.constant 0 : i32
    %dma_wait3A_118 = tpu.memref_slice %arg5[%dma_wait3A_114, %dma_wait3A_116, %dma_wait3A_117] : memref<40x2x128xi32, #tpu.memory_space<vmem>> -> memref<1x2x128xi32, #tpu.memory_space<vmem>>
    %dma_wait3A_119 = tpu.memref_squeeze %dma_wait3A_118 : memref<1x2x128xi32, #tpu.memory_space<vmem>> -> memref<2x128xi32, #tpu.memory_space<vmem>>
    %dma_wait3A_120 = arith.constant 0 : i32
    %dma_wait3A_121 = tpu.memref_slice %dma_wait3A_119[%dma_wait3A_115, %dma_wait3A_120] : memref<2x128xi32, #tpu.memory_space<vmem>> -> memref<1x128xi32, #tpu.memory_space<vmem>>
    %dma_wait3A_122 = tpu.memref_squeeze %dma_wait3A_121 : memref<1x128xi32, #tpu.memory_space<vmem>> -> memref<128xi32, #tpu.memory_space<vmem>>
    %dma_wait3A_123 = arith.constant 0 : i32
    %dma_wait3A_124 = arith.constant 0 : i32
    %dma_wait3A_125 = tpu.memref_slice %arg2[%dma_wait3A_123, %dma_wait3A_124] : memref<10240x128xf32, #tpu.memory_space<hbm>> -> memref<10240x128xf32, #tpu.memory_space<hbm>>
    tpu.wait_indirect_dma semaphore(%arg10 : memref<!tpu.dma_semaphore, #tpu.memory_space<semaphore_mem>>) src(%dma_wait3A_125 : memref<10240x128xf32, #tpu.memory_space<hbm>>) dst(%arg7 : memref<128x128xf32, #tpu.memory_space<vmem>>)
    %run_scoped3A_126 = arith.constant 39 : i32
    %run_scoped3A_127 = arith.constant 1 : i32
    "tpu.region"() ({
      %run_scoped3A_135 = tpu.sem_alloc : memref<!tpu.dma_semaphore, #tpu.memory_space<semaphore_mem>>
      %dma_start3A_136 = arith.constant 0 : i32
      %dma_start3A_137 = arith.constant 0 : i32
      %dma_start3A_138 = tpu.memref_slice %arg5[%run_scoped3A_126, %dma_start3A_136, %dma_start3A_137] : memref<40x2x128xi32, #tpu.memory_space<vmem>> -> memref<1x2x128xi32, #tpu.memory_space<vmem>>
      %dma_start3A_139 = tpu.memref_squeeze %dma_start3A_138 : memref<1x2x128xi32, #tpu.memory_space<vmem>> -> memref<2x128xi32, #tpu.memory_space<vmem>>
      %dma_start3A_140 = arith.constant 0 : i32
      %dma_start3A_141 = tpu.memref_slice %dma_start3A_139[%run_scoped3A_127, %dma_start3A_140] : memref<2x128xi32, #tpu.memory_space<vmem>> -> memref<1x128xi32, #tpu.memory_space<vmem>>
      %dma_start3A_142 = tpu.memref_squeeze %dma_start3A_141 : memref<1x128xi32, #tpu.memory_space<vmem>> -> memref<128xi32, #tpu.memory_space<vmem>>
      %dma_start3A_143 = arith.constant 0 : i32
      %dma_start3A_144 = arith.constant 0 : i32
      %dma_start3A_145 = tpu.memref_slice %arg8[%dma_start3A_143, %dma_start3A_144] : memref<10240x128xf32, #tpu.memory_space<vmem_shared>> -> memref<10240x128xf32, #tpu.memory_space<vmem_shared>>
      tpu.enqueue_indirect_dma source(%arg7 : memref<128x128xf32, #tpu.memory_space<vmem>>) target(%dma_start3A_145 : memref<10240x128xf32, #tpu.memory_space<vmem_shared>>) offsets(%dma_start3A_142 : memref<128xi32, #tpu.memory_space<vmem>>) semaphore(%run_scoped3A_135 : memref<!tpu.dma_semaphore, #tpu.memory_space<semaphore_mem>>) {add = true}
      %dma_wait3A_146 = arith.constant 0 : i32
      %dma_wait3A_147 = arith.constant 0 : i32
      %dma_wait3A_148 = tpu.memref_slice %arg5[%run_scoped3A_126, %dma_wait3A_146, %dma_wait3A_147] : memref<40x2x128xi32, #tpu.memory_space<vmem>> -> memref<1x2x128xi32, #tpu.memory_space<vmem>>
      %dma_wait3A_149 = tpu.memref_squeeze %dma_wait3A_148 : memref<1x2x128xi32, #tpu.memory_space<vmem>> -> memref<2x128xi32, #tpu.memory_space<vmem>>
      %dma_wait3A_150 = arith.constant 0 : i32
      %dma_wait3A_151 = tpu.memref_slice %dma_wait3A_149[%run_scoped3A_127, %dma_wait3A_150] : memref<2x128xi32, #tpu.memory_space<vmem>> -> memref<1x128xi32, #tpu.memory_space<vmem>>
      %dma_wait3A_152 = tpu.memref_squeeze %dma_wait3A_151 : memref<1x128xi32, #tpu.memory_space<vmem>> -> memref<128xi32, #tpu.memory_space<vmem>>
      %dma_wait3A_153 = arith.constant 0 : i32
      %dma_wait3A_154 = arith.constant 0 : i32
      %dma_wait3A_155 = tpu.memref_slice %arg8[%dma_wait3A_153, %dma_wait3A_154] : memref<10240x128xf32, #tpu.memory_space<vmem_shared>> -> memref<10240x128xf32, #tpu.memory_space<vmem_shared>>
      tpu.wait_indirect_dma semaphore(%run_scoped3A_135 : memref<!tpu.dma_semaphore, #tpu.memory_space<semaphore_mem>>) src(%arg7 : memref<128x128xf32, #tpu.memory_space<vmem>>) dst(%dma_wait3A_155 : memref<10240x128xf32, #tpu.memory_space<vmem_shared>>)
      tpu.yield
    }) : () -> ()
    %barrier3A_128 = arith.constant 0 : index
    tpu.barrier barrier_id(%barrier3A_128)
    %scan3A_129 = arith.constant 0 : i32
    %scan3A_130 = arith.constant 0 : i32
    %scan3A_131 = arith.constant 5 : i32
    %scan3A_132 = arith.addi %scan3A_130, %scan3A_131 : i32
    %scan3A_133 = arith.constant 1 : i32
    scf.for %scan3A_135 = %scan3A_130 to %scan3A_132 step %scan3A_133  : i32 {
      %mul3A_136 = arith.constant 128 : i32
      %mul3A_137 = arith.muli %scan3A_135, %mul3A_136 : i32
      %add3A_138 = arith.addi %mul3A_8, %mul3A_137 : i32
      "tpu.region"() ({
        %run_scoped3A_139 = tpu.sem_alloc : memref<!tpu.dma_semaphore, #tpu.memory_space<semaphore_mem>>
        %dma_start3A_140 = arith.constant 0 : i32
        %dma_start3A_141 = tpu.memref_slice %arg8[%add3A_138, %dma_start3A_140] : memref<10240x128xf32, #tpu.memory_space<vmem_shared>> -> memref<128x128xf32, #tpu.memory_space<vmem_shared>>
        %dma_start3A_142 = arith.constant 0 : i32
        %dma_start3A_143 = tpu.memref_slice %arg8[%add3A_138, %dma_start3A_142] : memref<10240x128xf32, #tpu.memory_space<vmem_shared>> -> memref<128x128xf32, #tpu.memory_space<vmem_shared>>
        tpu.enqueue_dma source(%dma_start3A_143 : memref<128x128xf32, #tpu.memory_space<vmem_shared>>) target(%arg6 : memref<128x128xf32, #tpu.memory_space<vmem>>) target_semaphore(%run_scoped3A_139 : memref<!tpu.dma_semaphore, #tpu.memory_space<semaphore_mem>>)
        %dma_wait3A_144 = arith.constant 0 : i32
        %dma_wait3A_145 = tpu.memref_slice %arg8[%add3A_138, %dma_wait3A_144] : memref<10240x128xf32, #tpu.memory_space<vmem_shared>> -> memref<128x128xf32, #tpu.memory_space<vmem_shared>>
        %dma_wait3A_146 = arith.constant 0 : i32
        %dma_wait3A_147 = tpu.memref_slice %arg8[%add3A_138, %dma_wait3A_146] : memref<10240x128xf32, #tpu.memory_space<vmem_shared>> -> memref<128x128xf32, #tpu.memory_space<vmem_shared>>
        tpu.wait_dma2 semaphore(%run_scoped3A_139 : memref<!tpu.dma_semaphore, #tpu.memory_space<semaphore_mem>>) src(%dma_wait3A_147 : memref<128x128xf32, #tpu.memory_space<vmem_shared>>) dst(%arg6 : memref<128x128xf32, #tpu.memory_space<vmem>>)
        tpu.yield
      }) : () -> ()
      "tpu.region"() ({
        %run_scoped3A_139 = tpu.sem_alloc : memref<!tpu.dma_semaphore, #tpu.memory_space<semaphore_mem>>
        %dma_start3A_140 = arith.constant 0 : i32
        %dma_start3A_141 = tpu.memref_slice %arg4[%arg0, %add3A_138, %dma_start3A_140] : memref<2x10240x128xf32, #tpu.memory_space<hbm>> -> memref<1x128x128xf32, #tpu.memory_space<hbm>>
        %dma_start3A_142 = tpu.memref_squeeze %dma_start3A_141 : memref<1x128x128xf32, #tpu.memory_space<hbm>> -> memref<128x128xf32, #tpu.memory_space<hbm>>
        %dma_start3A_143 = arith.constant 0 : i32
        %dma_start3A_144 = tpu.memref_slice %arg4[%arg0, %add3A_138, %dma_start3A_143] : memref<2x10240x128xf32, #tpu.memory_space<hbm>> -> memref<1x128x128xf32, #tpu.memory_space<hbm>>
        %dma_start3A_145 = tpu.memref_squeeze %dma_start3A_144 : memref<1x128x128xf32, #tpu.memory_space<hbm>> -> memref<128x128xf32, #tpu.memory_space<hbm>>
        tpu.enqueue_dma source(%arg6 : memref<128x128xf32, #tpu.memory_space<vmem>>) target(%dma_start3A_145 : memref<128x128xf32, #tpu.memory_space<hbm>>) target_semaphore(%run_scoped3A_139 : memref<!tpu.dma_semaphore, #tpu.memory_space<semaphore_mem>>)
        %dma_wait3A_146 = arith.constant 0 : i32
        %dma_wait3A_147 = tpu.memref_slice %arg4[%arg0, %add3A_138, %dma_wait3A_146] : memref<2x10240x128xf32, #tpu.memory_space<hbm>> -> memref<1x128x128xf32, #tpu.memory_space<hbm>>
        %dma_wait3A_148 = tpu.memref_squeeze %dma_wait3A_147 : memref<1x128x128xf32, #tpu.memory_space<hbm>> -> memref<128x128xf32, #tpu.memory_space<hbm>>
        %dma_wait3A_149 = arith.constant 0 : i32
        %dma_wait3A_150 = tpu.memref_slice %arg4[%arg0, %add3A_138, %dma_wait3A_149] : memref<2x10240x128xf32, #tpu.memory_space<hbm>> -> memref<1x128x128xf32, #tpu.memory_space<hbm>>
        %dma_wait3A_151 = tpu.memref_squeeze %dma_wait3A_150 : memref<1x128x128xf32, #tpu.memory_space<hbm>> -> memref<128x128xf32, #tpu.memory_space<hbm>>
        tpu.wait_dma2 semaphore(%run_scoped3A_139 : memref<!tpu.dma_semaphore, #tpu.memory_space<semaphore_mem>>) src(%arg6 : memref<128x128xf32, #tpu.memory_space<vmem>>) dst(%dma_wait3A_151 : memref<128x128xf32, #tpu.memory_space<hbm>>)
        tpu.yield
      }) : () -> ()
    }
    %scan3A_134 = arith.constant 5 : i32
    return
  }
}

#map = affine_map<(d0, d1) -> (0, 0, 0, 0)>
#map1 = affine_map<(d0, d1) -> (0, 0, 0)>
module attributes {stable_mosaic.version = 14 : i64} {
  func.func @_deg_kernel(%arg0: i32, %arg1: i32, %arg2: memref<2x16x160x128xi32, #tpu.memory_space<hbm>>, %arg3: memref<2x10240x128xf32, #tpu.memory_space<hbm>>, %arg4: memref<160x128xi32, #tpu.memory_space<vmem>>, %arg5: memref<128x128xf32, #tpu.memory_space<vmem>>, %arg6: memref<64x128xf32, #tpu.memory_space<vmem>>, %arg7: memref<10240x128xf32, #tpu.memory_space<vmem_shared>>) attributes {dimension_semantics = [#tpu.dimension_semantics<core_parallel>, #tpu.dimension_semantics<subcore_parallel>], iteration_bounds = array<i64: 2, 16>, scalar_prefetch = 0 : i64, scratch_operands = 4 : i64, tpu.core_type = #tpu.core_type<sc_vector_subcore>, window_params = [{transform_indices = #map}, {transform_indices = #map1}]} {
    "tpu.region"() ({
      %run_scoped3A = tpu.sem_alloc : memref<!tpu.dma_semaphore, #tpu.memory_space<semaphore_mem>>
      %dma_start3A = arith.constant 0 : i32
      %dma_start3A_34 = arith.constant 0 : i32
      %dma_start3A_35 = tpu.memref_slice %arg2[%arg0, %arg1, %dma_start3A, %dma_start3A_34] : memref<2x16x160x128xi32, #tpu.memory_space<hbm>> -> memref<1x1x160x128xi32, #tpu.memory_space<hbm>>
      %dma_start3A_36 = tpu.memref_squeeze %dma_start3A_35 : memref<1x1x160x128xi32, #tpu.memory_space<hbm>> -> memref<160x128xi32, #tpu.memory_space<hbm>>
      %dma_start3A_37 = arith.constant 0 : i32
      %dma_start3A_38 = arith.constant 0 : i32
      %dma_start3A_39 = tpu.memref_slice %arg2[%arg0, %arg1, %dma_start3A_37, %dma_start3A_38] : memref<2x16x160x128xi32, #tpu.memory_space<hbm>> -> memref<1x1x160x128xi32, #tpu.memory_space<hbm>>
      %dma_start3A_40 = tpu.memref_squeeze %dma_start3A_39 : memref<1x1x160x128xi32, #tpu.memory_space<hbm>> -> memref<160x128xi32, #tpu.memory_space<hbm>>
      tpu.enqueue_dma source(%dma_start3A_40 : memref<160x128xi32, #tpu.memory_space<hbm>>) target(%arg4 : memref<160x128xi32, #tpu.memory_space<vmem>>) target_semaphore(%run_scoped3A : memref<!tpu.dma_semaphore, #tpu.memory_space<semaphore_mem>>)
      %dma_wait3A = arith.constant 0 : i32
      %dma_wait3A_41 = arith.constant 0 : i32
      %dma_wait3A_42 = tpu.memref_slice %arg2[%arg0, %arg1, %dma_wait3A, %dma_wait3A_41] : memref<2x16x160x128xi32, #tpu.memory_space<hbm>> -> memref<1x1x160x128xi32, #tpu.memory_space<hbm>>
      %dma_wait3A_43 = tpu.memref_squeeze %dma_wait3A_42 : memref<1x1x160x128xi32, #tpu.memory_space<hbm>> -> memref<160x128xi32, #tpu.memory_space<hbm>>
      %dma_wait3A_44 = arith.constant 0 : i32
      %dma_wait3A_45 = arith.constant 0 : i32
      %dma_wait3A_46 = tpu.memref_slice %arg2[%arg0, %arg1, %dma_wait3A_44, %dma_wait3A_45] : memref<2x16x160x128xi32, #tpu.memory_space<hbm>> -> memref<1x1x160x128xi32, #tpu.memory_space<hbm>>
      %dma_wait3A_47 = tpu.memref_squeeze %dma_wait3A_46 : memref<1x1x160x128xi32, #tpu.memory_space<hbm>> -> memref<160x128xi32, #tpu.memory_space<hbm>>
      tpu.wait_dma2 semaphore(%run_scoped3A : memref<!tpu.dma_semaphore, #tpu.memory_space<semaphore_mem>>) src(%dma_wait3A_47 : memref<160x128xi32, #tpu.memory_space<hbm>>) dst(%arg4 : memref<160x128xi32, #tpu.memory_space<vmem>>)
      tpu.yield
    }) : () -> ()
    %broadcast_in_dim3A = arith.constant 1.000000e+00 : f32
    %broadcast_in_dim3A_0 = vector.broadcast %broadcast_in_dim3A : f32 to vector<16xf32>
    %broadcast_in_dim3A_1 = arith.constant 0.000000e+00 : f32
    %broadcast_in_dim3A_2 = vector.broadcast %broadcast_in_dim3A_1 : f32 to vector<16xf32>
    %scan3A = arith.constant 0 : i32
    %scan3A_3 = arith.constant 0 : i32
    %scan3A_4 = arith.constant 1024 : i32
    %scan3A_5 = arith.addi %scan3A_3, %scan3A_4 : i32
    %scan3A_6 = arith.constant 1 : i32
    scf.for %scan3A_34 = %scan3A_3 to %scan3A_5 step %scan3A_6  : i32 {
      %jit3A = arith.constant 8 : i32
      %div3A = arith.divsi %scan3A_34, %jit3A : i32
      %sign3A = arith.constant 0 : i32
      %sign3A_35 = arith.cmpi sgt, %scan3A_34, %sign3A : i32
      %sign3A_36 = arith.extui %sign3A_35 : i1 to i32
      %sign3A_37 = arith.constant 0 : i32
      %sign3A_38 = arith.cmpi slt, %scan3A_34, %sign3A_37 : i32
      %sign3A_39 = arith.extui %sign3A_38 : i1 to i32
      %sign3A_40 = arith.subi %sign3A_36, %sign3A_39 : i32
      %sign3A_41 = arith.constant 0 : i32
      %sign3A_42 = arith.cmpi sgt, %jit3A, %sign3A_41 : i32
      %sign3A_43 = arith.extui %sign3A_42 : i1 to i32
      %sign3A_44 = arith.constant 0 : i32
      %sign3A_45 = arith.cmpi slt, %jit3A, %sign3A_44 : i32
      %sign3A_46 = arith.extui %sign3A_45 : i1 to i32
      %sign3A_47 = arith.subi %sign3A_43, %sign3A_46 : i32
      %ne3A = arith.cmpi ne, %sign3A_40, %sign3A_47 : i32
      %rem3A = arith.remsi %scan3A_34, %jit3A : i32
      %ne3A_48 = arith.constant 0 : i32
      %ne3A_49 = arith.cmpi ne, %rem3A, %ne3A_48 : i32
      %and3A = arith.andi %ne3A, %ne3A_49 : i1
      %sub3A = arith.constant 1 : i32
      %sub3A_50 = arith.subi %div3A, %sub3A : i32
      %select_n3A = arith.select %and3A, %sub3A_50, %div3A : i32
      %jit3A_51 = arith.constant 8 : i32
      %eq3A = arith.constant 0 : i32
      %eq3A_52 = arith.cmpi eq, %jit3A_51, %eq3A : i32
      %jit3A_53 = arith.constant 1 : i32
      %select_n3A_54 = arith.select %eq3A_52, %jit3A_53, %jit3A_51 : i32
      %rem3A_55 = arith.remsi %scan3A_34, %select_n3A_54 : i32
      %ne3A_56 = arith.constant 0 : i32
      %ne3A_57 = arith.cmpi ne, %rem3A_55, %ne3A_56 : i32
      %lt3A = arith.constant 0 : i32
      %lt3A_58 = arith.cmpi slt, %rem3A_55, %lt3A : i32
      %lt3A_59 = arith.constant 0 : i32
      %lt3A_60 = arith.cmpi slt, %select_n3A_54, %lt3A_59 : i32
      %ne3A_61 = arith.xori %lt3A_58, %lt3A_60 : i1
      %and3A_62 = arith.andi %ne3A_61, %ne3A_57 : i1
      %add3A = arith.addi %rem3A_55, %select_n3A_54 : i32
      %select_n3A_63 = arith.select %and3A_62, %add3A, %rem3A_55 : i32
      %mul3A_64 = arith.constant 16 : i32
      %mul3A_65 = arith.muli %select_n3A_63, %mul3A_64 : i32
      %swap3A = arith.index_cast %select_n3A : i32 to index
      %swap3A_66 = arith.index_cast %mul3A_65 : i32 to index
      %swap3A_67 = tpu.vector_load %arg5[%swap3A, %swap3A_66] {strides = array<i32>} : memref<128x128xf32, #tpu.memory_space<vmem>>, vector<1x16xf32>,
      %swap3A_68 = vector.shape_cast %swap3A_67 : vector<1x16xf32> to vector<16xf32>
      %swap3A_69 = vector.shape_cast %broadcast_in_dim3A_0 : vector<16xf32> to vector<1x16xf32>
      tpu.vector_store %arg5[%swap3A, %swap3A_66], %swap3A_69 {strides = array<i32>} : memref<128x128xf32, #tpu.memory_space<vmem>>, vector<1x16xf32>,
    }
    %scan3A_7 = arith.constant 1024 : i32
    %scan3A_8 = arith.constant 0 : i32
    %scan3A_9 = arith.constant 0 : i32
    %scan3A_10 = arith.constant 512 : i32
    %scan3A_11 = arith.addi %scan3A_9, %scan3A_10 : i32
    %scan3A_12 = arith.constant 1 : i32
    scf.for %scan3A_34 = %scan3A_9 to %scan3A_11 step %scan3A_12  : i32 {
      %jit3A = arith.constant 8 : i32
      %div3A = arith.divsi %scan3A_34, %jit3A : i32
      %sign3A = arith.constant 0 : i32
      %sign3A_35 = arith.cmpi sgt, %scan3A_34, %sign3A : i32
      %sign3A_36 = arith.extui %sign3A_35 : i1 to i32
      %sign3A_37 = arith.constant 0 : i32
      %sign3A_38 = arith.cmpi slt, %scan3A_34, %sign3A_37 : i32
      %sign3A_39 = arith.extui %sign3A_38 : i1 to i32
      %sign3A_40 = arith.subi %sign3A_36, %sign3A_39 : i32
      %sign3A_41 = arith.constant 0 : i32
      %sign3A_42 = arith.cmpi sgt, %jit3A, %sign3A_41 : i32
      %sign3A_43 = arith.extui %sign3A_42 : i1 to i32
      %sign3A_44 = arith.constant 0 : i32
      %sign3A_45 = arith.cmpi slt, %jit3A, %sign3A_44 : i32
      %sign3A_46 = arith.extui %sign3A_45 : i1 to i32
      %sign3A_47 = arith.subi %sign3A_43, %sign3A_46 : i32
      %ne3A = arith.cmpi ne, %sign3A_40, %sign3A_47 : i32
      %rem3A = arith.remsi %scan3A_34, %jit3A : i32
      %ne3A_48 = arith.constant 0 : i32
      %ne3A_49 = arith.cmpi ne, %rem3A, %ne3A_48 : i32
      %and3A = arith.andi %ne3A, %ne3A_49 : i1
      %sub3A = arith.constant 1 : i32
      %sub3A_50 = arith.subi %div3A, %sub3A : i32
      %select_n3A = arith.select %and3A, %sub3A_50, %div3A : i32
      %jit3A_51 = arith.constant 8 : i32
      %eq3A = arith.constant 0 : i32
      %eq3A_52 = arith.cmpi eq, %jit3A_51, %eq3A : i32
      %jit3A_53 = arith.constant 1 : i32
      %select_n3A_54 = arith.select %eq3A_52, %jit3A_53, %jit3A_51 : i32
      %rem3A_55 = arith.remsi %scan3A_34, %select_n3A_54 : i32
      %ne3A_56 = arith.constant 0 : i32
      %ne3A_57 = arith.cmpi ne, %rem3A_55, %ne3A_56 : i32
      %lt3A = arith.constant 0 : i32
      %lt3A_58 = arith.cmpi slt, %rem3A_55, %lt3A : i32
      %lt3A_59 = arith.constant 0 : i32
      %lt3A_60 = arith.cmpi slt, %select_n3A_54, %lt3A_59 : i32
      %ne3A_61 = arith.xori %lt3A_58, %lt3A_60 : i1
      %and3A_62 = arith.andi %ne3A_61, %ne3A_57 : i1
      %add3A = arith.addi %rem3A_55, %select_n3A_54 : i32
      %select_n3A_63 = arith.select %and3A_62, %add3A, %rem3A_55 : i32
      %mul3A_64 = arith.constant 16 : i32
      %mul3A_65 = arith.muli %select_n3A_63, %mul3A_64 : i32
      %swap3A = arith.index_cast %select_n3A : i32 to index
      %swap3A_66 = arith.index_cast %mul3A_65 : i32 to index
      %swap3A_67 = tpu.vector_load %arg6[%swap3A, %swap3A_66] {strides = array<i32>} : memref<64x128xf32, #tpu.memory_space<vmem>>, vector<1x16xf32>,
      %swap3A_68 = vector.shape_cast %swap3A_67 : vector<1x16xf32> to vector<16xf32>
      %swap3A_69 = vector.shape_cast %broadcast_in_dim3A_2 : vector<16xf32> to vector<1x16xf32>
      tpu.vector_store %arg6[%swap3A, %swap3A_66], %swap3A_69 {strides = array<i32>} : memref<64x128xf32, #tpu.memory_space<vmem>>, vector<1x16xf32>,
    }
    %scan3A_13 = arith.constant 512 : i32
    %mul3A = arith.constant 640 : i32
    %mul3A_14 = arith.muli %arg1, %mul3A : i32
    %scan3A_15 = arith.constant 0 : i32
    %scan3A_16 = arith.constant 0 : i32
    %scan3A_17 = arith.constant 10 : i32
    %scan3A_18 = arith.addi %scan3A_16, %scan3A_17 : i32
    %scan3A_19 = arith.constant 1 : i32
    scf.for %scan3A_34 = %scan3A_16 to %scan3A_18 step %scan3A_19  : i32 {
      %mul3A_35 = arith.constant 64 : i32
      %mul3A_36 = arith.muli %scan3A_34, %mul3A_35 : i32
      %add3A = arith.addi %mul3A_14, %mul3A_36 : i32
      "tpu.region"() ({
        %run_scoped3A = tpu.sem_alloc : memref<!tpu.dma_semaphore, #tpu.memory_space<semaphore_mem>>
        %dma_start3A = arith.constant 0 : i32
        %dma_start3A_37 = tpu.memref_slice %arg7[%add3A, %dma_start3A] : memref<10240x128xf32, #tpu.memory_space<vmem_shared>> -> memref<64x128xf32, #tpu.memory_space<vmem_shared>>
        %dma_start3A_38 = arith.constant 0 : i32
        %dma_start3A_39 = tpu.memref_slice %arg7[%add3A, %dma_start3A_38] : memref<10240x128xf32, #tpu.memory_space<vmem_shared>> -> memref<64x128xf32, #tpu.memory_space<vmem_shared>>
        tpu.enqueue_dma source(%arg6 : memref<64x128xf32, #tpu.memory_space<vmem>>) target(%dma_start3A_39 : memref<64x128xf32, #tpu.memory_space<vmem_shared>>) target_semaphore(%run_scoped3A : memref<!tpu.dma_semaphore, #tpu.memory_space<semaphore_mem>>)
        %dma_wait3A = arith.constant 0 : i32
        %dma_wait3A_40 = tpu.memref_slice %arg7[%add3A, %dma_wait3A] : memref<10240x128xf32, #tpu.memory_space<vmem_shared>> -> memref<64x128xf32, #tpu.memory_space<vmem_shared>>
        %dma_wait3A_41 = arith.constant 0 : i32
        %dma_wait3A_42 = tpu.memref_slice %arg7[%add3A, %dma_wait3A_41] : memref<10240x128xf32, #tpu.memory_space<vmem_shared>> -> memref<64x128xf32, #tpu.memory_space<vmem_shared>>
        tpu.wait_dma2 semaphore(%run_scoped3A : memref<!tpu.dma_semaphore, #tpu.memory_space<semaphore_mem>>) src(%arg6 : memref<64x128xf32, #tpu.memory_space<vmem>>) dst(%dma_wait3A_42 : memref<64x128xf32, #tpu.memory_space<vmem_shared>>)
        tpu.yield
      }) : () -> ()
    }
    %scan3A_20 = arith.constant 10 : i32
    %barrier3A = arith.constant 0 : index
    tpu.barrier barrier_id(%barrier3A)
    %scan3A_21 = arith.constant 0 : i32
    %scan3A_22 = arith.constant 0 : i32
    %scan3A_23 = arith.constant 160 : i32
    %scan3A_24 = arith.addi %scan3A_22, %scan3A_23 : i32
    %scan3A_25 = arith.constant 1 : i32
    scf.for %scan3A_34 = %scan3A_22 to %scan3A_24 step %scan3A_25  : i32 {
      "tpu.region"() ({
        %run_scoped3A = tpu.sem_alloc : memref<!tpu.dma_semaphore, #tpu.memory_space<semaphore_mem>>
        %dma_start3A = arith.constant 0 : i32
        %dma_start3A_35 = tpu.memref_slice %arg4[%scan3A_34, %dma_start3A] : memref<160x128xi32, #tpu.memory_space<vmem>> -> memref<1x128xi32, #tpu.memory_space<vmem>>
        %dma_start3A_36 = tpu.memref_squeeze %dma_start3A_35 : memref<1x128xi32, #tpu.memory_space<vmem>> -> memref<128xi32, #tpu.memory_space<vmem>>
        %dma_start3A_37 = arith.constant 0 : i32
        %dma_start3A_38 = arith.constant 0 : i32
        %dma_start3A_39 = tpu.memref_slice %arg7[%dma_start3A_37, %dma_start3A_38] : memref<10240x128xf32, #tpu.memory_space<vmem_shared>> -> memref<10240x128xf32, #tpu.memory_space<vmem_shared>>
        tpu.enqueue_indirect_dma source(%arg5 : memref<128x128xf32, #tpu.memory_space<vmem>>) target(%dma_start3A_39 : memref<10240x128xf32, #tpu.memory_space<vmem_shared>>) offsets(%dma_start3A_36 : memref<128xi32, #tpu.memory_space<vmem>>) semaphore(%run_scoped3A : memref<!tpu.dma_semaphore, #tpu.memory_space<semaphore_mem>>) {add = true}
        %dma_wait3A = arith.constant 0 : i32
        %dma_wait3A_40 = tpu.memref_slice %arg4[%scan3A_34, %dma_wait3A] : memref<160x128xi32, #tpu.memory_space<vmem>> -> memref<1x128xi32, #tpu.memory_space<vmem>>
        %dma_wait3A_41 = tpu.memref_squeeze %dma_wait3A_40 : memref<1x128xi32, #tpu.memory_space<vmem>> -> memref<128xi32, #tpu.memory_space<vmem>>
        %dma_wait3A_42 = arith.constant 0 : i32
        %dma_wait3A_43 = arith.constant 0 : i32
        %dma_wait3A_44 = tpu.memref_slice %arg7[%dma_wait3A_42, %dma_wait3A_43] : memref<10240x128xf32, #tpu.memory_space<vmem_shared>> -> memref<10240x128xf32, #tpu.memory_space<vmem_shared>>
        tpu.wait_indirect_dma semaphore(%run_scoped3A : memref<!tpu.dma_semaphore, #tpu.memory_space<semaphore_mem>>) src(%arg5 : memref<128x128xf32, #tpu.memory_space<vmem>>) dst(%dma_wait3A_44 : memref<10240x128xf32, #tpu.memory_space<vmem_shared>>)
        tpu.yield
      }) : () -> ()
    }
    %scan3A_26 = arith.constant 160 : i32
    %barrier3A_27 = arith.constant 0 : index
    tpu.barrier barrier_id(%barrier3A_27)
    %scan3A_28 = arith.constant 0 : i32
    %scan3A_29 = arith.constant 0 : i32
    %scan3A_30 = arith.constant 10 : i32
    %scan3A_31 = arith.addi %scan3A_29, %scan3A_30 : i32
    %scan3A_32 = arith.constant 1 : i32
    scf.for %scan3A_34 = %scan3A_29 to %scan3A_31 step %scan3A_32  : i32 {
      %mul3A_35 = arith.constant 64 : i32
      %mul3A_36 = arith.muli %scan3A_34, %mul3A_35 : i32
      %add3A = arith.addi %mul3A_14, %mul3A_36 : i32
      "tpu.region"() ({
        %run_scoped3A = tpu.sem_alloc : memref<!tpu.dma_semaphore, #tpu.memory_space<semaphore_mem>>
        %dma_start3A = arith.constant 0 : i32
        %dma_start3A_37 = tpu.memref_slice %arg7[%add3A, %dma_start3A] : memref<10240x128xf32, #tpu.memory_space<vmem_shared>> -> memref<64x128xf32, #tpu.memory_space<vmem_shared>>
        %dma_start3A_38 = arith.constant 0 : i32
        %dma_start3A_39 = tpu.memref_slice %arg7[%add3A, %dma_start3A_38] : memref<10240x128xf32, #tpu.memory_space<vmem_shared>> -> memref<64x128xf32, #tpu.memory_space<vmem_shared>>
        tpu.enqueue_dma source(%dma_start3A_39 : memref<64x128xf32, #tpu.memory_space<vmem_shared>>) target(%arg6 : memref<64x128xf32, #tpu.memory_space<vmem>>) target_semaphore(%run_scoped3A : memref<!tpu.dma_semaphore, #tpu.memory_space<semaphore_mem>>)
        %dma_wait3A = arith.constant 0 : i32
        %dma_wait3A_40 = tpu.memref_slice %arg7[%add3A, %dma_wait3A] : memref<10240x128xf32, #tpu.memory_space<vmem_shared>> -> memref<64x128xf32, #tpu.memory_space<vmem_shared>>
        %dma_wait3A_41 = arith.constant 0 : i32
        %dma_wait3A_42 = tpu.memref_slice %arg7[%add3A, %dma_wait3A_41] : memref<10240x128xf32, #tpu.memory_space<vmem_shared>> -> memref<64x128xf32, #tpu.memory_space<vmem_shared>>
        tpu.wait_dma2 semaphore(%run_scoped3A : memref<!tpu.dma_semaphore, #tpu.memory_space<semaphore_mem>>) src(%dma_wait3A_42 : memref<64x128xf32, #tpu.memory_space<vmem_shared>>) dst(%arg6 : memref<64x128xf32, #tpu.memory_space<vmem>>)
        tpu.yield
      }) : () -> ()
      "tpu.region"() ({
        %run_scoped3A = tpu.sem_alloc : memref<!tpu.dma_semaphore, #tpu.memory_space<semaphore_mem>>
        %dma_start3A = arith.constant 0 : i32
        %dma_start3A_37 = tpu.memref_slice %arg3[%arg0, %add3A, %dma_start3A] : memref<2x10240x128xf32, #tpu.memory_space<hbm>> -> memref<1x64x128xf32, #tpu.memory_space<hbm>>
        %dma_start3A_38 = tpu.memref_squeeze %dma_start3A_37 : memref<1x64x128xf32, #tpu.memory_space<hbm>> -> memref<64x128xf32, #tpu.memory_space<hbm>>
        %dma_start3A_39 = arith.constant 0 : i32
        %dma_start3A_40 = tpu.memref_slice %arg3[%arg0, %add3A, %dma_start3A_39] : memref<2x10240x128xf32, #tpu.memory_space<hbm>> -> memref<1x64x128xf32, #tpu.memory_space<hbm>>
        %dma_start3A_41 = tpu.memref_squeeze %dma_start3A_40 : memref<1x64x128xf32, #tpu.memory_space<hbm>> -> memref<64x128xf32, #tpu.memory_space<hbm>>
        tpu.enqueue_dma source(%arg6 : memref<64x128xf32, #tpu.memory_space<vmem>>) target(%dma_start3A_41 : memref<64x128xf32, #tpu.memory_space<hbm>>) target_semaphore(%run_scoped3A : memref<!tpu.dma_semaphore, #tpu.memory_space<semaphore_mem>>)
        %dma_wait3A = arith.constant 0 : i32
        %dma_wait3A_42 = tpu.memref_slice %arg3[%arg0, %add3A, %dma_wait3A] : memref<2x10240x128xf32, #tpu.memory_space<hbm>> -> memref<1x64x128xf32, #tpu.memory_space<hbm>>
        %dma_wait3A_43 = tpu.memref_squeeze %dma_wait3A_42 : memref<1x64x128xf32, #tpu.memory_space<hbm>> -> memref<64x128xf32, #tpu.memory_space<hbm>>
        %dma_wait3A_44 = arith.constant 0 : i32
        %dma_wait3A_45 = tpu.memref_slice %arg3[%arg0, %add3A, %dma_wait3A_44] : memref<2x10240x128xf32, #tpu.memory_space<hbm>> -> memref<1x64x128xf32, #tpu.memory_space<hbm>>
        %dma_wait3A_46 = tpu.memref_squeeze %dma_wait3A_45 : memref<1x64x128xf32, #tpu.memory_space<hbm>> -> memref<64x128xf32, #tpu.memory_space<hbm>>
        tpu.wait_dma2 semaphore(%run_scoped3A : memref<!tpu.dma_semaphore, #tpu.memory_space<semaphore_mem>>) src(%arg6 : memref<64x128xf32, #tpu.memory_space<vmem>>) dst(%dma_wait3A_46 : memref<64x128xf32, #tpu.memory_space<hbm>>)
        tpu.yield
      }) : () -> ()
    }
    %scan3A_33 = arith.constant 10 : i32
    return
  }
}

#map = affine_map<(d0, d1) -> (0, 0)>
#map1 = affine_map<(d0, d1) -> (0, 0, 0, 0)>
#map2 = affine_map<(d0, d1) -> (0, 0, 0)>
module attributes {stable_mosaic.version = 14 : i64} {
  func.func @_gs_kernel(%arg0: i32, %arg1: i32, %arg2: memref<10240x128xf32, #tpu.memory_space<hbm>>, %arg3: memref<32x80x2x128xi32, #tpu.memory_space<hbm>>, %arg4: memref<2x10240x128xf32, #tpu.memory_space<hbm>>, %arg5: memref<40x2x128xi32, #tpu.memory_space<vmem>>, %arg6: memref<128x128xf32, #tpu.memory_space<vmem>>, %arg7: memref<128x128xf32, #tpu.memory_space<vmem>>, %arg8: memref<10240x128xf32, #tpu.memory_space<vmem_shared>>, %arg9: memref<!tpu.dma_semaphore, #tpu.memory_space<semaphore_mem>>, %arg10: memref<!tpu.dma_semaphore, #tpu.memory_space<semaphore_mem>>) attributes {dimension_semantics = [#tpu.dimension_semantics<core_parallel>, #tpu.dimension_semantics<subcore_parallel>], iteration_bounds = array<i64: 2, 16>, scalar_prefetch = 0 : i64, scratch_operands = 6 : i64, tpu.core_type = #tpu.core_type<sc_vector_subcore>, window_params = [{transform_indices = #map}, {transform_indices = #map1}, {transform_indices = #map2}]} {
    %mul3A = arith.constant 16 : i32
    %mul3A_0 = arith.muli %arg0, %mul3A : i32
    %add3A = arith.addi %mul3A_0, %arg1 : i32
    %broadcast_in_dim3A = arith.constant 0.000000e+00 : f32
    %broadcast_in_dim3A_1 = vector.broadcast %broadcast_in_dim3A : f32 to vector<16xf32>
    %scan3A = arith.constant 0 : i32
    %scan3A_2 = arith.constant 0 : i32
    %scan3A_3 = arith.constant 1024 : i32
    %scan3A_4 = arith.addi %scan3A_2, %scan3A_3 : i32
    %scan3A_5 = arith.constant 1 : i32
    scf.for %scan3A_135 = %scan3A_2 to %scan3A_4 step %scan3A_5  : i32 {
      %jit3A = arith.constant 8 : i32
      %div3A = arith.divsi %scan3A_135, %jit3A : i32
      %sign3A = arith.constant 0 : i32
      %sign3A_136 = arith.cmpi sgt, %scan3A_135, %sign3A : i32
      %sign3A_137 = arith.extui %sign3A_136 : i1 to i32
      %sign3A_138 = arith.constant 0 : i32
      %sign3A_139 = arith.cmpi slt, %scan3A_135, %sign3A_138 : i32
      %sign3A_140 = arith.extui %sign3A_139 : i1 to i32
      %sign3A_141 = arith.subi %sign3A_137, %sign3A_140 : i32
      %sign3A_142 = arith.constant 0 : i32
      %sign3A_143 = arith.cmpi sgt, %jit3A, %sign3A_142 : i32
      %sign3A_144 = arith.extui %sign3A_143 : i1 to i32
      %sign3A_145 = arith.constant 0 : i32
      %sign3A_146 = arith.cmpi slt, %jit3A, %sign3A_145 : i32
      %sign3A_147 = arith.extui %sign3A_146 : i1 to i32
      %sign3A_148 = arith.subi %sign3A_144, %sign3A_147 : i32
      %ne3A = arith.cmpi ne, %sign3A_141, %sign3A_148 : i32
      %rem3A = arith.remsi %scan3A_135, %jit3A : i32
      %ne3A_149 = arith.constant 0 : i32
      %ne3A_150 = arith.cmpi ne, %rem3A, %ne3A_149 : i32
      %and3A = arith.andi %ne3A, %ne3A_150 : i1
      %sub3A = arith.constant 1 : i32
      %sub3A_151 = arith.subi %div3A, %sub3A : i32
      %select_n3A = arith.select %and3A, %sub3A_151, %div3A : i32
      %jit3A_152 = arith.constant 8 : i32
      %eq3A = arith.constant 0 : i32
      %eq3A_153 = arith.cmpi eq, %jit3A_152, %eq3A : i32
      %jit3A_154 = arith.constant 1 : i32
      %select_n3A_155 = arith.select %eq3A_153, %jit3A_154, %jit3A_152 : i32
      %rem3A_156 = arith.remsi %scan3A_135, %select_n3A_155 : i32
      %ne3A_157 = arith.constant 0 : i32
      %ne3A_158 = arith.cmpi ne, %rem3A_156, %ne3A_157 : i32
      %lt3A = arith.constant 0 : i32
      %lt3A_159 = arith.cmpi slt, %rem3A_156, %lt3A : i32
      %lt3A_160 = arith.constant 0 : i32
      %lt3A_161 = arith.cmpi slt, %select_n3A_155, %lt3A_160 : i32
      %ne3A_162 = arith.xori %lt3A_159, %lt3A_161 : i1
      %and3A_163 = arith.andi %ne3A_162, %ne3A_158 : i1
      %add3A_164 = arith.addi %rem3A_156, %select_n3A_155 : i32
      %select_n3A_165 = arith.select %and3A_163, %add3A_164, %rem3A_156 : i32
      %mul3A_166 = arith.constant 16 : i32
      %mul3A_167 = arith.muli %select_n3A_165, %mul3A_166 : i32
      %swap3A = arith.index_cast %select_n3A : i32 to index
      %swap3A_168 = arith.index_cast %mul3A_167 : i32 to index
      %swap3A_169 = tpu.vector_load %arg6[%swap3A, %swap3A_168] {strides = array<i32>} : memref<128x128xf32, #tpu.memory_space<vmem>>, vector<1x16xf32>,
      %swap3A_170 = vector.shape_cast %swap3A_169 : vector<1x16xf32> to vector<16xf32>
      %swap3A_171 = vector.shape_cast %broadcast_in_dim3A_1 : vector<16xf32> to vector<1x16xf32>
      tpu.vector_store %arg6[%swap3A, %swap3A_168], %swap3A_171 {strides = array<i32>} : memref<128x128xf32, #tpu.memory_space<vmem>>, vector<1x16xf32>,
    }
    %scan3A_6 = arith.constant 1024 : i32
    %mul3A_7 = arith.constant 640 : i32
    %mul3A_8 = arith.muli %arg1, %mul3A_7 : i32
    %scan3A_9 = arith.constant 0 : i32
    %scan3A_10 = arith.constant 0 : i32
    %scan3A_11 = arith.constant 5 : i32
    %scan3A_12 = arith.addi %scan3A_10, %scan3A_11 : i32
    %scan3A_13 = arith.constant 1 : i32
    scf.for %scan3A_135 = %scan3A_10 to %scan3A_12 step %scan3A_13  : i32 {
      %mul3A_136 = arith.constant 128 : i32
      %mul3A_137 = arith.muli %scan3A_135, %mul3A_136 : i32
      %add3A_138 = arith.addi %mul3A_8, %mul3A_137 : i32
      "tpu.region"() ({
        %run_scoped3A_139 = tpu.sem_alloc : memref<!tpu.dma_semaphore, #tpu.memory_space<semaphore_mem>>
        %dma_start3A_140 = arith.constant 0 : i32
        %dma_start3A_141 = tpu.memref_slice %arg8[%add3A_138, %dma_start3A_140] : memref<10240x128xf32, #tpu.memory_space<vmem_shared>> -> memref<128x128xf32, #tpu.memory_space<vmem_shared>>
        %dma_start3A_142 = arith.constant 0 : i32
        %dma_start3A_143 = tpu.memref_slice %arg8[%add3A_138, %dma_start3A_142] : memref<10240x128xf32, #tpu.memory_space<vmem_shared>> -> memref<128x128xf32, #tpu.memory_space<vmem_shared>>
        tpu.enqueue_dma source(%arg6 : memref<128x128xf32, #tpu.memory_space<vmem>>) target(%dma_start3A_143 : memref<128x128xf32, #tpu.memory_space<vmem_shared>>) target_semaphore(%run_scoped3A_139 : memref<!tpu.dma_semaphore, #tpu.memory_space<semaphore_mem>>)
        %dma_wait3A_144 = arith.constant 0 : i32
        %dma_wait3A_145 = tpu.memref_slice %arg8[%add3A_138, %dma_wait3A_144] : memref<10240x128xf32, #tpu.memory_space<vmem_shared>> -> memref<128x128xf32, #tpu.memory_space<vmem_shared>>
        %dma_wait3A_146 = arith.constant 0 : i32
        %dma_wait3A_147 = tpu.memref_slice %arg8[%add3A_138, %dma_wait3A_146] : memref<10240x128xf32, #tpu.memory_space<vmem_shared>> -> memref<128x128xf32, #tpu.memory_space<vmem_shared>>
        tpu.wait_dma2 semaphore(%run_scoped3A_139 : memref<!tpu.dma_semaphore, #tpu.memory_space<semaphore_mem>>) src(%arg6 : memref<128x128xf32, #tpu.memory_space<vmem>>) dst(%dma_wait3A_147 : memref<128x128xf32, #tpu.memory_space<vmem_shared>>)
        tpu.yield
      }) : () -> ()
    }
    %scan3A_14 = arith.constant 5 : i32
    %barrier3A = arith.constant 0 : index
    tpu.barrier barrier_id(%barrier3A)
    "tpu.region"() ({
      %run_scoped3A_135 = tpu.sem_alloc : memref<!tpu.dma_semaphore, #tpu.memory_space<semaphore_mem>>
      %dma_start3A_136 = arith.constant 0 : i32
      %dma_start3A_137 = arith.constant 0 : i32
      %dma_start3A_138 = arith.constant 0 : i32
      %dma_start3A_139 = tpu.memref_slice %arg3[%add3A, %dma_start3A_136, %dma_start3A_137, %dma_start3A_138] : memref<32x80x2x128xi32, #tpu.memory_space<hbm>> -> memref<1x40x2x128xi32, #tpu.memory_space<hbm>>
      %dma_start3A_140 = tpu.memref_squeeze %dma_start3A_139 : memref<1x40x2x128xi32, #tpu.memory_space<hbm>> -> memref<40x2x128xi32, #tpu.memory_space<hbm>>
      %dma_start3A_141 = arith.constant 0 : i32
      %dma_start3A_142 = arith.constant 0 : i32
      %dma_start3A_143 = arith.constant 0 : i32
      %dma_start3A_144 = tpu.memref_slice %arg3[%add3A, %dma_start3A_141, %dma_start3A_142, %dma_start3A_143] : memref<32x80x2x128xi32, #tpu.memory_space<hbm>> -> memref<1x40x2x128xi32, #tpu.memory_space<hbm>>
      %dma_start3A_145 = tpu.memref_squeeze %dma_start3A_144 : memref<1x40x2x128xi32, #tpu.memory_space<hbm>> -> memref<40x2x128xi32, #tpu.memory_space<hbm>>
      tpu.enqueue_dma source(%dma_start3A_145 : memref<40x2x128xi32, #tpu.memory_space<hbm>>) target(%arg5 : memref<40x2x128xi32, #tpu.memory_space<vmem>>) target_semaphore(%run_scoped3A_135 : memref<!tpu.dma_semaphore, #tpu.memory_space<semaphore_mem>>)
      %dma_wait3A_146 = arith.constant 0 : i32
      %dma_wait3A_147 = arith.constant 0 : i32
      %dma_wait3A_148 = arith.constant 0 : i32
      %dma_wait3A_149 = tpu.memref_slice %arg3[%add3A, %dma_wait3A_146, %dma_wait3A_147, %dma_wait3A_148] : memref<32x80x2x128xi32, #tpu.memory_space<hbm>> -> memref<1x40x2x128xi32, #tpu.memory_space<hbm>>
      %dma_wait3A_150 = tpu.memref_squeeze %dma_wait3A_149 : memref<1x40x2x128xi32, #tpu.memory_space<hbm>> -> memref<40x2x128xi32, #tpu.memory_space<hbm>>
      %dma_wait3A_151 = arith.constant 0 : i32
      %dma_wait3A_152 = arith.constant 0 : i32
      %dma_wait3A_153 = arith.constant 0 : i32
      %dma_wait3A_154 = tpu.memref_slice %arg3[%add3A, %dma_wait3A_151, %dma_wait3A_152, %dma_wait3A_153] : memref<32x80x2x128xi32, #tpu.memory_space<hbm>> -> memref<1x40x2x128xi32, #tpu.memory_space<hbm>>
      %dma_wait3A_155 = tpu.memref_squeeze %dma_wait3A_154 : memref<1x40x2x128xi32, #tpu.memory_space<hbm>> -> memref<40x2x128xi32, #tpu.memory_space<hbm>>
      tpu.wait_dma2 semaphore(%run_scoped3A_135 : memref<!tpu.dma_semaphore, #tpu.memory_space<semaphore_mem>>) src(%dma_wait3A_155 : memref<40x2x128xi32, #tpu.memory_space<hbm>>) dst(%arg5 : memref<40x2x128xi32, #tpu.memory_space<vmem>>)
      tpu.yield
    }) : () -> ()
    %dma_start3A = arith.constant 0 : i32
    %dma_start3A_15 = arith.constant 0 : i32
    %dma_start3A_16 = arith.constant 0 : i32
    %dma_start3A_17 = arith.constant 0 : i32
    %dma_start3A_18 = tpu.memref_slice %arg5[%dma_start3A, %dma_start3A_16, %dma_start3A_17] : memref<40x2x128xi32, #tpu.memory_space<vmem>> -> memref<1x2x128xi32, #tpu.memory_space<vmem>>
    %dma_start3A_19 = tpu.memref_squeeze %dma_start3A_18 : memref<1x2x128xi32, #tpu.memory_space<vmem>> -> memref<2x128xi32, #tpu.memory_space<vmem>>
    %dma_start3A_20 = arith.constant 0 : i32
    %dma_start3A_21 = tpu.memref_slice %dma_start3A_19[%dma_start3A_15, %dma_start3A_20] : memref<2x128xi32, #tpu.memory_space<vmem>> -> memref<1x128xi32, #tpu.memory_space<vmem>>
    %dma_start3A_22 = tpu.memref_squeeze %dma_start3A_21 : memref<1x128xi32, #tpu.memory_space<vmem>> -> memref<128xi32, #tpu.memory_space<vmem>>
    %dma_start3A_23 = arith.constant 0 : i32
    %dma_start3A_24 = arith.constant 0 : i32
    %dma_start3A_25 = tpu.memref_slice %arg2[%dma_start3A_23, %dma_start3A_24] : memref<10240x128xf32, #tpu.memory_space<hbm>> -> memref<10240x128xf32, #tpu.memory_space<hbm>>
    tpu.enqueue_indirect_dma source(%dma_start3A_25 : memref<10240x128xf32, #tpu.memory_space<hbm>>) target(%arg6 : memref<128x128xf32, #tpu.memory_space<vmem>>) offsets(%dma_start3A_22 : memref<128xi32, #tpu.memory_space<vmem>>) semaphore(%arg9 : memref<!tpu.dma_semaphore, #tpu.memory_space<semaphore_mem>>)
    %scan3A_26 = arith.constant 0 : i32
    %scan3A_27 = arith.constant 0 : i32
    %scan3A_28 = arith.constant 19 : i32
    %scan3A_29 = arith.addi %scan3A_27, %scan3A_28 : i32
    %scan3A_30 = arith.constant 1 : i32
    scf.for %scan3A_135 = %scan3A_27 to %scan3A_29 step %scan3A_30  : i32 {
      %mul3A_136 = arith.constant 2 : i32
      %mul3A_137 = arith.muli %mul3A_136, %scan3A_135 : i32
      %add3A_138 = arith.constant 1 : i32
      %add3A_139 = arith.addi %mul3A_137, %add3A_138 : i32
      %add3A_140 = arith.constant 2 : i32
      %add3A_141 = arith.addi %mul3A_137, %add3A_140 : i32
      %dma_start3A_142 = arith.constant 0 : i32
      %dma_start3A_143 = arith.constant 0 : i32
      %dma_start3A_144 = arith.constant 0 : i32
      %dma_start3A_145 = tpu.memref_slice %arg5[%add3A_139, %dma_start3A_143, %dma_start3A_144] : memref<40x2x128xi32, #tpu.memory_space<vmem>> -> memref<1x2x128xi32, #tpu.memory_space<vmem>>
      %dma_start3A_146 = tpu.memref_squeeze %dma_start3A_145 : memref<1x2x128xi32, #tpu.memory_space<vmem>> -> memref<2x128xi32, #tpu.memory_space<vmem>>
      %dma_start3A_147 = arith.constant 0 : i32
      %dma_start3A_148 = tpu.memref_slice %dma_start3A_146[%dma_start3A_142, %dma_start3A_147] : memref<2x128xi32, #tpu.memory_space<vmem>> -> memref<1x128xi32, #tpu.memory_space<vmem>>
      %dma_start3A_149 = tpu.memref_squeeze %dma_start3A_148 : memref<1x128xi32, #tpu.memory_space<vmem>> -> memref<128xi32, #tpu.memory_space<vmem>>
      %dma_start3A_150 = arith.constant 0 : i32
      %dma_start3A_151 = arith.constant 0 : i32
      %dma_start3A_152 = tpu.memref_slice %arg2[%dma_start3A_150, %dma_start3A_151] : memref<10240x128xf32, #tpu.memory_space<hbm>> -> memref<10240x128xf32, #tpu.memory_space<hbm>>
      tpu.enqueue_indirect_dma source(%dma_start3A_152 : memref<10240x128xf32, #tpu.memory_space<hbm>>) target(%arg7 : memref<128x128xf32, #tpu.memory_space<vmem>>) offsets(%dma_start3A_149 : memref<128xi32, #tpu.memory_space<vmem>>) semaphore(%arg10 : memref<!tpu.dma_semaphore, #tpu.memory_space<semaphore_mem>>)
      %dma_wait3A_153 = arith.constant 0 : i32
      %dma_wait3A_154 = arith.constant 0 : i32
      %dma_wait3A_155 = arith.constant 0 : i32
      %dma_wait3A_156 = tpu.memref_slice %arg5[%mul3A_137, %dma_wait3A_154, %dma_wait3A_155] : memref<40x2x128xi32, #tpu.memory_space<vmem>> -> memref<1x2x128xi32, #tpu.memory_space<vmem>>
      %dma_wait3A_157 = tpu.memref_squeeze %dma_wait3A_156 : memref<1x2x128xi32, #tpu.memory_space<vmem>> -> memref<2x128xi32, #tpu.memory_space<vmem>>
      %dma_wait3A_158 = arith.constant 0 : i32
      %dma_wait3A_159 = tpu.memref_slice %dma_wait3A_157[%dma_wait3A_153, %dma_wait3A_158] : memref<2x128xi32, #tpu.memory_space<vmem>> -> memref<1x128xi32, #tpu.memory_space<vmem>>
      %dma_wait3A_160 = tpu.memref_squeeze %dma_wait3A_159 : memref<1x128xi32, #tpu.memory_space<vmem>> -> memref<128xi32, #tpu.memory_space<vmem>>
      %dma_wait3A_161 = arith.constant 0 : i32
      %dma_wait3A_162 = arith.constant 0 : i32
      %dma_wait3A_163 = tpu.memref_slice %arg2[%dma_wait3A_161, %dma_wait3A_162] : memref<10240x128xf32, #tpu.memory_space<hbm>> -> memref<10240x128xf32, #tpu.memory_space<hbm>>
      tpu.wait_indirect_dma semaphore(%arg9 : memref<!tpu.dma_semaphore, #tpu.memory_space<semaphore_mem>>) src(%dma_wait3A_163 : memref<10240x128xf32, #tpu.memory_space<hbm>>) dst(%arg6 : memref<128x128xf32, #tpu.memory_space<vmem>>)
      %run_scoped3A_164 = arith.constant 1 : i32
      "tpu.region"() ({
        %run_scoped3A_188 = tpu.sem_alloc : memref<!tpu.dma_semaphore, #tpu.memory_space<semaphore_mem>>
        %dma_start3A_189 = arith.constant 0 : i32
        %dma_start3A_190 = arith.constant 0 : i32
        %dma_start3A_191 = tpu.memref_slice %arg5[%mul3A_137, %dma_start3A_189, %dma_start3A_190] : memref<40x2x128xi32, #tpu.memory_space<vmem>> -> memref<1x2x128xi32, #tpu.memory_space<vmem>>
        %dma_start3A_192 = tpu.memref_squeeze %dma_start3A_191 : memref<1x2x128xi32, #tpu.memory_space<vmem>> -> memref<2x128xi32, #tpu.memory_space<vmem>>
        %dma_start3A_193 = arith.constant 0 : i32
        %dma_start3A_194 = tpu.memref_slice %dma_start3A_192[%run_scoped3A_164, %dma_start3A_193] : memref<2x128xi32, #tpu.memory_space<vmem>> -> memref<1x128xi32, #tpu.memory_space<vmem>>
        %dma_start3A_195 = tpu.memref_squeeze %dma_start3A_194 : memref<1x128xi32, #tpu.memory_space<vmem>> -> memref<128xi32, #tpu.memory_space<vmem>>
        %dma_start3A_196 = arith.constant 0 : i32
        %dma_start3A_197 = arith.constant 0 : i32
        %dma_start3A_198 = tpu.memref_slice %arg8[%dma_start3A_196, %dma_start3A_197] : memref<10240x128xf32, #tpu.memory_space<vmem_shared>> -> memref<10240x128xf32, #tpu.memory_space<vmem_shared>>
        tpu.enqueue_indirect_dma source(%arg6 : memref<128x128xf32, #tpu.memory_space<vmem>>) target(%dma_start3A_198 : memref<10240x128xf32, #tpu.memory_space<vmem_shared>>) offsets(%dma_start3A_195 : memref<128xi32, #tpu.memory_space<vmem>>) semaphore(%run_scoped3A_188 : memref<!tpu.dma_semaphore, #tpu.memory_space<semaphore_mem>>) {add = true}
        %dma_wait3A_199 = arith.constant 0 : i32
        %dma_wait3A_200 = arith.constant 0 : i32
        %dma_wait3A_201 = tpu.memref_slice %arg5[%mul3A_137, %dma_wait3A_199, %dma_wait3A_200] : memref<40x2x128xi32, #tpu.memory_space<vmem>> -> memref<1x2x128xi32, #tpu.memory_space<vmem>>
        %dma_wait3A_202 = tpu.memref_squeeze %dma_wait3A_201 : memref<1x2x128xi32, #tpu.memory_space<vmem>> -> memref<2x128xi32, #tpu.memory_space<vmem>>
        %dma_wait3A_203 = arith.constant 0 : i32
        %dma_wait3A_204 = tpu.memref_slice %dma_wait3A_202[%run_scoped3A_164, %dma_wait3A_203] : memref<2x128xi32, #tpu.memory_space<vmem>> -> memref<1x128xi32, #tpu.memory_space<vmem>>
        %dma_wait3A_205 = tpu.memref_squeeze %dma_wait3A_204 : memref<1x128xi32, #tpu.memory_space<vmem>> -> memref<128xi32, #tpu.memory_space<vmem>>
        %dma_wait3A_206 = arith.constant 0 : i32
        %dma_wait3A_207 = arith.constant 0 : i32
        %dma_wait3A_208 = tpu.memref_slice %arg8[%dma_wait3A_206, %dma_wait3A_207] : memref<10240x128xf32, #tpu.memory_space<vmem_shared>> -> memref<10240x128xf32, #tpu.memory_space<vmem_shared>>
        tpu.wait_indirect_dma semaphore(%run_scoped3A_188 : memref<!tpu.dma_semaphore, #tpu.memory_space<semaphore_mem>>) src(%arg6 : memref<128x128xf32, #tpu.memory_space<vmem>>) dst(%dma_wait3A_208 : memref<10240x128xf32, #tpu.memory_space<vmem_shared>>)
        tpu.yield
      }) : () -> ()
      %dma_start3A_165 = arith.constant 0 : i32
      %dma_start3A_166 = arith.constant 0 : i32
      %dma_start3A_167 = arith.constant 0 : i32
      %dma_start3A_168 = tpu.memref_slice %arg5[%add3A_141, %dma_start3A_166, %dma_start3A_167] : memref<40x2x128xi32, #tpu.memory_space<vmem>> -> memref<1x2x128xi32, #tpu.memory_space<vmem>>
      %dma_start3A_169 = tpu.memref_squeeze %dma_start3A_168 : memref<1x2x128xi32, #tpu.memory_space<vmem>> -> memref<2x128xi32, #tpu.memory_space<vmem>>
      %dma_start3A_170 = arith.constant 0 : i32
      %dma_start3A_171 = tpu.memref_slice %dma_start3A_169[%dma_start3A_165, %dma_start3A_170] : memref<2x128xi32, #tpu.memory_space<vmem>> -> memref<1x128xi32, #tpu.memory_space<vmem>>
      %dma_start3A_172 = tpu.memref_squeeze %dma_start3A_171 : memref<1x128xi32, #tpu.memory_space<vmem>> -> memref<128xi32, #tpu.memory_space<vmem>>
      %dma_start3A_173 = arith.constant 0 : i32
      %dma_start3A_174 = arith.constant 0 : i32
      %dma_start3A_175 = tpu.memref_slice %arg2[%dma_start3A_173, %dma_start3A_174] : memref<10240x128xf32, #tpu.memory_space<hbm>> -> memref<10240x128xf32, #tpu.memory_space<hbm>>
      tpu.enqueue_indirect_dma source(%dma_start3A_175 : memref<10240x128xf32, #tpu.memory_space<hbm>>) target(%arg6 : memref<128x128xf32, #tpu.memory_space<vmem>>) offsets(%dma_start3A_172 : memref<128xi32, #tpu.memory_space<vmem>>) semaphore(%arg9 : memref<!tpu.dma_semaphore, #tpu.memory_space<semaphore_mem>>)
      %dma_wait3A_176 = arith.constant 0 : i32
      %dma_wait3A_177 = arith.constant 0 : i32
      %dma_wait3A_178 = arith.constant 0 : i32
      %dma_wait3A_179 = tpu.memref_slice %arg5[%add3A_139, %dma_wait3A_177, %dma_wait3A_178] : memref<40x2x128xi32, #tpu.memory_space<vmem>> -> memref<1x2x128xi32, #tpu.memory_space<vmem>>
      %dma_wait3A_180 = tpu.memref_squeeze %dma_wait3A_179 : memref<1x2x128xi32, #tpu.memory_space<vmem>> -> memref<2x128xi32, #tpu.memory_space<vmem>>
      %dma_wait3A_181 = arith.constant 0 : i32
      %dma_wait3A_182 = tpu.memref_slice %dma_wait3A_180[%dma_wait3A_176, %dma_wait3A_181] : memref<2x128xi32, #tpu.memory_space<vmem>> -> memref<1x128xi32, #tpu.memory_space<vmem>>
      %dma_wait3A_183 = tpu.memref_squeeze %dma_wait3A_182 : memref<1x128xi32, #tpu.memory_space<vmem>> -> memref<128xi32, #tpu.memory_space<vmem>>
      %dma_wait3A_184 = arith.constant 0 : i32
      %dma_wait3A_185 = arith.constant 0 : i32
      %dma_wait3A_186 = tpu.memref_slice %arg2[%dma_wait3A_184, %dma_wait3A_185] : memref<10240x128xf32, #tpu.memory_space<hbm>> -> memref<10240x128xf32, #tpu.memory_space<hbm>>
      tpu.wait_indirect_dma semaphore(%arg10 : memref<!tpu.dma_semaphore, #tpu.memory_space<semaphore_mem>>) src(%dma_wait3A_186 : memref<10240x128xf32, #tpu.memory_space<hbm>>) dst(%arg7 : memref<128x128xf32, #tpu.memory_space<vmem>>)
      %run_scoped3A_187 = arith.constant 1 : i32
      "tpu.region"() ({
        %run_scoped3A_188 = tpu.sem_alloc : memref<!tpu.dma_semaphore, #tpu.memory_space<semaphore_mem>>
        %dma_start3A_189 = arith.constant 0 : i32
        %dma_start3A_190 = arith.constant 0 : i32
        %dma_start3A_191 = tpu.memref_slice %arg5[%add3A_139, %dma_start3A_189, %dma_start3A_190] : memref<40x2x128xi32, #tpu.memory_space<vmem>> -> memref<1x2x128xi32, #tpu.memory_space<vmem>>
        %dma_start3A_192 = tpu.memref_squeeze %dma_start3A_191 : memref<1x2x128xi32, #tpu.memory_space<vmem>> -> memref<2x128xi32, #tpu.memory_space<vmem>>
        %dma_start3A_193 = arith.constant 0 : i32
        %dma_start3A_194 = tpu.memref_slice %dma_start3A_192[%run_scoped3A_187, %dma_start3A_193] : memref<2x128xi32, #tpu.memory_space<vmem>> -> memref<1x128xi32, #tpu.memory_space<vmem>>
        %dma_start3A_195 = tpu.memref_squeeze %dma_start3A_194 : memref<1x128xi32, #tpu.memory_space<vmem>> -> memref<128xi32, #tpu.memory_space<vmem>>
        %dma_start3A_196 = arith.constant 0 : i32
        %dma_start3A_197 = arith.constant 0 : i32
        %dma_start3A_198 = tpu.memref_slice %arg8[%dma_start3A_196, %dma_start3A_197] : memref<10240x128xf32, #tpu.memory_space<vmem_shared>> -> memref<10240x128xf32, #tpu.memory_space<vmem_shared>>
        tpu.enqueue_indirect_dma source(%arg7 : memref<128x128xf32, #tpu.memory_space<vmem>>) target(%dma_start3A_198 : memref<10240x128xf32, #tpu.memory_space<vmem_shared>>) offsets(%dma_start3A_195 : memref<128xi32, #tpu.memory_space<vmem>>) semaphore(%run_scoped3A_188 : memref<!tpu.dma_semaphore, #tpu.memory_space<semaphore_mem>>) {add = true}
        %dma_wait3A_199 = arith.constant 0 : i32
        %dma_wait3A_200 = arith.constant 0 : i32
        %dma_wait3A_201 = tpu.memref_slice %arg5[%add3A_139, %dma_wait3A_199, %dma_wait3A_200] : memref<40x2x128xi32, #tpu.memory_space<vmem>> -> memref<1x2x128xi32, #tpu.memory_space<vmem>>
        %dma_wait3A_202 = tpu.memref_squeeze %dma_wait3A_201 : memref<1x2x128xi32, #tpu.memory_space<vmem>> -> memref<2x128xi32, #tpu.memory_space<vmem>>
        %dma_wait3A_203 = arith.constant 0 : i32
        %dma_wait3A_204 = tpu.memref_slice %dma_wait3A_202[%run_scoped3A_187, %dma_wait3A_203] : memref<2x128xi32, #tpu.memory_space<vmem>> -> memref<1x128xi32, #tpu.memory_space<vmem>>
        %dma_wait3A_205 = tpu.memref_squeeze %dma_wait3A_204 : memref<1x128xi32, #tpu.memory_space<vmem>> -> memref<128xi32, #tpu.memory_space<vmem>>
        %dma_wait3A_206 = arith.constant 0 : i32
        %dma_wait3A_207 = arith.constant 0 : i32
        %dma_wait3A_208 = tpu.memref_slice %arg8[%dma_wait3A_206, %dma_wait3A_207] : memref<10240x128xf32, #tpu.memory_space<vmem_shared>> -> memref<10240x128xf32, #tpu.memory_space<vmem_shared>>
        tpu.wait_indirect_dma semaphore(%run_scoped3A_188 : memref<!tpu.dma_semaphore, #tpu.memory_space<semaphore_mem>>) src(%arg7 : memref<128x128xf32, #tpu.memory_space<vmem>>) dst(%dma_wait3A_208 : memref<10240x128xf32, #tpu.memory_space<vmem_shared>>)
        tpu.yield
      }) : () -> ()
    }
    %scan3A_31 = arith.constant 19 : i32
    %dma_start3A_32 = arith.constant 39 : i32
    %dma_start3A_33 = arith.constant 0 : i32
    %dma_start3A_34 = arith.constant 0 : i32
    %dma_start3A_35 = arith.constant 0 : i32
    %dma_start3A_36 = tpu.memref_slice %arg5[%dma_start3A_32, %dma_start3A_34, %dma_start3A_35] : memref<40x2x128xi32, #tpu.memory_space<vmem>> -> memref<1x2x128xi32, #tpu.memory_space<vmem>>
    %dma_start3A_37 = tpu.memref_squeeze %dma_start3A_36 : memref<1x2x128xi32, #tpu.memory_space<vmem>> -> memref<2x128xi32, #tpu.memory_space<vmem>>
    %dma_start3A_38 = arith.constant 0 : i32
    %dma_start3A_39 = tpu.memref_slice %dma_start3A_37[%dma_start3A_33, %dma_start3A_38] : memref<2x128xi32, #tpu.memory_space<vmem>> -> memref<1x128xi32, #tpu.memory_space<vmem>>
    %dma_start3A_40 = tpu.memref_squeeze %dma_start3A_39 : memref<1x128xi32, #tpu.memory_space<vmem>> -> memref<128xi32, #tpu.memory_space<vmem>>
    %dma_start3A_41 = arith.constant 0 : i32
    %dma_start3A_42 = arith.constant 0 : i32
    %dma_start3A_43 = tpu.memref_slice %arg2[%dma_start3A_41, %dma_start3A_42] : memref<10240x128xf32, #tpu.memory_space<hbm>> -> memref<10240x128xf32, #tpu.memory_space<hbm>>
    tpu.enqueue_indirect_dma source(%dma_start3A_43 : memref<10240x128xf32, #tpu.memory_space<hbm>>) target(%arg7 : memref<128x128xf32, #tpu.memory_space<vmem>>) offsets(%dma_start3A_40 : memref<128xi32, #tpu.memory_space<vmem>>) semaphore(%arg10 : memref<!tpu.dma_semaphore, #tpu.memory_space<semaphore_mem>>)
    %dma_wait3A = arith.constant 38 : i32
    %dma_wait3A_44 = arith.constant 0 : i32
    %dma_wait3A_45 = arith.constant 0 : i32
    %dma_wait3A_46 = arith.constant 0 : i32
    %dma_wait3A_47 = tpu.memref_slice %arg5[%dma_wait3A, %dma_wait3A_45, %dma_wait3A_46] : memref<40x2x128xi32, #tpu.memory_space<vmem>> -> memref<1x2x128xi32, #tpu.memory_space<vmem>>
    %dma_wait3A_48 = tpu.memref_squeeze %dma_wait3A_47 : memref<1x2x128xi32, #tpu.memory_space<vmem>> -> memref<2x128xi32, #tpu.memory_space<vmem>>
    %dma_wait3A_49 = arith.constant 0 : i32
    %dma_wait3A_50 = tpu.memref_slice %dma_wait3A_48[%dma_wait3A_44, %dma_wait3A_49] : memref<2x128xi32, #tpu.memory_space<vmem>> -> memref<1x128xi32, #tpu.memory_space<vmem>>
    %dma_wait3A_51 = tpu.memref_squeeze %dma_wait3A_50 : memref<1x128xi32, #tpu.memory_space<vmem>> -> memref<128xi32, #tpu.memory_space<vmem>>
    %dma_wait3A_52 = arith.constant 0 : i32
    %dma_wait3A_53 = arith.constant 0 : i32
    %dma_wait3A_54 = tpu.memref_slice %arg2[%dma_wait3A_52, %dma_wait3A_53] : memref<10240x128xf32, #tpu.memory_space<hbm>> -> memref<10240x128xf32, #tpu.memory_space<hbm>>
    tpu.wait_indirect_dma semaphore(%arg9 : memref<!tpu.dma_semaphore, #tpu.memory_space<semaphore_mem>>) src(%dma_wait3A_54 : memref<10240x128xf32, #tpu.memory_space<hbm>>) dst(%arg6 : memref<128x128xf32, #tpu.memory_space<vmem>>)
    %run_scoped3A = arith.constant 38 : i32
    %run_scoped3A_55 = arith.constant 1 : i32
    "tpu.region"() ({
      %run_scoped3A_135 = tpu.sem_alloc : memref<!tpu.dma_semaphore, #tpu.memory_space<semaphore_mem>>
      %dma_start3A_136 = arith.constant 0 : i32
      %dma_start3A_137 = arith.constant 0 : i32
      %dma_start3A_138 = tpu.memref_slice %arg5[%run_scoped3A, %dma_start3A_136, %dma_start3A_137] : memref<40x2x128xi32, #tpu.memory_space<vmem>> -> memref<1x2x128xi32, #tpu.memory_space<vmem>>
      %dma_start3A_139 = tpu.memref_squeeze %dma_start3A_138 : memref<1x2x128xi32, #tpu.memory_space<vmem>> -> memref<2x128xi32, #tpu.memory_space<vmem>>
      %dma_start3A_140 = arith.constant 0 : i32
      %dma_start3A_141 = tpu.memref_slice %dma_start3A_139[%run_scoped3A_55, %dma_start3A_140] : memref<2x128xi32, #tpu.memory_space<vmem>> -> memref<1x128xi32, #tpu.memory_space<vmem>>
      %dma_start3A_142 = tpu.memref_squeeze %dma_start3A_141 : memref<1x128xi32, #tpu.memory_space<vmem>> -> memref<128xi32, #tpu.memory_space<vmem>>
      %dma_start3A_143 = arith.constant 0 : i32
      %dma_start3A_144 = arith.constant 0 : i32
      %dma_start3A_145 = tpu.memref_slice %arg8[%dma_start3A_143, %dma_start3A_144] : memref<10240x128xf32, #tpu.memory_space<vmem_shared>> -> memref<10240x128xf32, #tpu.memory_space<vmem_shared>>
      tpu.enqueue_indirect_dma source(%arg6 : memref<128x128xf32, #tpu.memory_space<vmem>>) target(%dma_start3A_145 : memref<10240x128xf32, #tpu.memory_space<vmem_shared>>) offsets(%dma_start3A_142 : memref<128xi32, #tpu.memory_space<vmem>>) semaphore(%run_scoped3A_135 : memref<!tpu.dma_semaphore, #tpu.memory_space<semaphore_mem>>) {add = true}
      %dma_wait3A_146 = arith.constant 0 : i32
      %dma_wait3A_147 = arith.constant 0 : i32
      %dma_wait3A_148 = tpu.memref_slice %arg5[%run_scoped3A, %dma_wait3A_146, %dma_wait3A_147] : memref<40x2x128xi32, #tpu.memory_space<vmem>> -> memref<1x2x128xi32, #tpu.memory_space<vmem>>
      %dma_wait3A_149 = tpu.memref_squeeze %dma_wait3A_148 : memref<1x2x128xi32, #tpu.memory_space<vmem>> -> memref<2x128xi32, #tpu.memory_space<vmem>>
      %dma_wait3A_150 = arith.constant 0 : i32
      %dma_wait3A_151 = tpu.memref_slice %dma_wait3A_149[%run_scoped3A_55, %dma_wait3A_150] : memref<2x128xi32, #tpu.memory_space<vmem>> -> memref<1x128xi32, #tpu.memory_space<vmem>>
      %dma_wait3A_152 = tpu.memref_squeeze %dma_wait3A_151 : memref<1x128xi32, #tpu.memory_space<vmem>> -> memref<128xi32, #tpu.memory_space<vmem>>
      %dma_wait3A_153 = arith.constant 0 : i32
      %dma_wait3A_154 = arith.constant 0 : i32
      %dma_wait3A_155 = tpu.memref_slice %arg8[%dma_wait3A_153, %dma_wait3A_154] : memref<10240x128xf32, #tpu.memory_space<vmem_shared>> -> memref<10240x128xf32, #tpu.memory_space<vmem_shared>>
      tpu.wait_indirect_dma semaphore(%run_scoped3A_135 : memref<!tpu.dma_semaphore, #tpu.memory_space<semaphore_mem>>) src(%arg6 : memref<128x128xf32, #tpu.memory_space<vmem>>) dst(%dma_wait3A_155 : memref<10240x128xf32, #tpu.memory_space<vmem_shared>>)
      tpu.yield
    }) : () -> ()
    %dma_wait3A_56 = arith.constant 39 : i32
    %dma_wait3A_57 = arith.constant 0 : i32
    %dma_wait3A_58 = arith.constant 0 : i32
    %dma_wait3A_59 = arith.constant 0 : i32
    %dma_wait3A_60 = tpu.memref_slice %arg5[%dma_wait3A_56, %dma_wait3A_58, %dma_wait3A_59] : memref<40x2x128xi32, #tpu.memory_space<vmem>> -> memref<1x2x128xi32, #tpu.memory_space<vmem>>
    %dma_wait3A_61 = tpu.memref_squeeze %dma_wait3A_60 : memref<1x2x128xi32, #tpu.memory_space<vmem>> -> memref<2x128xi32, #tpu.memory_space<vmem>>
    %dma_wait3A_62 = arith.constant 0 : i32
    %dma_wait3A_63 = tpu.memref_slice %dma_wait3A_61[%dma_wait3A_57, %dma_wait3A_62] : memref<2x128xi32, #tpu.memory_space<vmem>> -> memref<1x128xi32, #tpu.memory_space<vmem>>
    %dma_wait3A_64 = tpu.memref_squeeze %dma_wait3A_63 : memref<1x128xi32, #tpu.memory_space<vmem>> -> memref<128xi32, #tpu.memory_space<vmem>>
    %dma_wait3A_65 = arith.constant 0 : i32
    %dma_wait3A_66 = arith.constant 0 : i32
    %dma_wait3A_67 = tpu.memref_slice %arg2[%dma_wait3A_65, %dma_wait3A_66] : memref<10240x128xf32, #tpu.memory_space<hbm>> -> memref<10240x128xf32, #tpu.memory_space<hbm>>
    tpu.wait_indirect_dma semaphore(%arg10 : memref<!tpu.dma_semaphore, #tpu.memory_space<semaphore_mem>>) src(%dma_wait3A_67 : memref<10240x128xf32, #tpu.memory_space<hbm>>) dst(%arg7 : memref<128x128xf32, #tpu.memory_space<vmem>>)
    %run_scoped3A_68 = arith.constant 39 : i32
    %run_scoped3A_69 = arith.constant 1 : i32
    "tpu.region"() ({
      %run_scoped3A_135 = tpu.sem_alloc : memref<!tpu.dma_semaphore, #tpu.memory_space<semaphore_mem>>
      %dma_start3A_136 = arith.constant 0 : i32
      %dma_start3A_137 = arith.constant 0 : i32
      %dma_start3A_138 = tpu.memref_slice %arg5[%run_scoped3A_68, %dma_start3A_136, %dma_start3A_137] : memref<40x2x128xi32, #tpu.memory_space<vmem>> -> memref<1x2x128xi32, #tpu.memory_space<vmem>>
      %dma_start3A_139 = tpu.memref_squeeze %dma_start3A_138 : memref<1x2x128xi32, #tpu.memory_space<vmem>> -> memref<2x128xi32, #tpu.memory_space<vmem>>
      %dma_start3A_140 = arith.constant 0 : i32
      %dma_start3A_141 = tpu.memref_slice %dma_start3A_139[%run_scoped3A_69, %dma_start3A_140] : memref<2x128xi32, #tpu.memory_space<vmem>> -> memref<1x128xi32, #tpu.memory_space<vmem>>
      %dma_start3A_142 = tpu.memref_squeeze %dma_start3A_141 : memref<1x128xi32, #tpu.memory_space<vmem>> -> memref<128xi32, #tpu.memory_space<vmem>>
      %dma_start3A_143 = arith.constant 0 : i32
      %dma_start3A_144 = arith.constant 0 : i32
      %dma_start3A_145 = tpu.memref_slice %arg8[%dma_start3A_143, %dma_start3A_144] : memref<10240x128xf32, #tpu.memory_space<vmem_shared>> -> memref<10240x128xf32, #tpu.memory_space<vmem_shared>>
      tpu.enqueue_indirect_dma source(%arg7 : memref<128x128xf32, #tpu.memory_space<vmem>>) target(%dma_start3A_145 : memref<10240x128xf32, #tpu.memory_space<vmem_shared>>) offsets(%dma_start3A_142 : memref<128xi32, #tpu.memory_space<vmem>>) semaphore(%run_scoped3A_135 : memref<!tpu.dma_semaphore, #tpu.memory_space<semaphore_mem>>) {add = true}
      %dma_wait3A_146 = arith.constant 0 : i32
      %dma_wait3A_147 = arith.constant 0 : i32
      %dma_wait3A_148 = tpu.memref_slice %arg5[%run_scoped3A_68, %dma_wait3A_146, %dma_wait3A_147] : memref<40x2x128xi32, #tpu.memory_space<vmem>> -> memref<1x2x128xi32, #tpu.memory_space<vmem>>
      %dma_wait3A_149 = tpu.memref_squeeze %dma_wait3A_148 : memref<1x2x128xi32, #tpu.memory_space<vmem>> -> memref<2x128xi32, #tpu.memory_space<vmem>>
      %dma_wait3A_150 = arith.constant 0 : i32
      %dma_wait3A_151 = tpu.memref_slice %dma_wait3A_149[%run_scoped3A_69, %dma_wait3A_150] : memref<2x128xi32, #tpu.memory_space<vmem>> -> memref<1x128xi32, #tpu.memory_space<vmem>>
      %dma_wait3A_152 = tpu.memref_squeeze %dma_wait3A_151 : memref<1x128xi32, #tpu.memory_space<vmem>> -> memref<128xi32, #tpu.memory_space<vmem>>
      %dma_wait3A_153 = arith.constant 0 : i32
      %dma_wait3A_154 = arith.constant 0 : i32
      %dma_wait3A_155 = tpu.memref_slice %arg8[%dma_wait3A_153, %dma_wait3A_154] : memref<10240x128xf32, #tpu.memory_space<vmem_shared>> -> memref<10240x128xf32, #tpu.memory_space<vmem_shared>>
      tpu.wait_indirect_dma semaphore(%run_scoped3A_135 : memref<!tpu.dma_semaphore, #tpu.memory_space<semaphore_mem>>) src(%arg7 : memref<128x128xf32, #tpu.memory_space<vmem>>) dst(%dma_wait3A_155 : memref<10240x128xf32, #tpu.memory_space<vmem_shared>>)
      tpu.yield
    }) : () -> ()
    "tpu.region"() ({
      %run_scoped3A_135 = tpu.sem_alloc : memref<!tpu.dma_semaphore, #tpu.memory_space<semaphore_mem>>
      %dma_start3A_136 = arith.constant 40 : i32
      %dma_start3A_137 = arith.constant 0 : i32
      %dma_start3A_138 = arith.constant 0 : i32
      %dma_start3A_139 = tpu.memref_slice %arg3[%add3A, %dma_start3A_136, %dma_start3A_137, %dma_start3A_138] : memref<32x80x2x128xi32, #tpu.memory_space<hbm>> -> memref<1x40x2x128xi32, #tpu.memory_space<hbm>>
      %dma_start3A_140 = tpu.memref_squeeze %dma_start3A_139 : memref<1x40x2x128xi32, #tpu.memory_space<hbm>> -> memref<40x2x128xi32, #tpu.memory_space<hbm>>
      %dma_start3A_141 = arith.constant 40 : i32
      %dma_start3A_142 = arith.constant 0 : i32
      %dma_start3A_143 = arith.constant 0 : i32
      %dma_start3A_144 = tpu.memref_slice %arg3[%add3A, %dma_start3A_141, %dma_start3A_142, %dma_start3A_143] : memref<32x80x2x128xi32, #tpu.memory_space<hbm>> -> memref<1x40x2x128xi32, #tpu.memory_space<hbm>>
      %dma_start3A_145 = tpu.memref_squeeze %dma_start3A_144 : memref<1x40x2x128xi32, #tpu.memory_space<hbm>> -> memref<40x2x128xi32, #tpu.memory_space<hbm>>
      tpu.enqueue_dma source(%dma_start3A_145 : memref<40x2x128xi32, #tpu.memory_space<hbm>>) target(%arg5 : memref<40x2x128xi32, #tpu.memory_space<vmem>>) target_semaphore(%run_scoped3A_135 : memref<!tpu.dma_semaphore, #tpu.memory_space<semaphore_mem>>)
      %dma_wait3A_146 = arith.constant 40 : i32
      %dma_wait3A_147 = arith.constant 0 : i32
      %dma_wait3A_148 = arith.constant 0 : i32
      %dma_wait3A_149 = tpu.memref_slice %arg3[%add3A, %dma_wait3A_146, %dma_wait3A_147, %dma_wait3A_148] : memref<32x80x2x128xi32, #tpu.memory_space<hbm>> -> memref<1x40x2x128xi32, #tpu.memory_space<hbm>>
      %dma_wait3A_150 = tpu.memref_squeeze %dma_wait3A_149 : memref<1x40x2x128xi32, #tpu.memory_space<hbm>> -> memref<40x2x128xi32, #tpu.memory_space<hbm>>
      %dma_wait3A_151 = arith.constant 40 : i32
      %dma_wait3A_152 = arith.constant 0 : i32
      %dma_wait3A_153 = arith.constant 0 : i32
      %dma_wait3A_154 = tpu.memref_slice %arg3[%add3A, %dma_wait3A_151, %dma_wait3A_152, %dma_wait3A_153] : memref<32x80x2x128xi32, #tpu.memory_space<hbm>> -> memref<1x40x2x128xi32, #tpu.memory_space<hbm>>
      %dma_wait3A_155 = tpu.memref_squeeze %dma_wait3A_154 : memref<1x40x2x128xi32, #tpu.memory_space<hbm>> -> memref<40x2x128xi32, #tpu.memory_space<hbm>>
      tpu.wait_dma2 semaphore(%run_scoped3A_135 : memref<!tpu.dma_semaphore, #tpu.memory_space<semaphore_mem>>) src(%dma_wait3A_155 : memref<40x2x128xi32, #tpu.memory_space<hbm>>) dst(%arg5 : memref<40x2x128xi32, #tpu.memory_space<vmem>>)
      tpu.yield
    }) : () -> ()
    %dma_start3A_70 = arith.constant 0 : i32
    %dma_start3A_71 = arith.constant 0 : i32
    %dma_start3A_72 = arith.constant 0 : i32
    %dma_start3A_73 = arith.constant 0 : i32
    %dma_start3A_74 = tpu.memref_slice %arg5[%dma_start3A_70, %dma_start3A_72, %dma_start3A_73] : memref<40x2x128xi32, #tpu.memory_space<vmem>> -> memref<1x2x128xi32, #tpu.memory_space<vmem>>
    %dma_start3A_75 = tpu.memref_squeeze %dma_start3A_74 : memref<1x2x128xi32, #tpu.memory_space<vmem>> -> memref<2x128xi32, #tpu.memory_space<vmem>>
    %dma_start3A_76 = arith.constant 0 : i32
    %dma_start3A_77 = tpu.memref_slice %dma_start3A_75[%dma_start3A_71, %dma_start3A_76] : memref<2x128xi32, #tpu.memory_space<vmem>> -> memref<1x128xi32, #tpu.memory_space<vmem>>
    %dma_start3A_78 = tpu.memref_squeeze %dma_start3A_77 : memref<1x128xi32, #tpu.memory_space<vmem>> -> memref<128xi32, #tpu.memory_space<vmem>>
    %dma_start3A_79 = arith.constant 0 : i32
    %dma_start3A_80 = arith.constant 0 : i32
    %dma_start3A_81 = tpu.memref_slice %arg2[%dma_start3A_79, %dma_start3A_80] : memref<10240x128xf32, #tpu.memory_space<hbm>> -> memref<10240x128xf32, #tpu.memory_space<hbm>>
    tpu.enqueue_indirect_dma source(%dma_start3A_81 : memref<10240x128xf32, #tpu.memory_space<hbm>>) target(%arg6 : memref<128x128xf32, #tpu.memory_space<vmem>>) offsets(%dma_start3A_78 : memref<128xi32, #tpu.memory_space<vmem>>) semaphore(%arg9 : memref<!tpu.dma_semaphore, #tpu.memory_space<semaphore_mem>>)
    %scan3A_82 = arith.constant 0 : i32
    %scan3A_83 = arith.constant 0 : i32
    %scan3A_84 = arith.constant 19 : i32
    %scan3A_85 = arith.addi %scan3A_83, %scan3A_84 : i32
    %scan3A_86 = arith.constant 1 : i32
    scf.for %scan3A_135 = %scan3A_83 to %scan3A_85 step %scan3A_86  : i32 {
      %mul3A_136 = arith.constant 2 : i32
      %mul3A_137 = arith.muli %mul3A_136, %scan3A_135 : i32
      %add3A_138 = arith.constant 1 : i32
      %add3A_139 = arith.addi %mul3A_137, %add3A_138 : i32
      %add3A_140 = arith.constant 2 : i32
      %add3A_141 = arith.addi %mul3A_137, %add3A_140 : i32
      %dma_start3A_142 = arith.constant 0 : i32
      %dma_start3A_143 = arith.constant 0 : i32
      %dma_start3A_144 = arith.constant 0 : i32
      %dma_start3A_145 = tpu.memref_slice %arg5[%add3A_139, %dma_start3A_143, %dma_start3A_144] : memref<40x2x128xi32, #tpu.memory_space<vmem>> -> memref<1x2x128xi32, #tpu.memory_space<vmem>>
      %dma_start3A_146 = tpu.memref_squeeze %dma_start3A_145 : memref<1x2x128xi32, #tpu.memory_space<vmem>> -> memref<2x128xi32, #tpu.memory_space<vmem>>
      %dma_start3A_147 = arith.constant 0 : i32
      %dma_start3A_148 = tpu.memref_slice %dma_start3A_146[%dma_start3A_142, %dma_start3A_147] : memref<2x128xi32, #tpu.memory_space<vmem>> -> memref<1x128xi32, #tpu.memory_space<vmem>>
      %dma_start3A_149 = tpu.memref_squeeze %dma_start3A_148 : memref<1x128xi32, #tpu.memory_space<vmem>> -> memref<128xi32, #tpu.memory_space<vmem>>
      %dma_start3A_150 = arith.constant 0 : i32
      %dma_start3A_151 = arith.constant 0 : i32
      %dma_start3A_152 = tpu.memref_slice %arg2[%dma_start3A_150, %dma_start3A_151] : memref<10240x128xf32, #tpu.memory_space<hbm>> -> memref<10240x128xf32, #tpu.memory_space<hbm>>
      tpu.enqueue_indirect_dma source(%dma_start3A_152 : memref<10240x128xf32, #tpu.memory_space<hbm>>) target(%arg7 : memref<128x128xf32, #tpu.memory_space<vmem>>) offsets(%dma_start3A_149 : memref<128xi32, #tpu.memory_space<vmem>>) semaphore(%arg10 : memref<!tpu.dma_semaphore, #tpu.memory_space<semaphore_mem>>)
      %dma_wait3A_153 = arith.constant 0 : i32
      %dma_wait3A_154 = arith.constant 0 : i32
      %dma_wait3A_155 = arith.constant 0 : i32
      %dma_wait3A_156 = tpu.memref_slice %arg5[%mul3A_137, %dma_wait3A_154, %dma_wait3A_155] : memref<40x2x128xi32, #tpu.memory_space<vmem>> -> memref<1x2x128xi32, #tpu.memory_space<vmem>>
      %dma_wait3A_157 = tpu.memref_squeeze %dma_wait3A_156 : memref<1x2x128xi32, #tpu.memory_space<vmem>> -> memref<2x128xi32, #tpu.memory_space<vmem>>
      %dma_wait3A_158 = arith.constant 0 : i32
      %dma_wait3A_159 = tpu.memref_slice %dma_wait3A_157[%dma_wait3A_153, %dma_wait3A_158] : memref<2x128xi32, #tpu.memory_space<vmem>> -> memref<1x128xi32, #tpu.memory_space<vmem>>
      %dma_wait3A_160 = tpu.memref_squeeze %dma_wait3A_159 : memref<1x128xi32, #tpu.memory_space<vmem>> -> memref<128xi32, #tpu.memory_space<vmem>>
      %dma_wait3A_161 = arith.constant 0 : i32
      %dma_wait3A_162 = arith.constant 0 : i32
      %dma_wait3A_163 = tpu.memref_slice %arg2[%dma_wait3A_161, %dma_wait3A_162] : memref<10240x128xf32, #tpu.memory_space<hbm>> -> memref<10240x128xf32, #tpu.memory_space<hbm>>
      tpu.wait_indirect_dma semaphore(%arg9 : memref<!tpu.dma_semaphore, #tpu.memory_space<semaphore_mem>>) src(%dma_wait3A_163 : memref<10240x128xf32, #tpu.memory_space<hbm>>) dst(%arg6 : memref<128x128xf32, #tpu.memory_space<vmem>>)
      %run_scoped3A_164 = arith.constant 1 : i32
      "tpu.region"() ({
        %run_scoped3A_188 = tpu.sem_alloc : memref<!tpu.dma_semaphore, #tpu.memory_space<semaphore_mem>>
        %dma_start3A_189 = arith.constant 0 : i32
        %dma_start3A_190 = arith.constant 0 : i32
        %dma_start3A_191 = tpu.memref_slice %arg5[%mul3A_137, %dma_start3A_189, %dma_start3A_190] : memref<40x2x128xi32, #tpu.memory_space<vmem>> -> memref<1x2x128xi32, #tpu.memory_space<vmem>>
        %dma_start3A_192 = tpu.memref_squeeze %dma_start3A_191 : memref<1x2x128xi32, #tpu.memory_space<vmem>> -> memref<2x128xi32, #tpu.memory_space<vmem>>
        %dma_start3A_193 = arith.constant 0 : i32
        %dma_start3A_194 = tpu.memref_slice %dma_start3A_192[%run_scoped3A_164, %dma_start3A_193] : memref<2x128xi32, #tpu.memory_space<vmem>> -> memref<1x128xi32, #tpu.memory_space<vmem>>
        %dma_start3A_195 = tpu.memref_squeeze %dma_start3A_194 : memref<1x128xi32, #tpu.memory_space<vmem>> -> memref<128xi32, #tpu.memory_space<vmem>>
        %dma_start3A_196 = arith.constant 0 : i32
        %dma_start3A_197 = arith.constant 0 : i32
        %dma_start3A_198 = tpu.memref_slice %arg8[%dma_start3A_196, %dma_start3A_197] : memref<10240x128xf32, #tpu.memory_space<vmem_shared>> -> memref<10240x128xf32, #tpu.memory_space<vmem_shared>>
        tpu.enqueue_indirect_dma source(%arg6 : memref<128x128xf32, #tpu.memory_space<vmem>>) target(%dma_start3A_198 : memref<10240x128xf32, #tpu.memory_space<vmem_shared>>) offsets(%dma_start3A_195 : memref<128xi32, #tpu.memory_space<vmem>>) semaphore(%run_scoped3A_188 : memref<!tpu.dma_semaphore, #tpu.memory_space<semaphore_mem>>) {add = true}
        %dma_wait3A_199 = arith.constant 0 : i32
        %dma_wait3A_200 = arith.constant 0 : i32
        %dma_wait3A_201 = tpu.memref_slice %arg5[%mul3A_137, %dma_wait3A_199, %dma_wait3A_200] : memref<40x2x128xi32, #tpu.memory_space<vmem>> -> memref<1x2x128xi32, #tpu.memory_space<vmem>>
        %dma_wait3A_202 = tpu.memref_squeeze %dma_wait3A_201 : memref<1x2x128xi32, #tpu.memory_space<vmem>> -> memref<2x128xi32, #tpu.memory_space<vmem>>
        %dma_wait3A_203 = arith.constant 0 : i32
        %dma_wait3A_204 = tpu.memref_slice %dma_wait3A_202[%run_scoped3A_164, %dma_wait3A_203] : memref<2x128xi32, #tpu.memory_space<vmem>> -> memref<1x128xi32, #tpu.memory_space<vmem>>
        %dma_wait3A_205 = tpu.memref_squeeze %dma_wait3A_204 : memref<1x128xi32, #tpu.memory_space<vmem>> -> memref<128xi32, #tpu.memory_space<vmem>>
        %dma_wait3A_206 = arith.constant 0 : i32
        %dma_wait3A_207 = arith.constant 0 : i32
        %dma_wait3A_208 = tpu.memref_slice %arg8[%dma_wait3A_206, %dma_wait3A_207] : memref<10240x128xf32, #tpu.memory_space<vmem_shared>> -> memref<10240x128xf32, #tpu.memory_space<vmem_shared>>
        tpu.wait_indirect_dma semaphore(%run_scoped3A_188 : memref<!tpu.dma_semaphore, #tpu.memory_space<semaphore_mem>>) src(%arg6 : memref<128x128xf32, #tpu.memory_space<vmem>>) dst(%dma_wait3A_208 : memref<10240x128xf32, #tpu.memory_space<vmem_shared>>)
        tpu.yield
      }) : () -> ()
      %dma_start3A_165 = arith.constant 0 : i32
      %dma_start3A_166 = arith.constant 0 : i32
      %dma_start3A_167 = arith.constant 0 : i32
      %dma_start3A_168 = tpu.memref_slice %arg5[%add3A_141, %dma_start3A_166, %dma_start3A_167] : memref<40x2x128xi32, #tpu.memory_space<vmem>> -> memref<1x2x128xi32, #tpu.memory_space<vmem>>
      %dma_start3A_169 = tpu.memref_squeeze %dma_start3A_168 : memref<1x2x128xi32, #tpu.memory_space<vmem>> -> memref<2x128xi32, #tpu.memory_space<vmem>>
      %dma_start3A_170 = arith.constant 0 : i32
      %dma_start3A_171 = tpu.memref_slice %dma_start3A_169[%dma_start3A_165, %dma_start3A_170] : memref<2x128xi32, #tpu.memory_space<vmem>> -> memref<1x128xi32, #tpu.memory_space<vmem>>
      %dma_start3A_172 = tpu.memref_squeeze %dma_start3A_171 : memref<1x128xi32, #tpu.memory_space<vmem>> -> memref<128xi32, #tpu.memory_space<vmem>>
      %dma_start3A_173 = arith.constant 0 : i32
      %dma_start3A_174 = arith.constant 0 : i32
      %dma_start3A_175 = tpu.memref_slice %arg2[%dma_start3A_173, %dma_start3A_174] : memref<10240x128xf32, #tpu.memory_space<hbm>> -> memref<10240x128xf32, #tpu.memory_space<hbm>>
      tpu.enqueue_indirect_dma source(%dma_start3A_175 : memref<10240x128xf32, #tpu.memory_space<hbm>>) target(%arg6 : memref<128x128xf32, #tpu.memory_space<vmem>>) offsets(%dma_start3A_172 : memref<128xi32, #tpu.memory_space<vmem>>) semaphore(%arg9 : memref<!tpu.dma_semaphore, #tpu.memory_space<semaphore_mem>>)
      %dma_wait3A_176 = arith.constant 0 : i32
      %dma_wait3A_177 = arith.constant 0 : i32
      %dma_wait3A_178 = arith.constant 0 : i32
      %dma_wait3A_179 = tpu.memref_slice %arg5[%add3A_139, %dma_wait3A_177, %dma_wait3A_178] : memref<40x2x128xi32, #tpu.memory_space<vmem>> -> memref<1x2x128xi32, #tpu.memory_space<vmem>>
      %dma_wait3A_180 = tpu.memref_squeeze %dma_wait3A_179 : memref<1x2x128xi32, #tpu.memory_space<vmem>> -> memref<2x128xi32, #tpu.memory_space<vmem>>
      %dma_wait3A_181 = arith.constant 0 : i32
      %dma_wait3A_182 = tpu.memref_slice %dma_wait3A_180[%dma_wait3A_176, %dma_wait3A_181] : memref<2x128xi32, #tpu.memory_space<vmem>> -> memref<1x128xi32, #tpu.memory_space<vmem>>
      %dma_wait3A_183 = tpu.memref_squeeze %dma_wait3A_182 : memref<1x128xi32, #tpu.memory_space<vmem>> -> memref<128xi32, #tpu.memory_space<vmem>>
      %dma_wait3A_184 = arith.constant 0 : i32
      %dma_wait3A_185 = arith.constant 0 : i32
      %dma_wait3A_186 = tpu.memref_slice %arg2[%dma_wait3A_184, %dma_wait3A_185] : memref<10240x128xf32, #tpu.memory_space<hbm>> -> memref<10240x128xf32, #tpu.memory_space<hbm>>
      tpu.wait_indirect_dma semaphore(%arg10 : memref<!tpu.dma_semaphore, #tpu.memory_space<semaphore_mem>>) src(%dma_wait3A_186 : memref<10240x128xf32, #tpu.memory_space<hbm>>) dst(%arg7 : memref<128x128xf32, #tpu.memory_space<vmem>>)
      %run_scoped3A_187 = arith.constant 1 : i32
      "tpu.region"() ({
        %run_scoped3A_188 = tpu.sem_alloc : memref<!tpu.dma_semaphore, #tpu.memory_space<semaphore_mem>>
        %dma_start3A_189 = arith.constant 0 : i32
        %dma_start3A_190 = arith.constant 0 : i32
        %dma_start3A_191 = tpu.memref_slice %arg5[%add3A_139, %dma_start3A_189, %dma_start3A_190] : memref<40x2x128xi32, #tpu.memory_space<vmem>> -> memref<1x2x128xi32, #tpu.memory_space<vmem>>
        %dma_start3A_192 = tpu.memref_squeeze %dma_start3A_191 : memref<1x2x128xi32, #tpu.memory_space<vmem>> -> memref<2x128xi32, #tpu.memory_space<vmem>>
        %dma_start3A_193 = arith.constant 0 : i32
        %dma_start3A_194 = tpu.memref_slice %dma_start3A_192[%run_scoped3A_187, %dma_start3A_193] : memref<2x128xi32, #tpu.memory_space<vmem>> -> memref<1x128xi32, #tpu.memory_space<vmem>>
        %dma_start3A_195 = tpu.memref_squeeze %dma_start3A_194 : memref<1x128xi32, #tpu.memory_space<vmem>> -> memref<128xi32, #tpu.memory_space<vmem>>
        %dma_start3A_196 = arith.constant 0 : i32
        %dma_start3A_197 = arith.constant 0 : i32
        %dma_start3A_198 = tpu.memref_slice %arg8[%dma_start3A_196, %dma_start3A_197] : memref<10240x128xf32, #tpu.memory_space<vmem_shared>> -> memref<10240x128xf32, #tpu.memory_space<vmem_shared>>
        tpu.enqueue_indirect_dma source(%arg7 : memref<128x128xf32, #tpu.memory_space<vmem>>) target(%dma_start3A_198 : memref<10240x128xf32, #tpu.memory_space<vmem_shared>>) offsets(%dma_start3A_195 : memref<128xi32, #tpu.memory_space<vmem>>) semaphore(%run_scoped3A_188 : memref<!tpu.dma_semaphore, #tpu.memory_space<semaphore_mem>>) {add = true}
        %dma_wait3A_199 = arith.constant 0 : i32
        %dma_wait3A_200 = arith.constant 0 : i32
        %dma_wait3A_201 = tpu.memref_slice %arg5[%add3A_139, %dma_wait3A_199, %dma_wait3A_200] : memref<40x2x128xi32, #tpu.memory_space<vmem>> -> memref<1x2x128xi32, #tpu.memory_space<vmem>>
        %dma_wait3A_202 = tpu.memref_squeeze %dma_wait3A_201 : memref<1x2x128xi32, #tpu.memory_space<vmem>> -> memref<2x128xi32, #tpu.memory_space<vmem>>
        %dma_wait3A_203 = arith.constant 0 : i32
        %dma_wait3A_204 = tpu.memref_slice %dma_wait3A_202[%run_scoped3A_187, %dma_wait3A_203] : memref<2x128xi32, #tpu.memory_space<vmem>> -> memref<1x128xi32, #tpu.memory_space<vmem>>
        %dma_wait3A_205 = tpu.memref_squeeze %dma_wait3A_204 : memref<1x128xi32, #tpu.memory_space<vmem>> -> memref<128xi32, #tpu.memory_space<vmem>>
        %dma_wait3A_206 = arith.constant 0 : i32
        %dma_wait3A_207 = arith.constant 0 : i32
        %dma_wait3A_208 = tpu.memref_slice %arg8[%dma_wait3A_206, %dma_wait3A_207] : memref<10240x128xf32, #tpu.memory_space<vmem_shared>> -> memref<10240x128xf32, #tpu.memory_space<vmem_shared>>
        tpu.wait_indirect_dma semaphore(%run_scoped3A_188 : memref<!tpu.dma_semaphore, #tpu.memory_space<semaphore_mem>>) src(%arg7 : memref<128x128xf32, #tpu.memory_space<vmem>>) dst(%dma_wait3A_208 : memref<10240x128xf32, #tpu.memory_space<vmem_shared>>)
        tpu.yield
      }) : () -> ()
    }
    %scan3A_87 = arith.constant 19 : i32
    %dma_start3A_88 = arith.constant 39 : i32
    %dma_start3A_89 = arith.constant 0 : i32
    %dma_start3A_90 = arith.constant 0 : i32
    %dma_start3A_91 = arith.constant 0 : i32
    %dma_start3A_92 = tpu.memref_slice %arg5[%dma_start3A_88, %dma_start3A_90, %dma_start3A_91] : memref<40x2x128xi32, #tpu.memory_space<vmem>> -> memref<1x2x128xi32, #tpu.memory_space<vmem>>
    %dma_start3A_93 = tpu.memref_squeeze %dma_start3A_92 : memref<1x2x128xi32, #tpu.memory_space<vmem>> -> memref<2x128xi32, #tpu.memory_space<vmem>>
    %dma_start3A_94 = arith.constant 0 : i32
    %dma_start3A_95 = tpu.memref_slice %dma_start3A_93[%dma_start3A_89, %dma_start3A_94] : memref<2x128xi32, #tpu.memory_space<vmem>> -> memref<1x128xi32, #tpu.memory_space<vmem>>
    %dma_start3A_96 = tpu.memref_squeeze %dma_start3A_95 : memref<1x128xi32, #tpu.memory_space<vmem>> -> memref<128xi32, #tpu.memory_space<vmem>>
    %dma_start3A_97 = arith.constant 0 : i32
    %dma_start3A_98 = arith.constant 0 : i32
    %dma_start3A_99 = tpu.memref_slice %arg2[%dma_start3A_97, %dma_start3A_98] : memref<10240x128xf32, #tpu.memory_space<hbm>> -> memref<10240x128xf32, #tpu.memory_space<hbm>>
    tpu.enqueue_indirect_dma source(%dma_start3A_99 : memref<10240x128xf32, #tpu.memory_space<hbm>>) target(%arg7 : memref<128x128xf32, #tpu.memory_space<vmem>>) offsets(%dma_start3A_96 : memref<128xi32, #tpu.memory_space<vmem>>) semaphore(%arg10 : memref<!tpu.dma_semaphore, #tpu.memory_space<semaphore_mem>>)
    %dma_wait3A_100 = arith.constant 38 : i32
    %dma_wait3A_101 = arith.constant 0 : i32
    %dma_wait3A_102 = arith.constant 0 : i32
    %dma_wait3A_103 = arith.constant 0 : i32
    %dma_wait3A_104 = tpu.memref_slice %arg5[%dma_wait3A_100, %dma_wait3A_102, %dma_wait3A_103] : memref<40x2x128xi32, #tpu.memory_space<vmem>> -> memref<1x2x128xi32, #tpu.memory_space<vmem>>
    %dma_wait3A_105 = tpu.memref_squeeze %dma_wait3A_104 : memref<1x2x128xi32, #tpu.memory_space<vmem>> -> memref<2x128xi32, #tpu.memory_space<vmem>>
    %dma_wait3A_106 = arith.constant 0 : i32
    %dma_wait3A_107 = tpu.memref_slice %dma_wait3A_105[%dma_wait3A_101, %dma_wait3A_106] : memref<2x128xi32, #tpu.memory_space<vmem>> -> memref<1x128xi32, #tpu.memory_space<vmem>>
    %dma_wait3A_108 = tpu.memref_squeeze %dma_wait3A_107 : memref<1x128xi32, #tpu.memory_space<vmem>> -> memref<128xi32, #tpu.memory_space<vmem>>
    %dma_wait3A_109 = arith.constant 0 : i32
    %dma_wait3A_110 = arith.constant 0 : i32
    %dma_wait3A_111 = tpu.memref_slice %arg2[%dma_wait3A_109, %dma_wait3A_110] : memref<10240x128xf32, #tpu.memory_space<hbm>> -> memref<10240x128xf32, #tpu.memory_space<hbm>>
    tpu.wait_indirect_dma semaphore(%arg9 : memref<!tpu.dma_semaphore, #tpu.memory_space<semaphore_mem>>) src(%dma_wait3A_111 : memref<10240x128xf32, #tpu.memory_space<hbm>>) dst(%arg6 : memref<128x128xf32, #tpu.memory_space<vmem>>)
    %run_scoped3A_112 = arith.constant 38 : i32
    %run_scoped3A_113 = arith.constant 1 : i32
    "tpu.region"() ({
      %run_scoped3A_135 = tpu.sem_alloc : memref<!tpu.dma_semaphore, #tpu.memory_space<semaphore_mem>>
      %dma_start3A_136 = arith.constant 0 : i32
      %dma_start3A_137 = arith.constant 0 : i32
      %dma_start3A_138 = tpu.memref_slice %arg5[%run_scoped3A_112, %dma_start3A_136, %dma_start3A_137] : memref<40x2x128xi32, #tpu.memory_space<vmem>> -> memref<1x2x128xi32, #tpu.memory_space<vmem>>
      %dma_start3A_139 = tpu.memref_squeeze %dma_start3A_138 : memref<1x2x128xi32, #tpu.memory_space<vmem>> -> memref<2x128xi32, #tpu.memory_space<vmem>>
      %dma_start3A_140 = arith.constant 0 : i32
      %dma_start3A_141 = tpu.memref_slice %dma_start3A_139[%run_scoped3A_113, %dma_start3A_140] : memref<2x128xi32, #tpu.memory_space<vmem>> -> memref<1x128xi32, #tpu.memory_space<vmem>>
      %dma_start3A_142 = tpu.memref_squeeze %dma_start3A_141 : memref<1x128xi32, #tpu.memory_space<vmem>> -> memref<128xi32, #tpu.memory_space<vmem>>
      %dma_start3A_143 = arith.constant 0 : i32
      %dma_start3A_144 = arith.constant 0 : i32
      %dma_start3A_145 = tpu.memref_slice %arg8[%dma_start3A_143, %dma_start3A_144] : memref<10240x128xf32, #tpu.memory_space<vmem_shared>> -> memref<10240x128xf32, #tpu.memory_space<vmem_shared>>
      tpu.enqueue_indirect_dma source(%arg6 : memref<128x128xf32, #tpu.memory_space<vmem>>) target(%dma_start3A_145 : memref<10240x128xf32, #tpu.memory_space<vmem_shared>>) offsets(%dma_start3A_142 : memref<128xi32, #tpu.memory_space<vmem>>) semaphore(%run_scoped3A_135 : memref<!tpu.dma_semaphore, #tpu.memory_space<semaphore_mem>>) {add = true}
      %dma_wait3A_146 = arith.constant 0 : i32
      %dma_wait3A_147 = arith.constant 0 : i32
      %dma_wait3A_148 = tpu.memref_slice %arg5[%run_scoped3A_112, %dma_wait3A_146, %dma_wait3A_147] : memref<40x2x128xi32, #tpu.memory_space<vmem>> -> memref<1x2x128xi32, #tpu.memory_space<vmem>>
      %dma_wait3A_149 = tpu.memref_squeeze %dma_wait3A_148 : memref<1x2x128xi32, #tpu.memory_space<vmem>> -> memref<2x128xi32, #tpu.memory_space<vmem>>
      %dma_wait3A_150 = arith.constant 0 : i32
      %dma_wait3A_151 = tpu.memref_slice %dma_wait3A_149[%run_scoped3A_113, %dma_wait3A_150] : memref<2x128xi32, #tpu.memory_space<vmem>> -> memref<1x128xi32, #tpu.memory_space<vmem>>
      %dma_wait3A_152 = tpu.memref_squeeze %dma_wait3A_151 : memref<1x128xi32, #tpu.memory_space<vmem>> -> memref<128xi32, #tpu.memory_space<vmem>>
      %dma_wait3A_153 = arith.constant 0 : i32
      %dma_wait3A_154 = arith.constant 0 : i32
      %dma_wait3A_155 = tpu.memref_slice %arg8[%dma_wait3A_153, %dma_wait3A_154] : memref<10240x128xf32, #tpu.memory_space<vmem_shared>> -> memref<10240x128xf32, #tpu.memory_space<vmem_shared>>
      tpu.wait_indirect_dma semaphore(%run_scoped3A_135 : memref<!tpu.dma_semaphore, #tpu.memory_space<semaphore_mem>>) src(%arg6 : memref<128x128xf32, #tpu.memory_space<vmem>>) dst(%dma_wait3A_155 : memref<10240x128xf32, #tpu.memory_space<vmem_shared>>)
      tpu.yield
    }) : () -> ()
    %dma_wait3A_114 = arith.constant 39 : i32
    %dma_wait3A_115 = arith.constant 0 : i32
    %dma_wait3A_116 = arith.constant 0 : i32
    %dma_wait3A_117 = arith.constant 0 : i32
    %dma_wait3A_118 = tpu.memref_slice %arg5[%dma_wait3A_114, %dma_wait3A_116, %dma_wait3A_117] : memref<40x2x128xi32, #tpu.memory_space<vmem>> -> memref<1x2x128xi32, #tpu.memory_space<vmem>>
    %dma_wait3A_119 = tpu.memref_squeeze %dma_wait3A_118 : memref<1x2x128xi32, #tpu.memory_space<vmem>> -> memref<2x128xi32, #tpu.memory_space<vmem>>
    %dma_wait3A_120 = arith.constant 0 : i32
    %dma_wait3A_121 = tpu.memref_slice %dma_wait3A_119[%dma_wait3A_115, %dma_wait3A_120] : memref<2x128xi32, #tpu.memory_space<vmem>> -> memref<1x128xi32, #tpu.memory_space<vmem>>
    %dma_wait3A_122 = tpu.memref_squeeze %dma_wait3A_121 : memref<1x128xi32, #tpu.memory_space<vmem>> -> memref<128xi32, #tpu.memory_space<vmem>>
    %dma_wait3A_123 = arith.constant 0 : i32
    %dma_wait3A_124 = arith.constant 0 : i32
    %dma_wait3A_125 = tpu.memref_slice %arg2[%dma_wait3A_123, %dma_wait3A_124] : memref<10240x128xf32, #tpu.memory_space<hbm>> -> memref<10240x128xf32, #tpu.memory_space<hbm>>
    tpu.wait_indirect_dma semaphore(%arg10 : memref<!tpu.dma_semaphore, #tpu.memory_space<semaphore_mem>>) src(%dma_wait3A_125 : memref<10240x128xf32, #tpu.memory_space<hbm>>) dst(%arg7 : memref<128x128xf32, #tpu.memory_space<vmem>>)
    %run_scoped3A_126 = arith.constant 39 : i32
    %run_scoped3A_127 = arith.constant 1 : i32
    "tpu.region"() ({
      %run_scoped3A_135 = tpu.sem_alloc : memref<!tpu.dma_semaphore, #tpu.memory_space<semaphore_mem>>
      %dma_start3A_136 = arith.constant 0 : i32
      %dma_start3A_137 = arith.constant 0 : i32
      %dma_start3A_138 = tpu.memref_slice %arg5[%run_scoped3A_126, %dma_start3A_136, %dma_start3A_137] : memref<40x2x128xi32, #tpu.memory_space<vmem>> -> memref<1x2x128xi32, #tpu.memory_space<vmem>>
      %dma_start3A_139 = tpu.memref_squeeze %dma_start3A_138 : memref<1x2x128xi32, #tpu.memory_space<vmem>> -> memref<2x128xi32, #tpu.memory_space<vmem>>
      %dma_start3A_140 = arith.constant 0 : i32
      %dma_start3A_141 = tpu.memref_slice %dma_start3A_139[%run_scoped3A_127, %dma_start3A_140] : memref<2x128xi32, #tpu.memory_space<vmem>> -> memref<1x128xi32, #tpu.memory_space<vmem>>
      %dma_start3A_142 = tpu.memref_squeeze %dma_start3A_141 : memref<1x128xi32, #tpu.memory_space<vmem>> -> memref<128xi32, #tpu.memory_space<vmem>>
      %dma_start3A_143 = arith.constant 0 : i32
      %dma_start3A_144 = arith.constant 0 : i32
      %dma_start3A_145 = tpu.memref_slice %arg8[%dma_start3A_143, %dma_start3A_144] : memref<10240x128xf32, #tpu.memory_space<vmem_shared>> -> memref<10240x128xf32, #tpu.memory_space<vmem_shared>>
      tpu.enqueue_indirect_dma source(%arg7 : memref<128x128xf32, #tpu.memory_space<vmem>>) target(%dma_start3A_145 : memref<10240x128xf32, #tpu.memory_space<vmem_shared>>) offsets(%dma_start3A_142 : memref<128xi32, #tpu.memory_space<vmem>>) semaphore(%run_scoped3A_135 : memref<!tpu.dma_semaphore, #tpu.memory_space<semaphore_mem>>) {add = true}
      %dma_wait3A_146 = arith.constant 0 : i32
      %dma_wait3A_147 = arith.constant 0 : i32
      %dma_wait3A_148 = tpu.memref_slice %arg5[%run_scoped3A_126, %dma_wait3A_146, %dma_wait3A_147] : memref<40x2x128xi32, #tpu.memory_space<vmem>> -> memref<1x2x128xi32, #tpu.memory_space<vmem>>
      %dma_wait3A_149 = tpu.memref_squeeze %dma_wait3A_148 : memref<1x2x128xi32, #tpu.memory_space<vmem>> -> memref<2x128xi32, #tpu.memory_space<vmem>>
      %dma_wait3A_150 = arith.constant 0 : i32
      %dma_wait3A_151 = tpu.memref_slice %dma_wait3A_149[%run_scoped3A_127, %dma_wait3A_150] : memref<2x128xi32, #tpu.memory_space<vmem>> -> memref<1x128xi32, #tpu.memory_space<vmem>>
      %dma_wait3A_152 = tpu.memref_squeeze %dma_wait3A_151 : memref<1x128xi32, #tpu.memory_space<vmem>> -> memref<128xi32, #tpu.memory_space<vmem>>
      %dma_wait3A_153 = arith.constant 0 : i32
      %dma_wait3A_154 = arith.constant 0 : i32
      %dma_wait3A_155 = tpu.memref_slice %arg8[%dma_wait3A_153, %dma_wait3A_154] : memref<10240x128xf32, #tpu.memory_space<vmem_shared>> -> memref<10240x128xf32, #tpu.memory_space<vmem_shared>>
      tpu.wait_indirect_dma semaphore(%run_scoped3A_135 : memref<!tpu.dma_semaphore, #tpu.memory_space<semaphore_mem>>) src(%arg7 : memref<128x128xf32, #tpu.memory_space<vmem>>) dst(%dma_wait3A_155 : memref<10240x128xf32, #tpu.memory_space<vmem_shared>>)
      tpu.yield
    }) : () -> ()
    %barrier3A_128 = arith.constant 0 : index
    tpu.barrier barrier_id(%barrier3A_128)
    %scan3A_129 = arith.constant 0 : i32
    %scan3A_130 = arith.constant 0 : i32
    %scan3A_131 = arith.constant 5 : i32
    %scan3A_132 = arith.addi %scan3A_130, %scan3A_131 : i32
    %scan3A_133 = arith.constant 1 : i32
    scf.for %scan3A_135 = %scan3A_130 to %scan3A_132 step %scan3A_133  : i32 {
      %mul3A_136 = arith.constant 128 : i32
      %mul3A_137 = arith.muli %scan3A_135, %mul3A_136 : i32
      %add3A_138 = arith.addi %mul3A_8, %mul3A_137 : i32
      "tpu.region"() ({
        %run_scoped3A_139 = tpu.sem_alloc : memref<!tpu.dma_semaphore, #tpu.memory_space<semaphore_mem>>
        %dma_start3A_140 = arith.constant 0 : i32
        %dma_start3A_141 = tpu.memref_slice %arg8[%add3A_138, %dma_start3A_140] : memref<10240x128xf32, #tpu.memory_space<vmem_shared>> -> memref<128x128xf32, #tpu.memory_space<vmem_shared>>
        %dma_start3A_142 = arith.constant 0 : i32
        %dma_start3A_143 = tpu.memref_slice %arg8[%add3A_138, %dma_start3A_142] : memref<10240x128xf32, #tpu.memory_space<vmem_shared>> -> memref<128x128xf32, #tpu.memory_space<vmem_shared>>
        tpu.enqueue_dma source(%dma_start3A_143 : memref<128x128xf32, #tpu.memory_space<vmem_shared>>) target(%arg6 : memref<128x128xf32, #tpu.memory_space<vmem>>) target_semaphore(%run_scoped3A_139 : memref<!tpu.dma_semaphore, #tpu.memory_space<semaphore_mem>>)
        %dma_wait3A_144 = arith.constant 0 : i32
        %dma_wait3A_145 = tpu.memref_slice %arg8[%add3A_138, %dma_wait3A_144] : memref<10240x128xf32, #tpu.memory_space<vmem_shared>> -> memref<128x128xf32, #tpu.memory_space<vmem_shared>>
        %dma_wait3A_146 = arith.constant 0 : i32
        %dma_wait3A_147 = tpu.memref_slice %arg8[%add3A_138, %dma_wait3A_146] : memref<10240x128xf32, #tpu.memory_space<vmem_shared>> -> memref<128x128xf32, #tpu.memory_space<vmem_shared>>
        tpu.wait_dma2 semaphore(%run_scoped3A_139 : memref<!tpu.dma_semaphore, #tpu.memory_space<semaphore_mem>>) src(%dma_wait3A_147 : memref<128x128xf32, #tpu.memory_space<vmem_shared>>) dst(%arg6 : memref<128x128xf32, #tpu.memory_space<vmem>>)
        tpu.yield
      }) : () -> ()
      "tpu.region"() ({
        %run_scoped3A_139 = tpu.sem_alloc : memref<!tpu.dma_semaphore, #tpu.memory_space<semaphore_mem>>
        %dma_start3A_140 = arith.constant 0 : i32
        %dma_start3A_141 = tpu.memref_slice %arg4[%arg0, %add3A_138, %dma_start3A_140] : memref<2x10240x128xf32, #tpu.memory_space<hbm>> -> memref<1x128x128xf32, #tpu.memory_space<hbm>>
        %dma_start3A_142 = tpu.memref_squeeze %dma_start3A_141 : memref<1x128x128xf32, #tpu.memory_space<hbm>> -> memref<128x128xf32, #tpu.memory_space<hbm>>
        %dma_start3A_143 = arith.constant 0 : i32
        %dma_start3A_144 = tpu.memref_slice %arg4[%arg0, %add3A_138, %dma_start3A_143] : memref<2x10240x128xf32, #tpu.memory_space<hbm>> -> memref<1x128x128xf32, #tpu.memory_space<hbm>>
        %dma_start3A_145 = tpu.memref_squeeze %dma_start3A_144 : memref<1x128x128xf32, #tpu.memory_space<hbm>> -> memref<128x128xf32, #tpu.memory_space<hbm>>
        tpu.enqueue_dma source(%arg6 : memref<128x128xf32, #tpu.memory_space<vmem>>) target(%dma_start3A_145 : memref<128x128xf32, #tpu.memory_space<hbm>>) target_semaphore(%run_scoped3A_139 : memref<!tpu.dma_semaphore, #tpu.memory_space<semaphore_mem>>)
        %dma_wait3A_146 = arith.constant 0 : i32
        %dma_wait3A_147 = tpu.memref_slice %arg4[%arg0, %add3A_138, %dma_wait3A_146] : memref<2x10240x128xf32, #tpu.memory_space<hbm>> -> memref<1x128x128xf32, #tpu.memory_space<hbm>>
        %dma_wait3A_148 = tpu.memref_squeeze %dma_wait3A_147 : memref<1x128x128xf32, #tpu.memory_space<hbm>> -> memref<128x128xf32, #tpu.memory_space<hbm>>
        %dma_wait3A_149 = arith.constant 0 : i32
        %dma_wait3A_150 = tpu.memref_slice %arg4[%arg0, %add3A_138, %dma_wait3A_149] : memref<2x10240x128xf32, #tpu.memory_space<hbm>> -> memref<1x128x128xf32, #tpu.memory_space<hbm>>
        %dma_wait3A_151 = tpu.memref_squeeze %dma_wait3A_150 : memref<1x128x128xf32, #tpu.memory_space<hbm>> -> memref<128x128xf32, #tpu.memory_space<hbm>>
        tpu.wait_dma2 semaphore(%run_scoped3A_139 : memref<!tpu.dma_semaphore, #tpu.memory_space<semaphore_mem>>) src(%arg6 : memref<128x128xf32, #tpu.memory_space<vmem>>) dst(%dma_wait3A_151 : memref<128x128xf32, #tpu.memory_space<hbm>>)
        tpu.yield
      }) : () -> ()
    }
    %scan3A_134 = arith.constant 5 : i32
    return
  }
}

module attributes {stable_mosaic.version = 14 : i64} {
  func.func @_mm_body(%arg0: i32, %arg1: memref<1024x128xf32, #tpu.memory_space<vmem>>, %arg2: memref<128x128xf32, #tpu.memory_space<vmem>>, %arg3: memref<1024x128xf32, #tpu.memory_space<vmem>>) attributes {dimension_semantics = [#tpu.dimension_semantics<arbitrary>], iteration_bounds = array<i64: 10>, scalar_prefetch = 0 : i64, scratch_operands = 0 : i64, tpu.core_type = #tpu.core_type<tc>, window_params = [{transform_indices = @transform_0, window_bounds = array<i64: 1024, 128>}, {pipeline_mode = #tpu.pipeline_mode<synchronous>, transform_indices = @transform_1, window_bounds = array<i64: 128, 128>}, {transform_indices = @transform_2, window_bounds = array<i64: 1024, 128>}]} {
    %get3A = arith.constant 0 : index
    %get3A_0 = arith.constant 0 : index
    %get3A_1 = vector.load %arg1[%get3A, %get3A_0] : memref<1024x128xf32, #tpu.memory_space<vmem>>, vector<1024x128xf32>
    %get3A_2 = arith.constant 0 : index
    %get3A_3 = arith.constant 0 : index
    %get3A_4 = vector.load %arg2[%get3A_2, %get3A_3] : memref<128x128xf32, #tpu.memory_space<vmem>>, vector<128x128xf32>
    %dot_general3A = arith.constant dense<0.000000e+00> : vector<1024x128xf32>
    %dot_general3A_5 = tpu.matmul %get3A_1, %get3A_4, %dot_general3A {dimension_numbers = #tpu.dot_dimension_numbers<[1], [0], [0], [1], [0, 0, 1, 1], [], []>, transpose_lhs_hint = false} : vector<1024x128xf32>, vector<128x128xf32>, vector<1024x128xf32> -> vector<1024x128xf32>
    %swap3A = arith.constant 0 : index
    %swap3A_6 = arith.constant 0 : index
    %swap3A_7 = vector.load %arg3[%swap3A, %swap3A_6] : memref<1024x128xf32, #tpu.memory_space<vmem>>, vector<1024x128xf32>
    tpu.vector_store %arg3[%swap3A, %swap3A_6], %dot_general3A_5 {strides = array<i32>} : memref<1024x128xf32, #tpu.memory_space<vmem>>, vector<1024x128xf32>,
    return
  }
  func.func @transform_0(%arg0: i32) -> (i32, i32) {
    %c0_i32 = arith.constant 0 : i32
    %c0_i32_0 = arith.constant 0 : i32
    return %arg0, %c0_i32 : i32, i32
  }
  func.func @transform_1(%arg0: i32) -> (i32, i32) {
    %c0_i32 = arith.constant 0 : i32
    %c0_i32_0 = arith.constant 0 : i32
    %c0_i32_1 = arith.constant 0 : i32
    return %c0_i32, %c0_i32_0 : i32, i32
  }
  func.func @transform_2(%arg0: i32) -> (i32, i32) {
    %c0_i32 = arith.constant 0 : i32
    %c0_i32_0 = arith.constant 0 : i32
    return %arg0, %c0_i32 : i32, i32
  }
}

module attributes {stable_mosaic.version = 14 : i64} {
  func.func @_combine_hedge_body(%arg0: i32, %arg1: memref<1024x128xf32, #tpu.memory_space<vmem>>, %arg2: memref<1024x128xf32, #tpu.memory_space<vmem>>, %arg3: memref<1024x1xf32, #tpu.memory_space<vmem>>, %arg4: memref<1024x128xf32, #tpu.memory_space<vmem>>) attributes {dimension_semantics = [#tpu.dimension_semantics<arbitrary>], iteration_bounds = array<i64: 10>, scalar_prefetch = 0 : i64, scratch_operands = 0 : i64, tpu.core_type = #tpu.core_type<tc>, window_params = [{transform_indices = @transform_0, window_bounds = array<i64: 1024, 128>}, {transform_indices = @transform_1, window_bounds = array<i64: 1024, 128>}, {transform_indices = @transform_2, window_bounds = array<i64: 1024, 1>}, {transform_indices = @transform_3, window_bounds = array<i64: 1024, 128>}]} {
    %get3A = arith.constant 0 : index
    %get3A_0 = arith.constant 0 : index
    %get3A_1 = vector.load %arg3[%get3A, %get3A_0] : memref<1024x1xf32, #tpu.memory_space<vmem>>, vector<1024x1xf32>
    %gt3A = arith.constant 0.000000e+00 : f32
    %gt3A_2 = vector.broadcast %gt3A : f32 to vector<1024x1xf32>
    %gt3A_3 = arith.cmpf ogt, %get3A_1, %gt3A_2 : vector<1024x1xf32>
    %div3A = arith.constant 1.000000e+00 : f32
    %div3A_4 = vector.broadcast %div3A : f32 to vector<1024x1xf32>
    %div3A_5 = arith.divf %div3A_4, %get3A_1 : vector<1024x1xf32>
    %jit3A = arith.constant 0.000000e+00 : f32
    %broadcast_in_dim3A = vector.broadcast %jit3A : f32 to vector<1024x1xf32>
    %select_n3A = arith.select %gt3A_3, %div3A_5, %broadcast_in_dim3A : vector<1024x1xi1>, vector<1024x1xf32>
    %get3A_6 = arith.constant 0 : index
    %get3A_7 = arith.constant 0 : index
    %get3A_8 = vector.load %arg1[%get3A_6, %get3A_7] : memref<1024x128xf32, #tpu.memory_space<vmem>>, vector<1024x128xf32>
    %get3A_9 = arith.constant 0 : index
    %get3A_10 = arith.constant 0 : index
    %get3A_11 = vector.load %arg2[%get3A_9, %get3A_10] : memref<1024x128xf32, #tpu.memory_space<vmem>>, vector<1024x128xf32>
    %add3A = arith.addf %get3A_8, %get3A_11 : vector<1024x128xf32>
    %mul3A = vector.broadcast %select_n3A : vector<1024x1xf32> to vector<1024x128xf32>
    %mul3A_12 = arith.mulf %add3A, %mul3A : vector<1024x128xf32>
    %swap3A = arith.constant 0 : index
    %swap3A_13 = arith.constant 0 : index
    %swap3A_14 = vector.load %arg4[%swap3A, %swap3A_13] : memref<1024x128xf32, #tpu.memory_space<vmem>>, vector<1024x128xf32>
    tpu.vector_store %arg4[%swap3A, %swap3A_13], %mul3A_12 {strides = array<i32>} : memref<1024x128xf32, #tpu.memory_space<vmem>>, vector<1024x128xf32>,
    return
  }
  func.func @transform_0(%arg0: i32) -> (i32, i32) {
    %c0_i32 = arith.constant 0 : i32
    %c0_i32_0 = arith.constant 0 : i32
    return %arg0, %c0_i32 : i32, i32
  }
  func.func @transform_1(%arg0: i32) -> (i32, i32) {
    %c0_i32 = arith.constant 0 : i32
    %c0_i32_0 = arith.constant 0 : i32
    return %arg0, %c0_i32 : i32, i32
  }
  func.func @transform_2(%arg0: i32) -> (i32, i32) {
    %c0_i32 = arith.constant 0 : i32
    %c0_i32_0 = arith.constant 0 : i32
    return %arg0, %c0_i32 : i32, i32
  }
  func.func @transform_3(%arg0: i32) -> (i32, i32) {
    %c0_i32 = arith.constant 0 : i32
    %c0_i32_0 = arith.constant 0 : i32
    return %arg0, %c0_i32 : i32, i32
  }
}

module attributes {stable_mosaic.version = 14 : i64} {
  func.func @_mid_body(%arg0: i32, %arg1: memref<1024x128xf32, #tpu.memory_space<vmem>>, %arg2: memref<1024x128xf32, #tpu.memory_space<vmem>>, %arg3: memref<1024x1xf32, #tpu.memory_space<vmem>>, %arg4: memref<1x128xf32, #tpu.memory_space<vmem>>, %arg5: memref<128x128xf32, #tpu.memory_space<vmem>>, %arg6: memref<1x1xf32, #tpu.memory_space<vmem>>, %arg7: memref<1024x128xf32, #tpu.memory_space<vmem>>) attributes {dimension_semantics = [#tpu.dimension_semantics<arbitrary>], iteration_bounds = array<i64: 10>, scalar_prefetch = 0 : i64, scratch_operands = 0 : i64, tpu.core_type = #tpu.core_type<tc>, window_params = [{transform_indices = @transform_0, window_bounds = array<i64: 1024, 128>}, {transform_indices = @transform_1, window_bounds = array<i64: 1024, 128>}, {transform_indices = @transform_2, window_bounds = array<i64: 1024, 1>}, {pipeline_mode = #tpu.pipeline_mode<synchronous>, transform_indices = @transform_3, window_bounds = array<i64: 1, 128>}, {pipeline_mode = #tpu.pipeline_mode<synchronous>, transform_indices = @transform_4, window_bounds = array<i64: 128, 128>}, {pipeline_mode = #tpu.pipeline_mode<synchronous>, transform_indices = @transform_5, window_bounds = array<i64: 1, 1>}, {transform_indices = @transform_6, window_bounds = array<i64: 1024, 128>}]} {
    %get3A = arith.constant 0 : index
    %get3A_0 = arith.constant 0 : index
    %get3A_1 = vector.load %arg3[%get3A, %get3A_0] : memref<1024x1xf32, #tpu.memory_space<vmem>>, vector<1024x1xf32>
    %gt3A = arith.constant 0.000000e+00 : f32
    %gt3A_2 = vector.broadcast %gt3A : f32 to vector<1024x1xf32>
    %gt3A_3 = arith.cmpf ogt, %get3A_1, %gt3A_2 : vector<1024x1xf32>
    %div3A = arith.constant 1.000000e+00 : f32
    %div3A_4 = vector.broadcast %div3A : f32 to vector<1024x1xf32>
    %div3A_5 = arith.divf %div3A_4, %get3A_1 : vector<1024x1xf32>
    %jit3A = arith.constant 0.000000e+00 : f32
    %broadcast_in_dim3A = vector.broadcast %jit3A : f32 to vector<1024x1xf32>
    %select_n3A = arith.select %gt3A_3, %div3A_5, %broadcast_in_dim3A : vector<1024x1xi1>, vector<1024x1xf32>
    %get3A_6 = arith.constant 0 : index
    %get3A_7 = arith.constant 0 : index
    %get3A_8 = vector.load %arg1[%get3A_6, %get3A_7] : memref<1024x128xf32, #tpu.memory_space<vmem>>, vector<1024x128xf32>
    %get3A_9 = arith.constant 0 : index
    %get3A_10 = arith.constant 0 : index
    %get3A_11 = vector.load %arg2[%get3A_9, %get3A_10] : memref<1024x128xf32, #tpu.memory_space<vmem>>, vector<1024x128xf32>
    %add3A = arith.addf %get3A_8, %get3A_11 : vector<1024x128xf32>
    %mul3A = vector.broadcast %select_n3A : vector<1024x1xf32> to vector<1024x128xf32>
    %mul3A_12 = arith.mulf %add3A, %mul3A : vector<1024x128xf32>
    %get3A_13 = arith.constant 0 : index
    %get3A_14 = arith.constant 0 : index
    %get3A_15 = vector.load %arg4[%get3A_13, %get3A_14] : memref<1x128xf32, #tpu.memory_space<vmem>>, vector<1x128xf32>
    %add3A_16 = vector.broadcast %get3A_15 : vector<1x128xf32> to vector<1024x128xf32>
    %add3A_17 = arith.addf %mul3A_12, %add3A_16 : vector<1024x128xf32>
    %get3A_18 = arith.constant 0 : index
    %get3A_19 = arith.constant 0 : index
    %get3A_20 = vector.load %arg6[%get3A_18, %get3A_19] : memref<1x1xf32, #tpu.memory_space<vmem>>, vector<1x1xf32>
    %get3A_21 = vector.extract %get3A_20[0, 0] : f32 from vector<1x1xf32>
    %ge3A = arith.constant 0.000000e+00 : f32
    %ge3A_22 = vector.broadcast %ge3A : f32 to vector<1024x128xf32>
    %ge3A_23 = arith.cmpf oge, %add3A_17, %ge3A_22 : vector<1024x128xf32>
    %mul3A_24 = vector.broadcast %get3A_21 : f32 to vector<1024x128xf32>
    %mul3A_25 = arith.mulf %mul3A_24, %add3A_17 : vector<1024x128xf32>
    %select_n3A_26 = arith.select %ge3A_23, %add3A_17, %mul3A_25 : vector<1024x128xi1>, vector<1024x128xf32>
    %get3A_27 = arith.constant 0 : index
    %get3A_28 = arith.constant 0 : index
    %get3A_29 = vector.load %arg5[%get3A_27, %get3A_28] : memref<128x128xf32, #tpu.memory_space<vmem>>, vector<128x128xf32>
    %dot_general3A = arith.constant dense<0.000000e+00> : vector<1024x128xf32>
    %dot_general3A_30 = tpu.matmul %select_n3A_26, %get3A_29, %dot_general3A {dimension_numbers = #tpu.dot_dimension_numbers<[1], [0], [0], [1], [0, 0, 1, 1], [], []>, transpose_lhs_hint = false} : vector<1024x128xf32>, vector<128x128xf32>, vector<1024x128xf32> -> vector<1024x128xf32>
    %swap3A = arith.constant 0 : index
    %swap3A_31 = arith.constant 0 : index
    %swap3A_32 = vector.load %arg7[%swap3A, %swap3A_31] : memref<1024x128xf32, #tpu.memory_space<vmem>>, vector<1024x128xf32>
    tpu.vector_store %arg7[%swap3A, %swap3A_31], %dot_general3A_30 {strides = array<i32>} : memref<1024x128xf32, #tpu.memory_space<vmem>>, vector<1024x128xf32>,
    return
  }
  func.func @transform_0(%arg0: i32) -> (i32, i32) {
    %c0_i32 = arith.constant 0 : i32
    %c0_i32_0 = arith.constant 0 : i32
    return %arg0, %c0_i32 : i32, i32
  }
  func.func @transform_1(%arg0: i32) -> (i32, i32) {
    %c0_i32 = arith.constant 0 : i32
    %c0_i32_0 = arith.constant 0 : i32
    return %arg0, %c0_i32 : i32, i32
  }
  func.func @transform_2(%arg0: i32) -> (i32, i32) {
    %c0_i32 = arith.constant 0 : i32
    %c0_i32_0 = arith.constant 0 : i32
    return %arg0, %c0_i32 : i32, i32
  }
  func.func @transform_3(%arg0: i32) -> (i32, i32) {
    %c0_i32 = arith.constant 0 : i32
    %c0_i32_0 = arith.constant 0 : i32
    %c0_i32_1 = arith.constant 0 : i32
    return %c0_i32, %c0_i32_0 : i32, i32
  }
  func.func @transform_4(%arg0: i32) -> (i32, i32) {
    %c0_i32 = arith.constant 0 : i32
    %c0_i32_0 = arith.constant 0 : i32
    %c0_i32_1 = arith.constant 0 : i32
    return %c0_i32, %c0_i32_0 : i32, i32
  }
  func.func @transform_5(%arg0: i32) -> (i32, i32) {
    %c0_i32 = arith.constant 0 : i32
    %c0_i32_0 = arith.constant 0 : i32
    %c0_i32_1 = arith.constant 0 : i32
    return %c0_i32, %c0_i32_0 : i32, i32
  }
  func.func @transform_6(%arg0: i32) -> (i32, i32) {
    %c0_i32 = arith.constant 0 : i32
    %c0_i32_0 = arith.constant 0 : i32
    return %arg0, %c0_i32 : i32, i32
  }
}

module attributes {stable_mosaic.version = 14 : i64} {
  func.func @_final_body(%arg0: i32, %arg1: memref<1024x128xf32, #tpu.memory_space<vmem>>, %arg2: memref<1024x128xf32, #tpu.memory_space<vmem>>, %arg3: memref<1024x1xf32, #tpu.memory_space<vmem>>, %arg4: memref<1x128xf32, #tpu.memory_space<vmem>>, %arg5: memref<1024x128xf32, #tpu.memory_space<vmem>>, %arg6: memref<1x1xf32, #tpu.memory_space<vmem>>, %arg7: memref<1024x128xf32, #tpu.memory_space<vmem>>) attributes {dimension_semantics = [#tpu.dimension_semantics<arbitrary>], iteration_bounds = array<i64: 10>, scalar_prefetch = 0 : i64, scratch_operands = 0 : i64, tpu.core_type = #tpu.core_type<tc>, window_params = [{transform_indices = @transform_0, window_bounds = array<i64: 1024, 128>}, {transform_indices = @transform_1, window_bounds = array<i64: 1024, 128>}, {transform_indices = @transform_2, window_bounds = array<i64: 1024, 1>}, {pipeline_mode = #tpu.pipeline_mode<synchronous>, transform_indices = @transform_3, window_bounds = array<i64: 1, 128>}, {transform_indices = @transform_4, window_bounds = array<i64: 1024, 128>}, {pipeline_mode = #tpu.pipeline_mode<synchronous>, transform_indices = @transform_5, window_bounds = array<i64: 1, 1>}, {transform_indices = @transform_6, window_bounds = array<i64: 1024, 128>}]} {
    %get3A = arith.constant 0 : index
    %get3A_0 = arith.constant 0 : index
    %get3A_1 = vector.load %arg3[%get3A, %get3A_0] : memref<1024x1xf32, #tpu.memory_space<vmem>>, vector<1024x1xf32>
    %gt3A = arith.constant 0.000000e+00 : f32
    %gt3A_2 = vector.broadcast %gt3A : f32 to vector<1024x1xf32>
    %gt3A_3 = arith.cmpf ogt, %get3A_1, %gt3A_2 : vector<1024x1xf32>
    %div3A = arith.constant 1.000000e+00 : f32
    %div3A_4 = vector.broadcast %div3A : f32 to vector<1024x1xf32>
    %div3A_5 = arith.divf %div3A_4, %get3A_1 : vector<1024x1xf32>
    %jit3A = arith.constant 0.000000e+00 : f32
    %broadcast_in_dim3A = vector.broadcast %jit3A : f32 to vector<1024x1xf32>
    %select_n3A = arith.select %gt3A_3, %div3A_5, %broadcast_in_dim3A : vector<1024x1xi1>, vector<1024x1xf32>
    %get3A_6 = arith.constant 0 : index
    %get3A_7 = arith.constant 0 : index
    %get3A_8 = vector.load %arg1[%get3A_6, %get3A_7] : memref<1024x128xf32, #tpu.memory_space<vmem>>, vector<1024x128xf32>
    %get3A_9 = arith.constant 0 : index
    %get3A_10 = arith.constant 0 : index
    %get3A_11 = vector.load %arg2[%get3A_9, %get3A_10] : memref<1024x128xf32, #tpu.memory_space<vmem>>, vector<1024x128xf32>
    %add3A = arith.addf %get3A_8, %get3A_11 : vector<1024x128xf32>
    %mul3A = vector.broadcast %select_n3A : vector<1024x1xf32> to vector<1024x128xf32>
    %mul3A_12 = arith.mulf %add3A, %mul3A : vector<1024x128xf32>
    %get3A_13 = arith.constant 0 : index
    %get3A_14 = arith.constant 0 : index
    %get3A_15 = vector.load %arg4[%get3A_13, %get3A_14] : memref<1x128xf32, #tpu.memory_space<vmem>>, vector<1x128xf32>
    %add3A_16 = vector.broadcast %get3A_15 : vector<1x128xf32> to vector<1024x128xf32>
    %add3A_17 = arith.addf %mul3A_12, %add3A_16 : vector<1024x128xf32>
    %get3A_18 = arith.constant 0 : index
    %get3A_19 = arith.constant 0 : index
    %get3A_20 = vector.load %arg5[%get3A_18, %get3A_19] : memref<1024x128xf32, #tpu.memory_space<vmem>>, vector<1024x128xf32>
    %add3A_21 = arith.addf %add3A_17, %get3A_20 : vector<1024x128xf32>
    %get3A_22 = arith.constant 0 : index
    %get3A_23 = arith.constant 0 : index
    %get3A_24 = vector.load %arg6[%get3A_22, %get3A_23] : memref<1x1xf32, #tpu.memory_space<vmem>>, vector<1x1xf32>
    %get3A_25 = vector.extract %get3A_24[0, 0] : f32 from vector<1x1xf32>
    %ge3A = arith.constant 0.000000e+00 : f32
    %ge3A_26 = vector.broadcast %ge3A : f32 to vector<1024x128xf32>
    %ge3A_27 = arith.cmpf oge, %add3A_21, %ge3A_26 : vector<1024x128xf32>
    %mul3A_28 = vector.broadcast %get3A_25 : f32 to vector<1024x128xf32>
    %mul3A_29 = arith.mulf %mul3A_28, %add3A_21 : vector<1024x128xf32>
    %select_n3A_30 = arith.select %ge3A_27, %add3A_21, %mul3A_29 : vector<1024x128xi1>, vector<1024x128xf32>
    %swap3A = arith.constant 0 : index
    %swap3A_31 = arith.constant 0 : index
    %swap3A_32 = vector.load %arg7[%swap3A, %swap3A_31] : memref<1024x128xf32, #tpu.memory_space<vmem>>, vector<1024x128xf32>
    tpu.vector_store %arg7[%swap3A, %swap3A_31], %select_n3A_30 {strides = array<i32>} : memref<1024x128xf32, #tpu.memory_space<vmem>>, vector<1024x128xf32>,
    return
  }
  func.func @transform_0(%arg0: i32) -> (i32, i32) {
    %c0_i32 = arith.constant 0 : i32
    %c0_i32_0 = arith.constant 0 : i32
    return %arg0, %c0_i32 : i32, i32
  }
  func.func @transform_1(%arg0: i32) -> (i32, i32) {
    %c0_i32 = arith.constant 0 : i32
    %c0_i32_0 = arith.constant 0 : i32
    return %arg0, %c0_i32 : i32, i32
  }
  func.func @transform_2(%arg0: i32) -> (i32, i32) {
    %c0_i32 = arith.constant 0 : i32
    %c0_i32_0 = arith.constant 0 : i32
    return %arg0, %c0_i32 : i32, i32
  }
  func.func @transform_3(%arg0: i32) -> (i32, i32) {
    %c0_i32 = arith.constant 0 : i32
    %c0_i32_0 = arith.constant 0 : i32
    %c0_i32_1 = arith.constant 0 : i32
    return %c0_i32, %c0_i32_0 : i32, i32
  }
  func.func @transform_4(%arg0: i32) -> (i32, i32) {
    %c0_i32 = arith.constant 0 : i32
    %c0_i32_0 = arith.constant 0 : i32
    return %arg0, %c0_i32 : i32, i32
  }
  func.func @transform_5(%arg0: i32) -> (i32, i32) {
    %c0_i32 = arith.constant 0 : i32
    %c0_i32_0 = arith.constant 0 : i32
    %c0_i32_1 = arith.constant 0 : i32
    return %c0_i32, %c0_i32_0 : i32, i32
  }
  func.func @transform_6(%arg0: i32) -> (i32, i32) {
    %c0_i32 = arith.constant 0 : i32
    %c0_i32_0 = arith.constant 0 : i32
    return %arg0, %c0_i32 : i32, i32
  }
}

</mosaic_0001>

<sc_bundles>
// kernel: kernel.12.cloned.1.call-start
scs
__scs_entry_jumppad:
0x0: {  	(pc) =	sbr.rel $0x88, $3  }
0x1: {  	(tag) =	ssettag $0x0;
	lr =	simm.s32 $0x1  }
0x2: {  	[smem:$0x3F9A] =	sst lr;
	_ =	strace $0xD0000000  }
0x3: {  	_ = 	snop  }
0x4: {  	_ = 	snop  }
0x5: {  	_ = 	snop  }
0x6: {  	_ = 	snop  }
0x7: {  	_ = 	snop  }
__scs_overlays_trampoline_lowered:
0x8: {  	[smem:$0x3FA9] =	sst s0  }
0x9: {  	[smem:$0x3FAA] =	sst s1  }
0xa: {  	[smem:$0x3FAB] =	sst s2  }
0xb: {  	[smem:$0x3FAC] =	sst s3  }
0xc: {  	[smem:$0x3FAD] =	sst s4  }
0xd: {  	[smem:$0x3FAE] =	sst s5  }
0xe: {  	[smem:$0x3FAF] =	sst s6  }
0xf: {  	[smem:$0x3FB0] =	sst s7  }
0x10: {  	[smem:$0x3FB1] =	sst s8  }
0x11: {  	[smem:$0x3FB2] =	sst s9;
	s0 =	simm.s32 @!p0 $0x0  }
0x12: {  	s1 =	sld [smem:$0x3F98];
	s0 =	simm.s32 @p0 $0x1  }
0x13: {  	[smem:$0x3FB3] =	sst s0;
	s0 =	simm.s32 @!p1 $0x0  }
0x14: {  	s2 =	sld [smem:$0x3F97];
	s0 =	simm.s32 @p1 $0x1  }
0x15: {  	[smem:$0x3FB4] =	sst s0;
	s0 =	simm.s32 @!p2 $0x0  }
0x16: {  	s3 =	sld [smem:$0x3FDB];
	s0 =	simm.s32 @p2 $0x1  }
0x17: {  	s4 =	simm.s32 $0x1BF5;
	[smem:$0x3FB6] =	sst s0  }
0x18: {  	s0 =	sld [smem:$0x3F99];
	_ =	swait.ge [sflag:s4], $0x0  }
0x19: {  	s7 =	sld [smem:$0x3F9A]  }
0x1a: {  	s8 =	sadd.s32 $0xFFFFE003, lr  }
0x1b: {  	s9 =	sadd.s32 $0xFFFFFEF7, lr;
	s5 =	simm.s32 $0xFFFFFFFF;
	p2 =	slt.u32 s8, $0xFFFFF086  }
0x1c: {  	p1 =	slt.u32 s9, $0xF7A;
	s5 =	simm.s32 @!p2 $0x0  }
0x1d: {  	s5 =	simm.s32 @p1 $0x1;
	p0 =	seq.s32 s7, s2  }
0x1e: {  	s7 =	smul.u32 @!p0 $0xF7A, s2;
	p2 =	seq.s32 @!p0 s5, $0x0  }
0x1f: {  	s9 =	smul.u32 $0xF7A, s1;
	s8 =	simm.s32 @!p0 $0x1BF5;
	p2 =	por !p2, p0  }
0x20: {  	[sflag:s8] =	ssyncset.s32 @!p0 $0xFFFFF086;
	s6 =	sadd.s32 @!p0 s3, s7;
	s7 =	simm.s32 @!p0 $0x108  }
0x21: {  	s3 =	sadd.s32 s3, s9;
	s6 =	sadd.s32 @!p0 $0x88, s6;
	s7 =	simm.s32 @p2 $0x1082  }
0x22: {  	[simem:s7], [sflag:s8] =	dma.local @!p0 [hbm:s6], $0xF7A  }
0x23: {  	s9 =	sor.u32 $0xD0000000, s2;
	s6 =	simm.s32 $0x108;
	_ =	swait.ge @!p0 [sflag:s8], $0x0  }
0x24: {  	s3 =	sadd.s32 $0x88, s3;
	s6 =	simm.s32 @!p1 $0x1082;
	[sflag:s4] =	ssyncset.s32 $0xFFFFF086  }
0x25: {  	[simem:s6], [sflag:s4] =	dma.local [hbm:s3], $0xF7A  }
0x26: {  	[smem:$0x3F9A] =	sst s1;
	(tag) =	ssettag s2;
	_ =	strace s9  }
0x27: {  	s1 =	sld [smem:$0x3FAA]  }
0x28: {  	s2 =	sld [smem:$0x3FAB]  }
0x29: {  	s4 =	sld [smem:$0x3FAD]  }
0x2a: {  	p0 =	seq.s32 s5, $0x0;
	s5 =	sld [smem:$0x3FAE]  }
0x2b: {  	s6 =	sld [smem:$0x3FAF]  }
0x2c: {  	s7 =	sld [smem:$0x3FB0]  }
0x2d: {  	s3 =	simm.s32 $0x108;
	s8 =	sld [smem:$0x3FB1]  }
0x2e: {  	s3 =	simm.s32 @!p0 $0x1082;
	s9 =	sld [smem:$0x3FB2]  }
0x2f: {  	lr =	sadd.s32 s0, s3;
	s0 =	sld [smem:$0x3FA9]  }
0x30: {  	s3 =	sld [smem:$0x3FAC]  }
0x31: {  	[smem:$0x3FB5] =	sst s10  }
0x32: {  	s10 =	sld [smem:$0x3FB3];
	_ =	sdelay $0x3  }
0x33: {  	p0 =	seq.s32 s10, $0x1;
	s10 =	sld [smem:$0x3FB5];
	_ =	sdelay $0x3  }
0x34: {  	[smem:$0x3FB5] =	sst s10  }
0x35: {  	s10 =	sld [smem:$0x3FB4];
	_ =	sdelay $0x3  }
0x36: {  	p1 =	seq.s32 s10, $0x1;
	s10 =	sld [smem:$0x3FB5];
	_ =	sdelay $0x3  }
0x37: {  	[smem:$0x3FB5] =	sst s10  }
0x38: {  	s10 =	sld [smem:$0x3FB6]  }
0x39: {  	_ = 	snop;
	(pc) =	sbr.ind lr, $3  }
0x3a: {  	_ = 	snop  }
0x3b: {  	_ = 	snop  }
0x3c: {  	p2 =	seq.s32 s10, $0x1;
	s10 =	sld [smem:$0x3FB5]  }
0x3d: {  	_ =	shalt  }
0x3e: {  	_ =	shalt  }
0x3f: {  	_ =	shalt  }
0x40: {  	_ =	shalt  }
0x41: {  	_ =	shalt  }
0x42: {  	_ =	shalt  }
0x43: {  	_ =	shalt  }
0x44: {  	_ =	shalt  }
0x45: {  	_ =	shalt  }
0x46: {  	_ =	shalt  }
0x47: {  	_ =	shalt  }
0x48: {  	_ =	shalt  }
0x49: {  	_ =	shalt  }
0x4a: {  	_ =	shalt  }
0x4b: {  	_ =	shalt  }
0x4c: {  	_ =	shalt  }
0x4d: {  	_ =	shalt  }
0x4e: {  	_ =	shalt  }
0x4f: {  	_ =	shalt  }
0x50: {  	_ =	shalt  }
0x51: {  	_ =	shalt  }
0x52: {  	_ =	shalt  }
0x53: {  	_ =	shalt  }
0x54: {  	_ =	shalt  }
0x55: {  	_ =	shalt  }
0x56: {  	_ =	shalt  }
0x57: {  	_ =	shalt  }
0x58: {  	_ =	shalt  }
0x59: {  	_ =	shalt  }
0x5a: {  	_ =	shalt  }
0x5b: {  	_ =	shalt  }
0x5c: {  	_ =	shalt  }
0x5d: {  	_ =	shalt  }
0x5e: {  	_ =	shalt  }
0x5f: {  	_ =	shalt  }
0x60: {  	_ =	shalt  }
0x61: {  	_ =	shalt  }
0x62: {  	_ =	shalt  }
0x63: {  	_ =	shalt  }
0x64: {  	_ =	shalt  }
0x65: {  	_ =	shalt  }
0x66: {  	_ =	shalt  }
0x67: {  	_ =	shalt  }
0x68: {  	_ =	shalt  }
0x69: {  	_ =	shalt  }
0x6a: {  	_ =	shalt  }
0x6b: {  	_ =	shalt  }
0x6c: {  	_ =	shalt  }
0x6d: {  	_ =	shalt  }
0x6e: {  	_ =	shalt  }
0x6f: {  	_ =	shalt  }
0x70: {  	_ =	shalt  }
0x71: {  	_ =	shalt  }
0x72: {  	_ =	shalt  }
0x73: {  	_ =	shalt  }
0x74: {  	_ =	shalt  }
0x75: {  	_ =	shalt  }
0x76: {  	_ =	shalt  }
0x77: {  	_ =	shalt  }
0x78: {  	_ =	shalt  }
0x79: {  	_ =	shalt  }
0x7a: {  	_ =	shalt  }
0x7b: {  	_ =	shalt  }
0x7c: {  	_ =	shalt  }
0x7d: {  	_ =	shalt  }
0x7e: {  	_ =	shalt  }
0x7f: {  	_ =	shalt  }
0x80: {  	_ =	shalt  }
0x81: {  	_ =	shalt  }
0x82: {  	_ =	shalt  }
0x83: {  	_ =	shalt  }
0x84: {  	_ =	shalt  }
0x85: {  	_ =	shalt  }
0x86: {  	_ =	shalt  }
0x87: {  	_ =	shalt  }
.Lfunc_end0:
.L_simem_size_0:
called_computation_lowered:
.L_overlay_start_0:
0x88: {  	s2 =	sld [smem:$0x3FD9]  }
0x89: {  	s3 =	sld [smem:$0x3FFE];
	_ =	sdelay $0x1  }
0x8a: {  	s1 =	srdreg.scid  }
0x8b: {  	s0 =	sand.u32 $0x1, s1  }
0x8c: {  	s17 =	sshll.u32 s0, $0xA;
	s2 =	sadd.s32 s3, s2  }
0x8d: {  	s2 =	sadd.s32 s2, s17  }
0x8e: {  	[smem:$0x3FC1] =	sst s2  }
0x8f: {  	_ = 	snop  }
0x90: {  	(tm) =	ssettm $0x1  }
0x91: {  	s18 =	sld [smem:$0x3FFB];
	_ =	sdelay $0x3  }
0x92: {  	_ =	strace s18  }
0x93: {  	s2 =	sld [smem:$0x3FFC];
	_ =	sdelay $0x3  }
0x94: {  	_ =	strace s2  }
0x95: {  	s2 =	sld [smem:$0x3FFD];
	_ =	sdelay $0x3  }
0x96: {  	_ =	strace s2  }
0x97: {  	_ =	strace $0x8FFFFFFF  }
0x98: {  	s19 =	sld [smem:$0x3FDB];
	_ =	sdelay $0x1  }
0x99: {  	s20 =	simm.s32 $_scs_section_size  }
0x9a: {  	s4 =	simm.s32 $_size__tile_overlayer_lowered;
	s5 =	simm.s32 $_tile_overlayer_lowered  }
0x9b: {  	s6 =	simm.s32 $0x1BFF;
	s21 =	sshll.u32 s5, $0x1;
	s3 =	sadd.s32 s20, s19  }
0x9c: {  	s22 =	simm.s32 $0x0;
	s4 =	sshll.u32 s4, $0x1;
	s5 =	sadd.s32 s21, s3  }
0x9d: {  	[timem:s22], [sflag:s6] =	dma.local [hbm:s5], s4  }
0x9e: {  	_ =	swait.ge [sflag:s6], s4  }
0x9f: {  	s4 =	ssub.s32 $0x0, s4;
	[sflag:s6] =	ssyncset.done $0x0  }
0xa0: {  	[sflag:s6] =	ssyncadd.s32 s4;
	_ =	sdelay $0x1  }
0xa1: {  	s23 =	simm.s32 $0x1B8B  }
0xa2: {  	_ =	swait.ge [sflag:s23], $0x1  }
0xa3: {  	[sflag:s23] =	ssyncset.done $0x0  }
0xa4: {  	[sflag:s23] =	ssyncadd.s32 $0xFFFFFFFF  }
0xa5: {  	s4 =	sld [smem:$0x0]  }
0xa6: {  	s5 =	sand.u32 $0xFFFFFFFE, s1  }
0xa7: {  	p0 =	sne.s32 s1, s5  }
0xa8: {  	s5 =	sshll.u32 @p0 s5, $0xE  }
0xa9: {  	s5 =	sadd.s32 @p0 $0x11B8D, s5;
	s6 =	sshll.u32 @p0 s4, $0x11  }
0xaa: {  	s5 =	sor.u32 @p0 s6, s5  }
0xab: {  	[sflag:s5] =	ssyncadd.remote.s32 @p0 $0x1;
	_ =	sdelay $0x1  }
0xac: {  	s5 =	simm.s32 @p0 $0x1B8D  }
0xad: {  	_ =	swait.eq @p0 [sflag:s5], $0x1  }
0xae: {  	[sflag:s5] =	ssyncadd.s32 @p0 $0xFFFFFFFF  }
0xaf: {  	s6 =	sshll.u32 @!p0 s1, $0xE  }
0xb0: {  	s6 =	sor.u32 @!p0 $0x4000, s6;
	s5 =	simm.s32 @!p0 $0x1B8D  }
0xb1: {  	s4 =	sshll.u32 @!p0 s4, $0x11;
	s6 =	sadd.s32 @!p0 $0x11B8D, s6;
	_ =	swait.eq @!p0 [sflag:s5], $0x1  }
0xb2: {  	s4 =	sor.u32 @!p0 s4, s6;
	[sflag:s5] =	ssyncadd.s32 @!p0 $0xFFFFFFFF  }
0xb3: {  	s25 =	simm.s32 $0x1B8E;
	s24 =	sld [smem:$0x3FFE];
	[sflag:s4] =	ssyncadd.remote.s32 @!p0 $0x1  }
0xb4: {  	s26 =	simm.s32 $execute0_lowered;
	[smem:$0x3FD2] =	sst s25  }
0xb5: {  	s5 =	sshll.u32 s26, $0x1;
	_ =	strace $0x80000049;
	[dreg:$0x1] =	wrdreg $0xFFFFFFFF  }
0xb6: {  	s28 =	simm.s32 $_size_execute0_lowered;
	s3 =	sadd.s32 s3, s5;
	[dreg:$0x0] =	wrdreg $0x0  }
0xb7: {  	s5 =	sshll.u32 s28, $0x1;
	[dreg:$0x2] =	wrdreg s3  }
0xb8: {  	[dreg:$0x3] =	wrdreg s5  }
0xb9: {  	[dreg:$0x4] =	wrdreg $0xC0  }
0xba: {  	_ =	task [dreg:s22], $0x5FFFF  }
0xbb: {  	[dreg:$0x1] =	wrdreg $0xFFFFFFFF  }
0xbc: {  	[dreg:$0x0] =	wrdreg $0x60  }
0xbd: {  	[dreg:$0x2] =	wrdreg s24  }
0xbe: {  	[dreg:$0x3] =	wrdreg $0xB0000  }
0xbf: {  	[dreg:$0x4] =	wrdreg $0x9  }
0xc0: {  	_ =	task.clear_ibuf [dreg:s22], $0x5FFFF;
	_ =	strace $0x90000049  }
0xc1: {  	s29 =	simm.s32 $0x9;
	_ =	strace $0x8000004B  }
0xc2: {  	_ =	swait.ge [sflag:s29], $0x1  }
0xc3: {  	[sflag:s29] =	ssyncadd.s32 $0xFFFFFFFF  }
0xc4: {  	_ =	strace $0x9000004B  }
0xc5: {  	_ =	sfence  }
0xc6: {  	s30 =	sld [smem:$0x0];
	_ =	sdelay $0x2  }
0xc7: {  	s31 =	sshll.u32 s1, $0xD;
	s1 =	sshrl.u32 s1, $0x2  }
0xc8: {  	s4 =	sand.u32 $0x4000, s31;
	s1 =	sadd.s32 s1, s30  }
0xc9: {  	s0 =	sor.u32 s4, s0;
	s1 =	sshll.u32 s1, $0x11  }
0xca: {  	s0 =	sor.u32 s1, s0  }
0xcb: {  	s0 =	sadd.s32 $0x8F2B, s0  }
0xcc: {  	[sflag:s0] =	ssyncadd.remote.s32 $0x1  }
0xcd: {  	_ =	sfence.sel $0xFFFF  }
0xce: {  	[dreg:$0x0] =	wrdreg $0xFFFFFFFF;
	(pc) =	sbr.abs _section_cstart, $3  }
0xcf: {  	[dreg:$0x1] =	wrdreg $0xFFFFFFFF  }
0xd0: {  	_ =	task.clear_ibuf [dreg:s22], $0x2FFFF;
	_ =	strace $0x9FFFFFFF  }
0xd1: {  	(tm) =	ssettm $0x7FFFFFFF  }
tec
execute0_lowered:
.L_overlay_start_1:
0x0: {  	(tag) =	ssettag $0x1  }
0x1: {  	s7 =	stileid.u32  }
0x2: {  	s0 =	srdreg.scid;
	s3 =	smul.u32 $0x5000, s7  }
0x3: {  	s0 =	sand.u32 $0x1, s0;
	s5 =	smul.u32 $0x14000, s7  }
0x4: {  	s4 =	rddreg [dreg:$0x0];
	s1 =	smul.u32 $0x50000, s0  }
0x5: {  	s2 =	rddreg [dreg:$0x1];
	s15 =	smul.u32 $0x140000, s0;
	s0 =	ssub.s32 $0x2, s0  }
0x6: {  	s7 =	smul.u32 $0x50000, s7;
	s6 =	sshrl.u32 s0, $0x1;
	s8 =	sor.u32 $0x2000, s5  }
0x7: {  	s9 =	sadd.s32 $0x4000, s5;
	s11 =	sadd.s32 $0x6000, s5;
	s14 =	sadd.s32 $0x8000, s5  }
0x8: {  	s22 =	sadd.s32 $0xC000, s5;
	s23 =	sadd.s32 $0xE000, s5;
	s24 =	sadd.s32 $0x10000, s5  }
0x9: {  	s1 =	sadd.s32 s3, s1;
	s0 =	ssub.s32 s0, s6;
	s25 =	sadd.s32 s15, s5  }
0xa: {  	s26 =	sadd.s32 s15, s8;
	s10 =	sadd.s32 s15, s9;
	s12 =	sadd.s32 s15, s11  }
0xb: {  	s16 =	sadd.s32 s15, s14;
	s18 =	sadd.s32 s15, s22;
	s20 =	sadd.s32 s15, s23  }
0xc: {  	s21 =	sadd.s32 s15, s24;
	s22 =	sadd.s32 s22, s2;
	s23 =	sadd.s32 s23, s2  }
0xd: {  	s24 =	sadd.s32 s24, s2;
	s1 =	sshrl.u32 s1, $0x3;
	s6 =	sshrl.u32 s25, $0x3  }
0xe: {  	s10 =	sshrl.u32 s10, $0x3;
	s1 =	sadd.s32 s1, s4;
	s4 =	sadd.s32 $0xCB400, s4  }
0xf: {  	s13 =	sshrl.u32 s12, $0x3;
	s19 =	sshrl.u32 s18, $0x3;
	s6 =	sadd.s32 s4, s6  }
0x10: {  	s25 =	sshrl.u32 s21, $0x3;
	[dreg:$0x3] =	wrdreg s6;
	s6 =	sshrl.u32 s26, $0x3  }
0x11: {  	s18 =	sadd.s32 s9, s2;
	s9 =	simm.s32 $0x0;
	s6 =	sadd.s32 s4, s6  }
0x12: {  	s1 =	sadd.s32 $0xB7400, s1;
	[dreg:$0x4] =	wrdreg s6;
	s6 =	sadd.s32 s4, s10  }
0x13: {  	s26 =	sshrl.u32 s7, $0x2;
	s7 =	simm.s32 $0x80;
	[dreg:$0x5] =	wrdreg s6  }
0x14: {  	s6 =	sadd.s32 s4, s13;
	s13 =	sadd.s32 $0xA000, s5;
	s5 =	sadd.s32 $0x12000, s5  }
0x15: {  	[dreg:$0x6] =	wrdreg s6;
	s6 =	sshrl.u32 s16, $0x3;
	s12 =	sadd.s32 s15, s13  }
0x16: {  	s3 =	sadd.s32 s15, s5;
	s15 =	sadd.s32 s26, s2;
	s16 =	smax.u32 s0, $0x1  }
0x17: {  	s21 =	sadd.s32 s13, s2;
	s6 =	sadd.s32 s4, s6;
	s17 =	sshrl.u32 s12, $0x3  }
0x18: {  	s3 =	sshrl.u32 s3, $0x3;
	s12 =	simm.s32 $0x0;
	s26 =	sadd.s32 $0x2000, s15  }
0x19: {  	s28 =	sadd.s32 $0x4000, s15;
	s29 =	sadd.s32 $0x6000, s15;
	s30 =	sadd.s32 $0x8000, s15  }
0x1a: {  	s31 =	sadd.s32 $0xA000, s15;
	s0 =	sadd.s32 $0xE000, s15;
	[dreg:$0x7] =	wrdreg s6  }
0x1b: {  	s6 =	sadd.s32 s4, s17;
	s3 =	sadd.s32 s4, s3;
	[smem:$0x7FF] =	sst s12  }
0x1c: {  	s17 =	sadd.s32 s8, s2;
	[dreg:$0x8] =	wrdreg s6;
	s6 =	sadd.s32 s4, s19  }
0x1d: {  	s8 =	simm.s32 $0x5000;
	[dreg:$0x9] =	wrdreg s6;
	s6 =	sshrl.u32 s20, $0x3  }
0x1e: {  	[dreg:$0xc] =	wrdreg s3;
	s19 =	sadd.s32 s11, s2;
	s6 =	sadd.s32 s4, s6  }
0x1f: {  	s3 =	sadd.s32 $0x10000, s15;
	s20 =	sadd.s32 s14, s2;
	[dreg:$0xa] =	wrdreg s6  }
0x20: {  	s6 =	sadd.s32 s4, s25;
	s25 =	sadd.s32 s5, s2;
	s4 =	sadd.s32 $0x12000, s15  }
0x21: {  	s5 =	simm.s32 $0x1;
	[dreg:$0xb] =	wrdreg s6;
	s6 =	simm.s32 $0x9000  }
0x22: {  	v0 =	vimm.f32 $1.000000000e+00;
	v1 =	vimm.f32 $0.0e+00;
	_ =	strace $0x8000004A;
	[dreg:$0xd] =	wrdreg s1;
	s1 =	sadd.s32 $0xC000, s15  }
.LBB2_1:
0x23: {  	s10 =	rddreg [dreg:$0xd]  }
0x24: {  	[tilespmem:s12], [sflag:$0x1] =	stream.linear.gather [hbm4b:s10+s12], $0x5000, $0x38;
	[tilespmem:$0x1F000] =	vst v63  }
0x25: {  	_ =	swait.ge [sflag:s5], $0x5000  }
0x26: {  	[sflag:s5] =	ssyncset.done $0x0  }
0x27: {  	s11 =	simm.s32 $0x0;
	s10 =	simm.s32 $0x0;
	[sflag:s5] =	ssyncadd.s32 $0xFFFFB000  }
.LBB2_2:
0x28: {  	p0 =	sne.s32 s11, $0xFFC0  }
.Ltmp0:
0x29: {  	_ = 	snop;
	(pc) =	sbr.rel @p0 .LBB2_2-.Ltmp0, $4  }
0x2a: {  	s13 =	sand.u32 $0xFE00, s11  }
0x2b: {  	s14 =	sand.u32 $0x70, s10;
	s13 =	sshrl.u32 s13, $0x2  }
0x2c: {  	s13 =	sor.u32 s14, s13  }
0x2d: {  	s10 =	sadd.s32 $0x10, s10;
	s11 =	sadd.s32 $0x40, s11;
	[tilespmem:s13+$0x5000] =	vst v0  }
0x2e: {  	s10 =	simm.s32 $0x0  }
0x2f: {  	s11 =	sand.u32 $0x7E00, s10  }
0x30: {  	s13 =	sand.u32 $0x70, s10;
	s14 =	sshrl.u32 s11, $0x2  }
0x31: {  	s11 =	simm.s32 $0x40;
	s13 =	sor.u32 s13, s14  }
.LBB2_4:
0x32: {  	p0 =	sne.s32 s11, $0x7FC0  }
0x33: {  	[tilespmem:s13+$0x9000] =	vst v1;
	s10 =	sadd.s32 $0x10, s10;
	s13 =	smov.u32 s11;
	s11 =	sadd.s32 $0x40, s11  }
.Ltmp1:
0x34: {  	(pc) =	sbr.rel @p0 .LBB2_4-.Ltmp1, $4  }
0x35: {  	_ = 	snop  }
0x36: {  	s13 =	sand.u32 $0x7E00, s13  }
0x37: {  	s14 =	sand.u32 $0x70, s10;
	s13 =	sshrl.u32 s13, $0x2  }
0x38: {  	s13 =	sor.u32 s14, s13  }
0x39: {  	[tilespmem:s13+$0x9000] =	vst v1  }
0x3a: {  	[spmem:s15] =	stream.linear.scatter [tilespmem:s6], [sflag:$0x1], $0x2000, $0x38;
	[tilespmem:$0x1F000] =	vst v63  }
0x3b: {  	_ =	swait.ge [sflag:s5], $0x2000  }
0x3c: {  	[sflag:s5] =	ssyncset.done $0x0  }
0x3d: {  	[sflag:s5] =	ssyncadd.s32 $0xFFFFE000  }
0x3e: {  	[spmem:s26] =	stream.linear.scatter [tilespmem:s6], [sflag:$0x1], $0x2000, $0x38;
	[tilespmem:$0x1F000] =	vst v63  }
0x3f: {  	_ =	swait.ge [sflag:s5], $0x2000  }
0x40: {  	[sflag:s5] =	ssyncset.done $0x0  }
0x41: {  	[sflag:s5] =	ssyncadd.s32 $0xFFFFE000  }
0x42: {  	[spmem:s28] =	stream.linear.scatter [tilespmem:s6], [sflag:$0x1], $0x2000, $0x38;
	[tilespmem:$0x1F000] =	vst v63  }
0x43: {  	_ =	swait.ge [sflag:s5], $0x2000  }
0x44: {  	[sflag:s5] =	ssyncset.done $0x0  }
0x45: {  	[sflag:s5] =	ssyncadd.s32 $0xFFFFE000  }
0x46: {  	[spmem:s29] =	stream.linear.scatter [tilespmem:s6], [sflag:$0x1], $0x2000, $0x38;
	[tilespmem:$0x1F000] =	vst v63  }
0x47: {  	_ =	swait.ge [sflag:s5], $0x2000  }
0x48: {  	[sflag:s5] =	ssyncset.done $0x0  }
0x49: {  	[sflag:s5] =	ssyncadd.s32 $0xFFFFE000  }
0x4a: {  	[spmem:s30] =	stream.linear.scatter [tilespmem:s6], [sflag:$0x1], $0x2000, $0x38;
	[tilespmem:$0x1F000] =	vst v63  }
0x4b: {  	_ =	swait.ge [sflag:s5], $0x2000  }
0x4c: {  	[sflag:s5] =	ssyncset.done $0x0  }
0x4d: {  	[sflag:s5] =	ssyncadd.s32 $0xFFFFE000  }
0x4e: {  	[spmem:s31] =	stream.linear.scatter [tilespmem:s6], [sflag:$0x1], $0x2000, $0x38;
	[tilespmem:$0x1F000] =	vst v63  }
0x4f: {  	_ =	swait.ge [sflag:s5], $0x2000  }
0x50: {  	[sflag:s5] =	ssyncset.done $0x0  }
0x51: {  	[sflag:s5] =	ssyncadd.s32 $0xFFFFE000  }
0x52: {  	[spmem:s1] =	stream.linear.scatter [tilespmem:s6], [sflag:$0x1], $0x2000, $0x38;
	[tilespmem:$0x1F000] =	vst v63  }
0x53: {  	_ =	swait.ge [sflag:s5], $0x2000  }
0x54: {  	[sflag:s5] =	ssyncset.done $0x0  }
0x55: {  	[sflag:s5] =	ssyncadd.s32 $0xFFFFE000  }
0x56: {  	[spmem:s0] =	stream.linear.scatter [tilespmem:s6], [sflag:$0x1], $0x2000, $0x38;
	[tilespmem:$0x1F000] =	vst v63  }
0x57: {  	_ =	swait.ge [sflag:s5], $0x2000  }
0x58: {  	[sflag:s5] =	ssyncset.done $0x0  }
0x59: {  	[sflag:s5] =	ssyncadd.s32 $0xFFFFE000  }
0x5a: {  	[spmem:s3] =	stream.linear.scatter [tilespmem:s6], [sflag:$0x1], $0x2000, $0x38;
	[tilespmem:$0x1F000] =	vst v63  }
0x5b: {  	_ =	swait.ge [sflag:s5], $0x2000  }
0x5c: {  	[sflag:s5] =	ssyncset.done $0x0  }
0x5d: {  	[sflag:s5] =	ssyncadd.s32 $0xFFFFE000  }
0x5e: {  	[spmem:s4] =	stream.linear.scatter [tilespmem:s6], [sflag:$0x1], $0x2000, $0x38;
	[tilespmem:$0x1F000] =	vst v63  }
0x5f: {  	_ =	swait.ge [sflag:s5], $0x2000  }
0x60: {  	[sflag:s5] =	ssyncset.done $0x0  }
0x61: {  	[sflag:s5] =	ssyncadd.s32 $0xFFFFE000  }
0x62: {  	s10 =	simm.s32 $0x0;
	[bflag:$0x0] =	sbarrier.arrive $0xFFFF  }
0x63: {  	[spmem:s2] =	stream.indirect.scatter.add.f32 [tilespmem:s8], [sflag:$0x1], $0x80, s10, s7, $0xb8;
	[tilespmem:$0x1F000] =	vst v63  }
0x64: {  	_ =	swait.ge [sflag:s5], $0x4000  }
0x65: {  	s10 =	simm.s32 $0x200;
	[sflag:s5] =	ssyncset.done $0x0  }
.LBB2_6:
0x66: {  	s11 =	sshra.s32 s10, $0x2;
	[sflag:s5] =	ssyncadd.s32 $0xFFFFC000;
	p0 =	sne.s32 s10, $0x13E00  }
0x67: {  	[spmem:s2] =	stream.indirect.scatter.add.f32 [tilespmem:s8], [sflag:$0x1], $0x80, s11, s7, $0xb8;
	[tilespmem:$0x1F000] =	vst v63  }
.Ltmp2:
0x68: {  	_ = 	snop;
	(pc) =	sbr.rel @p0 .LBB2_6-.Ltmp2, $4  }
0x69: {  	_ = 	snop  }
0x6a: {  	s10 =	sadd.s32 $0x200, s10  }
0x6b: {  	_ =	swait.ge [sflag:s5], $0x4000  }
0x6c: {  	[sflag:s5] =	ssyncset.done $0x0  }
0x6d: {  	[sflag:s5] =	ssyncadd.s32 $0xFFFFC000  }
0x6e: {  	[bflag:$0x0] =	sbarrier.arrive $0xFFFF  }
0x6f: {  	[tilespmem:s6], [sflag:$0x1] =	stream.linear.gather [spmem:s15], $0x2000, $0x38;
	[tilespmem:$0x1F000] =	vst v63  }
0x70: {  	_ =	swait.ge [sflag:s5], $0x2000  }
0x71: {  	[sflag:s5] =	ssyncset.done $0x0  }
0x72: {  	s10 =	rddreg [dreg:$0x3];
	[sflag:s5] =	ssyncadd.s32 $0xFFFFE000  }
0x73: {  	[hbm4b:s10+s12] =	stream.linear.scatter [tilespmem:s6], [sflag:$0x1], $0x2000, $0x38;
	[tilespmem:$0x1F000] =	vst v63  }
0x74: {  	_ =	swait.ge [sflag:s5], $0x2000  }
0x75: {  	[sflag:s5] =	ssyncset.done $0x0  }
0x76: {  	[sflag:s5] =	ssyncadd.s32 $0xFFFFE000  }
0x77: {  	[tilespmem:s6], [sflag:$0x1] =	stream.linear.gather [spmem:s17], $0x2000, $0x38;
	[tilespmem:$0x1F000] =	vst v63  }
0x78: {  	_ =	swait.ge [sflag:s5], $0x2000  }
0x79: {  	[sflag:s5] =	ssyncset.done $0x0  }
0x7a: {  	s11 =	rddreg [dreg:$0x4];
	[sflag:s5] =	ssyncadd.s32 $0xFFFFE000  }
0x7b: {  	[hbm4b:s11+s12] =	stream.linear.scatter [tilespmem:s6], [sflag:$0x1], $0x2000, $0x38;
	[tilespmem:$0x1F000] =	vst v63  }
0x7c: {  	_ =	swait.ge [sflag:s5], $0x2000  }
0x7d: {  	[sflag:s5] =	ssyncset.done $0x0  }
0x7e: {  	[sflag:s5] =	ssyncadd.s32 $0xFFFFE000  }
0x7f: {  	[tilespmem:s6], [sflag:$0x1] =	stream.linear.gather [spmem:s18], $0x2000, $0x38;
	[tilespmem:$0x1F000] =	vst v63  }
0x80: {  	_ =	swait.ge [sflag:s5], $0x2000  }
0x81: {  	[sflag:s5] =	ssyncset.done $0x0  }
0x82: {  	s13 =	rddreg [dreg:$0x5];
	[sflag:s5] =	ssyncadd.s32 $0xFFFFE000  }
0x83: {  	[hbm4b:s13+s12] =	stream.linear.scatter [tilespmem:s6], [sflag:$0x1], $0x2000, $0x38;
	[tilespmem:$0x1F000] =	vst v63  }
0x84: {  	_ =	swait.ge [sflag:s5], $0x2000  }
0x85: {  	[sflag:s5] =	ssyncset.done $0x0  }
0x86: {  	[sflag:s5] =	ssyncadd.s32 $0xFFFFE000  }
0x87: {  	[tilespmem:s6], [sflag:$0x1] =	stream.linear.gather [spmem:s19], $0x2000, $0x38;
	[tilespmem:$0x1F000] =	vst v63  }
0x88: {  	_ =	swait.ge [sflag:s5], $0x2000  }
0x89: {  	[sflag:s5] =	ssyncset.done $0x0  }
0x8a: {  	s14 =	rddreg [dreg:$0x6];
	[sflag:s5] =	ssyncadd.s32 $0xFFFFE000  }
0x8b: {  	[hbm4b:s14+s12] =	stream.linear.scatter [tilespmem:s6], [sflag:$0x1], $0x2000, $0x38;
	[tilespmem:$0x1F000] =	vst v63  }
0x8c: {  	_ =	swait.ge [sflag:s5], $0x2000  }
0x8d: {  	[sflag:s5] =	ssyncset.done $0x0  }
0x8e: {  	[sflag:s5] =	ssyncadd.s32 $0xFFFFE000  }
0x8f: {  	[tilespmem:s6], [sflag:$0x1] =	stream.linear.gather [spmem:s20], $0x2000, $0x38;
	[tilespmem:$0x1F000] =	vst v63  }
0x90: {  	_ =	swait.ge [sflag:s5], $0x2000  }
0x91: {  	[sflag:s5] =	ssyncset.done $0x0  }
0x92: {  	s11 =	rddreg [dreg:$0x7];
	[sflag:s5] =	ssyncadd.s32 $0xFFFFE000  }
0x93: {  	[hbm4b:s11+s12] =	stream.linear.scatter [tilespmem:s6], [sflag:$0x1], $0x2000, $0x38;
	[tilespmem:$0x1F000] =	vst v63  }
0x94: {  	_ =	swait.ge [sflag:s5], $0x2000  }
0x95: {  	[sflag:s5] =	ssyncset.done $0x0  }
0x96: {  	[sflag:s5] =	ssyncadd.s32 $0xFFFFE000  }
0x97: {  	[tilespmem:s6], [sflag:$0x1] =	stream.linear.gather [spmem:s21], $0x2000, $0x38;
	[tilespmem:$0x1F000] =	vst v63  }
0x98: {  	_ =	swait.ge [sflag:s5], $0x2000  }
0x99: {  	[sflag:s5] =	ssyncset.done $0x0  }
0x9a: {  	s13 =	rddreg [dreg:$0x8];
	[sflag:s5] =	ssyncadd.s32 $0xFFFFE000  }
0x9b: {  	[hbm4b:s13+s12] =	stream.linear.scatter [tilespmem:s6], [sflag:$0x1], $0x2000, $0x38;
	[tilespmem:$0x1F000] =	vst v63  }
0x9c: {  	_ =	swait.ge [sflag:s5], $0x2000  }
0x9d: {  	[sflag:s5] =	ssyncset.done $0x0  }
0x9e: {  	[sflag:s5] =	ssyncadd.s32 $0xFFFFE000  }
0x9f: {  	[tilespmem:s6], [sflag:$0x1] =	stream.linear.gather [spmem:s22], $0x2000, $0x38;
	[tilespmem:$0x1F000] =	vst v63  }
0xa0: {  	_ =	swait.ge [sflag:s5], $0x2000  }
0xa1: {  	[sflag:s5] =	ssyncset.done $0x0  }
0xa2: {  	s14 =	rddreg [dreg:$0x9];
	[sflag:s5] =	ssyncadd.s32 $0xFFFFE000  }
0xa3: {  	[hbm4b:s14+s12] =	stream.linear.scatter [tilespmem:s6], [sflag:$0x1], $0x2000, $0x38;
	[tilespmem:$0x1F000] =	vst v63  }
0xa4: {  	_ =	swait.ge [sflag:s5], $0x2000  }
0xa5: {  	[sflag:s5] =	ssyncset.done $0x0  }
0xa6: {  	[sflag:s5] =	ssyncadd.s32 $0xFFFFE000  }
0xa7: {  	[tilespmem:s6], [sflag:$0x1] =	stream.linear.gather [spmem:s23], $0x2000, $0x38;
	[tilespmem:$0x1F000] =	vst v63  }
0xa8: {  	_ =	swait.ge [sflag:s5], $0x2000  }
0xa9: {  	[sflag:s5] =	ssyncset.done $0x0  }
0xaa: {  	s11 =	rddreg [dreg:$0xa];
	[sflag:s5] =	ssyncadd.s32 $0xFFFFE000  }
0xab: {  	[hbm4b:s11+s12] =	stream.linear.scatter [tilespmem:s6], [sflag:$0x1], $0x2000, $0x38;
	[tilespmem:$0x1F000] =	vst v63  }
0xac: {  	_ =	swait.ge [sflag:s5], $0x2000  }
0xad: {  	[sflag:s5] =	ssyncset.done $0x0  }
0xae: {  	[sflag:s5] =	ssyncadd.s32 $0xFFFFE000  }
0xaf: {  	[tilespmem:s6], [sflag:$0x1] =	stream.linear.gather [spmem:s24], $0x2000, $0x38;
	[tilespmem:$0x1F000] =	vst v63  }
0xb0: {  	_ =	swait.ge [sflag:s5], $0x2000  }
0xb1: {  	[sflag:s5] =	ssyncset.done $0x0  }
0xb2: {  	s13 =	rddreg [dreg:$0xb];
	[sflag:s5] =	ssyncadd.s32 $0xFFFFE000  }
0xb3: {  	[hbm4b:s13+s12] =	stream.linear.scatter [tilespmem:s6], [sflag:$0x1], $0x2000, $0x38;
	[tilespmem:$0x1F000] =	vst v63  }
0xb4: {  	_ =	swait.ge [sflag:s5], $0x2000  }
0xb5: {  	[sflag:s5] =	ssyncset.done $0x0  }
0xb6: {  	[sflag:s5] =	ssyncadd.s32 $0xFFFFE000  }
0xb7: {  	[tilespmem:s6], [sflag:$0x1] =	stream.linear.gather [spmem:s25], $0x2000, $0x38;
	[tilespmem:$0x1F000] =	vst v63  }
0xb8: {  	s9 =	sadd.s32 $0x1, s9;
	_ =	swait.ge [sflag:s5], $0x2000  }
0xb9: {  	p0 =	sne.s32 s9, s16;
	[sflag:s5] =	ssyncset.done $0x0  }
.Ltmp3:
0xba: {  	s14 =	rddreg [dreg:$0xc];
	[sflag:s5] =	ssyncadd.s32 $0xFFFFE000;
	(pc) =	sbr.rel @p0 .LBB2_1-.Ltmp3, $4  }
0xbb: {  	[hbm4b:s14+s12] =	stream.linear.scatter [tilespmem:s6], [sflag:$0x1], $0x2000, $0x38;
	[tilespmem:$0x1F000] =	vst v63  }
0xbc: {  	_ =	swait.ge [sflag:s5], $0x2000  }
0xbd: {  	[sflag:s5] =	ssyncset.done $0x0  }
0xbe: {  	[sflag:s5] =	ssyncadd.s32 $0xFFFFE000  }
0xbf: {  	_ =	sfence.sel $0x180000  }
0xc0: {  	[bflag:$0x0] =	sbarrier.arrive $0xFFFF  }
0xc1: {  	_ =	strace $0x9000004A  }
0xc2: {  	s0 =	stileid.u32;
	[bflag:$0x2] =	sbarrier.arrive $0xFFFF  }
0xc3: {  	p0 =	sne.s32 s0, $0x0;
	s0 =	rddreg [dreg:$0x2]  }
0xc4: {  	s0 =	sadd.s32 @!p0 $0x100000, s0  }
0xc5: {  	[sflag:s0] =	ssyncadd.tile.s32 @!p0 $0x1;
	_ =	shalt  }
.Lfunc_end2:
_tile_overlayer_lowered:
.L_overlay_start_2:
0xc6: {  	(tag) =	ssettag $0x2  }
0xc7: {  	s0 =	rddreg [dreg:$0x0];
	s2 =	stileid.u32  }
0xc8: {  	s1 =	rddreg [dreg:$0x1];
	p0 =	sne.s32 s2, $0x0  }
0xc9: {  	s3 =	rddreg [dreg:$0x2];
	[bflag:$0x3] =	sbarrier.arrive $0xFFFF;
	s2 =	simm.s32 @!p0 $0x1C01  }
0xca: {  	[timem:s3], [sflag:s2] =	dma.local @!p0 [hbm:s0], s1  }
0xcb: {  	s0 =	simm.s32 @!p0 $0x1  }
0xcc: {  	_ =	swait.ge @!p0 [sflag:s0], s1  }
0xcd: {  	s1 =	ssub.s32 @!p0 $0x0, s1;
	[sflag:s0] =	ssyncset.done @!p0 $0x0  }
0xce: {  	[sflag:s0] =	ssyncadd.s32 @!p0 s1  }
0xcf: {  	[bflag:$0x3] =	sbarrier.arrive $0xFFFF  }
0xd0: {  	_ =	shalt  }

// kernel: kernel.15.cloned.1.call-start
scs
__scs_entry_jumppad:
0x0: {  	(pc) =	sbr.rel $0x88, $3  }
0x1: {  	(tag) =	ssettag $0x0;
	lr =	simm.s32 $0x1  }
0x2: {  	[smem:$0x3F9A] =	sst lr;
	_ =	strace $0xD0000000  }
0x3: {  	_ = 	snop  }
0x4: {  	_ = 	snop  }
0x5: {  	_ = 	snop  }
0x6: {  	_ = 	snop  }
0x7: {  	_ = 	snop  }
__scs_overlays_trampoline_lowered:
0x8: {  	[smem:$0x3FA9] =	sst s0  }
0x9: {  	[smem:$0x3FAA] =	sst s1  }
0xa: {  	[smem:$0x3FAB] =	sst s2  }
0xb: {  	[smem:$0x3FAC] =	sst s3  }
0xc: {  	[smem:$0x3FAD] =	sst s4  }
0xd: {  	[smem:$0x3FAE] =	sst s5  }
0xe: {  	[smem:$0x3FAF] =	sst s6  }
0xf: {  	[smem:$0x3FB0] =	sst s7  }
0x10: {  	[smem:$0x3FB1] =	sst s8  }
0x11: {  	[smem:$0x3FB2] =	sst s9;
	s0 =	simm.s32 @!p0 $0x0  }
0x12: {  	s1 =	sld [smem:$0x3F98];
	s0 =	simm.s32 @p0 $0x1  }
0x13: {  	[smem:$0x3FB3] =	sst s0;
	s0 =	simm.s32 @!p1 $0x0  }
0x14: {  	s2 =	sld [smem:$0x3F97];
	s0 =	simm.s32 @p1 $0x1  }
0x15: {  	[smem:$0x3FB4] =	sst s0;
	s0 =	simm.s32 @!p2 $0x0  }
0x16: {  	s3 =	sld [smem:$0x3FDB];
	s0 =	simm.s32 @p2 $0x1  }
0x17: {  	s4 =	simm.s32 $0x1BF5;
	[smem:$0x3FB6] =	sst s0  }
0x18: {  	s0 =	sld [smem:$0x3F99];
	_ =	swait.ge [sflag:s4], $0x0  }
0x19: {  	s7 =	sld [smem:$0x3F9A]  }
0x1a: {  	s8 =	sadd.s32 $0xFFFFE003, lr  }
0x1b: {  	s9 =	sadd.s32 $0xFFFFFEF7, lr;
	s5 =	simm.s32 $0xFFFFFFFF;
	p2 =	slt.u32 s8, $0xFFFFF086  }
0x1c: {  	p1 =	slt.u32 s9, $0xF7A;
	s5 =	simm.s32 @!p2 $0x0  }
0x1d: {  	s5 =	simm.s32 @p1 $0x1;
	p0 =	seq.s32 s7, s2  }
0x1e: {  	s7 =	smul.u32 @!p0 $0xF7A, s2;
	p2 =	seq.s32 @!p0 s5, $0x0  }
0x1f: {  	s9 =	smul.u32 $0xF7A, s1;
	s8 =	simm.s32 @!p0 $0x1BF5;
	p2 =	por !p2, p0  }
0x20: {  	[sflag:s8] =	ssyncset.s32 @!p0 $0xFFFFF086;
	s6 =	sadd.s32 @!p0 s3, s7;
	s7 =	simm.s32 @!p0 $0x108  }
0x21: {  	s3 =	sadd.s32 s3, s9;
	s6 =	sadd.s32 @!p0 $0x88, s6;
	s7 =	simm.s32 @p2 $0x1082  }
0x22: {  	[simem:s7], [sflag:s8] =	dma.local @!p0 [hbm:s6], $0xF7A  }
0x23: {  	s9 =	sor.u32 $0xD0000000, s2;
	s6 =	simm.s32 $0x108;
	_ =	swait.ge @!p0 [sflag:s8], $0x0  }
0x24: {  	s3 =	sadd.s32 $0x88, s3;
	s6 =	simm.s32 @!p1 $0x1082;
	[sflag:s4] =	ssyncset.s32 $0xFFFFF086  }
0x25: {  	[simem:s6], [sflag:s4] =	dma.local [hbm:s3], $0xF7A  }
0x26: {  	[smem:$0x3F9A] =	sst s1;
	(tag) =	ssettag s2;
	_ =	strace s9  }
0x27: {  	s1 =	sld [smem:$0x3FAA]  }
0x28: {  	s2 =	sld [smem:$0x3FAB]  }
0x29: {  	s4 =	sld [smem:$0x3FAD]  }
0x2a: {  	p0 =	seq.s32 s5, $0x0;
	s5 =	sld [smem:$0x3FAE]  }
0x2b: {  	s6 =	sld [smem:$0x3FAF]  }
0x2c: {  	s7 =	sld [smem:$0x3FB0]  }
0x2d: {  	s3 =	simm.s32 $0x108;
	s8 =	sld [smem:$0x3FB1]  }
0x2e: {  	s3 =	simm.s32 @!p0 $0x1082;
	s9 =	sld [smem:$0x3FB2]  }
0x2f: {  	lr =	sadd.s32 s0, s3;
	s0 =	sld [smem:$0x3FA9]  }
0x30: {  	s3 =	sld [smem:$0x3FAC]  }
0x31: {  	[smem:$0x3FB5] =	sst s10  }
0x32: {  	s10 =	sld [smem:$0x3FB3];
	_ =	sdelay $0x3  }
0x33: {  	p0 =	seq.s32 s10, $0x1;
	s10 =	sld [smem:$0x3FB5];
	_ =	sdelay $0x3  }
0x34: {  	[smem:$0x3FB5] =	sst s10  }
0x35: {  	s10 =	sld [smem:$0x3FB4];
	_ =	sdelay $0x3  }
0x36: {  	p1 =	seq.s32 s10, $0x1;
	s10 =	sld [smem:$0x3FB5];
	_ =	sdelay $0x3  }
0x37: {  	[smem:$0x3FB5] =	sst s10  }
0x38: {  	s10 =	sld [smem:$0x3FB6]  }
0x39: {  	_ = 	snop;
	(pc) =	sbr.ind lr, $3  }
0x3a: {  	_ = 	snop  }
0x3b: {  	_ = 	snop  }
0x3c: {  	p2 =	seq.s32 s10, $0x1;
	s10 =	sld [smem:$0x3FB5]  }
0x3d: {  	_ =	shalt  }
0x3e: {  	_ =	shalt  }
0x3f: {  	_ =	shalt  }
0x40: {  	_ =	shalt  }
0x41: {  	_ =	shalt  }
0x42: {  	_ =	shalt  }
0x43: {  	_ =	shalt  }
0x44: {  	_ =	shalt  }
0x45: {  	_ =	shalt  }
0x46: {  	_ =	shalt  }
0x47: {  	_ =	shalt  }
0x48: {  	_ =	shalt  }
0x49: {  	_ =	shalt  }
0x4a: {  	_ =	shalt  }
0x4b: {  	_ =	shalt  }
0x4c: {  	_ =	shalt  }
0x4d: {  	_ =	shalt  }
0x4e: {  	_ =	shalt  }
0x4f: {  	_ =	shalt  }
0x50: {  	_ =	shalt  }
0x51: {  	_ =	shalt  }
0x52: {  	_ =	shalt  }
0x53: {  	_ =	shalt  }
0x54: {  	_ =	shalt  }
0x55: {  	_ =	shalt  }
0x56: {  	_ =	shalt  }
0x57: {  	_ =	shalt  }
0x58: {  	_ =	shalt  }
0x59: {  	_ =	shalt  }
0x5a: {  	_ =	shalt  }
0x5b: {  	_ =	shalt  }
0x5c: {  	_ =	shalt  }
0x5d: {  	_ =	shalt  }
0x5e: {  	_ =	shalt  }
0x5f: {  	_ =	shalt  }
0x60: {  	_ =	shalt  }
0x61: {  	_ =	shalt  }
0x62: {  	_ =	shalt  }
0x63: {  	_ =	shalt  }
0x64: {  	_ =	shalt  }
0x65: {  	_ =	shalt  }
0x66: {  	_ =	shalt  }
0x67: {  	_ =	shalt  }
0x68: {  	_ =	shalt  }
0x69: {  	_ =	shalt  }
0x6a: {  	_ =	shalt  }
0x6b: {  	_ =	shalt  }
0x6c: {  	_ =	shalt  }
0x6d: {  	_ =	shalt  }
0x6e: {  	_ =	shalt  }
0x6f: {  	_ =	shalt  }
0x70: {  	_ =	shalt  }
0x71: {  	_ =	shalt  }
0x72: {  	_ =	shalt  }
0x73: {  	_ =	shalt  }
0x74: {  	_ =	shalt  }
0x75: {  	_ =	shalt  }
0x76: {  	_ =	shalt  }
0x77: {  	_ =	shalt  }
0x78: {  	_ =	shalt  }
0x79: {  	_ =	shalt  }
0x7a: {  	_ =	shalt  }
0x7b: {  	_ =	shalt  }
0x7c: {  	_ =	shalt  }
0x7d: {  	_ =	shalt  }
0x7e: {  	_ =	shalt  }
0x7f: {  	_ =	shalt  }
0x80: {  	_ =	shalt  }
0x81: {  	_ =	shalt  }
0x82: {  	_ =	shalt  }
0x83: {  	_ =	shalt  }
0x84: {  	_ =	shalt  }
0x85: {  	_ =	shalt  }
0x86: {  	_ =	shalt  }
0x87: {  	_ =	shalt  }
.Lfunc_end0:
.L_simem_size_0:
called_computation.1_lowered:
.L_overlay_start_0:
0x88: {  	s2 =	sld [smem:$0x3FD9]  }
0x89: {  	s3 =	sld [smem:$0x3FFE];
	_ =	sdelay $0x1  }
0x8a: {  	s1 =	srdreg.scid  }
0x8b: {  	s0 =	sand.u32 $0x1, s1  }
0x8c: {  	s16 =	sshll.u32 s0, $0xA;
	s2 =	sadd.s32 s3, s2  }
0x8d: {  	s2 =	sadd.s32 s2, s16  }
0x8e: {  	[smem:$0x3FC1] =	sst s2  }
0x8f: {  	_ = 	snop  }
0x90: {  	(tm) =	ssettm $0x1  }
0x91: {  	s17 =	sld [smem:$0x3FFB];
	_ =	sdelay $0x3  }
0x92: {  	_ =	strace s17  }
0x93: {  	s2 =	sld [smem:$0x3FFC];
	_ =	sdelay $0x3  }
0x94: {  	_ =	strace s2  }
0x95: {  	s2 =	sld [smem:$0x3FFD];
	_ =	sdelay $0x3  }
0x96: {  	_ =	strace s2  }
0x97: {  	_ =	strace $0x8FFFFFFF  }
0x98: {  	s18 =	sld [smem:$0x3FDB];
	_ =	sdelay $0x1  }
0x99: {  	s19 =	simm.s32 $_scs_section_size  }
0x9a: {  	s4 =	simm.s32 $_size__tile_overlayer_lowered;
	s5 =	simm.s32 $_tile_overlayer_lowered  }
0x9b: {  	s22 =	simm.s32 $0x1BFF;
	s21 =	sshll.u32 s5, $0x1;
	s2 =	sadd.s32 s19, s18  }
0x9c: {  	s6 =	simm.s32 $0x0;
	s20 =	sshll.u32 s4, $0x1;
	s4 =	sadd.s32 s21, s2  }
0x9d: {  	[timem:s6], [sflag:s22] =	dma.local [hbm:s4], s20  }
0x9e: {  	_ =	swait.ge [sflag:s22], s20  }
0x9f: {  	s3 =	ssub.s32 $0x0, s20;
	[sflag:s22] =	ssyncset.done $0x0  }
0xa0: {  	[sflag:s22] =	ssyncadd.s32 s3;
	_ =	sdelay $0x1  }
0xa1: {  	s23 =	simm.s32 $0x1B8B  }
0xa2: {  	_ =	swait.ge [sflag:s23], $0x1  }
0xa3: {  	[sflag:s23] =	ssyncset.done $0x0  }
0xa4: {  	s25 =	simm.s32 $0x1B8E;
	s24 =	sld [smem:$0x3FFE];
	[sflag:s23] =	ssyncadd.s32 $0xFFFFFFFF  }
0xa5: {  	s26 =	simm.s32 $execute0_lowered;
	[smem:$0x3FD2] =	sst s25  }
0xa6: {  	s4 =	sshll.u32 s26, $0x1;
	_ =	strace $0x80000046;
	[dreg:$0x1] =	wrdreg $0xFFFFFFFF  }
0xa7: {  	s28 =	simm.s32 $_size_execute0_lowered;
	s2 =	sadd.s32 s2, s4;
	[dreg:$0x0] =	wrdreg $0x0  }
0xa8: {  	s4 =	sshll.u32 s28, $0x1;
	[dreg:$0x2] =	wrdreg s2  }
0xa9: {  	[dreg:$0x3] =	wrdreg s4  }
0xaa: {  	[dreg:$0x4] =	wrdreg $0xC0  }
0xab: {  	_ =	task [dreg:s6], $0x5FFFF  }
0xac: {  	[dreg:$0x1] =	wrdreg $0xFFFFFFFF  }
0xad: {  	[dreg:$0x0] =	wrdreg $0x60  }
0xae: {  	[dreg:$0x2] =	wrdreg s24  }
0xaf: {  	[dreg:$0x3] =	wrdreg $0xA8000  }
0xb0: {  	[dreg:$0x4] =	wrdreg $0xA  }
0xb1: {  	_ =	task.clear_ibuf [dreg:s6], $0x5FFFF;
	_ =	strace $0x90000046  }
0xb2: {  	s29 =	simm.s32 $0xA;
	_ =	strace $0x80000048  }
0xb3: {  	_ =	swait.ge [sflag:s29], $0x1  }
0xb4: {  	[sflag:s29] =	ssyncadd.s32 $0xFFFFFFFF  }
0xb5: {  	_ =	strace $0x90000048  }
0xb6: {  	_ =	sfence  }
0xb7: {  	s30 =	sld [smem:$0x0];
	_ =	sdelay $0x2  }
0xb8: {  	s31 =	sshll.u32 s1, $0xD;
	s1 =	sshrl.u32 s1, $0x2  }
0xb9: {  	s3 =	sand.u32 $0x4000, s31;
	s1 =	sadd.s32 s1, s30  }
0xba: {  	s0 =	sor.u32 s3, s0;
	s1 =	sshll.u32 s1, $0x11  }
0xbb: {  	s0 =	sor.u32 s1, s0  }
0xbc: {  	s0 =	sadd.s32 $0x8F2B, s0  }
0xbd: {  	[sflag:s0] =	ssyncadd.remote.s32 $0x1  }
0xbe: {  	_ =	sfence.sel $0xFFFF  }
0xbf: {  	[dreg:$0x0] =	wrdreg $0xFFFFFFFF;
	(pc) =	sbr.abs _section_cstart, $3  }
0xc0: {  	[dreg:$0x1] =	wrdreg $0xFFFFFFFF  }
0xc1: {  	_ =	task.clear_ibuf [dreg:s6], $0x2FFFF;
	_ =	strace $0x9FFFFFFF  }
0xc2: {  	(tm) =	ssettm $0x7FFFFFFF  }
0xc3: {  	_ =	shalt  }
tec
execute0_lowered:
.L_overlay_start_1:
0x0: {  	(tag) =	ssettag $0x1  }
0x1: {  	s0 =	srdreg.scid;
	s1 =	rddreg [dreg:$0x0]  }
0x2: {  	s2 =	rddreg [dreg:$0x1];
	s9 =	stileid.u32  }
0x3: {  	s3 =	simm.s32 $0x0;
	s28 =	simm.s32 $0x2;
	s29 =	simm.s32 $0x2700  }
0x4: {  	s30 =	simm.s32 $0x2680;
	s31 =	simm.s32 $0x2780;
	s7 =	smul.u32 $0x50000, s9  }
0x5: {  	s0 =	sand.u32 $0x1, s0;
	[smem:$0x7FF] =	sst s3;
	s21 =	smul.u32 $0x14000, s9  }
0x6: {  	s4 =	sshll.u32 s0, $0x4;
	_ =	strace $0x80000047;
	s6 =	ssub.s32 $0x2, s0  }
0x7: {  	s0 =	smul.u32 $0x140000, s0;
	s4 =	sor.u32 s9, s4;
	s18 =	sshrl.u32 s6, $0x1  }
0x8: {  	s19 =	sshrl.u32 s7, $0x2;
	s14 =	sadd.s32 $0x4000, s21;
	s25 =	sadd.s32 $0x8000, s21  }
0x9: {  	s7 =	sadd.s32 $0x10000, s21;
	s5 =	smul.u32 $0x5000, s4;
	s4 =	sadd.s32 $0x3F400, s1  }
0xa: {  	s6 =	ssub.s32 s6, s18;
	s23 =	sadd.s32 s0, s21;
	s15 =	sadd.s32 s0, s14  }
0xb: {  	s14 =	sadd.s32 s14, s2;
	s16 =	sadd.s32 s25, s2;
	s18 =	sadd.s32 $0xC000, s21  }
0xc: {  	s6 =	smax.u32 s6, $0x1;
	s24 =	sshrl.u32 s15, $0x3;
	s5 =	sshrl.u32 s5, $0x3  }
0xd: {  	[dreg:$0x5] =	wrdreg s6;
	s6 =	sshrl.u32 s23, $0x3;
	s23 =	simm.s32 $0x3  }
0xe: {  	s8 =	sadd.s32 s5, s1;
	s1 =	sadd.s32 $0x67400, s1;
	s5 =	sadd.s32 s19, s2  }
0xf: {  	s19 =	sadd.s32 s0, s18;
	s18 =	sadd.s32 s18, s2;
	s20 =	sadd.s32 $0x3400, s8  }
0x10: {  	s8 =	sadd.s32 $0x3900, s8;
	s22 =	sadd.s32 $0x4000, s5;
	s10 =	sadd.s32 $0x8000, s5  }
0x11: {  	s11 =	sadd.s32 $0xC000, s5;
	s12 =	sadd.s32 $0x10000, s5;
	s13 =	sadd.s32 s1, s6  }
0x12: {  	s15 =	sadd.s32 s1, s24;
	s6 =	sadd.s32 s0, s25;
	[dreg:$0x3] =	wrdreg s20  }
0x13: {  	s26 =	sshrl.u32 s19, $0x3;
	s0 =	sadd.s32 s0, s7;
	[dreg:$0x4] =	wrdreg s8  }
0x14: {  	s24 =	simm.s32 $0x80;
	s25 =	simm.s32 $0x6800;
	[dreg:$0x6] =	wrdreg s22  }
0x15: {  	s6 =	sshrl.u32 s6, $0x3;
	s19 =	sadd.s32 s1, s26;
	s0 =	sshrl.u32 s0, $0x3  }
0x16: {  	s20 =	sadd.s32 s7, s2;
	s22 =	simm.s32 $0x2800;
	s26 =	simm.s32 $0x1  }
0x17: {  	v0 =	vimm.f32 $0.0e+00;
	s17 =	sadd.s32 s1, s6;
	s21 =	sadd.s32 s1, s0;
	s0 =	simm.s32 $0x0  }
.LBB2_1:
0x18: {  	s1 =	sand.u32 $0xFE00, s3  }
0x19: {  	s6 =	sand.u32 $0x70, s3;
	s7 =	sshrl.u32 s1, $0x2  }
0x1a: {  	s1 =	simm.s32 $0x40;
	s7 =	sor.u32 s6, s7;
	s6 =	simm.s32 $0x0  }
.LBB2_2:
0x1b: {  	p0 =	sne.s32 s1, $0xFFC0  }
0x1c: {  	[tilespmem:s7+$0x2800] =	vst v0;
	s6 =	sadd.s32 $0x10, s6;
	s7 =	smov.u32 s1;
	s1 =	sadd.s32 $0x40, s1  }
.Ltmp0:
0x1d: {  	(pc) =	sbr.rel @p0 .LBB2_2-.Ltmp0, $4  }
0x1e: {  	_ = 	snop  }
0x1f: {  	s7 =	sand.u32 $0xFE00, s7  }
0x20: {  	s8 =	sand.u32 $0x70, s6;
	s7 =	sshrl.u32 s7, $0x2  }
0x21: {  	s7 =	sor.u32 s8, s7  }
0x22: {  	[tilespmem:s7+$0x2800] =	vst v0  }
0x23: {  	[spmem:s5] =	stream.linear.scatter [tilespmem:s22], [sflag:$0x3], $0x4000, $0x38;
	[tilespmem:$0x1E800] =	vst v63  }
0x24: {  	_ =	swait.ge [sflag:s23], $0x4000  }
0x25: {  	[sflag:s23] =	ssyncset.done $0x0  }
0x26: {  	s1 =	rddreg [dreg:$0x6];
	[sflag:s23] =	ssyncadd.s32 $0xFFFFC000  }
0x27: {  	[spmem:s1] =	stream.linear.scatter [tilespmem:s22], [sflag:$0x3], $0x4000, $0x38;
	[tilespmem:$0x1E800] =	vst v63  }
0x28: {  	_ =	swait.ge [sflag:s23], $0x4000  }
0x29: {  	[sflag:s23] =	ssyncset.done $0x0  }
0x2a: {  	[sflag:s23] =	ssyncadd.s32 $0xFFFFC000  }
0x2b: {  	[spmem:s10] =	stream.linear.scatter [tilespmem:s22], [sflag:$0x3], $0x4000, $0x38;
	[tilespmem:$0x1E800] =	vst v63  }
0x2c: {  	_ =	swait.ge [sflag:s23], $0x4000  }
0x2d: {  	[sflag:s23] =	ssyncset.done $0x0  }
0x2e: {  	[sflag:s23] =	ssyncadd.s32 $0xFFFFC000  }
0x2f: {  	[spmem:s11] =	stream.linear.scatter [tilespmem:s22], [sflag:$0x3], $0x4000, $0x38;
	[tilespmem:$0x1E800] =	vst v63  }
0x30: {  	_ =	swait.ge [sflag:s23], $0x4000  }
0x31: {  	[sflag:s23] =	ssyncset.done $0x0  }
0x32: {  	[sflag:s23] =	ssyncadd.s32 $0xFFFFC000  }
0x33: {  	[spmem:s12] =	stream.linear.scatter [tilespmem:s22], [sflag:$0x3], $0x4000, $0x38;
	[tilespmem:$0x1E800] =	vst v63  }
0x34: {  	_ =	swait.ge [sflag:s23], $0x4000  }
0x35: {  	[sflag:s23] =	ssyncset.done $0x0  }
0x36: {  	[sflag:s23] =	ssyncadd.s32 $0xFFFFC000  }
0x37: {  	[bflag:$0x0] =	sbarrier.arrive $0xFFFF  }
0x38: {  	s9 =	rddreg [dreg:$0x3]  }
0x39: {  	[tilespmem:s3], [sflag:$0x3] =	stream.linear.gather [hbm4b:s9+s3], $0x2800, $0x38;
	[tilespmem:$0x1E800] =	vst v63  }
0x3a: {  	_ =	swait.ge [sflag:s23], $0x2800  }
0x3b: {  	[sflag:s23] =	ssyncset.done $0x0  }
0x3c: {  	[sflag:s23] =	ssyncadd.s32 $0xFFFFD800  }
0x3d: {  	[tilespmem:s22], [sflag:$0x1] =	stream.indirect.gather [hbm4b:s4+s24], $0x80, s3, s24, $0xb8;
	[tilespmem:$0x1E800] =	vst v63  }
0x3e: {  	s6 =	simm.s32 $0x100  }
0x3f: {  	[tilespmem:s25], [sflag:$0x2] =	stream.indirect.gather [hbm4b:s4+s24], $0x80, s6, s24, $0xb8;
	[tilespmem:$0x1E800] =	vst v63  }
0x40: {  	_ =	swait.ge [sflag:s26], $0x4000  }
0x41: {  	[sflag:s26] =	ssyncset.done $0x0  }
0x42: {  	s7 =	simm.s32 $0x80;
	[sflag:s26] =	ssyncadd.s32 $0xFFFFC000  }
0x43: {  	[spmem:s2] =	stream.indirect.scatter.add.f32 [tilespmem:s22], [sflag:$0x3], $0x80, s7, s24, $0xb8;
	[tilespmem:$0x1E800] =	vst v63  }
0x44: {  	_ =	swait.ge [sflag:s23], $0x4000  }
0x45: {  	[sflag:s23] =	ssyncset.done $0x0  }
0x46: {  	s8 =	simm.s32 $0x200;
	[sflag:s23] =	ssyncadd.s32 $0xFFFFC000  }
0x47: {  	[tilespmem:s22], [sflag:$0x1] =	stream.indirect.gather [hbm4b:s4+s24], $0x80, s8, s24, $0xb8;
	[tilespmem:$0x1E800] =	vst v63  }
0x48: {  	_ =	swait.ge [sflag:s28], $0x4000  }
0x49: {  	[sflag:s28] =	ssyncset.done $0x0  }
0x4a: {  	s9 =	simm.s32 $0x180;
	[sflag:s28] =	ssyncadd.s32 $0xFFFFC000  }
0x4b: {  	[spmem:s2] =	stream.indirect.scatter.add.f32 [tilespmem:s25], [sflag:$0x3], $0x80, s9, s24, $0xb8;
	[tilespmem:$0x1E800] =	vst v63  }
0x4c: {  	_ =	swait.ge [sflag:s23], $0x4000  }
0x4d: {  	s1 =	simm.s32 $0xFFFFDC00;
	s6 =	simm.s32 $0xFFFF7800;
	[sflag:s23] =	ssyncset.done $0x0  }
.LBB2_4:
0x4e: {  	s7 =	sadd.s32 $0x2700, s1  }
0x4f: {  	[sflag:s23] =	ssyncadd.s32 $0xFFFFC000;
	s8 =	smov.u32 s6;
	s9 =	sadd.s32 $0x800, s6  }
0x50: {  	[tilespmem:s25], [sflag:$0x2] =	stream.indirect.gather [hbm4b:s4+s24], $0x80, s7, s24, $0xb8;
	[tilespmem:$0x1E800] =	vst v63  }
0x51: {  	p0 =	sne.s32 s6, $0xFFFFF800;
	_ =	swait.ge [sflag:s26], $0x4000  }
0x52: {  	[sflag:s26] =	ssyncset.done $0x0  }
0x53: {  	s6 =	sadd.s32 $0x2680, s1;
	[sflag:s26] =	ssyncadd.s32 $0xFFFFC000  }
0x54: {  	[spmem:s2] =	stream.indirect.scatter.add.f32 [tilespmem:s22], [sflag:$0x3], $0x80, s6, s24, $0xb8;
	[tilespmem:$0x1E800] =	vst v63  }
0x55: {  	_ =	swait.ge [sflag:s23], $0x4000  }
0x56: {  	[sflag:s23] =	ssyncset.done $0x0  }
0x57: {  	s6 =	sadd.s32 $0x2800, s1;
	[sflag:s23] =	ssyncadd.s32 $0xFFFFC000  }
0x58: {  	[tilespmem:s22], [sflag:$0x1] =	stream.indirect.gather [hbm4b:s4+s24], $0x80, s6, s24, $0xb8;
	[tilespmem:$0x1E800] =	vst v63  }
0x59: {  	_ =	swait.ge [sflag:s28], $0x4000  }
.Ltmp1:
0x5a: {  	[sflag:s28] =	ssyncset.done $0x0;
	(pc) =	sbr.rel @p0 .LBB2_4-.Ltmp1, $4  }
0x5b: {  	s1 =	sadd.s32 $0x2780, s1;
	[sflag:s28] =	ssyncadd.s32 $0xFFFFC000  }
0x5c: {  	[spmem:s2] =	stream.indirect.scatter.add.f32 [tilespmem:s25], [sflag:$0x3], $0x80, s1, s24, $0xb8;
	[tilespmem:$0x1E800] =	vst v63  }
0x5d: {  	_ =	swait.ge [sflag:s23], $0x4000  }
0x5e: {  	s6 =	smov.u32 s9;
	s1 =	sshra.s32 s8, $0x2;
	[sflag:s23] =	ssyncset.done $0x0  }
0x5f: {  	s6 =	sadd.s32 $0x2700, s1;
	[sflag:s23] =	ssyncadd.s32 $0xFFFFC000  }
0x60: {  	[tilespmem:s25], [sflag:$0x2] =	stream.indirect.gather [hbm4b:s4+s24], $0x80, s6, s24, $0xb8;
	[tilespmem:$0x1E800] =	vst v63  }
0x61: {  	_ =	swait.ge [sflag:s26], $0x4000  }
0x62: {  	[sflag:s26] =	ssyncset.done $0x0  }
0x63: {  	s9 =	sadd.s32 $0x2680, s1;
	[sflag:s26] =	ssyncadd.s32 $0xFFFFC000  }
0x64: {  	[spmem:s2] =	stream.indirect.scatter.add.f32 [tilespmem:s22], [sflag:$0x3], $0x80, s9, s24, $0xb8;
	[tilespmem:$0x1E800] =	vst v63  }
0x65: {  	_ =	swait.ge [sflag:s23], $0x4000  }
0x66: {  	[sflag:s23] =	ssyncset.done $0x0  }
0x67: {  	s7 =	sadd.s32 $0x2800, s1;
	[sflag:s23] =	ssyncadd.s32 $0xFFFFC000  }
0x68: {  	[tilespmem:s22], [sflag:$0x1] =	stream.indirect.gather [hbm4b:s4+s24], $0x80, s7, s24, $0xb8;
	[tilespmem:$0x1E800] =	vst v63  }
0x69: {  	_ =	swait.ge [sflag:s28], $0x4000  }
0x6a: {  	[sflag:s28] =	ssyncset.done $0x0  }
0x6b: {  	s8 =	sadd.s32 $0x2780, s1;
	[sflag:s28] =	ssyncadd.s32 $0xFFFFC000  }
0x6c: {  	[spmem:s2] =	stream.indirect.scatter.add.f32 [tilespmem:s25], [sflag:$0x3], $0x80, s8, s24, $0xb8;
	[tilespmem:$0x1E800] =	vst v63  }
0x6d: {  	_ =	swait.ge [sflag:s23], $0x4000  }
0x6e: {  	[sflag:s23] =	ssyncset.done $0x0  }
0x6f: {  	[sflag:s23] =	ssyncadd.s32 $0xFFFFC000  }
0x70: {  	[tilespmem:s25], [sflag:$0x2] =	stream.indirect.gather [hbm4b:s4+s24], $0x80, s29, s24, $0xb8;
	[tilespmem:$0x1E800] =	vst v63  }
0x71: {  	_ =	swait.ge [sflag:s26], $0x4000  }
0x72: {  	[sflag:s26] =	ssyncset.done $0x0  }
0x73: {  	[sflag:s26] =	ssyncadd.s32 $0xFFFFC000  }
0x74: {  	[spmem:s2] =	stream.indirect.scatter.add.f32 [tilespmem:s22], [sflag:$0x3], $0x80, s30, s24, $0xb8;
	[tilespmem:$0x1E800] =	vst v63  }
0x75: {  	_ =	swait.ge [sflag:s23], $0x4000  }
0x76: {  	[sflag:s23] =	ssyncset.done $0x0  }
0x77: {  	[sflag:s23] =	ssyncadd.s32 $0xFFFFC000  }
0x78: {  	_ =	swait.ge [sflag:s28], $0x4000  }
0x79: {  	[sflag:s28] =	ssyncset.done $0x0  }
0x7a: {  	[sflag:s28] =	ssyncadd.s32 $0xFFFFC000  }
0x7b: {  	[spmem:s2] =	stream.indirect.scatter.add.f32 [tilespmem:s25], [sflag:$0x3], $0x80, s31, s24, $0xb8;
	[tilespmem:$0x1E800] =	vst v63  }
0x7c: {  	_ =	swait.ge [sflag:s23], $0x4000  }
0x7d: {  	[sflag:s23] =	ssyncset.done $0x0  }
0x7e: {  	s9 =	rddreg [dreg:$0x4];
	[sflag:s23] =	ssyncadd.s32 $0xFFFFC000  }
0x7f: {  	[tilespmem:s3], [sflag:$0x3] =	stream.linear.gather [hbm4b:s9+s3], $0x2800, $0x38;
	[tilespmem:$0x1E800] =	vst v63  }
0x80: {  	_ =	swait.ge [sflag:s23], $0x2800  }
0x81: {  	[sflag:s23] =	ssyncset.done $0x0  }
0x82: {  	[sflag:s23] =	ssyncadd.s32 $0xFFFFD800  }
0x83: {  	[tilespmem:s22], [sflag:$0x1] =	stream.indirect.gather [hbm4b:s4+s24], $0x80, s3, s24, $0xb8;
	[tilespmem:$0x1E800] =	vst v63  }
0x84: {  	s6 =	simm.s32 $0x100  }
0x85: {  	[tilespmem:s25], [sflag:$0x2] =	stream.indirect.gather [hbm4b:s4+s24], $0x80, s6, s24, $0xb8;
	[tilespmem:$0x1E800] =	vst v63  }
0x86: {  	_ =	swait.ge [sflag:s26], $0x4000  }
0x87: {  	[sflag:s26] =	ssyncset.done $0x0  }
0x88: {  	s7 =	simm.s32 $0x80;
	[sflag:s26] =	ssyncadd.s32 $0xFFFFC000  }
0x89: {  	[spmem:s2] =	stream.indirect.scatter.add.f32 [tilespmem:s22], [sflag:$0x3], $0x80, s7, s24, $0xb8;
	[tilespmem:$0x1E800] =	vst v63  }
0x8a: {  	_ =	swait.ge [sflag:s23], $0x4000  }
0x8b: {  	[sflag:s23] =	ssyncset.done $0x0  }
0x8c: {  	s8 =	simm.s32 $0x200;
	[sflag:s23] =	ssyncadd.s32 $0xFFFFC000  }
0x8d: {  	[tilespmem:s22], [sflag:$0x1] =	stream.indirect.gather [hbm4b:s4+s24], $0x80, s8, s24, $0xb8;
	[tilespmem:$0x1E800] =	vst v63  }
0x8e: {  	_ =	swait.ge [sflag:s28], $0x4000  }
0x8f: {  	[sflag:s28] =	ssyncset.done $0x0  }
0x90: {  	s9 =	simm.s32 $0x180;
	[sflag:s28] =	ssyncadd.s32 $0xFFFFC000  }
0x91: {  	[spmem:s2] =	stream.indirect.scatter.add.f32 [tilespmem:s25], [sflag:$0x3], $0x80, s9, s24, $0xb8;
	[tilespmem:$0x1E800] =	vst v63  }
0x92: {  	_ =	swait.ge [sflag:s23], $0x4000  }
0x93: {  	s1 =	simm.s32 $0xFFFFDC00;
	s6 =	simm.s32 $0xFFFF7800;
	[sflag:s23] =	ssyncset.done $0x0  }
.LBB2_6:
0x94: {  	s7 =	sadd.s32 $0x2700, s1  }
0x95: {  	[sflag:s23] =	ssyncadd.s32 $0xFFFFC000;
	s8 =	smov.u32 s6;
	s9 =	sadd.s32 $0x800, s6  }
0x96: {  	[tilespmem:s25], [sflag:$0x2] =	stream.indirect.gather [hbm4b:s4+s24], $0x80, s7, s24, $0xb8;
	[tilespmem:$0x1E800] =	vst v63  }
0x97: {  	p0 =	sne.s32 s6, $0xFFFFF800;
	_ =	swait.ge [sflag:s26], $0x4000  }
0x98: {  	[sflag:s26] =	ssyncset.done $0x0  }
0x99: {  	s6 =	sadd.s32 $0x2680, s1;
	[sflag:s26] =	ssyncadd.s32 $0xFFFFC000  }
0x9a: {  	[spmem:s2] =	stream.indirect.scatter.add.f32 [tilespmem:s22], [sflag:$0x3], $0x80, s6, s24, $0xb8;
	[tilespmem:$0x1E800] =	vst v63  }
0x9b: {  	_ =	swait.ge [sflag:s23], $0x4000  }
0x9c: {  	[sflag:s23] =	ssyncset.done $0x0  }
0x9d: {  	s6 =	sadd.s32 $0x2800, s1;
	[sflag:s23] =	ssyncadd.s32 $0xFFFFC000  }
0x9e: {  	[tilespmem:s22], [sflag:$0x1] =	stream.indirect.gather [hbm4b:s4+s24], $0x80, s6, s24, $0xb8;
	[tilespmem:$0x1E800] =	vst v63  }
0x9f: {  	_ =	swait.ge [sflag:s28], $0x4000  }
.Ltmp2:
0xa0: {  	[sflag:s28] =	ssyncset.done $0x0;
	(pc) =	sbr.rel @p0 .LBB2_6-.Ltmp2, $4  }
0xa1: {  	s1 =	sadd.s32 $0x2780, s1;
	[sflag:s28] =	ssyncadd.s32 $0xFFFFC000  }
0xa2: {  	[spmem:s2] =	stream.indirect.scatter.add.f32 [tilespmem:s25], [sflag:$0x3], $0x80, s1, s24, $0xb8;
	[tilespmem:$0x1E800] =	vst v63  }
0xa3: {  	_ =	swait.ge [sflag:s23], $0x4000  }
0xa4: {  	s6 =	smov.u32 s9;
	s1 =	sshra.s32 s8, $0x2;
	[sflag:s23] =	ssyncset.done $0x0  }
0xa5: {  	s6 =	sadd.s32 $0x2700, s1;
	[sflag:s23] =	ssyncadd.s32 $0xFFFFC000  }
0xa6: {  	[tilespmem:s25], [sflag:$0x2] =	stream.indirect.gather [hbm4b:s4+s24], $0x80, s6, s24, $0xb8;
	[tilespmem:$0x1E800] =	vst v63  }
0xa7: {  	_ =	swait.ge [sflag:s26], $0x4000  }
0xa8: {  	[sflag:s26] =	ssyncset.done $0x0  }
0xa9: {  	s9 =	sadd.s32 $0x2680, s1;
	[sflag:s26] =	ssyncadd.s32 $0xFFFFC000  }
0xaa: {  	[spmem:s2] =	stream.indirect.scatter.add.f32 [tilespmem:s22], [sflag:$0x3], $0x80, s9, s24, $0xb8;
	[tilespmem:$0x1E800] =	vst v63  }
0xab: {  	_ =	swait.ge [sflag:s23], $0x4000  }
0xac: {  	[sflag:s23] =	ssyncset.done $0x0  }
0xad: {  	s7 =	sadd.s32 $0x2800, s1;
	[sflag:s23] =	ssyncadd.s32 $0xFFFFC000  }
0xae: {  	[tilespmem:s22], [sflag:$0x1] =	stream.indirect.gather [hbm4b:s4+s24], $0x80, s7, s24, $0xb8;
	[tilespmem:$0x1E800] =	vst v63  }
0xaf: {  	_ =	swait.ge [sflag:s28], $0x4000  }
0xb0: {  	[sflag:s28] =	ssyncset.done $0x0  }
0xb1: {  	s8 =	sadd.s32 $0x2780, s1;
	[sflag:s28] =	ssyncadd.s32 $0xFFFFC000  }
0xb2: {  	[spmem:s2] =	stream.indirect.scatter.add.f32 [tilespmem:s25], [sflag:$0x3], $0x80, s8, s24, $0xb8;
	[tilespmem:$0x1E800] =	vst v63  }
0xb3: {  	_ =	swait.ge [sflag:s23], $0x4000  }
0xb4: {  	[sflag:s23] =	ssyncset.done $0x0  }
0xb5: {  	[sflag:s23] =	ssyncadd.s32 $0xFFFFC000  }
0xb6: {  	[tilespmem:s25], [sflag:$0x2] =	stream.indirect.gather [hbm4b:s4+s24], $0x80, s29, s24, $0xb8;
	[tilespmem:$0x1E800] =	vst v63  }
0xb7: {  	_ =	swait.ge [sflag:s26], $0x4000  }
0xb8: {  	[sflag:s26] =	ssyncset.done $0x0  }
0xb9: {  	[sflag:s26] =	ssyncadd.s32 $0xFFFFC000  }
0xba: {  	[spmem:s2] =	stream.indirect.scatter.add.f32 [tilespmem:s22], [sflag:$0x3], $0x80, s30, s24, $0xb8;
	[tilespmem:$0x1E800] =	vst v63  }
0xbb: {  	_ =	swait.ge [sflag:s23], $0x4000  }
0xbc: {  	[sflag:s23] =	ssyncset.done $0x0  }
0xbd: {  	[sflag:s23] =	ssyncadd.s32 $0xFFFFC000  }
0xbe: {  	_ =	swait.ge [sflag:s28], $0x4000  }
0xbf: {  	[sflag:s28] =	ssyncset.done $0x0  }
0xc0: {  	[sflag:s28] =	ssyncadd.s32 $0xFFFFC000  }
0xc1: {  	[spmem:s2] =	stream.indirect.scatter.add.f32 [tilespmem:s25], [sflag:$0x3], $0x80, s31, s24, $0xb8;
	[tilespmem:$0x1E800] =	vst v63  }
0xc2: {  	_ =	swait.ge [sflag:s23], $0x4000  }
0xc3: {  	[sflag:s23] =	ssyncset.done $0x0  }
0xc4: {  	[sflag:s23] =	ssyncadd.s32 $0xFFFFC000  }
0xc5: {  	[bflag:$0x0] =	sbarrier.arrive $0xFFFF  }
0xc6: {  	[tilespmem:s22], [sflag:$0x3] =	stream.linear.gather [spmem:s5], $0x4000, $0x38;
	[tilespmem:$0x1E800] =	vst v63  }
0xc7: {  	_ =	swait.ge [sflag:s23], $0x4000  }
0xc8: {  	[sflag:s23] =	ssyncset.done $0x0  }
0xc9: {  	[sflag:s23] =	ssyncadd.s32 $0xFFFFC000  }
0xca: {  	[hbm4b:s13+s3] =	stream.linear.scatter [tilespmem:s22], [sflag:$0x3], $0x4000, $0x38;
	[tilespmem:$0x1E800] =	vst v63  }
0xcb: {  	_ =	swait.ge [sflag:s23], $0x4000  }
0xcc: {  	[sflag:s23] =	ssyncset.done $0x0  }
0xcd: {  	[sflag:s23] =	ssyncadd.s32 $0xFFFFC000  }
0xce: {  	[tilespmem:s22], [sflag:$0x3] =	stream.linear.gather [spmem:s14], $0x4000, $0x38;
	[tilespmem:$0x1E800] =	vst v63  }
0xcf: {  	_ =	swait.ge [sflag:s23], $0x4000  }
0xd0: {  	[sflag:s23] =	ssyncset.done $0x0  }
0xd1: {  	[sflag:s23] =	ssyncadd.s32 $0xFFFFC000  }
0xd2: {  	[hbm4b:s15+s3] =	stream.linear.scatter [tilespmem:s22], [sflag:$0x3], $0x4000, $0x38;
	[tilespmem:$0x1E800] =	vst v63  }
0xd3: {  	_ =	swait.ge [sflag:s23], $0x4000  }
0xd4: {  	[sflag:s23] =	ssyncset.done $0x0  }
0xd5: {  	[sflag:s23] =	ssyncadd.s32 $0xFFFFC000  }
0xd6: {  	[tilespmem:s22], [sflag:$0x3] =	stream.linear.gather [spmem:s16], $0x4000, $0x38;
	[tilespmem:$0x1E800] =	vst v63  }
0xd7: {  	_ =	swait.ge [sflag:s23], $0x4000  }
0xd8: {  	[sflag:s23] =	ssyncset.done $0x0  }
0xd9: {  	[sflag:s23] =	ssyncadd.s32 $0xFFFFC000  }
0xda: {  	[hbm4b:s17+s3] =	stream.linear.scatter [tilespmem:s22], [sflag:$0x3], $0x4000, $0x38;
	[tilespmem:$0x1E800] =	vst v63  }
0xdb: {  	_ =	swait.ge [sflag:s23], $0x4000  }
0xdc: {  	[sflag:s23] =	ssyncset.done $0x0  }
0xdd: {  	[sflag:s23] =	ssyncadd.s32 $0xFFFFC000  }
0xde: {  	[tilespmem:s22], [sflag:$0x3] =	stream.linear.gather [spmem:s18], $0x4000, $0x38;
	[tilespmem:$0x1E800] =	vst v63  }
0xdf: {  	_ =	swait.ge [sflag:s23], $0x4000  }
0xe0: {  	[sflag:s23] =	ssyncset.done $0x0  }
0xe1: {  	[sflag:s23] =	ssyncadd.s32 $0xFFFFC000  }
0xe2: {  	[hbm4b:s19+s3] =	stream.linear.scatter [tilespmem:s22], [sflag:$0x3], $0x4000, $0x38;
	[tilespmem:$0x1E800] =	vst v63  }
0xe3: {  	_ =	swait.ge [sflag:s23], $0x4000  }
0xe4: {  	[sflag:s23] =	ssyncset.done $0x0  }
0xe5: {  	[sflag:s23] =	ssyncadd.s32 $0xFFFFC000  }
0xe6: {  	[tilespmem:s22], [sflag:$0x3] =	stream.linear.gather [spmem:s20], $0x4000, $0x38;
	[tilespmem:$0x1E800] =	vst v63  }
0xe7: {  	_ =	swait.ge [sflag:s23], $0x4000  }
0xe8: {  	[sflag:s23] =	ssyncset.done $0x0  }
0xe9: {  	[sflag:s23] =	ssyncadd.s32 $0xFFFFC000  }
0xea: {  	[hbm4b:s21+s3] =	stream.linear.scatter [tilespmem:s22], [sflag:$0x3], $0x4000, $0x38;
	[tilespmem:$0x1E800] =	vst v63  }
0xeb: {  	_ =	swait.ge [sflag:s23], $0x4000  }
0xec: {  	s0 =	sadd.s32 $0x1, s0;
	s9 =	rddreg [dreg:$0x5]  }
0xed: {  	p0 =	sne.s32 s0, s9  }
.Ltmp3:
0xee: {  	_ = 	snop;
	(pc) =	sbr.rel @p0 .LBB2_1-.Ltmp3, $3  }
0xef: {  	_ =	sdelay $0x1  }
0xf0: {  	[sflag:s23] =	ssyncset.done $0x0  }
0xf1: {  	[sflag:s23] =	ssyncadd.s32 $0xFFFFC000  }
0xf2: {  	_ =	sfence.sel $0x180000  }
0xf3: {  	[bflag:$0x0] =	sbarrier.arrive $0xFFFF  }
0xf4: {  	_ =	strace $0x90000047  }
0xf5: {  	s0 =	stileid.u32;
	[bflag:$0x2] =	sbarrier.arrive $0xFFFF  }
0xf6: {  	p0 =	sne.s32 s0, $0x0;
	s0 =	rddreg [dreg:$0x2]  }
0xf7: {  	s0 =	sadd.s32 @!p0 $0x100000, s0  }
0xf8: {  	[sflag:s0] =	ssyncadd.tile.s32 @!p0 $0x1;
	_ =	shalt  }
.Lfunc_end2:
_tile_overlayer_lowered:
.L_overlay_start_2:
0xf9: {  	(tag) =	ssettag $0x2  }
0xfa: {  	s0 =	rddreg [dreg:$0x0];
	s2 =	stileid.u32  }
0xfb: {  	s1 =	rddreg [dreg:$0x1];
	p0 =	sne.s32 s2, $0x0  }
0xfc: {  	s3 =	rddreg [dreg:$0x2];
	[bflag:$0x3] =	sbarrier.arrive $0xFFFF;
	s2 =	simm.s32 @!p0 $0x1C03  }
0xfd: {  	[timem:s3], [sflag:s2] =	dma.local @!p0 [hbm:s0], s1  }
0xfe: {  	s0 =	simm.s32 @!p0 $0x3  }
0xff: {  	_ =	swait.ge @!p0 [sflag:s0], s1  }
0x100: {  	s1 =	ssub.s32 @!p0 $0x0, s1;
	[sflag:s0] =	ssyncset.done @!p0 $0x0  }
0x101: {  	[sflag:s0] =	ssyncadd.s32 @!p0 s1  }
0x102: {  	[bflag:$0x3] =	sbarrier.arrive $0xFFFF  }
0x103: {  	_ =	shalt  }

// kernel: kernel.18.cloned.1.call-start
scs
__scs_entry_jumppad:
0x0: {  	(pc) =	sbr.rel $0x88, $3  }
0x1: {  	(tag) =	ssettag $0x0;
	lr =	simm.s32 $0x1  }
0x2: {  	[smem:$0x3F9A] =	sst lr;
	_ =	strace $0xD0000000  }
0x3: {  	_ = 	snop  }
0x4: {  	_ = 	snop  }
0x5: {  	_ = 	snop  }
0x6: {  	_ = 	snop  }
0x7: {  	_ = 	snop  }
__scs_overlays_trampoline_lowered:
0x8: {  	[smem:$0x3FA9] =	sst s0  }
0x9: {  	[smem:$0x3FAA] =	sst s1  }
0xa: {  	[smem:$0x3FAB] =	sst s2  }
0xb: {  	[smem:$0x3FAC] =	sst s3  }
0xc: {  	[smem:$0x3FAD] =	sst s4  }
0xd: {  	[smem:$0x3FAE] =	sst s5  }
0xe: {  	[smem:$0x3FAF] =	sst s6  }
0xf: {  	[smem:$0x3FB0] =	sst s7  }
0x10: {  	[smem:$0x3FB1] =	sst s8  }
0x11: {  	[smem:$0x3FB2] =	sst s9;
	s0 =	simm.s32 @!p0 $0x0  }
0x12: {  	s1 =	sld [smem:$0x3F98];
	s0 =	simm.s32 @p0 $0x1  }
0x13: {  	[smem:$0x3FB3] =	sst s0;
	s0 =	simm.s32 @!p1 $0x0  }
0x14: {  	s2 =	sld [smem:$0x3F97];
	s0 =	simm.s32 @p1 $0x1  }
0x15: {  	[smem:$0x3FB4] =	sst s0;
	s0 =	simm.s32 @!p2 $0x0  }
0x16: {  	s3 =	sld [smem:$0x3FDB];
	s0 =	simm.s32 @p2 $0x1  }
0x17: {  	s4 =	simm.s32 $0x1BF5;
	[smem:$0x3FB6] =	sst s0  }
0x18: {  	s0 =	sld [smem:$0x3F99];
	_ =	swait.ge [sflag:s4], $0x0  }
0x19: {  	s7 =	sld [smem:$0x3F9A]  }
0x1a: {  	s8 =	sadd.s32 $0xFFFFE003, lr  }
0x1b: {  	s9 =	sadd.s32 $0xFFFFFEF7, lr;
	s5 =	simm.s32 $0xFFFFFFFF;
	p2 =	slt.u32 s8, $0xFFFFF086  }
0x1c: {  	p1 =	slt.u32 s9, $0xF7A;
	s5 =	simm.s32 @!p2 $0x0  }
0x1d: {  	s5 =	simm.s32 @p1 $0x1;
	p0 =	seq.s32 s7, s2  }
0x1e: {  	s7 =	smul.u32 @!p0 $0xF7A, s2;
	p2 =	seq.s32 @!p0 s5, $0x0  }
0x1f: {  	s9 =	smul.u32 $0xF7A, s1;
	s8 =	simm.s32 @!p0 $0x1BF5;
	p2 =	por !p2, p0  }
0x20: {  	[sflag:s8] =	ssyncset.s32 @!p0 $0xFFFFF086;
	s6 =	sadd.s32 @!p0 s3, s7;
	s7 =	simm.s32 @!p0 $0x108  }
0x21: {  	s3 =	sadd.s32 s3, s9;
	s6 =	sadd.s32 @!p0 $0x88, s6;
	s7 =	simm.s32 @p2 $0x1082  }
0x22: {  	[simem:s7], [sflag:s8] =	dma.local @!p0 [hbm:s6], $0xF7A  }
0x23: {  	s9 =	sor.u32 $0xD0000000, s2;
	s6 =	simm.s32 $0x108;
	_ =	swait.ge @!p0 [sflag:s8], $0x0  }
0x24: {  	s3 =	sadd.s32 $0x88, s3;
	s6 =	simm.s32 @!p1 $0x1082;
	[sflag:s4] =	ssyncset.s32 $0xFFFFF086  }
0x25: {  	[simem:s6], [sflag:s4] =	dma.local [hbm:s3], $0xF7A  }
0x26: {  	[smem:$0x3F9A] =	sst s1;
	(tag) =	ssettag s2;
	_ =	strace s9  }
0x27: {  	s1 =	sld [smem:$0x3FAA]  }
0x28: {  	s2 =	sld [smem:$0x3FAB]  }
0x29: {  	s4 =	sld [smem:$0x3FAD]  }
0x2a: {  	p0 =	seq.s32 s5, $0x0;
	s5 =	sld [smem:$0x3FAE]  }
0x2b: {  	s6 =	sld [smem:$0x3FAF]  }
0x2c: {  	s7 =	sld [smem:$0x3FB0]  }
0x2d: {  	s3 =	simm.s32 $0x108;
	s8 =	sld [smem:$0x3FB1]  }
0x2e: {  	s3 =	simm.s32 @!p0 $0x1082;
	s9 =	sld [smem:$0x3FB2]  }
0x2f: {  	lr =	sadd.s32 s0, s3;
	s0 =	sld [smem:$0x3FA9]  }
0x30: {  	s3 =	sld [smem:$0x3FAC]  }
0x31: {  	[smem:$0x3FB5] =	sst s10  }
0x32: {  	s10 =	sld [smem:$0x3FB3];
	_ =	sdelay $0x3  }
0x33: {  	p0 =	seq.s32 s10, $0x1;
	s10 =	sld [smem:$0x3FB5];
	_ =	sdelay $0x3  }
0x34: {  	[smem:$0x3FB5] =	sst s10  }
0x35: {  	s10 =	sld [smem:$0x3FB4];
	_ =	sdelay $0x3  }
0x36: {  	p1 =	seq.s32 s10, $0x1;
	s10 =	sld [smem:$0x3FB5];
	_ =	sdelay $0x3  }
0x37: {  	[smem:$0x3FB5] =	sst s10  }
0x38: {  	s10 =	sld [smem:$0x3FB6]  }
0x39: {  	_ = 	snop;
	(pc) =	sbr.ind lr, $3  }
0x3a: {  	_ = 	snop  }
0x3b: {  	_ = 	snop  }
0x3c: {  	p2 =	seq.s32 s10, $0x1;
	s10 =	sld [smem:$0x3FB5]  }
0x3d: {  	_ =	shalt  }
0x3e: {  	_ =	shalt  }
0x3f: {  	_ =	shalt  }
0x40: {  	_ =	shalt  }
0x41: {  	_ =	shalt  }
0x42: {  	_ =	shalt  }
0x43: {  	_ =	shalt  }
0x44: {  	_ =	shalt  }
0x45: {  	_ =	shalt  }
0x46: {  	_ =	shalt  }
0x47: {  	_ =	shalt  }
0x48: {  	_ =	shalt  }
0x49: {  	_ =	shalt  }
0x4a: {  	_ =	shalt  }
0x4b: {  	_ =	shalt  }
0x4c: {  	_ =	shalt  }
0x4d: {  	_ =	shalt  }
0x4e: {  	_ =	shalt  }
0x4f: {  	_ =	shalt  }
0x50: {  	_ =	shalt  }
0x51: {  	_ =	shalt  }
0x52: {  	_ =	shalt  }
0x53: {  	_ =	shalt  }
0x54: {  	_ =	shalt  }
0x55: {  	_ =	shalt  }
0x56: {  	_ =	shalt  }
0x57: {  	_ =	shalt  }
0x58: {  	_ =	shalt  }
0x59: {  	_ =	shalt  }
0x5a: {  	_ =	shalt  }
0x5b: {  	_ =	shalt  }
0x5c: {  	_ =	shalt  }
0x5d: {  	_ =	shalt  }
0x5e: {  	_ =	shalt  }
0x5f: {  	_ =	shalt  }
0x60: {  	_ =	shalt  }
0x61: {  	_ =	shalt  }
0x62: {  	_ =	shalt  }
0x63: {  	_ =	shalt  }
0x64: {  	_ =	shalt  }
0x65: {  	_ =	shalt  }
0x66: {  	_ =	shalt  }
0x67: {  	_ =	shalt  }
0x68: {  	_ =	shalt  }
0x69: {  	_ =	shalt  }
0x6a: {  	_ =	shalt  }
0x6b: {  	_ =	shalt  }
0x6c: {  	_ =	shalt  }
0x6d: {  	_ =	shalt  }
0x6e: {  	_ =	shalt  }
0x6f: {  	_ =	shalt  }
0x70: {  	_ =	shalt  }
0x71: {  	_ =	shalt  }
0x72: {  	_ =	shalt  }
0x73: {  	_ =	shalt  }
0x74: {  	_ =	shalt  }
0x75: {  	_ =	shalt  }
0x76: {  	_ =	shalt  }
0x77: {  	_ =	shalt  }
0x78: {  	_ =	shalt  }
0x79: {  	_ =	shalt  }
0x7a: {  	_ =	shalt  }
0x7b: {  	_ =	shalt  }
0x7c: {  	_ =	shalt  }
0x7d: {  	_ =	shalt  }
0x7e: {  	_ =	shalt  }
0x7f: {  	_ =	shalt  }
0x80: {  	_ =	shalt  }
0x81: {  	_ =	shalt  }
0x82: {  	_ =	shalt  }
0x83: {  	_ =	shalt  }
0x84: {  	_ =	shalt  }
0x85: {  	_ =	shalt  }
0x86: {  	_ =	shalt  }
0x87: {  	_ =	shalt  }
.Lfunc_end0:
.L_simem_size_0:
called_computation.2_lowered:
.L_overlay_start_0:
0x88: {  	s2 =	sld [smem:$0x3FD9]  }
0x89: {  	s3 =	sld [smem:$0x3FFE];
	_ =	sdelay $0x1  }
0x8a: {  	s1 =	srdreg.scid  }
0x8b: {  	s0 =	sand.u32 $0x1, s1  }
0x8c: {  	s17 =	sshll.u32 s0, $0xA;
	s2 =	sadd.s32 s3, s2  }
0x8d: {  	s2 =	sadd.s32 s2, s17  }
0x8e: {  	[smem:$0x3FC1] =	sst s2  }
0x8f: {  	_ = 	snop  }
0x90: {  	s2 =	sld [smem:$0x3FD0];
	(tm) =	ssettm $0x1  }
0x91: {  	s18 =	sld [smem:$0x3FFB];
	_ =	sdelay $0x3  }
0x92: {  	_ =	strace s18  }
0x93: {  	s3 =	sld [smem:$0x3FFC];
	_ =	sdelay $0x3  }
0x94: {  	_ =	strace s3  }
0x95: {  	s3 =	sld [smem:$0x3FFD];
	_ =	sdelay $0x3  }
0x96: {  	_ =	strace s3  }
0x97: {  	_ =	strace $0x8FFFFFFF  }
0x98: {  	s19 =	sld [smem:$0x3FDB];
	_ =	sdelay $0x1  }
0x99: {  	s4 =	simm.s32 $_scs_section_size  }
0x9a: {  	s5 =	simm.s32 $_size__tile_overlayer_lowered;
	s6 =	simm.s32 $_tile_overlayer_lowered  }
0x9b: {  	s22 =	simm.s32 $0x1BFF;
	s21 =	sshll.u32 s6, $0x1;
	s3 =	sadd.s32 s4, s19  }
0x9c: {  	s7 =	simm.s32 $0x0;
	s20 =	sshll.u32 s5, $0x1;
	s5 =	sadd.s32 s21, s3  }
0x9d: {  	[timem:s7], [sflag:s22] =	dma.local [hbm:s5], s20  }
0x9e: {  	_ =	swait.ge [sflag:s22], s20  }
0x9f: {  	s4 =	ssub.s32 $0x0, s20;
	[sflag:s22] =	ssyncset.done $0x0  }
0xa0: {  	[sflag:s22] =	ssyncadd.s32 s4;
	_ =	sdelay $0x1  }
0xa1: {  	s23 =	simm.s32 $0x1B8B  }
0xa2: {  	_ =	swait.ge [sflag:s23], $0x1  }
0xa3: {  	[sflag:s23] =	ssyncset.done $0x0  }
0xa4: {  	s25 =	simm.s32 $0x1B8E;
	s24 =	sld [smem:$0x3FFE];
	[sflag:s23] =	ssyncadd.s32 $0xFFFFFFFF  }
0xa5: {  	s26 =	simm.s32 $execute0_lowered;
	[smem:$0x3FD2] =	sst s25  }
0xa6: {  	s5 =	sshll.u32 s26, $0x1;
	_ =	strace $0x8000004C;
	[dreg:$0x1] =	wrdreg $0xFFFFFFFF  }
0xa7: {  	s28 =	simm.s32 $_size_execute0_lowered;
	s3 =	sadd.s32 s3, s5;
	[dreg:$0x0] =	wrdreg $0x0  }
0xa8: {  	s5 =	sshll.u32 s28, $0x1;
	[dreg:$0x2] =	wrdreg s3  }
0xa9: {  	[dreg:$0x3] =	wrdreg s5  }
0xaa: {  	[dreg:$0x4] =	wrdreg $0xC0  }
0xab: {  	_ =	task [dreg:s7], $0x5FFFF  }
0xac: {  	[dreg:$0x1] =	wrdreg $0xFFFFFFFF  }
0xad: {  	[dreg:$0x0] =	wrdreg $0x60  }
0xae: {  	[dreg:$0x2] =	wrdreg s24  }
0xaf: {  	[dreg:$0x3] =	wrdreg s2  }
0xb0: {  	[dreg:$0x4] =	wrdreg $0xA8000  }
0xb1: {  	[dreg:$0x5] =	wrdreg $0x9  }
0xb2: {  	_ =	task.clear_ibuf [dreg:s7], $0x6FFFF;
	_ =	strace $0x9000004C  }
0xb3: {  	s29 =	simm.s32 $0x9;
	_ =	strace $0x8000004E  }
0xb4: {  	_ =	swait.ge [sflag:s29], $0x1  }
0xb5: {  	[sflag:s29] =	ssyncadd.s32 $0xFFFFFFFF  }
0xb6: {  	_ =	strace $0x9000004E  }
0xb7: {  	_ =	sfence  }
0xb8: {  	s30 =	sld [smem:$0x0];
	_ =	sdelay $0x2  }
0xb9: {  	s31 =	sshll.u32 s1, $0xD;
	s1 =	sshrl.u32 s1, $0x2  }
0xba: {  	s3 =	sand.u32 $0x4000, s31;
	s1 =	sadd.s32 s1, s30  }
0xbb: {  	s0 =	sor.u32 s3, s0;
	s1 =	sshll.u32 s1, $0x11  }
0xbc: {  	s0 =	sor.u32 s1, s0  }
0xbd: {  	s0 =	sadd.s32 $0x8F2B, s0  }
0xbe: {  	[sflag:s0] =	ssyncadd.remote.s32 $0x1  }
0xbf: {  	_ =	sfence.sel $0xFFFF  }
0xc0: {  	[dreg:$0x0] =	wrdreg $0xFFFFFFFF;
	(pc) =	sbr.abs _section_cstart, $3  }
0xc1: {  	[dreg:$0x1] =	wrdreg $0xFFFFFFFF  }
0xc2: {  	_ =	task.clear_ibuf [dreg:s7], $0x2FFFF;
	_ =	strace $0x9FFFFFFF  }
0xc3: {  	(tm) =	ssettm $0x7FFFFFFF  }
tec
execute0_lowered:
.L_overlay_start_1:
0x0: {  	(tag) =	ssettag $0x1  }
0x1: {  	s0 =	rddreg [dreg:$0x0]  }
0x2: {  	s2 =	rddreg [dreg:$0x1]  }
0x3: {  	s1 =	rddreg [dreg:$0x2];
	s4 =	srdreg.scid  }
0x4: {  	s3 =	simm.s32 $0x0;
	s10 =	stileid.u32;
	s28 =	simm.s32 $0x2  }
0x5: {  	s29 =	simm.s32 $0x2700;
	s30 =	simm.s32 $0x2680;
	s31 =	simm.s32 $0x2780  }
0x6: {  	s5 =	sand.u32 $0x1, s4;
	[smem:$0x7FF] =	sst s3;
	s7 =	smul.u32 $0x50000, s10  }
0x7: {  	s4 =	sshll.u32 s5, $0x4;
	s6 =	ssub.s32 $0x2, s5;
	s18 =	smul.u32 $0x140000, s5  }
0x8: {  	_ =	strace $0x8000004D;
	s4 =	sor.u32 s10, s4;
	s10 =	smul.u32 $0x14000, s10  }
0x9: {  	s8 =	sshrl.u32 s6, $0x1;
	s7 =	sshrl.u32 s7, $0x2;
	s9 =	smul.u32 $0x5000, s4  }
0xa: {  	s4 =	sadd.s32 $0x3F400, s0;
	s8 =	ssub.s32 s6, s8;
	s5 =	sadd.s32 s7, s1  }
0xb: {  	s0 =	sadd.s32 $0x67400, s0;
	s16 =	smax.u32 s8, $0x1;
	s17 =	sadd.s32 $0x4000, s5  }
0xc: {  	s19 =	sadd.s32 $0x8000, s5;
	s20 =	sadd.s32 s18, s10;
	s21 =	sadd.s32 $0x4000, s10  }
0xd: {  	s11 =	sadd.s32 $0xC000, s5;
	s12 =	sadd.s32 $0x10000, s5;
	[dreg:$0x5] =	wrdreg s16  }
0xe: {  	s23 =	sadd.s32 $0x8000, s10;
	s24 =	sadd.s32 $0xC000, s10;
	[dreg:$0x6] =	wrdreg s17  }
0xf: {  	s9 =	sshrl.u32 s9, $0x3;
	[dreg:$0x7] =	wrdreg s19;
	s14 =	sadd.s32 s18, s21  }
0x10: {  	s16 =	sadd.s32 s23, s1;
	s19 =	sadd.s32 s18, s24;
	s6 =	sadd.s32 s2, s9  }
0x11: {  	s22 =	sshrl.u32 s14, $0x3;
	s14 =	sadd.s32 s21, s1;
	s2 =	sadd.s32 $0x10000, s10  }
0x12: {  	s25 =	sshrl.u32 s19, $0x3;
	s7 =	sadd.s32 $0x500, s6;
	s15 =	sadd.s32 s0, s22  }
0x13: {  	s19 =	sadd.s32 s0, s25;
	s22 =	simm.s32 $0x2800;
	s25 =	simm.s32 $0x6800  }
0x14: {  	[dreg:$0x4] =	wrdreg s7;
	s7 =	sshrl.u32 s20, $0x3;
	s20 =	sadd.s32 s18, s2  }
0x15: {  	s13 =	sadd.s32 s0, s7;
	s7 =	sadd.s32 s18, s23;
	s18 =	sadd.s32 s24, s1  }
0x16: {  	s26 =	sshrl.u32 s20, $0x3;
	s20 =	sadd.s32 s2, s1;
	s23 =	simm.s32 $0x3  }
0x17: {  	s24 =	simm.s32 $0x80;
	s7 =	sshrl.u32 s7, $0x3;
	s21 =	sadd.s32 s0, s26  }
0x18: {  	v0 =	vimm.f32 $0.0e+00;
	s26 =	simm.s32 $0x1;
	s17 =	sadd.s32 s0, s7;
	s0 =	simm.s32 $0x0  }
.LBB2_1:
0x19: {  	s2 =	sand.u32 $0xFE00, s3  }
0x1a: {  	s7 =	sand.u32 $0x70, s3;
	s8 =	sshrl.u32 s2, $0x2  }
0x1b: {  	s2 =	simm.s32 $0x40;
	s8 =	sor.u32 s7, s8;
	s7 =	simm.s32 $0x0  }
.LBB2_2:
0x1c: {  	p0 =	sne.s32 s2, $0xFFC0  }
0x1d: {  	[tilespmem:s8+$0x2800] =	vst v0;
	s7 =	sadd.s32 $0x10, s7;
	s8 =	smov.u32 s2;
	s2 =	sadd.s32 $0x40, s2  }
.Ltmp0:
0x1e: {  	(pc) =	sbr.rel @p0 .LBB2_2-.Ltmp0, $4  }
0x1f: {  	_ = 	snop  }
0x20: {  	s8 =	sand.u32 $0xFE00, s8  }
0x21: {  	s9 =	sand.u32 $0x70, s7;
	s8 =	sshrl.u32 s8, $0x2  }
0x22: {  	s8 =	sor.u32 s9, s8  }
0x23: {  	[tilespmem:s8+$0x2800] =	vst v0  }
0x24: {  	[spmem:s5] =	stream.linear.scatter [tilespmem:s22], [sflag:$0x3], $0x4000, $0x38;
	[tilespmem:$0x1E800] =	vst v63  }
0x25: {  	_ =	swait.ge [sflag:s23], $0x4000  }
0x26: {  	[sflag:s23] =	ssyncset.done $0x0  }
0x27: {  	s2 =	rddreg [dreg:$0x6];
	[sflag:s23] =	ssyncadd.s32 $0xFFFFC000  }
0x28: {  	[spmem:s2] =	stream.linear.scatter [tilespmem:s22], [sflag:$0x3], $0x4000, $0x38;
	[tilespmem:$0x1E800] =	vst v63  }
0x29: {  	_ =	swait.ge [sflag:s23], $0x4000  }
0x2a: {  	[sflag:s23] =	ssyncset.done $0x0  }
0x2b: {  	s10 =	rddreg [dreg:$0x7];
	[sflag:s23] =	ssyncadd.s32 $0xFFFFC000  }
0x2c: {  	[spmem:s10] =	stream.linear.scatter [tilespmem:s22], [sflag:$0x3], $0x4000, $0x38;
	[tilespmem:$0x1E800] =	vst v63  }
0x2d: {  	_ =	swait.ge [sflag:s23], $0x4000  }
0x2e: {  	[sflag:s23] =	ssyncset.done $0x0  }
0x2f: {  	[sflag:s23] =	ssyncadd.s32 $0xFFFFC000  }
0x30: {  	[spmem:s11] =	stream.linear.scatter [tilespmem:s22], [sflag:$0x3], $0x4000, $0x38;
	[tilespmem:$0x1E800] =	vst v63  }
0x31: {  	_ =	swait.ge [sflag:s23], $0x4000  }
0x32: {  	[sflag:s23] =	ssyncset.done $0x0  }
0x33: {  	[sflag:s23] =	ssyncadd.s32 $0xFFFFC000  }
0x34: {  	[spmem:s12] =	stream.linear.scatter [tilespmem:s22], [sflag:$0x3], $0x4000, $0x38;
	[tilespmem:$0x1E800] =	vst v63  }
0x35: {  	_ =	swait.ge [sflag:s23], $0x4000  }
0x36: {  	[sflag:s23] =	ssyncset.done $0x0  }
0x37: {  	[sflag:s23] =	ssyncadd.s32 $0xFFFFC000  }
0x38: {  	[bflag:$0x0] =	sbarrier.arrive $0xFFFF  }
0x39: {  	[tilespmem:s3], [sflag:$0x3] =	stream.linear.gather [hbm4b:s6+s3], $0x2800, $0x38;
	[tilespmem:$0x1E800] =	vst v63  }
0x3a: {  	_ =	swait.ge [sflag:s23], $0x2800  }
0x3b: {  	[sflag:s23] =	ssyncset.done $0x0  }
0x3c: {  	[sflag:s23] =	ssyncadd.s32 $0xFFFFD800  }
0x3d: {  	[tilespmem:s22], [sflag:$0x1] =	stream.indirect.gather [hbm4b:s4+s24], $0x80, s3, s24, $0xb8;
	[tilespmem:$0x1E800] =	vst v63  }
0x3e: {  	s7 =	simm.s32 $0x100  }
0x3f: {  	[tilespmem:s25], [sflag:$0x2] =	stream.indirect.gather [hbm4b:s4+s24], $0x80, s7, s24, $0xb8;
	[tilespmem:$0x1E800] =	vst v63  }
0x40: {  	_ =	swait.ge [sflag:s26], $0x4000  }
0x41: {  	[sflag:s26] =	ssyncset.done $0x0  }
0x42: {  	s8 =	simm.s32 $0x80;
	[sflag:s26] =	ssyncadd.s32 $0xFFFFC000  }
0x43: {  	[spmem:s1] =	stream.indirect.scatter.add.f32 [tilespmem:s22], [sflag:$0x3], $0x80, s8, s24, $0xb8;
	[tilespmem:$0x1E800] =	vst v63  }
0x44: {  	_ =	swait.ge [sflag:s23], $0x4000  }
0x45: {  	[sflag:s23] =	ssyncset.done $0x0  }
0x46: {  	s9 =	simm.s32 $0x200;
	[sflag:s23] =	ssyncadd.s32 $0xFFFFC000  }
0x47: {  	[tilespmem:s22], [sflag:$0x1] =	stream.indirect.gather [hbm4b:s4+s24], $0x80, s9, s24, $0xb8;
	[tilespmem:$0x1E800] =	vst v63  }
0x48: {  	_ =	swait.ge [sflag:s28], $0x4000  }
0x49: {  	[sflag:s28] =	ssyncset.done $0x0  }
0x4a: {  	s10 =	simm.s32 $0x180;
	[sflag:s28] =	ssyncadd.s32 $0xFFFFC000  }
0x4b: {  	[spmem:s1] =	stream.indirect.scatter.add.f32 [tilespmem:s25], [sflag:$0x3], $0x80, s10, s24, $0xb8;
	[tilespmem:$0x1E800] =	vst v63  }
0x4c: {  	_ =	swait.ge [sflag:s23], $0x4000  }
0x4d: {  	s2 =	simm.s32 $0xFFFFDC00;
	s7 =	simm.s32 $0xFFFF7800;
	[sflag:s23] =	ssyncset.done $0x0  }
.LBB2_4:
0x4e: {  	s8 =	sadd.s32 $0x2700, s2  }
0x4f: {  	[sflag:s23] =	ssyncadd.s32 $0xFFFFC000;
	s9 =	smov.u32 s7;
	s10 =	sadd.s32 $0x800, s7  }
0x50: {  	[tilespmem:s25], [sflag:$0x2] =	stream.indirect.gather [hbm4b:s4+s24], $0x80, s8, s24, $0xb8;
	[tilespmem:$0x1E800] =	vst v63  }
0x51: {  	p0 =	sne.s32 s7, $0xFFFFF800;
	_ =	swait.ge [sflag:s26], $0x4000  }
0x52: {  	[sflag:s26] =	ssyncset.done $0x0  }
0x53: {  	s7 =	sadd.s32 $0x2680, s2;
	[sflag:s26] =	ssyncadd.s32 $0xFFFFC000  }
0x54: {  	[spmem:s1] =	stream.indirect.scatter.add.f32 [tilespmem:s22], [sflag:$0x3], $0x80, s7, s24, $0xb8;
	[tilespmem:$0x1E800] =	vst v63  }
0x55: {  	_ =	swait.ge [sflag:s23], $0x4000  }
0x56: {  	[sflag:s23] =	ssyncset.done $0x0  }
0x57: {  	s7 =	sadd.s32 $0x2800, s2;
	[sflag:s23] =	ssyncadd.s32 $0xFFFFC000  }
0x58: {  	[tilespmem:s22], [sflag:$0x1] =	stream.indirect.gather [hbm4b:s4+s24], $0x80, s7, s24, $0xb8;
	[tilespmem:$0x1E800] =	vst v63  }
0x59: {  	_ =	swait.ge [sflag:s28], $0x4000  }
.Ltmp1:
0x5a: {  	[sflag:s28] =	ssyncset.done $0x0;
	(pc) =	sbr.rel @p0 .LBB2_4-.Ltmp1, $4  }
0x5b: {  	s2 =	sadd.s32 $0x2780, s2;
	[sflag:s28] =	ssyncadd.s32 $0xFFFFC000  }
0x5c: {  	[spmem:s1] =	stream.indirect.scatter.add.f32 [tilespmem:s25], [sflag:$0x3], $0x80, s2, s24, $0xb8;
	[tilespmem:$0x1E800] =	vst v63  }
0x5d: {  	_ =	swait.ge [sflag:s23], $0x4000  }
0x5e: {  	s7 =	smov.u32 s10;
	s2 =	sshra.s32 s9, $0x2;
	[sflag:s23] =	ssyncset.done $0x0  }
0x5f: {  	s7 =	sadd.s32 $0x2700, s2;
	[sflag:s23] =	ssyncadd.s32 $0xFFFFC000  }
0x60: {  	[tilespmem:s25], [sflag:$0x2] =	stream.indirect.gather [hbm4b:s4+s24], $0x80, s7, s24, $0xb8;
	[tilespmem:$0x1E800] =	vst v63  }
0x61: {  	_ =	swait.ge [sflag:s26], $0x4000  }
0x62: {  	[sflag:s26] =	ssyncset.done $0x0  }
0x63: {  	s10 =	sadd.s32 $0x2680, s2;
	[sflag:s26] =	ssyncadd.s32 $0xFFFFC000  }
0x64: {  	[spmem:s1] =	stream.indirect.scatter.add.f32 [tilespmem:s22], [sflag:$0x3], $0x80, s10, s24, $0xb8;
	[tilespmem:$0x1E800] =	vst v63  }
0x65: {  	_ =	swait.ge [sflag:s23], $0x4000  }
0x66: {  	[sflag:s23] =	ssyncset.done $0x0  }
0x67: {  	s8 =	sadd.s32 $0x2800, s2;
	[sflag:s23] =	ssyncadd.s32 $0xFFFFC000  }
0x68: {  	[tilespmem:s22], [sflag:$0x1] =	stream.indirect.gather [hbm4b:s4+s24], $0x80, s8, s24, $0xb8;
	[tilespmem:$0x1E800] =	vst v63  }
0x69: {  	_ =	swait.ge [sflag:s28], $0x4000  }
0x6a: {  	[sflag:s28] =	ssyncset.done $0x0  }
0x6b: {  	s9 =	sadd.s32 $0x2780, s2;
	[sflag:s28] =	ssyncadd.s32 $0xFFFFC000  }
0x6c: {  	[spmem:s1] =	stream.indirect.scatter.add.f32 [tilespmem:s25], [sflag:$0x3], $0x80, s9, s24, $0xb8;
	[tilespmem:$0x1E800] =	vst v63  }
0x6d: {  	_ =	swait.ge [sflag:s23], $0x4000  }
0x6e: {  	[sflag:s23] =	ssyncset.done $0x0  }
0x6f: {  	[sflag:s23] =	ssyncadd.s32 $0xFFFFC000  }
0x70: {  	[tilespmem:s25], [sflag:$0x2] =	stream.indirect.gather [hbm4b:s4+s24], $0x80, s29, s24, $0xb8;
	[tilespmem:$0x1E800] =	vst v63  }
0x71: {  	_ =	swait.ge [sflag:s26], $0x4000  }
0x72: {  	[sflag:s26] =	ssyncset.done $0x0  }
0x73: {  	[sflag:s26] =	ssyncadd.s32 $0xFFFFC000  }
0x74: {  	[spmem:s1] =	stream.indirect.scatter.add.f32 [tilespmem:s22], [sflag:$0x3], $0x80, s30, s24, $0xb8;
	[tilespmem:$0x1E800] =	vst v63  }
0x75: {  	_ =	swait.ge [sflag:s23], $0x4000  }
0x76: {  	[sflag:s23] =	ssyncset.done $0x0  }
0x77: {  	[sflag:s23] =	ssyncadd.s32 $0xFFFFC000  }
0x78: {  	_ =	swait.ge [sflag:s28], $0x4000  }
0x79: {  	[sflag:s28] =	ssyncset.done $0x0  }
0x7a: {  	[sflag:s28] =	ssyncadd.s32 $0xFFFFC000  }
0x7b: {  	[spmem:s1] =	stream.indirect.scatter.add.f32 [tilespmem:s25], [sflag:$0x3], $0x80, s31, s24, $0xb8;
	[tilespmem:$0x1E800] =	vst v63  }
0x7c: {  	_ =	swait.ge [sflag:s23], $0x4000  }
0x7d: {  	[sflag:s23] =	ssyncset.done $0x0  }
0x7e: {  	s10 =	rddreg [dreg:$0x4];
	[sflag:s23] =	ssyncadd.s32 $0xFFFFC000  }
0x7f: {  	[tilespmem:s3], [sflag:$0x3] =	stream.linear.gather [hbm4b:s10+s3], $0x2800, $0x38;
	[tilespmem:$0x1E800] =	vst v63  }
0x80: {  	_ =	swait.ge [sflag:s23], $0x2800  }
0x81: {  	[sflag:s23] =	ssyncset.done $0x0  }
0x82: {  	[sflag:s23] =	ssyncadd.s32 $0xFFFFD800  }
0x83: {  	[tilespmem:s22], [sflag:$0x1] =	stream.indirect.gather [hbm4b:s4+s24], $0x80, s3, s24, $0xb8;
	[tilespmem:$0x1E800] =	vst v63  }
0x84: {  	s7 =	simm.s32 $0x100  }
0x85: {  	[tilespmem:s25], [sflag:$0x2] =	stream.indirect.gather [hbm4b:s4+s24], $0x80, s7, s24, $0xb8;
	[tilespmem:$0x1E800] =	vst v63  }
0x86: {  	_ =	swait.ge [sflag:s26], $0x4000  }
0x87: {  	[sflag:s26] =	ssyncset.done $0x0  }
0x88: {  	s8 =	simm.s32 $0x80;
	[sflag:s26] =	ssyncadd.s32 $0xFFFFC000  }
0x89: {  	[spmem:s1] =	stream.indirect.scatter.add.f32 [tilespmem:s22], [sflag:$0x3], $0x80, s8, s24, $0xb8;
	[tilespmem:$0x1E800] =	vst v63  }
0x8a: {  	_ =	swait.ge [sflag:s23], $0x4000  }
0x8b: {  	[sflag:s23] =	ssyncset.done $0x0  }
0x8c: {  	s9 =	simm.s32 $0x200;
	[sflag:s23] =	ssyncadd.s32 $0xFFFFC000  }
0x8d: {  	[tilespmem:s22], [sflag:$0x1] =	stream.indirect.gather [hbm4b:s4+s24], $0x80, s9, s24, $0xb8;
	[tilespmem:$0x1E800] =	vst v63  }
0x8e: {  	_ =	swait.ge [sflag:s28], $0x4000  }
0x8f: {  	[sflag:s28] =	ssyncset.done $0x0  }
0x90: {  	s10 =	simm.s32 $0x180;
	[sflag:s28] =	ssyncadd.s32 $0xFFFFC000  }
0x91: {  	[spmem:s1] =	stream.indirect.scatter.add.f32 [tilespmem:s25], [sflag:$0x3], $0x80, s10, s24, $0xb8;
	[tilespmem:$0x1E800] =	vst v63  }
0x92: {  	_ =	swait.ge [sflag:s23], $0x4000  }
0x93: {  	s2 =	simm.s32 $0xFFFFDC00;
	s7 =	simm.s32 $0xFFFF7800;
	[sflag:s23] =	ssyncset.done $0x0  }
.LBB2_6:
0x94: {  	s8 =	sadd.s32 $0x2700, s2  }
0x95: {  	[sflag:s23] =	ssyncadd.s32 $0xFFFFC000;
	s9 =	smov.u32 s7;
	s10 =	sadd.s32 $0x800, s7  }
0x96: {  	[tilespmem:s25], [sflag:$0x2] =	stream.indirect.gather [hbm4b:s4+s24], $0x80, s8, s24, $0xb8;
	[tilespmem:$0x1E800] =	vst v63  }
0x97: {  	p0 =	sne.s32 s7, $0xFFFFF800;
	_ =	swait.ge [sflag:s26], $0x4000  }
0x98: {  	[sflag:s26] =	ssyncset.done $0x0  }
0x99: {  	s7 =	sadd.s32 $0x2680, s2;
	[sflag:s26] =	ssyncadd.s32 $0xFFFFC000  }
0x9a: {  	[spmem:s1] =	stream.indirect.scatter.add.f32 [tilespmem:s22], [sflag:$0x3], $0x80, s7, s24, $0xb8;
	[tilespmem:$0x1E800] =	vst v63  }
0x9b: {  	_ =	swait.ge [sflag:s23], $0x4000  }
0x9c: {  	[sflag:s23] =	ssyncset.done $0x0  }
0x9d: {  	s7 =	sadd.s32 $0x2800, s2;
	[sflag:s23] =	ssyncadd.s32 $0xFFFFC000  }
0x9e: {  	[tilespmem:s22], [sflag:$0x1] =	stream.indirect.gather [hbm4b:s4+s24], $0x80, s7, s24, $0xb8;
	[tilespmem:$0x1E800] =	vst v63  }
0x9f: {  	_ =	swait.ge [sflag:s28], $0x4000  }
.Ltmp2:
0xa0: {  	[sflag:s28] =	ssyncset.done $0x0;
	(pc) =	sbr.rel @p0 .LBB2_6-.Ltmp2, $4  }
0xa1: {  	s2 =	sadd.s32 $0x2780, s2;
	[sflag:s28] =	ssyncadd.s32 $0xFFFFC000  }
0xa2: {  	[spmem:s1] =	stream.indirect.scatter.add.f32 [tilespmem:s25], [sflag:$0x3], $0x80, s2, s24, $0xb8;
	[tilespmem:$0x1E800] =	vst v63  }
0xa3: {  	_ =	swait.ge [sflag:s23], $0x4000  }
0xa4: {  	s7 =	smov.u32 s10;
	s2 =	sshra.s32 s9, $0x2;
	[sflag:s23] =	ssyncset.done $0x0  }
0xa5: {  	s7 =	sadd.s32 $0x2700, s2;
	[sflag:s23] =	ssyncadd.s32 $0xFFFFC000  }
0xa6: {  	[tilespmem:s25], [sflag:$0x2] =	stream.indirect.gather [hbm4b:s4+s24], $0x80, s7, s24, $0xb8;
	[tilespmem:$0x1E800] =	vst v63  }
0xa7: {  	_ =	swait.ge [sflag:s26], $0x4000  }
0xa8: {  	[sflag:s26] =	ssyncset.done $0x0  }
0xa9: {  	s10 =	sadd.s32 $0x2680, s2;
	[sflag:s26] =	ssyncadd.s32 $0xFFFFC000  }
0xaa: {  	[spmem:s1] =	stream.indirect.scatter.add.f32 [tilespmem:s22], [sflag:$0x3], $0x80, s10, s24, $0xb8;
	[tilespmem:$0x1E800] =	vst v63  }
0xab: {  	_ =	swait.ge [sflag:s23], $0x4000  }
0xac: {  	[sflag:s23] =	ssyncset.done $0x0  }
0xad: {  	s8 =	sadd.s32 $0x2800, s2;
	[sflag:s23] =	ssyncadd.s32 $0xFFFFC000  }
0xae: {  	[tilespmem:s22], [sflag:$0x1] =	stream.indirect.gather [hbm4b:s4+s24], $0x80, s8, s24, $0xb8;
	[tilespmem:$0x1E800] =	vst v63  }
0xaf: {  	_ =	swait.ge [sflag:s28], $0x4000  }
0xb0: {  	[sflag:s28] =	ssyncset.done $0x0  }
0xb1: {  	s9 =	sadd.s32 $0x2780, s2;
	[sflag:s28] =	ssyncadd.s32 $0xFFFFC000  }
0xb2: {  	[spmem:s1] =	stream.indirect.scatter.add.f32 [tilespmem:s25], [sflag:$0x3], $0x80, s9, s24, $0xb8;
	[tilespmem:$0x1E800] =	vst v63  }
0xb3: {  	_ =	swait.ge [sflag:s23], $0x4000  }
0xb4: {  	[sflag:s23] =	ssyncset.done $0x0  }
0xb5: {  	[sflag:s23] =	ssyncadd.s32 $0xFFFFC000  }
0xb6: {  	[tilespmem:s25], [sflag:$0x2] =	stream.indirect.gather [hbm4b:s4+s24], $0x80, s29, s24, $0xb8;
	[tilespmem:$0x1E800] =	vst v63  }
0xb7: {  	_ =	swait.ge [sflag:s26], $0x4000  }
0xb8: {  	[sflag:s26] =	ssyncset.done $0x0  }
0xb9: {  	[sflag:s26] =	ssyncadd.s32 $0xFFFFC000  }
0xba: {  	[spmem:s1] =	stream.indirect.scatter.add.f32 [tilespmem:s22], [sflag:$0x3], $0x80, s30, s24, $0xb8;
	[tilespmem:$0x1E800] =	vst v63  }
0xbb: {  	_ =	swait.ge [sflag:s23], $0x4000  }
0xbc: {  	[sflag:s23] =	ssyncset.done $0x0  }
0xbd: {  	[sflag:s23] =	ssyncadd.s32 $0xFFFFC000  }
0xbe: {  	_ =	swait.ge [sflag:s28], $0x4000  }
0xbf: {  	[sflag:s28] =	ssyncset.done $0x0  }
0xc0: {  	[sflag:s28] =	ssyncadd.s32 $0xFFFFC000  }
0xc1: {  	[spmem:s1] =	stream.indirect.scatter.add.f32 [tilespmem:s25], [sflag:$0x3], $0x80, s31, s24, $0xb8;
	[tilespmem:$0x1E800] =	vst v63  }
0xc2: {  	_ =	swait.ge [sflag:s23], $0x4000  }
0xc3: {  	[sflag:s23] =	ssyncset.done $0x0  }
0xc4: {  	[sflag:s23] =	ssyncadd.s32 $0xFFFFC000  }
0xc5: {  	[bflag:$0x0] =	sbarrier.arrive $0xFFFF  }
0xc6: {  	[tilespmem:s22], [sflag:$0x3] =	stream.linear.gather [spmem:s5], $0x4000, $0x38;
	[tilespmem:$0x1E800] =	vst v63  }
0xc7: {  	_ =	swait.ge [sflag:s23], $0x4000  }
0xc8: {  	[sflag:s23] =	ssyncset.done $0x0  }
0xc9: {  	[sflag:s23] =	ssyncadd.s32 $0xFFFFC000  }
0xca: {  	[hbm4b:s13+s3] =	stream.linear.scatter [tilespmem:s22], [sflag:$0x3], $0x4000, $0x38;
	[tilespmem:$0x1E800] =	vst v63  }
0xcb: {  	_ =	swait.ge [sflag:s23], $0x4000  }
0xcc: {  	[sflag:s23] =	ssyncset.done $0x0  }
0xcd: {  	[sflag:s23] =	ssyncadd.s32 $0xFFFFC000  }
0xce: {  	[tilespmem:s22], [sflag:$0x3] =	stream.linear.gather [spmem:s14], $0x4000, $0x38;
	[tilespmem:$0x1E800] =	vst v63  }
0xcf: {  	_ =	swait.ge [sflag:s23], $0x4000  }
0xd0: {  	[sflag:s23] =	ssyncset.done $0x0  }
0xd1: {  	[sflag:s23] =	ssyncadd.s32 $0xFFFFC000  }
0xd2: {  	[hbm4b:s15+s3] =	stream.linear.scatter [tilespmem:s22], [sflag:$0x3], $0x4000, $0x38;
	[tilespmem:$0x1E800] =	vst v63  }
0xd3: {  	_ =	swait.ge [sflag:s23], $0x4000  }
0xd4: {  	[sflag:s23] =	ssyncset.done $0x0  }
0xd5: {  	[sflag:s23] =	ssyncadd.s32 $0xFFFFC000  }
0xd6: {  	[tilespmem:s22], [sflag:$0x3] =	stream.linear.gather [spmem:s16], $0x4000, $0x38;
	[tilespmem:$0x1E800] =	vst v63  }
0xd7: {  	_ =	swait.ge [sflag:s23], $0x4000  }
0xd8: {  	[sflag:s23] =	ssyncset.done $0x0  }
0xd9: {  	[sflag:s23] =	ssyncadd.s32 $0xFFFFC000  }
0xda: {  	[hbm4b:s17+s3] =	stream.linear.scatter [tilespmem:s22], [sflag:$0x3], $0x4000, $0x38;
	[tilespmem:$0x1E800] =	vst v63  }
0xdb: {  	_ =	swait.ge [sflag:s23], $0x4000  }
0xdc: {  	[sflag:s23] =	ssyncset.done $0x0  }
0xdd: {  	[sflag:s23] =	ssyncadd.s32 $0xFFFFC000  }
0xde: {  	[tilespmem:s22], [sflag:$0x3] =	stream.linear.gather [spmem:s18], $0x4000, $0x38;
	[tilespmem:$0x1E800] =	vst v63  }
0xdf: {  	_ =	swait.ge [sflag:s23], $0x4000  }
0xe0: {  	[sflag:s23] =	ssyncset.done $0x0  }
0xe1: {  	[sflag:s23] =	ssyncadd.s32 $0xFFFFC000  }
0xe2: {  	[hbm4b:s19+s3] =	stream.linear.scatter [tilespmem:s22], [sflag:$0x3], $0x4000, $0x38;
	[tilespmem:$0x1E800] =	vst v63  }
0xe3: {  	_ =	swait.ge [sflag:s23], $0x4000  }
0xe4: {  	[sflag:s23] =	ssyncset.done $0x0  }
0xe5: {  	[sflag:s23] =	ssyncadd.s32 $0xFFFFC000  }
0xe6: {  	[tilespmem:s22], [sflag:$0x3] =	stream.linear.gather [spmem:s20], $0x4000, $0x38;
	[tilespmem:$0x1E800] =	vst v63  }
0xe7: {  	_ =	swait.ge [sflag:s23], $0x4000  }
0xe8: {  	[sflag:s23] =	ssyncset.done $0x0  }
0xe9: {  	[sflag:s23] =	ssyncadd.s32 $0xFFFFC000  }
0xea: {  	[hbm4b:s21+s3] =	stream.linear.scatter [tilespmem:s22], [sflag:$0x3], $0x4000, $0x38;
	[tilespmem:$0x1E800] =	vst v63  }
0xeb: {  	_ =	swait.ge [sflag:s23], $0x4000  }
0xec: {  	s0 =	sadd.s32 $0x1, s0;
	s10 =	rddreg [dreg:$0x5]  }
0xed: {  	p0 =	sne.s32 s0, s10  }
.Ltmp3:
0xee: {  	_ = 	snop;
	(pc) =	sbr.rel @p0 .LBB2_1-.Ltmp3, $3  }
0xef: {  	_ =	sdelay $0x1  }
0xf0: {  	[sflag:s23] =	ssyncset.done $0x0  }
0xf1: {  	[sflag:s23] =	ssyncadd.s32 $0xFFFFC000  }
0xf2: {  	_ =	sfence.sel $0x180000  }
0xf3: {  	[bflag:$0x0] =	sbarrier.arrive $0xFFFF  }
0xf4: {  	_ =	strace $0x9000004D  }
0xf5: {  	s0 =	stileid.u32;
	[bflag:$0x2] =	sbarrier.arrive $0xFFFF  }
0xf6: {  	p0 =	sne.s32 s0, $0x0;
	s0 =	rddreg [dreg:$0x3]  }
0xf7: {  	s0 =	sadd.s32 @!p0 $0x100000, s0  }
0xf8: {  	[sflag:s0] =	ssyncadd.tile.s32 @!p0 $0x1;
	_ =	shalt  }
.Lfunc_end2:
_tile_overlayer_lowered:
.L_overlay_start_2:
0xf9: {  	(tag) =	ssettag $0x2  }
0xfa: {  	s0 =	rddreg [dreg:$0x0];
	s2 =	stileid.u32  }
0xfb: {  	s1 =	rddreg [dreg:$0x1];
	p0 =	sne.s32 s2, $0x0  }
0xfc: {  	s3 =	rddreg [dreg:$0x2];
	[bflag:$0x3] =	sbarrier.arrive $0xFFFF;
	s2 =	simm.s32 @!p0 $0x1C03  }
0xfd: {  	[timem:s3], [sflag:s2] =	dma.local @!p0 [hbm:s0], s1  }
0xfe: {  	s0 =	simm.s32 @!p0 $0x3  }
0xff: {  	_ =	swait.ge @!p0 [sflag:s0], s1  }
0x100: {  	s1 =	ssub.s32 @!p0 $0x0, s1;
	[sflag:s0] =	ssyncset.done @!p0 $0x0  }
0x101: {  	[sflag:s0] =	ssyncadd.s32 @!p0 s1  }
0x102: {  	[bflag:$0x3] =	sbarrier.arrive $0xFFFF  }
0x103: {  	_ =	shalt  }

// kernel: kernel.21.cloned.1.call-start
scs
__scs_entry_jumppad:
0x0: {  	(pc) =	sbr.rel $0x88, $3  }
0x1: {  	(tag) =	ssettag $0x0;
	lr =	simm.s32 $0x1  }
0x2: {  	[smem:$0x3F9A] =	sst lr;
	_ =	strace $0xD0000000  }
0x3: {  	_ = 	snop  }
0x4: {  	_ = 	snop  }
0x5: {  	_ = 	snop  }
0x6: {  	_ = 	snop  }
0x7: {  	_ = 	snop  }
__scs_overlays_trampoline_lowered:
0x8: {  	[smem:$0x3FA9] =	sst s0  }
0x9: {  	[smem:$0x3FAA] =	sst s1  }
0xa: {  	[smem:$0x3FAB] =	sst s2  }
0xb: {  	[smem:$0x3FAC] =	sst s3  }
0xc: {  	[smem:$0x3FAD] =	sst s4  }
0xd: {  	[smem:$0x3FAE] =	sst s5  }
0xe: {  	[smem:$0x3FAF] =	sst s6  }
0xf: {  	[smem:$0x3FB0] =	sst s7  }
0x10: {  	[smem:$0x3FB1] =	sst s8  }
0x11: {  	[smem:$0x3FB2] =	sst s9;
	s0 =	simm.s32 @!p0 $0x0  }
0x12: {  	s1 =	sld [smem:$0x3F98];
	s0 =	simm.s32 @p0 $0x1  }
0x13: {  	[smem:$0x3FB3] =	sst s0;
	s0 =	simm.s32 @!p1 $0x0  }
0x14: {  	s2 =	sld [smem:$0x3F97];
	s0 =	simm.s32 @p1 $0x1  }
0x15: {  	[smem:$0x3FB4] =	sst s0;
	s0 =	simm.s32 @!p2 $0x0  }
0x16: {  	s3 =	sld [smem:$0x3FDB];
	s0 =	simm.s32 @p2 $0x1  }
0x17: {  	s4 =	simm.s32 $0x1BF5;
	[smem:$0x3FB6] =	sst s0  }
0x18: {  	s0 =	sld [smem:$0x3F99];
	_ =	swait.ge [sflag:s4], $0x0  }
0x19: {  	s7 =	sld [smem:$0x3F9A]  }
0x1a: {  	s8 =	sadd.s32 $0xFFFFE003, lr  }
0x1b: {  	s9 =	sadd.s32 $0xFFFFFEF7, lr;
	s5 =	simm.s32 $0xFFFFFFFF;
	p2 =	slt.u32 s8, $0xFFFFF086  }
0x1c: {  	p1 =	slt.u32 s9, $0xF7A;
	s5 =	simm.s32 @!p2 $0x0  }
0x1d: {  	s5 =	simm.s32 @p1 $0x1;
	p0 =	seq.s32 s7, s2  }
0x1e: {  	s7 =	smul.u32 @!p0 $0xF7A, s2;
	p2 =	seq.s32 @!p0 s5, $0x0  }
0x1f: {  	s9 =	smul.u32 $0xF7A, s1;
	s8 =	simm.s32 @!p0 $0x1BF5;
	p2 =	por !p2, p0  }
0x20: {  	[sflag:s8] =	ssyncset.s32 @!p0 $0xFFFFF086;
	s6 =	sadd.s32 @!p0 s3, s7;
	s7 =	simm.s32 @!p0 $0x108  }
0x21: {  	s3 =	sadd.s32 s3, s9;
	s6 =	sadd.s32 @!p0 $0x88, s6;
	s7 =	simm.s32 @p2 $0x1082  }
0x22: {  	[simem:s7], [sflag:s8] =	dma.local @!p0 [hbm:s6], $0xF7A  }
0x23: {  	s9 =	sor.u32 $0xD0000000, s2;
	s6 =	simm.s32 $0x108;
	_ =	swait.ge @!p0 [sflag:s8], $0x0  }
0x24: {  	s3 =	sadd.s32 $0x88, s3;
	s6 =	simm.s32 @!p1 $0x1082;
	[sflag:s4] =	ssyncset.s32 $0xFFFFF086  }
0x25: {  	[simem:s6], [sflag:s4] =	dma.local [hbm:s3], $0xF7A  }
0x26: {  	[smem:$0x3F9A] =	sst s1;
	(tag) =	ssettag s2;
	_ =	strace s9  }
0x27: {  	s1 =	sld [smem:$0x3FAA]  }
0x28: {  	s2 =	sld [smem:$0x3FAB]  }
0x29: {  	s4 =	sld [smem:$0x3FAD]  }
0x2a: {  	p0 =	seq.s32 s5, $0x0;
	s5 =	sld [smem:$0x3FAE]  }
0x2b: {  	s6 =	sld [smem:$0x3FAF]  }
0x2c: {  	s7 =	sld [smem:$0x3FB0]  }
0x2d: {  	s3 =	simm.s32 $0x108;
	s8 =	sld [smem:$0x3FB1]  }
0x2e: {  	s3 =	simm.s32 @!p0 $0x1082;
	s9 =	sld [smem:$0x3FB2]  }
0x2f: {  	lr =	sadd.s32 s0, s3;
	s0 =	sld [smem:$0x3FA9]  }
0x30: {  	s3 =	sld [smem:$0x3FAC]  }
0x31: {  	[smem:$0x3FB5] =	sst s10  }
0x32: {  	s10 =	sld [smem:$0x3FB3];
	_ =	sdelay $0x3  }
0x33: {  	p0 =	seq.s32 s10, $0x1;
	s10 =	sld [smem:$0x3FB5];
	_ =	sdelay $0x3  }
0x34: {  	[smem:$0x3FB5] =	sst s10  }
0x35: {  	s10 =	sld [smem:$0x3FB4];
	_ =	sdelay $0x3  }
0x36: {  	p1 =	seq.s32 s10, $0x1;
	s10 =	sld [smem:$0x3FB5];
	_ =	sdelay $0x3  }
0x37: {  	[smem:$0x3FB5] =	sst s10  }
0x38: {  	s10 =	sld [smem:$0x3FB6]  }
0x39: {  	_ = 	snop;
	(pc) =	sbr.ind lr, $3  }
0x3a: {  	_ = 	snop  }
0x3b: {  	_ = 	snop  }
0x3c: {  	p2 =	seq.s32 s10, $0x1;
	s10 =	sld [smem:$0x3FB5]  }
0x3d: {  	_ =	shalt  }
0x3e: {  	_ =	shalt  }
0x3f: {  	_ =	shalt  }
0x40: {  	_ =	shalt  }
0x41: {  	_ =	shalt  }
0x42: {  	_ =	shalt  }
0x43: {  	_ =	shalt  }
0x44: {  	_ =	shalt  }
0x45: {  	_ =	shalt  }
0x46: {  	_ =	shalt  }
0x47: {  	_ =	shalt  }
0x48: {  	_ =	shalt  }
0x49: {  	_ =	shalt  }
0x4a: {  	_ =	shalt  }
0x4b: {  	_ =	shalt  }
0x4c: {  	_ =	shalt  }
0x4d: {  	_ =	shalt  }
0x4e: {  	_ =	shalt  }
0x4f: {  	_ =	shalt  }
0x50: {  	_ =	shalt  }
0x51: {  	_ =	shalt  }
0x52: {  	_ =	shalt  }
0x53: {  	_ =	shalt  }
0x54: {  	_ =	shalt  }
0x55: {  	_ =	shalt  }
0x56: {  	_ =	shalt  }
0x57: {  	_ =	shalt  }
0x58: {  	_ =	shalt  }
0x59: {  	_ =	shalt  }
0x5a: {  	_ =	shalt  }
0x5b: {  	_ =	shalt  }
0x5c: {  	_ =	shalt  }
0x5d: {  	_ =	shalt  }
0x5e: {  	_ =	shalt  }
0x5f: {  	_ =	shalt  }
0x60: {  	_ =	shalt  }
0x61: {  	_ =	shalt  }
0x62: {  	_ =	shalt  }
0x63: {  	_ =	shalt  }
0x64: {  	_ =	shalt  }
0x65: {  	_ =	shalt  }
0x66: {  	_ =	shalt  }
0x67: {  	_ =	shalt  }
0x68: {  	_ =	shalt  }
0x69: {  	_ =	shalt  }
0x6a: {  	_ =	shalt  }
0x6b: {  	_ =	shalt  }
0x6c: {  	_ =	shalt  }
0x6d: {  	_ =	shalt  }
0x6e: {  	_ =	shalt  }
0x6f: {  	_ =	shalt  }
0x70: {  	_ =	shalt  }
0x71: {  	_ =	shalt  }
0x72: {  	_ =	shalt  }
0x73: {  	_ =	shalt  }
0x74: {  	_ =	shalt  }
0x75: {  	_ =	shalt  }
0x76: {  	_ =	shalt  }
0x77: {  	_ =	shalt  }
0x78: {  	_ =	shalt  }
0x79: {  	_ =	shalt  }
0x7a: {  	_ =	shalt  }
0x7b: {  	_ =	shalt  }
0x7c: {  	_ =	shalt  }
0x7d: {  	_ =	shalt  }
0x7e: {  	_ =	shalt  }
0x7f: {  	_ =	shalt  }
0x80: {  	_ =	shalt  }
0x81: {  	_ =	shalt  }
0x82: {  	_ =	shalt  }
0x83: {  	_ =	shalt  }
0x84: {  	_ =	shalt  }
0x85: {  	_ =	shalt  }
0x86: {  	_ =	shalt  }
0x87: {  	_ =	shalt  }
.Lfunc_end0:
.L_simem_size_0:
called_computation.3_lowered:
.L_overlay_start_0:
0x88: {  	s2 =	sld [smem:$0x3FD9]  }
0x89: {  	s3 =	sld [smem:$0x3FFE];
	_ =	sdelay $0x1  }
0x8a: {  	s1 =	srdreg.scid  }
0x8b: {  	s0 =	sand.u32 $0x1, s1  }
0x8c: {  	s16 =	sshll.u32 s0, $0xA;
	s2 =	sadd.s32 s3, s2  }
0x8d: {  	s2 =	sadd.s32 s2, s16  }
0x8e: {  	[smem:$0x3FC1] =	sst s2  }
0x8f: {  	_ = 	snop  }
0x90: {  	(tm) =	ssettm $0x1  }
0x91: {  	s17 =	sld [smem:$0x3FFB];
	_ =	sdelay $0x3  }
0x92: {  	_ =	strace s17  }
0x93: {  	s2 =	sld [smem:$0x3FFC];
	_ =	sdelay $0x3  }
0x94: {  	_ =	strace s2  }
0x95: {  	s2 =	sld [smem:$0x3FFD];
	_ =	sdelay $0x3  }
0x96: {  	_ =	strace s2  }
0x97: {  	_ =	strace $0x8FFFFFFF  }
0x98: {  	s18 =	sld [smem:$0x3FDB];
	_ =	sdelay $0x1  }
0x99: {  	s19 =	simm.s32 $_scs_section_size  }
0x9a: {  	s4 =	simm.s32 $_size__tile_overlayer_lowered;
	s5 =	simm.s32 $_tile_overlayer_lowered  }
0x9b: {  	s22 =	simm.s32 $0x1BFF;
	s21 =	sshll.u32 s5, $0x1;
	s2 =	sadd.s32 s19, s18  }
0x9c: {  	s6 =	simm.s32 $0x0;
	s20 =	sshll.u32 s4, $0x1;
	s4 =	sadd.s32 s21, s2  }
0x9d: {  	[timem:s6], [sflag:s22] =	dma.local [hbm:s4], s20  }
0x9e: {  	_ =	swait.ge [sflag:s22], s20  }
0x9f: {  	s3 =	ssub.s32 $0x0, s20;
	[sflag:s22] =	ssyncset.done $0x0  }
0xa0: {  	[sflag:s22] =	ssyncadd.s32 s3;
	_ =	sdelay $0x1  }
0xa1: {  	s23 =	simm.s32 $0x1B8B  }
0xa2: {  	_ =	swait.ge [sflag:s23], $0x1  }
0xa3: {  	[sflag:s23] =	ssyncset.done $0x0  }
0xa4: {  	s25 =	simm.s32 $0x1B8E;
	s24 =	sld [smem:$0x3FFE];
	[sflag:s23] =	ssyncadd.s32 $0xFFFFFFFF  }
0xa5: {  	s26 =	simm.s32 $execute0_lowered;
	[smem:$0x3FD2] =	sst s25  }
0xa6: {  	s4 =	sshll.u32 s26, $0x1;
	_ =	strace $0x8000004F;
	[dreg:$0x1] =	wrdreg $0xFFFFFFFF  }
0xa7: {  	s28 =	simm.s32 $_size_execute0_lowered;
	s2 =	sadd.s32 s2, s4;
	[dreg:$0x0] =	wrdreg $0x0  }
0xa8: {  	s4 =	sshll.u32 s28, $0x1;
	[dreg:$0x2] =	wrdreg s2  }
0xa9: {  	[dreg:$0x3] =	wrdreg s4  }
0xaa: {  	[dreg:$0x4] =	wrdreg $0xC0  }
0xab: {  	_ =	task [dreg:s6], $0x5FFFF  }
0xac: {  	[dreg:$0x1] =	wrdreg $0xFFFFFFFF  }
0xad: {  	[dreg:$0x0] =	wrdreg $0x60  }
0xae: {  	[dreg:$0x2] =	wrdreg s24  }
0xaf: {  	[dreg:$0x3] =	wrdreg $0xA8000  }
0xb0: {  	[dreg:$0x4] =	wrdreg $0x9  }
0xb1: {  	_ =	task.clear_ibuf [dreg:s6], $0x5FFFF;
	_ =	strace $0x9000004F  }
0xb2: {  	s29 =	simm.s32 $0x9;
	_ =	strace $0x80000051  }
0xb3: {  	_ =	swait.ge [sflag:s29], $0x1  }
0xb4: {  	[sflag:s29] =	ssyncadd.s32 $0xFFFFFFFF  }
0xb5: {  	_ =	strace $0x90000051  }
0xb6: {  	_ =	sfence  }
0xb7: {  	s30 =	sld [smem:$0x0];
	_ =	sdelay $0x2  }
0xb8: {  	s31 =	sshll.u32 s1, $0xD;
	s1 =	sshrl.u32 s1, $0x2  }
0xb9: {  	s3 =	sand.u32 $0x4000, s31;
	s1 =	sadd.s32 s1, s30  }
0xba: {  	s0 =	sor.u32 s3, s0;
	s1 =	sshll.u32 s1, $0x11  }
0xbb: {  	s0 =	sor.u32 s1, s0  }
0xbc: {  	s0 =	sadd.s32 $0x8F2B, s0  }
0xbd: {  	[sflag:s0] =	ssyncadd.remote.s32 $0x1  }
0xbe: {  	_ =	sfence.sel $0xFFFF  }
0xbf: {  	[dreg:$0x0] =	wrdreg $0xFFFFFFFF;
	(pc) =	sbr.abs _section_cstart, $3  }
0xc0: {  	[dreg:$0x1] =	wrdreg $0xFFFFFFFF  }
0xc1: {  	_ =	task.clear_ibuf [dreg:s6], $0x2FFFF;
	_ =	strace $0x9FFFFFFF  }
0xc2: {  	(tm) =	ssettm $0x7FFFFFFF  }
0xc3: {  	_ =	shalt  }
tec
execute0_lowered:
.L_overlay_start_1:
0x0: {  	(tag) =	ssettag $0x1  }
0x1: {  	s0 =	srdreg.scid;
	s1 =	rddreg [dreg:$0x0]  }
0x2: {  	s2 =	rddreg [dreg:$0x1];
	s9 =	stileid.u32  }
0x3: {  	s3 =	simm.s32 $0x0;
	s28 =	simm.s32 $0x2;
	s29 =	simm.s32 $0x2700  }
0x4: {  	s30 =	simm.s32 $0x2680;
	s31 =	simm.s32 $0x2780;
	s7 =	smul.u32 $0x50000, s9  }
0x5: {  	s0 =	sand.u32 $0x1, s0;
	[smem:$0x7FF] =	sst s3;
	s21 =	smul.u32 $0x14000, s9  }
0x6: {  	s4 =	sshll.u32 s0, $0x4;
	_ =	strace $0x80000050;
	s6 =	ssub.s32 $0x2, s0  }
0x7: {  	s0 =	smul.u32 $0x140000, s0;
	s4 =	sor.u32 s9, s4;
	s18 =	sshrl.u32 s6, $0x1  }
0x8: {  	s19 =	sshrl.u32 s7, $0x2;
	s14 =	sadd.s32 $0x4000, s21;
	s25 =	sadd.s32 $0x8000, s21  }
0x9: {  	s7 =	sadd.s32 $0x10000, s21;
	s5 =	smul.u32 $0x5000, s4;
	s4 =	sadd.s32 $0x3F400, s1  }
0xa: {  	s6 =	ssub.s32 s6, s18;
	s23 =	sadd.s32 s0, s21;
	s15 =	sadd.s32 s0, s14  }
0xb: {  	s14 =	sadd.s32 s14, s2;
	s16 =	sadd.s32 s25, s2;
	s18 =	sadd.s32 $0xC000, s21  }
0xc: {  	s6 =	smax.u32 s6, $0x1;
	s24 =	sshrl.u32 s15, $0x3;
	s5 =	sshrl.u32 s5, $0x3  }
0xd: {  	[dreg:$0x5] =	wrdreg s6;
	s6 =	sshrl.u32 s23, $0x3;
	s23 =	simm.s32 $0x3  }
0xe: {  	s8 =	sadd.s32 s5, s1;
	s1 =	sadd.s32 $0x67400, s1;
	s5 =	sadd.s32 s19, s2  }
0xf: {  	s19 =	sadd.s32 s0, s18;
	s18 =	sadd.s32 s18, s2;
	s20 =	sadd.s32 $0x3400, s8  }
0x10: {  	s8 =	sadd.s32 $0x3900, s8;
	s22 =	sadd.s32 $0x4000, s5;
	s10 =	sadd.s32 $0x8000, s5  }
0x11: {  	s11 =	sadd.s32 $0xC000, s5;
	s12 =	sadd.s32 $0x10000, s5;
	s13 =	sadd.s32 s1, s6  }
0x12: {  	s15 =	sadd.s32 s1, s24;
	s6 =	sadd.s32 s0, s25;
	[dreg:$0x3] =	wrdreg s20  }
0x13: {  	s26 =	sshrl.u32 s19, $0x3;
	s0 =	sadd.s32 s0, s7;
	[dreg:$0x4] =	wrdreg s8  }
0x14: {  	s24 =	simm.s32 $0x80;
	s25 =	simm.s32 $0x6800;
	[dreg:$0x6] =	wrdreg s22  }
0x15: {  	s6 =	sshrl.u32 s6, $0x3;
	s19 =	sadd.s32 s1, s26;
	s0 =	sshrl.u32 s0, $0x3  }
0x16: {  	s20 =	sadd.s32 s7, s2;
	s22 =	simm.s32 $0x2800;
	s26 =	simm.s32 $0x1  }
0x17: {  	v0 =	vimm.f32 $0.0e+00;
	s17 =	sadd.s32 s1, s6;
	s21 =	sadd.s32 s1, s0;
	s0 =	simm.s32 $0x0  }
.LBB2_1:
0x18: {  	s1 =	sand.u32 $0xFE00, s3  }
0x19: {  	s6 =	sand.u32 $0x70, s3;
	s7 =	sshrl.u32 s1, $0x2  }
0x1a: {  	s1 =	simm.s32 $0x40;
	s7 =	sor.u32 s6, s7;
	s6 =	simm.s32 $0x0  }
.LBB2_2:
0x1b: {  	p0 =	sne.s32 s1, $0xFFC0  }
0x1c: {  	[tilespmem:s7+$0x2800] =	vst v0;
	s6 =	sadd.s32 $0x10, s6;
	s7 =	smov.u32 s1;
	s1 =	sadd.s32 $0x40, s1  }
.Ltmp0:
0x1d: {  	(pc) =	sbr.rel @p0 .LBB2_2-.Ltmp0, $4  }
0x1e: {  	_ = 	snop  }
0x1f: {  	s7 =	sand.u32 $0xFE00, s7  }
0x20: {  	s8 =	sand.u32 $0x70, s6;
	s7 =	sshrl.u32 s7, $0x2  }
0x21: {  	s7 =	sor.u32 s8, s7  }
0x22: {  	[tilespmem:s7+$0x2800] =	vst v0  }
0x23: {  	[spmem:s5] =	stream.linear.scatter [tilespmem:s22], [sflag:$0x3], $0x4000, $0x38;
	[tilespmem:$0x1E800] =	vst v63  }
0x24: {  	_ =	swait.ge [sflag:s23], $0x4000  }
0x25: {  	[sflag:s23] =	ssyncset.done $0x0  }
0x26: {  	s1 =	rddreg [dreg:$0x6];
	[sflag:s23] =	ssyncadd.s32 $0xFFFFC000  }
0x27: {  	[spmem:s1] =	stream.linear.scatter [tilespmem:s22], [sflag:$0x3], $0x4000, $0x38;
	[tilespmem:$0x1E800] =	vst v63  }
0x28: {  	_ =	swait.ge [sflag:s23], $0x4000  }
0x29: {  	[sflag:s23] =	ssyncset.done $0x0  }
0x2a: {  	[sflag:s23] =	ssyncadd.s32 $0xFFFFC000  }
0x2b: {  	[spmem:s10] =	stream.linear.scatter [tilespmem:s22], [sflag:$0x3], $0x4000, $0x38;
	[tilespmem:$0x1E800] =	vst v63  }
0x2c: {  	_ =	swait.ge [sflag:s23], $0x4000  }
0x2d: {  	[sflag:s23] =	ssyncset.done $0x0  }
0x2e: {  	[sflag:s23] =	ssyncadd.s32 $0xFFFFC000  }
0x2f: {  	[spmem:s11] =	stream.linear.scatter [tilespmem:s22], [sflag:$0x3], $0x4000, $0x38;
	[tilespmem:$0x1E800] =	vst v63  }
0x30: {  	_ =	swait.ge [sflag:s23], $0x4000  }
0x31: {  	[sflag:s23] =	ssyncset.done $0x0  }
0x32: {  	[sflag:s23] =	ssyncadd.s32 $0xFFFFC000  }
0x33: {  	[spmem:s12] =	stream.linear.scatter [tilespmem:s22], [sflag:$0x3], $0x4000, $0x38;
	[tilespmem:$0x1E800] =	vst v63  }
0x34: {  	_ =	swait.ge [sflag:s23], $0x4000  }
0x35: {  	[sflag:s23] =	ssyncset.done $0x0  }
0x36: {  	[sflag:s23] =	ssyncadd.s32 $0xFFFFC000  }
0x37: {  	[bflag:$0x0] =	sbarrier.arrive $0xFFFF  }
0x38: {  	s9 =	rddreg [dreg:$0x3]  }
0x39: {  	[tilespmem:s3], [sflag:$0x3] =	stream.linear.gather [hbm4b:s9+s3], $0x2800, $0x38;
	[tilespmem:$0x1E800] =	vst v63  }
0x3a: {  	_ =	swait.ge [sflag:s23], $0x2800  }
0x3b: {  	[sflag:s23] =	ssyncset.done $0x0  }
0x3c: {  	[sflag:s23] =	ssyncadd.s32 $0xFFFFD800  }
0x3d: {  	[tilespmem:s22], [sflag:$0x1] =	stream.indirect.gather [hbm4b:s4+s24], $0x80, s3, s24, $0xb8;
	[tilespmem:$0x1E800] =	vst v63  }
0x3e: {  	s6 =	simm.s32 $0x100  }
0x3f: {  	[tilespmem:s25], [sflag:$0x2] =	stream.indirect.gather [hbm4b:s4+s24], $0x80, s6, s24, $0xb8;
	[tilespmem:$0x1E800] =	vst v63  }
0x40: {  	_ =	swait.ge [sflag:s26], $0x4000  }
0x41: {  	[sflag:s26] =	ssyncset.done $0x0  }
0x42: {  	s7 =	simm.s32 $0x80;
	[sflag:s26] =	ssyncadd.s32 $0xFFFFC000  }
0x43: {  	[spmem:s2] =	stream.indirect.scatter.add.f32 [tilespmem:s22], [sflag:$0x3], $0x80, s7, s24, $0xb8;
	[tilespmem:$0x1E800] =	vst v63  }
0x44: {  	_ =	swait.ge [sflag:s23], $0x4000  }
0x45: {  	[sflag:s23] =	ssyncset.done $0x0  }
0x46: {  	s8 =	simm.s32 $0x200;
	[sflag:s23] =	ssyncadd.s32 $0xFFFFC000  }
0x47: {  	[tilespmem:s22], [sflag:$0x1] =	stream.indirect.gather [hbm4b:s4+s24], $0x80, s8, s24, $0xb8;
	[tilespmem:$0x1E800] =	vst v63  }
0x48: {  	_ =	swait.ge [sflag:s28], $0x4000  }
0x49: {  	[sflag:s28] =	ssyncset.done $0x0  }
0x4a: {  	s9 =	simm.s32 $0x180;
	[sflag:s28] =	ssyncadd.s32 $0xFFFFC000  }
0x4b: {  	[spmem:s2] =	stream.indirect.scatter.add.f32 [tilespmem:s25], [sflag:$0x3], $0x80, s9, s24, $0xb8;
	[tilespmem:$0x1E800] =	vst v63  }
0x4c: {  	_ =	swait.ge [sflag:s23], $0x4000  }
0x4d: {  	s1 =	simm.s32 $0xFFFFDC00;
	s6 =	simm.s32 $0xFFFF7800;
	[sflag:s23] =	ssyncset.done $0x0  }
.LBB2_4:
0x4e: {  	s7 =	sadd.s32 $0x2700, s1  }
0x4f: {  	[sflag:s23] =	ssyncadd.s32 $0xFFFFC000;
	s8 =	smov.u32 s6;
	s9 =	sadd.s32 $0x800, s6  }
0x50: {  	[tilespmem:s25], [sflag:$0x2] =	stream.indirect.gather [hbm4b:s4+s24], $0x80, s7, s24, $0xb8;
	[tilespmem:$0x1E800] =	vst v63  }
0x51: {  	p0 =	sne.s32 s6, $0xFFFFF800;
	_ =	swait.ge [sflag:s26], $0x4000  }
0x52: {  	[sflag:s26] =	ssyncset.done $0x0  }
0x53: {  	s6 =	sadd.s32 $0x2680, s1;
	[sflag:s26] =	ssyncadd.s32 $0xFFFFC000  }
0x54: {  	[spmem:s2] =	stream.indirect.scatter.add.f32 [tilespmem:s22], [sflag:$0x3], $0x80, s6, s24, $0xb8;
	[tilespmem:$0x1E800] =	vst v63  }
0x55: {  	_ =	swait.ge [sflag:s23], $0x4000  }
0x56: {  	[sflag:s23] =	ssyncset.done $0x0  }
0x57: {  	s6 =	sadd.s32 $0x2800, s1;
	[sflag:s23] =	ssyncadd.s32 $0xFFFFC000  }
0x58: {  	[tilespmem:s22], [sflag:$0x1] =	stream.indirect.gather [hbm4b:s4+s24], $0x80, s6, s24, $0xb8;
	[tilespmem:$0x1E800] =	vst v63  }
0x59: {  	_ =	swait.ge [sflag:s28], $0x4000  }
.Ltmp1:
0x5a: {  	[sflag:s28] =	ssyncset.done $0x0;
	(pc) =	sbr.rel @p0 .LBB2_4-.Ltmp1, $4  }
0x5b: {  	s1 =	sadd.s32 $0x2780, s1;
	[sflag:s28] =	ssyncadd.s32 $0xFFFFC000  }
0x5c: {  	[spmem:s2] =	stream.indirect.scatter.add.f32 [tilespmem:s25], [sflag:$0x3], $0x80, s1, s24, $0xb8;
	[tilespmem:$0x1E800] =	vst v63  }
0x5d: {  	_ =	swait.ge [sflag:s23], $0x4000  }
0x5e: {  	s6 =	smov.u32 s9;
	s1 =	sshra.s32 s8, $0x2;
	[sflag:s23] =	ssyncset.done $0x0  }
0x5f: {  	s6 =	sadd.s32 $0x2700, s1;
	[sflag:s23] =	ssyncadd.s32 $0xFFFFC000  }
0x60: {  	[tilespmem:s25], [sflag:$0x2] =	stream.indirect.gather [hbm4b:s4+s24], $0x80, s6, s24, $0xb8;
	[tilespmem:$0x1E800] =	vst v63  }
0x61: {  	_ =	swait.ge [sflag:s26], $0x4000  }
0x62: {  	[sflag:s26] =	ssyncset.done $0x0  }
0x63: {  	s9 =	sadd.s32 $0x2680, s1;
	[sflag:s26] =	ssyncadd.s32 $0xFFFFC000  }
0x64: {  	[spmem:s2] =	stream.indirect.scatter.add.f32 [tilespmem:s22], [sflag:$0x3], $0x80, s9, s24, $0xb8;
	[tilespmem:$0x1E800] =	vst v63  }
0x65: {  	_ =	swait.ge [sflag:s23], $0x4000  }
0x66: {  	[sflag:s23] =	ssyncset.done $0x0  }
0x67: {  	s7 =	sadd.s32 $0x2800, s1;
	[sflag:s23] =	ssyncadd.s32 $0xFFFFC000  }
0x68: {  	[tilespmem:s22], [sflag:$0x1] =	stream.indirect.gather [hbm4b:s4+s24], $0x80, s7, s24, $0xb8;
	[tilespmem:$0x1E800] =	vst v63  }
0x69: {  	_ =	swait.ge [sflag:s28], $0x4000  }
0x6a: {  	[sflag:s28] =	ssyncset.done $0x0  }
0x6b: {  	s8 =	sadd.s32 $0x2780, s1;
	[sflag:s28] =	ssyncadd.s32 $0xFFFFC000  }
0x6c: {  	[spmem:s2] =	stream.indirect.scatter.add.f32 [tilespmem:s25], [sflag:$0x3], $0x80, s8, s24, $0xb8;
	[tilespmem:$0x1E800] =	vst v63  }
0x6d: {  	_ =	swait.ge [sflag:s23], $0x4000  }
0x6e: {  	[sflag:s23] =	ssyncset.done $0x0  }
0x6f: {  	[sflag:s23] =	ssyncadd.s32 $0xFFFFC000  }
0x70: {  	[tilespmem:s25], [sflag:$0x2] =	stream.indirect.gather [hbm4b:s4+s24], $0x80, s29, s24, $0xb8;
	[tilespmem:$0x1E800] =	vst v63  }
0x71: {  	_ =	swait.ge [sflag:s26], $0x4000  }
0x72: {  	[sflag:s26] =	ssyncset.done $0x0  }
0x73: {  	[sflag:s26] =	ssyncadd.s32 $0xFFFFC000  }
0x74: {  	[spmem:s2] =	stream.indirect.scatter.add.f32 [tilespmem:s22], [sflag:$0x3], $0x80, s30, s24, $0xb8;
	[tilespmem:$0x1E800] =	vst v63  }
0x75: {  	_ =	swait.ge [sflag:s23], $0x4000  }
0x76: {  	[sflag:s23] =	ssyncset.done $0x0  }
0x77: {  	[sflag:s23] =	ssyncadd.s32 $0xFFFFC000  }
0x78: {  	_ =	swait.ge [sflag:s28], $0x4000  }
0x79: {  	[sflag:s28] =	ssyncset.done $0x0  }
0x7a: {  	[sflag:s28] =	ssyncadd.s32 $0xFFFFC000  }
0x7b: {  	[spmem:s2] =	stream.indirect.scatter.add.f32 [tilespmem:s25], [sflag:$0x3], $0x80, s31, s24, $0xb8;
	[tilespmem:$0x1E800] =	vst v63  }
0x7c: {  	_ =	swait.ge [sflag:s23], $0x4000  }
0x7d: {  	[sflag:s23] =	ssyncset.done $0x0  }
0x7e: {  	s9 =	rddreg [dreg:$0x4];
	[sflag:s23] =	ssyncadd.s32 $0xFFFFC000  }
0x7f: {  	[tilespmem:s3], [sflag:$0x3] =	stream.linear.gather [hbm4b:s9+s3], $0x2800, $0x38;
	[tilespmem:$0x1E800] =	vst v63  }
0x80: {  	_ =	swait.ge [sflag:s23], $0x2800  }
0x81: {  	[sflag:s23] =	ssyncset.done $0x0  }
0x82: {  	[sflag:s23] =	ssyncadd.s32 $0xFFFFD800  }
0x83: {  	[tilespmem:s22], [sflag:$0x1] =	stream.indirect.gather [hbm4b:s4+s24], $0x80, s3, s24, $0xb8;
	[tilespmem:$0x1E800] =	vst v63  }
0x84: {  	s6 =	simm.s32 $0x100  }
0x85: {  	[tilespmem:s25], [sflag:$0x2] =	stream.indirect.gather [hbm4b:s4+s24], $0x80, s6, s24, $0xb8;
	[tilespmem:$0x1E800] =	vst v63  }
0x86: {  	_ =	swait.ge [sflag:s26], $0x4000  }
0x87: {  	[sflag:s26] =	ssyncset.done $0x0  }
0x88: {  	s7 =	simm.s32 $0x80;
	[sflag:s26] =	ssyncadd.s32 $0xFFFFC000  }
0x89: {  	[spmem:s2] =	stream.indirect.scatter.add.f32 [tilespmem:s22], [sflag:$0x3], $0x80, s7, s24, $0xb8;
	[tilespmem:$0x1E800] =	vst v63  }
0x8a: {  	_ =	swait.ge [sflag:s23], $0x4000  }
0x8b: {  	[sflag:s23] =	ssyncset.done $0x0  }
0x8c: {  	s8 =	simm.s32 $0x200;
	[sflag:s23] =	ssyncadd.s32 $0xFFFFC000  }
0x8d: {  	[tilespmem:s22], [sflag:$0x1] =	stream.indirect.gather [hbm4b:s4+s24], $0x80, s8, s24, $0xb8;
	[tilespmem:$0x1E800] =	vst v63  }
0x8e: {  	_ =	swait.ge [sflag:s28], $0x4000  }
0x8f: {  	[sflag:s28] =	ssyncset.done $0x0  }
0x90: {  	s9 =	simm.s32 $0x180;
	[sflag:s28] =	ssyncadd.s32 $0xFFFFC000  }
0x91: {  	[spmem:s2] =	stream.indirect.scatter.add.f32 [tilespmem:s25], [sflag:$0x3], $0x80, s9, s24, $0xb8;
	[tilespmem:$0x1E800] =	vst v63  }
0x92: {  	_ =	swait.ge [sflag:s23], $0x4000  }
0x93: {  	s1 =	simm.s32 $0xFFFFDC00;
	s6 =	simm.s32 $0xFFFF7800;
	[sflag:s23] =	ssyncset.done $0x0  }
.LBB2_6:
0x94: {  	s7 =	sadd.s32 $0x2700, s1  }
0x95: {  	[sflag:s23] =	ssyncadd.s32 $0xFFFFC000;
	s8 =	smov.u32 s6;
	s9 =	sadd.s32 $0x800, s6  }
0x96: {  	[tilespmem:s25], [sflag:$0x2] =	stream.indirect.gather [hbm4b:s4+s24], $0x80, s7, s24, $0xb8;
	[tilespmem:$0x1E800] =	vst v63  }
0x97: {  	p0 =	sne.s32 s6, $0xFFFFF800;
	_ =	swait.ge [sflag:s26], $0x4000  }
0x98: {  	[sflag:s26] =	ssyncset.done $0x0  }
0x99: {  	s6 =	sadd.s32 $0x2680, s1;
	[sflag:s26] =	ssyncadd.s32 $0xFFFFC000  }
0x9a: {  	[spmem:s2] =	stream.indirect.scatter.add.f32 [tilespmem:s22], [sflag:$0x3], $0x80, s6, s24, $0xb8;
	[tilespmem:$0x1E800] =	vst v63  }
0x9b: {  	_ =	swait.ge [sflag:s23], $0x4000  }
0x9c: {  	[sflag:s23] =	ssyncset.done $0x0  }
0x9d: {  	s6 =	sadd.s32 $0x2800, s1;
	[sflag:s23] =	ssyncadd.s32 $0xFFFFC000  }
0x9e: {  	[tilespmem:s22], [sflag:$0x1] =	stream.indirect.gather [hbm4b:s4+s24], $0x80, s6, s24, $0xb8;
	[tilespmem:$0x1E800] =	vst v63  }
0x9f: {  	_ =	swait.ge [sflag:s28], $0x4000  }
.Ltmp2:
0xa0: {  	[sflag:s28] =	ssyncset.done $0x0;
	(pc) =	sbr.rel @p0 .LBB2_6-.Ltmp2, $4  }
0xa1: {  	s1 =	sadd.s32 $0x2780, s1;
	[sflag:s28] =	ssyncadd.s32 $0xFFFFC000  }
0xa2: {  	[spmem:s2] =	stream.indirect.scatter.add.f32 [tilespmem:s25], [sflag:$0x3], $0x80, s1, s24, $0xb8;
	[tilespmem:$0x1E800] =	vst v63  }
0xa3: {  	_ =	swait.ge [sflag:s23], $0x4000  }
0xa4: {  	s6 =	smov.u32 s9;
	s1 =	sshra.s32 s8, $0x2;
	[sflag:s23] =	ssyncset.done $0x0  }
0xa5: {  	s6 =	sadd.s32 $0x2700, s1;
	[sflag:s23] =	ssyncadd.s32 $0xFFFFC000  }
0xa6: {  	[tilespmem:s25], [sflag:$0x2] =	stream.indirect.gather [hbm4b:s4+s24], $0x80, s6, s24, $0xb8;
	[tilespmem:$0x1E800] =	vst v63  }
0xa7: {  	_ =	swait.ge [sflag:s26], $0x4000  }
0xa8: {  	[sflag:s26] =	ssyncset.done $0x0  }
0xa9: {  	s9 =	sadd.s32 $0x2680, s1;
	[sflag:s26] =	ssyncadd.s32 $0xFFFFC000  }
0xaa: {  	[spmem:s2] =	stream.indirect.scatter.add.f32 [tilespmem:s22], [sflag:$0x3], $0x80, s9, s24, $0xb8;
	[tilespmem:$0x1E800] =	vst v63  }
0xab: {  	_ =	swait.ge [sflag:s23], $0x4000  }
0xac: {  	[sflag:s23] =	ssyncset.done $0x0  }
0xad: {  	s7 =	sadd.s32 $0x2800, s1;
	[sflag:s23] =	ssyncadd.s32 $0xFFFFC000  }
0xae: {  	[tilespmem:s22], [sflag:$0x1] =	stream.indirect.gather [hbm4b:s4+s24], $0x80, s7, s24, $0xb8;
	[tilespmem:$0x1E800] =	vst v63  }
0xaf: {  	_ =	swait.ge [sflag:s28], $0x4000  }
0xb0: {  	[sflag:s28] =	ssyncset.done $0x0  }
0xb1: {  	s8 =	sadd.s32 $0x2780, s1;
	[sflag:s28] =	ssyncadd.s32 $0xFFFFC000  }
0xb2: {  	[spmem:s2] =	stream.indirect.scatter.add.f32 [tilespmem:s25], [sflag:$0x3], $0x80, s8, s24, $0xb8;
	[tilespmem:$0x1E800] =	vst v63  }
0xb3: {  	_ =	swait.ge [sflag:s23], $0x4000  }
0xb4: {  	[sflag:s23] =	ssyncset.done $0x0  }
0xb5: {  	[sflag:s23] =	ssyncadd.s32 $0xFFFFC000  }
0xb6: {  	[tilespmem:s25], [sflag:$0x2] =	stream.indirect.gather [hbm4b:s4+s24], $0x80, s29, s24, $0xb8;
	[tilespmem:$0x1E800] =	vst v63  }
0xb7: {  	_ =	swait.ge [sflag:s26], $0x4000  }
0xb8: {  	[sflag:s26] =	ssyncset.done $0x0  }
0xb9: {  	[sflag:s26] =	ssyncadd.s32 $0xFFFFC000  }
0xba: {  	[spmem:s2] =	stream.indirect.scatter.add.f32 [tilespmem:s22], [sflag:$0x3], $0x80, s30, s24, $0xb8;
	[tilespmem:$0x1E800] =	vst v63  }
0xbb: {  	_ =	swait.ge [sflag:s23], $0x4000  }
0xbc: {  	[sflag:s23] =	ssyncset.done $0x0  }
0xbd: {  	[sflag:s23] =	ssyncadd.s32 $0xFFFFC000  }
0xbe: {  	_ =	swait.ge [sflag:s28], $0x4000  }
0xbf: {  	[sflag:s28] =	ssyncset.done $0x0  }
0xc0: {  	[sflag:s28] =	ssyncadd.s32 $0xFFFFC000  }
0xc1: {  	[spmem:s2] =	stream.indirect.scatter.add.f32 [tilespmem:s25], [sflag:$0x3], $0x80, s31, s24, $0xb8;
	[tilespmem:$0x1E800] =	vst v63  }
0xc2: {  	_ =	swait.ge [sflag:s23], $0x4000  }
0xc3: {  	[sflag:s23] =	ssyncset.done $0x0  }
0xc4: {  	[sflag:s23] =	ssyncadd.s32 $0xFFFFC000  }
0xc5: {  	[bflag:$0x0] =	sbarrier.arrive $0xFFFF  }
0xc6: {  	[tilespmem:s22], [sflag:$0x3] =	stream.linear.gather [spmem:s5], $0x4000, $0x38;
	[tilespmem:$0x1E800] =	vst v63  }
0xc7: {  	_ =	swait.ge [sflag:s23], $0x4000  }
0xc8: {  	[sflag:s23] =	ssyncset.done $0x0  }
0xc9: {  	[sflag:s23] =	ssyncadd.s32 $0xFFFFC000  }
0xca: {  	[hbm4b:s13+s3] =	stream.linear.scatter [tilespmem:s22], [sflag:$0x3], $0x4000, $0x38;
	[tilespmem:$0x1E800] =	vst v63  }
0xcb: {  	_ =	swait.ge [sflag:s23], $0x4000  }
0xcc: {  	[sflag:s23] =	ssyncset.done $0x0  }
0xcd: {  	[sflag:s23] =	ssyncadd.s32 $0xFFFFC000  }
0xce: {  	[tilespmem:s22], [sflag:$0x3] =	stream.linear.gather [spmem:s14], $0x4000, $0x38;
	[tilespmem:$0x1E800] =	vst v63  }
0xcf: {  	_ =	swait.ge [sflag:s23], $0x4000  }
0xd0: {  	[sflag:s23] =	ssyncset.done $0x0  }
0xd1: {  	[sflag:s23] =	ssyncadd.s32 $0xFFFFC000  }
0xd2: {  	[hbm4b:s15+s3] =	stream.linear.scatter [tilespmem:s22], [sflag:$0x3], $0x4000, $0x38;
	[tilespmem:$0x1E800] =	vst v63  }
0xd3: {  	_ =	swait.ge [sflag:s23], $0x4000  }
0xd4: {  	[sflag:s23] =	ssyncset.done $0x0  }
0xd5: {  	[sflag:s23] =	ssyncadd.s32 $0xFFFFC000  }
0xd6: {  	[tilespmem:s22], [sflag:$0x3] =	stream.linear.gather [spmem:s16], $0x4000, $0x38;
	[tilespmem:$0x1E800] =	vst v63  }
0xd7: {  	_ =	swait.ge [sflag:s23], $0x4000  }
0xd8: {  	[sflag:s23] =	ssyncset.done $0x0  }
0xd9: {  	[sflag:s23] =	ssyncadd.s32 $0xFFFFC000  }
0xda: {  	[hbm4b:s17+s3] =	stream.linear.scatter [tilespmem:s22], [sflag:$0x3], $0x4000, $0x38;
	[tilespmem:$0x1E800] =	vst v63  }
0xdb: {  	_ =	swait.ge [sflag:s23], $0x4000  }
0xdc: {  	[sflag:s23] =	ssyncset.done $0x0  }
0xdd: {  	[sflag:s23] =	ssyncadd.s32 $0xFFFFC000  }
0xde: {  	[tilespmem:s22], [sflag:$0x3] =	stream.linear.gather [spmem:s18], $0x4000, $0x38;
	[tilespmem:$0x1E800] =	vst v63  }
0xdf: {  	_ =	swait.ge [sflag:s23], $0x4000  }
0xe0: {  	[sflag:s23] =	ssyncset.done $0x0  }
0xe1: {  	[sflag:s23] =	ssyncadd.s32 $0xFFFFC000  }
0xe2: {  	[hbm4b:s19+s3] =	stream.linear.scatter [tilespmem:s22], [sflag:$0x3], $0x4000, $0x38;
	[tilespmem:$0x1E800] =	vst v63  }
0xe3: {  	_ =	swait.ge [sflag:s23], $0x4000  }
0xe4: {  	[sflag:s23] =	ssyncset.done $0x0  }
0xe5: {  	[sflag:s23] =	ssyncadd.s32 $0xFFFFC000  }
0xe6: {  	[tilespmem:s22], [sflag:$0x3] =	stream.linear.gather [spmem:s20], $0x4000, $0x38;
	[tilespmem:$0x1E800] =	vst v63  }
0xe7: {  	_ =	swait.ge [sflag:s23], $0x4000  }
0xe8: {  	[sflag:s23] =	ssyncset.done $0x0  }
0xe9: {  	[sflag:s23] =	ssyncadd.s32 $0xFFFFC000  }
0xea: {  	[hbm4b:s21+s3] =	stream.linear.scatter [tilespmem:s22], [sflag:$0x3], $0x4000, $0x38;
	[tilespmem:$0x1E800] =	vst v63  }
0xeb: {  	_ =	swait.ge [sflag:s23], $0x4000  }
0xec: {  	s0 =	sadd.s32 $0x1, s0;
	s9 =	rddreg [dreg:$0x5]  }
0xed: {  	p0 =	sne.s32 s0, s9  }
.Ltmp3:
0xee: {  	_ = 	snop;
	(pc) =	sbr.rel @p0 .LBB2_1-.Ltmp3, $3  }
0xef: {  	_ =	sdelay $0x1  }
0xf0: {  	[sflag:s23] =	ssyncset.done $0x0  }
0xf1: {  	[sflag:s23] =	ssyncadd.s32 $0xFFFFC000  }
0xf2: {  	_ =	sfence.sel $0x180000  }
0xf3: {  	[bflag:$0x0] =	sbarrier.arrive $0xFFFF  }
0xf4: {  	_ =	strace $0x90000050  }
0xf5: {  	s0 =	stileid.u32;
	[bflag:$0x2] =	sbarrier.arrive $0xFFFF  }
0xf6: {  	p0 =	sne.s32 s0, $0x0;
	s0 =	rddreg [dreg:$0x2]  }
0xf7: {  	s0 =	sadd.s32 @!p0 $0x100000, s0  }
0xf8: {  	[sflag:s0] =	ssyncadd.tile.s32 @!p0 $0x1;
	_ =	shalt  }
.Lfunc_end2:
_tile_overlayer_lowered:
.L_overlay_start_2:
0xf9: {  	(tag) =	ssettag $0x2  }
0xfa: {  	s0 =	rddreg [dreg:$0x0];
	s2 =	stileid.u32  }
0xfb: {  	s1 =	rddreg [dreg:$0x1];
	p0 =	sne.s32 s2, $0x0  }
0xfc: {  	s3 =	rddreg [dreg:$0x2];
	[bflag:$0x3] =	sbarrier.arrive $0xFFFF;
	s2 =	simm.s32 @!p0 $0x1C03  }
0xfd: {  	[timem:s3], [sflag:s2] =	dma.local @!p0 [hbm:s0], s1  }
0xfe: {  	s0 =	simm.s32 @!p0 $0x3  }
0xff: {  	_ =	swait.ge @!p0 [sflag:s0], s1  }
0x100: {  	s1 =	ssub.s32 @!p0 $0x0, s1;
	[sflag:s0] =	ssyncset.done @!p0 $0x0  }
0x101: {  	[sflag:s0] =	ssyncadd.s32 @!p0 s1  }
0x102: {  	[bflag:$0x3] =	sbarrier.arrive $0xFFFF  }
0x103: {  	_ =	shalt  }

// kernel: kernel.24.cloned.1.call-start
scs
__scs_entry_jumppad:
0x0: {  	(pc) =	sbr.rel $0x88, $3  }
0x1: {  	(tag) =	ssettag $0x0;
	lr =	simm.s32 $0x1  }
0x2: {  	[smem:$0x3F9A] =	sst lr;
	_ =	strace $0xD0000000  }
0x3: {  	_ = 	snop  }
0x4: {  	_ = 	snop  }
0x5: {  	_ = 	snop  }
0x6: {  	_ = 	snop  }
0x7: {  	_ = 	snop  }
__scs_overlays_trampoline_lowered:
0x8: {  	[smem:$0x3FA9] =	sst s0  }
0x9: {  	[smem:$0x3FAA] =	sst s1  }
0xa: {  	[smem:$0x3FAB] =	sst s2  }
0xb: {  	[smem:$0x3FAC] =	sst s3  }
0xc: {  	[smem:$0x3FAD] =	sst s4  }
0xd: {  	[smem:$0x3FAE] =	sst s5  }
0xe: {  	[smem:$0x3FAF] =	sst s6  }
0xf: {  	[smem:$0x3FB0] =	sst s7  }
0x10: {  	[smem:$0x3FB1] =	sst s8  }
0x11: {  	[smem:$0x3FB2] =	sst s9;
	s0 =	simm.s32 @!p0 $0x0  }
0x12: {  	s1 =	sld [smem:$0x3F98];
	s0 =	simm.s32 @p0 $0x1  }
0x13: {  	[smem:$0x3FB3] =	sst s0;
	s0 =	simm.s32 @!p1 $0x0  }
0x14: {  	s2 =	sld [smem:$0x3F97];
	s0 =	simm.s32 @p1 $0x1  }
0x15: {  	[smem:$0x3FB4] =	sst s0;
	s0 =	simm.s32 @!p2 $0x0  }
0x16: {  	s3 =	sld [smem:$0x3FDB];
	s0 =	simm.s32 @p2 $0x1  }
0x17: {  	s4 =	simm.s32 $0x1BF5;
	[smem:$0x3FB6] =	sst s0  }
0x18: {  	s0 =	sld [smem:$0x3F99];
	_ =	swait.ge [sflag:s4], $0x0  }
0x19: {  	s7 =	sld [smem:$0x3F9A]  }
0x1a: {  	s8 =	sadd.s32 $0xFFFFE003, lr  }
0x1b: {  	s9 =	sadd.s32 $0xFFFFFEF7, lr;
	s5 =	simm.s32 $0xFFFFFFFF;
	p2 =	slt.u32 s8, $0xFFFFF086  }
0x1c: {  	p1 =	slt.u32 s9, $0xF7A;
	s5 =	simm.s32 @!p2 $0x0  }
0x1d: {  	s5 =	simm.s32 @p1 $0x1;
	p0 =	seq.s32 s7, s2  }
0x1e: {  	s7 =	smul.u32 @!p0 $0xF7A, s2;
	p2 =	seq.s32 @!p0 s5, $0x0  }
0x1f: {  	s9 =	smul.u32 $0xF7A, s1;
	s8 =	simm.s32 @!p0 $0x1BF5;
	p2 =	por !p2, p0  }
0x20: {  	[sflag:s8] =	ssyncset.s32 @!p0 $0xFFFFF086;
	s6 =	sadd.s32 @!p0 s3, s7;
	s7 =	simm.s32 @!p0 $0x108  }
0x21: {  	s3 =	sadd.s32 s3, s9;
	s6 =	sadd.s32 @!p0 $0x88, s6;
	s7 =	simm.s32 @p2 $0x1082  }
0x22: {  	[simem:s7], [sflag:s8] =	dma.local @!p0 [hbm:s6], $0xF7A  }
0x23: {  	s9 =	sor.u32 $0xD0000000, s2;
	s6 =	simm.s32 $0x108;
	_ =	swait.ge @!p0 [sflag:s8], $0x0  }
0x24: {  	s3 =	sadd.s32 $0x88, s3;
	s6 =	simm.s32 @!p1 $0x1082;
	[sflag:s4] =	ssyncset.s32 $0xFFFFF086  }
0x25: {  	[simem:s6], [sflag:s4] =	dma.local [hbm:s3], $0xF7A  }
0x26: {  	[smem:$0x3F9A] =	sst s1;
	(tag) =	ssettag s2;
	_ =	strace s9  }
0x27: {  	s1 =	sld [smem:$0x3FAA]  }
0x28: {  	s2 =	sld [smem:$0x3FAB]  }
0x29: {  	s4 =	sld [smem:$0x3FAD]  }
0x2a: {  	p0 =	seq.s32 s5, $0x0;
	s5 =	sld [smem:$0x3FAE]  }
0x2b: {  	s6 =	sld [smem:$0x3FAF]  }
0x2c: {  	s7 =	sld [smem:$0x3FB0]  }
0x2d: {  	s3 =	simm.s32 $0x108;
	s8 =	sld [smem:$0x3FB1]  }
0x2e: {  	s3 =	simm.s32 @!p0 $0x1082;
	s9 =	sld [smem:$0x3FB2]  }
0x2f: {  	lr =	sadd.s32 s0, s3;
	s0 =	sld [smem:$0x3FA9]  }
0x30: {  	s3 =	sld [smem:$0x3FAC]  }
0x31: {  	[smem:$0x3FB5] =	sst s10  }
0x32: {  	s10 =	sld [smem:$0x3FB3];
	_ =	sdelay $0x3  }
0x33: {  	p0 =	seq.s32 s10, $0x1;
	s10 =	sld [smem:$0x3FB5];
	_ =	sdelay $0x3  }
0x34: {  	[smem:$0x3FB5] =	sst s10  }
0x35: {  	s10 =	sld [smem:$0x3FB4];
	_ =	sdelay $0x3  }
0x36: {  	p1 =	seq.s32 s10, $0x1;
	s10 =	sld [smem:$0x3FB5];
	_ =	sdelay $0x3  }
0x37: {  	[smem:$0x3FB5] =	sst s10  }
0x38: {  	s10 =	sld [smem:$0x3FB6]  }
0x39: {  	_ = 	snop;
	(pc) =	sbr.ind lr, $3  }
0x3a: {  	_ = 	snop  }
0x3b: {  	_ = 	snop  }
0x3c: {  	p2 =	seq.s32 s10, $0x1;
	s10 =	sld [smem:$0x3FB5]  }
0x3d: {  	_ =	shalt  }
0x3e: {  	_ =	shalt  }
0x3f: {  	_ =	shalt  }
0x40: {  	_ =	shalt  }
0x41: {  	_ =	shalt  }
0x42: {  	_ =	shalt  }
0x43: {  	_ =	shalt  }
0x44: {  	_ =	shalt  }
0x45: {  	_ =	shalt  }
0x46: {  	_ =	shalt  }
0x47: {  	_ =	shalt  }
0x48: {  	_ =	shalt  }
0x49: {  	_ =	shalt  }
0x4a: {  	_ =	shalt  }
0x4b: {  	_ =	shalt  }
0x4c: {  	_ =	shalt  }
0x4d: {  	_ =	shalt  }
0x4e: {  	_ =	shalt  }
0x4f: {  	_ =	shalt  }
0x50: {  	_ =	shalt  }
0x51: {  	_ =	shalt  }
0x52: {  	_ =	shalt  }
0x53: {  	_ =	shalt  }
0x54: {  	_ =	shalt  }
0x55: {  	_ =	shalt  }
0x56: {  	_ =	shalt  }
0x57: {  	_ =	shalt  }
0x58: {  	_ =	shalt  }
0x59: {  	_ =	shalt  }
0x5a: {  	_ =	shalt  }
0x5b: {  	_ =	shalt  }
0x5c: {  	_ =	shalt  }
0x5d: {  	_ =	shalt  }
0x5e: {  	_ =	shalt  }
0x5f: {  	_ =	shalt  }
0x60: {  	_ =	shalt  }
0x61: {  	_ =	shalt  }
0x62: {  	_ =	shalt  }
0x63: {  	_ =	shalt  }
0x64: {  	_ =	shalt  }
0x65: {  	_ =	shalt  }
0x66: {  	_ =	shalt  }
0x67: {  	_ =	shalt  }
0x68: {  	_ =	shalt  }
0x69: {  	_ =	shalt  }
0x6a: {  	_ =	shalt  }
0x6b: {  	_ =	shalt  }
0x6c: {  	_ =	shalt  }
0x6d: {  	_ =	shalt  }
0x6e: {  	_ =	shalt  }
0x6f: {  	_ =	shalt  }
0x70: {  	_ =	shalt  }
0x71: {  	_ =	shalt  }
0x72: {  	_ =	shalt  }
0x73: {  	_ =	shalt  }
0x74: {  	_ =	shalt  }
0x75: {  	_ =	shalt  }
0x76: {  	_ =	shalt  }
0x77: {  	_ =	shalt  }
0x78: {  	_ =	shalt  }
0x79: {  	_ =	shalt  }
0x7a: {  	_ =	shalt  }
0x7b: {  	_ =	shalt  }
0x7c: {  	_ =	shalt  }
0x7d: {  	_ =	shalt  }
0x7e: {  	_ =	shalt  }
0x7f: {  	_ =	shalt  }
0x80: {  	_ =	shalt  }
0x81: {  	_ =	shalt  }
0x82: {  	_ =	shalt  }
0x83: {  	_ =	shalt  }
0x84: {  	_ =	shalt  }
0x85: {  	_ =	shalt  }
0x86: {  	_ =	shalt  }
0x87: {  	_ =	shalt  }
.Lfunc_end0:
.L_simem_size_0:
called_computation.4_lowered:
.L_overlay_start_0:
0x88: {  	s2 =	sld [smem:$0x3FD9]  }
0x89: {  	s3 =	sld [smem:$0x3FFE];
	_ =	sdelay $0x1  }
0x8a: {  	s1 =	srdreg.scid  }
0x8b: {  	s0 =	sand.u32 $0x1, s1  }
0x8c: {  	s17 =	sshll.u32 s0, $0xA;
	s2 =	sadd.s32 s3, s2  }
0x8d: {  	s2 =	sadd.s32 s2, s17  }
0x8e: {  	[smem:$0x3FC1] =	sst s2  }
0x8f: {  	_ = 	snop  }
0x90: {  	s2 =	sld [smem:$0x3FD0];
	(tm) =	ssettm $0x1  }
0x91: {  	s18 =	sld [smem:$0x3FFB];
	_ =	sdelay $0x3  }
0x92: {  	_ =	strace s18  }
0x93: {  	s3 =	sld [smem:$0x3FFC];
	_ =	sdelay $0x3  }
0x94: {  	_ =	strace s3  }
0x95: {  	s3 =	sld [smem:$0x3FFD];
	_ =	sdelay $0x3  }
0x96: {  	_ =	strace s3  }
0x97: {  	_ =	strace $0x8FFFFFFF  }
0x98: {  	s19 =	sld [smem:$0x3FDB];
	_ =	sdelay $0x1  }
0x99: {  	s4 =	simm.s32 $_scs_section_size  }
0x9a: {  	s5 =	simm.s32 $_size__tile_overlayer_lowered;
	s6 =	simm.s32 $_tile_overlayer_lowered  }
0x9b: {  	s22 =	simm.s32 $0x1BFF;
	s21 =	sshll.u32 s6, $0x1;
	s3 =	sadd.s32 s4, s19  }
0x9c: {  	s7 =	simm.s32 $0x0;
	s20 =	sshll.u32 s5, $0x1;
	s5 =	sadd.s32 s21, s3  }
0x9d: {  	[timem:s7], [sflag:s22] =	dma.local [hbm:s5], s20  }
0x9e: {  	_ =	swait.ge [sflag:s22], s20  }
0x9f: {  	s4 =	ssub.s32 $0x0, s20;
	[sflag:s22] =	ssyncset.done $0x0  }
0xa0: {  	[sflag:s22] =	ssyncadd.s32 s4;
	_ =	sdelay $0x1  }
0xa1: {  	s23 =	simm.s32 $0x1B8B  }
0xa2: {  	_ =	swait.ge [sflag:s23], $0x1  }
0xa3: {  	[sflag:s23] =	ssyncset.done $0x0  }
0xa4: {  	s25 =	simm.s32 $0x1B8E;
	s24 =	sld [smem:$0x3FFE];
	[sflag:s23] =	ssyncadd.s32 $0xFFFFFFFF  }
0xa5: {  	s26 =	simm.s32 $execute0_lowered;
	[smem:$0x3FD2] =	sst s25  }
0xa6: {  	s5 =	sshll.u32 s26, $0x1;
	_ =	strace $0x80000052;
	[dreg:$0x1] =	wrdreg $0xFFFFFFFF  }
0xa7: {  	s28 =	simm.s32 $_size_execute0_lowered;
	s3 =	sadd.s32 s3, s5;
	[dreg:$0x0] =	wrdreg $0x0  }
0xa8: {  	s5 =	sshll.u32 s28, $0x1;
	[dreg:$0x2] =	wrdreg s3  }
0xa9: {  	[dreg:$0x3] =	wrdreg s5  }
0xaa: {  	[dreg:$0x4] =	wrdreg $0xC0  }
0xab: {  	_ =	task [dreg:s7], $0x5FFFF  }
0xac: {  	[dreg:$0x1] =	wrdreg $0xFFFFFFFF  }
0xad: {  	[dreg:$0x0] =	wrdreg $0x60  }
0xae: {  	[dreg:$0x2] =	wrdreg s24  }
0xaf: {  	[dreg:$0x3] =	wrdreg s2  }
0xb0: {  	[dreg:$0x4] =	wrdreg $0xA8000  }
0xb1: {  	[dreg:$0x5] =	wrdreg $0x9  }
0xb2: {  	_ =	task.clear_ibuf [dreg:s7], $0x6FFFF;
	_ =	strace $0x90000052  }
0xb3: {  	s29 =	simm.s32 $0x9;
	_ =	strace $0x80000054  }
0xb4: {  	_ =	swait.ge [sflag:s29], $0x1  }
0xb5: {  	[sflag:s29] =	ssyncadd.s32 $0xFFFFFFFF  }
0xb6: {  	_ =	strace $0x90000054  }
0xb7: {  	_ =	sfence  }
0xb8: {  	s30 =	sld [smem:$0x0];
	_ =	sdelay $0x2  }
0xb9: {  	s31 =	sshll.u32 s1, $0xD;
	s1 =	sshrl.u32 s1, $0x2  }
0xba: {  	s3 =	sand.u32 $0x4000, s31;
	s1 =	sadd.s32 s1, s30  }
0xbb: {  	s0 =	sor.u32 s3, s0;
	s1 =	sshll.u32 s1, $0x11  }
0xbc: {  	s0 =	sor.u32 s1, s0  }
0xbd: {  	s0 =	sadd.s32 $0x8F2B, s0  }
0xbe: {  	[sflag:s0] =	ssyncadd.remote.s32 $0x1  }
0xbf: {  	_ =	sfence.sel $0xFFFF  }
0xc0: {  	[dreg:$0x0] =	wrdreg $0xFFFFFFFF;
	(pc) =	sbr.abs _section_cstart, $3  }
0xc1: {  	[dreg:$0x1] =	wrdreg $0xFFFFFFFF  }
0xc2: {  	_ =	task.clear_ibuf [dreg:s7], $0x2FFFF;
	_ =	strace $0x9FFFFFFF  }
0xc3: {  	(tm) =	ssettm $0x7FFFFFFF  }
tec
execute0_lowered:
.L_overlay_start_1:
0x0: {  	(tag) =	ssettag $0x1  }
0x1: {  	s0 =	rddreg [dreg:$0x0]  }
0x2: {  	s2 =	rddreg [dreg:$0x1]  }
0x3: {  	s1 =	rddreg [dreg:$0x2];
	s4 =	srdreg.scid  }
0x4: {  	s3 =	simm.s32 $0x0;
	s10 =	stileid.u32;
	s28 =	simm.s32 $0x2  }
0x5: {  	s29 =	simm.s32 $0x2700;
	s30 =	simm.s32 $0x2680;
	s31 =	simm.s32 $0x2780  }
0x6: {  	s5 =	sand.u32 $0x1, s4;
	[smem:$0x7FF] =	sst s3;
	s7 =	smul.u32 $0x50000, s10  }
0x7: {  	s4 =	sshll.u32 s5, $0x4;
	s6 =	ssub.s32 $0x2, s5;
	s18 =	smul.u32 $0x140000, s5  }
0x8: {  	_ =	strace $0x80000053;
	s4 =	sor.u32 s10, s4;
	s10 =	smul.u32 $0x14000, s10  }
0x9: {  	s8 =	sshrl.u32 s6, $0x1;
	s7 =	sshrl.u32 s7, $0x2;
	s9 =	smul.u32 $0x5000, s4  }
0xa: {  	s4 =	sadd.s32 $0x3F400, s0;
	s8 =	ssub.s32 s6, s8;
	s5 =	sadd.s32 s7, s1  }
0xb: {  	s0 =	sadd.s32 $0x67400, s0;
	s16 =	smax.u32 s8, $0x1;
	s17 =	sadd.s32 $0x4000, s5  }
0xc: {  	s19 =	sadd.s32 $0x8000, s5;
	s20 =	sadd.s32 s18, s10;
	s21 =	sadd.s32 $0x4000, s10  }
0xd: {  	s11 =	sadd.s32 $0xC000, s5;
	s12 =	sadd.s32 $0x10000, s5;
	[dreg:$0x5] =	wrdreg s16  }
0xe: {  	s23 =	sadd.s32 $0x8000, s10;
	s24 =	sadd.s32 $0xC000, s10;
	[dreg:$0x6] =	wrdreg s17  }
0xf: {  	s9 =	sshrl.u32 s9, $0x3;
	[dreg:$0x7] =	wrdreg s19;
	s14 =	sadd.s32 s18, s21  }
0x10: {  	s16 =	sadd.s32 s23, s1;
	s19 =	sadd.s32 s18, s24;
	s6 =	sadd.s32 s2, s9  }
0x11: {  	s22 =	sshrl.u32 s14, $0x3;
	s14 =	sadd.s32 s21, s1;
	s2 =	sadd.s32 $0x10000, s10  }
0x12: {  	s25 =	sshrl.u32 s19, $0x3;
	s7 =	sadd.s32 $0x500, s6;
	s15 =	sadd.s32 s0, s22  }
0x13: {  	s19 =	sadd.s32 s0, s25;
	s22 =	simm.s32 $0x2800;
	s25 =	simm.s32 $0x6800  }
0x14: {  	[dreg:$0x4] =	wrdreg s7;
	s7 =	sshrl.u32 s20, $0x3;
	s20 =	sadd.s32 s18, s2  }
0x15: {  	s13 =	sadd.s32 s0, s7;
	s7 =	sadd.s32 s18, s23;
	s18 =	sadd.s32 s24, s1  }
0x16: {  	s26 =	sshrl.u32 s20, $0x3;
	s20 =	sadd.s32 s2, s1;
	s23 =	simm.s32 $0x3  }
0x17: {  	s24 =	simm.s32 $0x80;
	s7 =	sshrl.u32 s7, $0x3;
	s21 =	sadd.s32 s0, s26  }
0x18: {  	v0 =	vimm.f32 $0.0e+00;
	s26 =	simm.s32 $0x1;
	s17 =	sadd.s32 s0, s7;
	s0 =	simm.s32 $0x0  }
.LBB2_1:
0x19: {  	s2 =	sand.u32 $0xFE00, s3  }
0x1a: {  	s7 =	sand.u32 $0x70, s3;
	s8 =	sshrl.u32 s2, $0x2  }
0x1b: {  	s2 =	simm.s32 $0x40;
	s8 =	sor.u32 s7, s8;
	s7 =	simm.s32 $0x0  }
.LBB2_2:
0x1c: {  	p0 =	sne.s32 s2, $0xFFC0  }
0x1d: {  	[tilespmem:s8+$0x2800] =	vst v0;
	s7 =	sadd.s32 $0x10, s7;
	s8 =	smov.u32 s2;
	s2 =	sadd.s32 $0x40, s2  }
.Ltmp0:
0x1e: {  	(pc) =	sbr.rel @p0 .LBB2_2-.Ltmp0, $4  }
0x1f: {  	_ = 	snop  }
0x20: {  	s8 =	sand.u32 $0xFE00, s8  }
0x21: {  	s9 =	sand.u32 $0x70, s7;
	s8 =	sshrl.u32 s8, $0x2  }
0x22: {  	s8 =	sor.u32 s9, s8  }
0x23: {  	[tilespmem:s8+$0x2800] =	vst v0  }
0x24: {  	[spmem:s5] =	stream.linear.scatter [tilespmem:s22], [sflag:$0x3], $0x4000, $0x38;
	[tilespmem:$0x1E800] =	vst v63  }
0x25: {  	_ =	swait.ge [sflag:s23], $0x4000  }
0x26: {  	[sflag:s23] =	ssyncset.done $0x0  }
0x27: {  	s2 =	rddreg [dreg:$0x6];
	[sflag:s23] =	ssyncadd.s32 $0xFFFFC000  }
0x28: {  	[spmem:s2] =	stream.linear.scatter [tilespmem:s22], [sflag:$0x3], $0x4000, $0x38;
	[tilespmem:$0x1E800] =	vst v63  }
0x29: {  	_ =	swait.ge [sflag:s23], $0x4000  }
0x2a: {  	[sflag:s23] =	ssyncset.done $0x0  }
0x2b: {  	s10 =	rddreg [dreg:$0x7];
	[sflag:s23] =	ssyncadd.s32 $0xFFFFC000  }
0x2c: {  	[spmem:s10] =	stream.linear.scatter [tilespmem:s22], [sflag:$0x3], $0x4000, $0x38;
	[tilespmem:$0x1E800] =	vst v63  }
0x2d: {  	_ =	swait.ge [sflag:s23], $0x4000  }
0x2e: {  	[sflag:s23] =	ssyncset.done $0x0  }
0x2f: {  	[sflag:s23] =	ssyncadd.s32 $0xFFFFC000  }
0x30: {  	[spmem:s11] =	stream.linear.scatter [tilespmem:s22], [sflag:$0x3], $0x4000, $0x38;
	[tilespmem:$0x1E800] =	vst v63  }
0x31: {  	_ =	swait.ge [sflag:s23], $0x4000  }
0x32: {  	[sflag:s23] =	ssyncset.done $0x0  }
0x33: {  	[sflag:s23] =	ssyncadd.s32 $0xFFFFC000  }
0x34: {  	[spmem:s12] =	stream.linear.scatter [tilespmem:s22], [sflag:$0x3], $0x4000, $0x38;
	[tilespmem:$0x1E800] =	vst v63  }
0x35: {  	_ =	swait.ge [sflag:s23], $0x4000  }
0x36: {  	[sflag:s23] =	ssyncset.done $0x0  }
0x37: {  	[sflag:s23] =	ssyncadd.s32 $0xFFFFC000  }
0x38: {  	[bflag:$0x0] =	sbarrier.arrive $0xFFFF  }
0x39: {  	[tilespmem:s3], [sflag:$0x3] =	stream.linear.gather [hbm4b:s6+s3], $0x2800, $0x38;
	[tilespmem:$0x1E800] =	vst v63  }
0x3a: {  	_ =	swait.ge [sflag:s23], $0x2800  }
0x3b: {  	[sflag:s23] =	ssyncset.done $0x0  }
0x3c: {  	[sflag:s23] =	ssyncadd.s32 $0xFFFFD800  }
0x3d: {  	[tilespmem:s22], [sflag:$0x1] =	stream.indirect.gather [hbm4b:s4+s24], $0x80, s3, s24, $0xb8;
	[tilespmem:$0x1E800] =	vst v63  }
0x3e: {  	s7 =	simm.s32 $0x100  }
0x3f: {  	[tilespmem:s25], [sflag:$0x2] =	stream.indirect.gather [hbm4b:s4+s24], $0x80, s7, s24, $0xb8;
	[tilespmem:$0x1E800] =	vst v63  }
0x40: {  	_ =	swait.ge [sflag:s26], $0x4000  }
0x41: {  	[sflag:s26] =	ssyncset.done $0x0  }
0x42: {  	s8 =	simm.s32 $0x80;
	[sflag:s26] =	ssyncadd.s32 $0xFFFFC000  }
0x43: {  	[spmem:s1] =	stream.indirect.scatter.add.f32 [tilespmem:s22], [sflag:$0x3], $0x80, s8, s24, $0xb8;
	[tilespmem:$0x1E800] =	vst v63  }
0x44: {  	_ =	swait.ge [sflag:s23], $0x4000  }
0x45: {  	[sflag:s23] =	ssyncset.done $0x0  }
0x46: {  	s9 =	simm.s32 $0x200;
	[sflag:s23] =	ssyncadd.s32 $0xFFFFC000  }
0x47: {  	[tilespmem:s22], [sflag:$0x1] =	stream.indirect.gather [hbm4b:s4+s24], $0x80, s9, s24, $0xb8;
	[tilespmem:$0x1E800] =	vst v63  }
0x48: {  	_ =	swait.ge [sflag:s28], $0x4000  }
0x49: {  	[sflag:s28] =	ssyncset.done $0x0  }
0x4a: {  	s10 =	simm.s32 $0x180;
	[sflag:s28] =	ssyncadd.s32 $0xFFFFC000  }
0x4b: {  	[spmem:s1] =	stream.indirect.scatter.add.f32 [tilespmem:s25], [sflag:$0x3], $0x80, s10, s24, $0xb8;
	[tilespmem:$0x1E800] =	vst v63  }
0x4c: {  	_ =	swait.ge [sflag:s23], $0x4000  }
0x4d: {  	s2 =	simm.s32 $0xFFFFDC00;
	s7 =	simm.s32 $0xFFFF7800;
	[sflag:s23] =	ssyncset.done $0x0  }
.LBB2_4:
0x4e: {  	s8 =	sadd.s32 $0x2700, s2  }
0x4f: {  	[sflag:s23] =	ssyncadd.s32 $0xFFFFC000;
	s9 =	smov.u32 s7;
	s10 =	sadd.s32 $0x800, s7  }
0x50: {  	[tilespmem:s25], [sflag:$0x2] =	stream.indirect.gather [hbm4b:s4+s24], $0x80, s8, s24, $0xb8;
	[tilespmem:$0x1E800] =	vst v63  }
0x51: {  	p0 =	sne.s32 s7, $0xFFFFF800;
	_ =	swait.ge [sflag:s26], $0x4000  }
0x52: {  	[sflag:s26] =	ssyncset.done $0x0  }
0x53: {  	s7 =	sadd.s32 $0x2680, s2;
	[sflag:s26] =	ssyncadd.s32 $0xFFFFC000  }
0x54: {  	[spmem:s1] =	stream.indirect.scatter.add.f32 [tilespmem:s22], [sflag:$0x3], $0x80, s7, s24, $0xb8;
	[tilespmem:$0x1E800] =	vst v63  }
0x55: {  	_ =	swait.ge [sflag:s23], $0x4000  }
0x56: {  	[sflag:s23] =	ssyncset.done $0x0  }
0x57: {  	s7 =	sadd.s32 $0x2800, s2;
	[sflag:s23] =	ssyncadd.s32 $0xFFFFC000  }
0x58: {  	[tilespmem:s22], [sflag:$0x1] =	stream.indirect.gather [hbm4b:s4+s24], $0x80, s7, s24, $0xb8;
	[tilespmem:$0x1E800] =	vst v63  }
0x59: {  	_ =	swait.ge [sflag:s28], $0x4000  }
.Ltmp1:
0x5a: {  	[sflag:s28] =	ssyncset.done $0x0;
	(pc) =	sbr.rel @p0 .LBB2_4-.Ltmp1, $4  }
0x5b: {  	s2 =	sadd.s32 $0x2780, s2;
	[sflag:s28] =	ssyncadd.s32 $0xFFFFC000  }
0x5c: {  	[spmem:s1] =	stream.indirect.scatter.add.f32 [tilespmem:s25], [sflag:$0x3], $0x80, s2, s24, $0xb8;
	[tilespmem:$0x1E800] =	vst v63  }
0x5d: {  	_ =	swait.ge [sflag:s23], $0x4000  }
0x5e: {  	s7 =	smov.u32 s10;
	s2 =	sshra.s32 s9, $0x2;
	[sflag:s23] =	ssyncset.done $0x0  }
0x5f: {  	s7 =	sadd.s32 $0x2700, s2;
	[sflag:s23] =	ssyncadd.s32 $0xFFFFC000  }
0x60: {  	[tilespmem:s25], [sflag:$0x2] =	stream.indirect.gather [hbm4b:s4+s24], $0x80, s7, s24, $0xb8;
	[tilespmem:$0x1E800] =	vst v63  }
0x61: {  	_ =	swait.ge [sflag:s26], $0x4000  }
0x62: {  	[sflag:s26] =	ssyncset.done $0x0  }
0x63: {  	s10 =	sadd.s32 $0x2680, s2;
	[sflag:s26] =	ssyncadd.s32 $0xFFFFC000  }
0x64: {  	[spmem:s1] =	stream.indirect.scatter.add.f32 [tilespmem:s22], [sflag:$0x3], $0x80, s10, s24, $0xb8;
	[tilespmem:$0x1E800] =	vst v63  }
0x65: {  	_ =	swait.ge [sflag:s23], $0x4000  }
0x66: {  	[sflag:s23] =	ssyncset.done $0x0  }
0x67: {  	s8 =	sadd.s32 $0x2800, s2;
	[sflag:s23] =	ssyncadd.s32 $0xFFFFC000  }
0x68: {  	[tilespmem:s22], [sflag:$0x1] =	stream.indirect.gather [hbm4b:s4+s24], $0x80, s8, s24, $0xb8;
	[tilespmem:$0x1E800] =	vst v63  }
0x69: {  	_ =	swait.ge [sflag:s28], $0x4000  }
0x6a: {  	[sflag:s28] =	ssyncset.done $0x0  }
0x6b: {  	s9 =	sadd.s32 $0x2780, s2;
	[sflag:s28] =	ssyncadd.s32 $0xFFFFC000  }
0x6c: {  	[spmem:s1] =	stream.indirect.scatter.add.f32 [tilespmem:s25], [sflag:$0x3], $0x80, s9, s24, $0xb8;
	[tilespmem:$0x1E800] =	vst v63  }
0x6d: {  	_ =	swait.ge [sflag:s23], $0x4000  }
0x6e: {  	[sflag:s23] =	ssyncset.done $0x0  }
0x6f: {  	[sflag:s23] =	ssyncadd.s32 $0xFFFFC000  }
0x70: {  	[tilespmem:s25], [sflag:$0x2] =	stream.indirect.gather [hbm4b:s4+s24], $0x80, s29, s24, $0xb8;
	[tilespmem:$0x1E800] =	vst v63  }
0x71: {  	_ =	swait.ge [sflag:s26], $0x4000  }
0x72: {  	[sflag:s26] =	ssyncset.done $0x0  }
0x73: {  	[sflag:s26] =	ssyncadd.s32 $0xFFFFC000  }
0x74: {  	[spmem:s1] =	stream.indirect.scatter.add.f32 [tilespmem:s22], [sflag:$0x3], $0x80, s30, s24, $0xb8;
	[tilespmem:$0x1E800] =	vst v63  }
0x75: {  	_ =	swait.ge [sflag:s23], $0x4000  }
0x76: {  	[sflag:s23] =	ssyncset.done $0x0  }
0x77: {  	[sflag:s23] =	ssyncadd.s32 $0xFFFFC000  }
0x78: {  	_ =	swait.ge [sflag:s28], $0x4000  }
0x79: {  	[sflag:s28] =	ssyncset.done $0x0  }
0x7a: {  	[sflag:s28] =	ssyncadd.s32 $0xFFFFC000  }
0x7b: {  	[spmem:s1] =	stream.indirect.scatter.add.f32 [tilespmem:s25], [sflag:$0x3], $0x80, s31, s24, $0xb8;
	[tilespmem:$0x1E800] =	vst v63  }
0x7c: {  	_ =	swait.ge [sflag:s23], $0x4000  }
0x7d: {  	[sflag:s23] =	ssyncset.done $0x0  }
0x7e: {  	s10 =	rddreg [dreg:$0x4];
	[sflag:s23] =	ssyncadd.s32 $0xFFFFC000  }
0x7f: {  	[tilespmem:s3], [sflag:$0x3] =	stream.linear.gather [hbm4b:s10+s3], $0x2800, $0x38;
	[tilespmem:$0x1E800] =	vst v63  }
0x80: {  	_ =	swait.ge [sflag:s23], $0x2800  }
0x81: {  	[sflag:s23] =	ssyncset.done $0x0  }
0x82: {  	[sflag:s23] =	ssyncadd.s32 $0xFFFFD800  }
0x83: {  	[tilespmem:s22], [sflag:$0x1] =	stream.indirect.gather [hbm4b:s4+s24], $0x80, s3, s24, $0xb8;
	[tilespmem:$0x1E800] =	vst v63  }
0x84: {  	s7 =	simm.s32 $0x100  }
0x85: {  	[tilespmem:s25], [sflag:$0x2] =	stream.indirect.gather [hbm4b:s4+s24], $0x80, s7, s24, $0xb8;
	[tilespmem:$0x1E800] =	vst v63  }
0x86: {  	_ =	swait.ge [sflag:s26], $0x4000  }
0x87: {  	[sflag:s26] =	ssyncset.done $0x0  }
0x88: {  	s8 =	simm.s32 $0x80;
	[sflag:s26] =	ssyncadd.s32 $0xFFFFC000  }
0x89: {  	[spmem:s1] =	stream.indirect.scatter.add.f32 [tilespmem:s22], [sflag:$0x3], $0x80, s8, s24, $0xb8;
	[tilespmem:$0x1E800] =	vst v63  }
0x8a: {  	_ =	swait.ge [sflag:s23], $0x4000  }
0x8b: {  	[sflag:s23] =	ssyncset.done $0x0  }
0x8c: {  	s9 =	simm.s32 $0x200;
	[sflag:s23] =	ssyncadd.s32 $0xFFFFC000  }
0x8d: {  	[tilespmem:s22], [sflag:$0x1] =	stream.indirect.gather [hbm4b:s4+s24], $0x80, s9, s24, $0xb8;
	[tilespmem:$0x1E800] =	vst v63  }
0x8e: {  	_ =	swait.ge [sflag:s28], $0x4000  }
0x8f: {  	[sflag:s28] =	ssyncset.done $0x0  }
0x90: {  	s10 =	simm.s32 $0x180;
	[sflag:s28] =	ssyncadd.s32 $0xFFFFC000  }
0x91: {  	[spmem:s1] =	stream.indirect.scatter.add.f32 [tilespmem:s25], [sflag:$0x3], $0x80, s10, s24, $0xb8;
	[tilespmem:$0x1E800] =	vst v63  }
0x92: {  	_ =	swait.ge [sflag:s23], $0x4000  }
0x93: {  	s2 =	simm.s32 $0xFFFFDC00;
	s7 =	simm.s32 $0xFFFF7800;
	[sflag:s23] =	ssyncset.done $0x0  }
.LBB2_6:
0x94: {  	s8 =	sadd.s32 $0x2700, s2  }
0x95: {  	[sflag:s23] =	ssyncadd.s32 $0xFFFFC000;
	s9 =	smov.u32 s7;
	s10 =	sadd.s32 $0x800, s7  }
0x96: {  	[tilespmem:s25], [sflag:$0x2] =	stream.indirect.gather [hbm4b:s4+s24], $0x80, s8, s24, $0xb8;
	[tilespmem:$0x1E800] =	vst v63  }
0x97: {  	p0 =	sne.s32 s7, $0xFFFFF800;
	_ =	swait.ge [sflag:s26], $0x4000  }
0x98: {  	[sflag:s26] =	ssyncset.done $0x0  }
0x99: {  	s7 =	sadd.s32 $0x2680, s2;
	[sflag:s26] =	ssyncadd.s32 $0xFFFFC000  }
0x9a: {  	[spmem:s1] =	stream.indirect.scatter.add.f32 [tilespmem:s22], [sflag:$0x3], $0x80, s7, s24, $0xb8;
	[tilespmem:$0x1E800] =	vst v63  }
0x9b: {  	_ =	swait.ge [sflag:s23], $0x4000  }
0x9c: {  	[sflag:s23] =	ssyncset.done $0x0  }
0x9d: {  	s7 =	sadd.s32 $0x2800, s2;
	[sflag:s23] =	ssyncadd.s32 $0xFFFFC000  }
0x9e: {  	[tilespmem:s22], [sflag:$0x1] =	stream.indirect.gather [hbm4b:s4+s24], $0x80, s7, s24, $0xb8;
	[tilespmem:$0x1E800] =	vst v63  }
0x9f: {  	_ =	swait.ge [sflag:s28], $0x4000  }
.Ltmp2:
0xa0: {  	[sflag:s28] =	ssyncset.done $0x0;
	(pc) =	sbr.rel @p0 .LBB2_6-.Ltmp2, $4  }
0xa1: {  	s2 =	sadd.s32 $0x2780, s2;
	[sflag:s28] =	ssyncadd.s32 $0xFFFFC000  }
0xa2: {  	[spmem:s1] =	stream.indirect.scatter.add.f32 [tilespmem:s25], [sflag:$0x3], $0x80, s2, s24, $0xb8;
	[tilespmem:$0x1E800] =	vst v63  }
0xa3: {  	_ =	swait.ge [sflag:s23], $0x4000  }
0xa4: {  	s7 =	smov.u32 s10;
	s2 =	sshra.s32 s9, $0x2;
	[sflag:s23] =	ssyncset.done $0x0  }
0xa5: {  	s7 =	sadd.s32 $0x2700, s2;
	[sflag:s23] =	ssyncadd.s32 $0xFFFFC000  }
0xa6: {  	[tilespmem:s25], [sflag:$0x2] =	stream.indirect.gather [hbm4b:s4+s24], $0x80, s7, s24, $0xb8;
	[tilespmem:$0x1E800] =	vst v63  }
0xa7: {  	_ =	swait.ge [sflag:s26], $0x4000  }
0xa8: {  	[sflag:s26] =	ssyncset.done $0x0  }
0xa9: {  	s10 =	sadd.s32 $0x2680, s2;
	[sflag:s26] =	ssyncadd.s32 $0xFFFFC000  }
0xaa: {  	[spmem:s1] =	stream.indirect.scatter.add.f32 [tilespmem:s22], [sflag:$0x3], $0x80, s10, s24, $0xb8;
	[tilespmem:$0x1E800] =	vst v63  }
0xab: {  	_ =	swait.ge [sflag:s23], $0x4000  }
0xac: {  	[sflag:s23] =	ssyncset.done $0x0  }
0xad: {  	s8 =	sadd.s32 $0x2800, s2;
	[sflag:s23] =	ssyncadd.s32 $0xFFFFC000  }
0xae: {  	[tilespmem:s22], [sflag:$0x1] =	stream.indirect.gather [hbm4b:s4+s24], $0x80, s8, s24, $0xb8;
	[tilespmem:$0x1E800] =	vst v63  }
0xaf: {  	_ =	swait.ge [sflag:s28], $0x4000  }
0xb0: {  	[sflag:s28] =	ssyncset.done $0x0  }
0xb1: {  	s9 =	sadd.s32 $0x2780, s2;
	[sflag:s28] =	ssyncadd.s32 $0xFFFFC000  }
0xb2: {  	[spmem:s1] =	stream.indirect.scatter.add.f32 [tilespmem:s25], [sflag:$0x3], $0x80, s9, s24, $0xb8;
	[tilespmem:$0x1E800] =	vst v63  }
0xb3: {  	_ =	swait.ge [sflag:s23], $0x4000  }
0xb4: {  	[sflag:s23] =	ssyncset.done $0x0  }
0xb5: {  	[sflag:s23] =	ssyncadd.s32 $0xFFFFC000  }
0xb6: {  	[tilespmem:s25], [sflag:$0x2] =	stream.indirect.gather [hbm4b:s4+s24], $0x80, s29, s24, $0xb8;
	[tilespmem:$0x1E800] =	vst v63  }
0xb7: {  	_ =	swait.ge [sflag:s26], $0x4000  }
0xb8: {  	[sflag:s26] =	ssyncset.done $0x0  }
0xb9: {  	[sflag:s26] =	ssyncadd.s32 $0xFFFFC000  }
0xba: {  	[spmem:s1] =	stream.indirect.scatter.add.f32 [tilespmem:s22], [sflag:$0x3], $0x80, s30, s24, $0xb8;
	[tilespmem:$0x1E800] =	vst v63  }
0xbb: {  	_ =	swait.ge [sflag:s23], $0x4000  }
0xbc: {  	[sflag:s23] =	ssyncset.done $0x0  }
0xbd: {  	[sflag:s23] =	ssyncadd.s32 $0xFFFFC000  }
0xbe: {  	_ =	swait.ge [sflag:s28], $0x4000  }
0xbf: {  	[sflag:s28] =	ssyncset.done $0x0  }
0xc0: {  	[sflag:s28] =	ssyncadd.s32 $0xFFFFC000  }
0xc1: {  	[spmem:s1] =	stream.indirect.scatter.add.f32 [tilespmem:s25], [sflag:$0x3], $0x80, s31, s24, $0xb8;
	[tilespmem:$0x1E800] =	vst v63  }
0xc2: {  	_ =	swait.ge [sflag:s23], $0x4000  }
0xc3: {  	[sflag:s23] =	ssyncset.done $0x0  }
0xc4: {  	[sflag:s23] =	ssyncadd.s32 $0xFFFFC000  }
0xc5: {  	[bflag:$0x0] =	sbarrier.arrive $0xFFFF  }
0xc6: {  	[tilespmem:s22], [sflag:$0x3] =	stream.linear.gather [spmem:s5], $0x4000, $0x38;
	[tilespmem:$0x1E800] =	vst v63  }
0xc7: {  	_ =	swait.ge [sflag:s23], $0x4000  }
0xc8: {  	[sflag:s23] =	ssyncset.done $0x0  }
0xc9: {  	[sflag:s23] =	ssyncadd.s32 $0xFFFFC000  }
0xca: {  	[hbm4b:s13+s3] =	stream.linear.scatter [tilespmem:s22], [sflag:$0x3], $0x4000, $0x38;
	[tilespmem:$0x1E800] =	vst v63  }
0xcb: {  	_ =	swait.ge [sflag:s23], $0x4000  }
0xcc: {  	[sflag:s23] =	ssyncset.done $0x0  }
0xcd: {  	[sflag:s23] =	ssyncadd.s32 $0xFFFFC000  }
0xce: {  	[tilespmem:s22], [sflag:$0x3] =	stream.linear.gather [spmem:s14], $0x4000, $0x38;
	[tilespmem:$0x1E800] =	vst v63  }
0xcf: {  	_ =	swait.ge [sflag:s23], $0x4000  }
0xd0: {  	[sflag:s23] =	ssyncset.done $0x0  }
0xd1: {  	[sflag:s23] =	ssyncadd.s32 $0xFFFFC000  }
0xd2: {  	[hbm4b:s15+s3] =	stream.linear.scatter [tilespmem:s22], [sflag:$0x3], $0x4000, $0x38;
	[tilespmem:$0x1E800] =	vst v63  }
0xd3: {  	_ =	swait.ge [sflag:s23], $0x4000  }
0xd4: {  	[sflag:s23] =	ssyncset.done $0x0  }
0xd5: {  	[sflag:s23] =	ssyncadd.s32 $0xFFFFC000  }
0xd6: {  	[tilespmem:s22], [sflag:$0x3] =	stream.linear.gather [spmem:s16], $0x4000, $0x38;
	[tilespmem:$0x1E800] =	vst v63  }
0xd7: {  	_ =	swait.ge [sflag:s23], $0x4000  }
0xd8: {  	[sflag:s23] =	ssyncset.done $0x0  }
0xd9: {  	[sflag:s23] =	ssyncadd.s32 $0xFFFFC000  }
0xda: {  	[hbm4b:s17+s3] =	stream.linear.scatter [tilespmem:s22], [sflag:$0x3], $0x4000, $0x38;
	[tilespmem:$0x1E800] =	vst v63  }
0xdb: {  	_ =	swait.ge [sflag:s23], $0x4000  }
0xdc: {  	[sflag:s23] =	ssyncset.done $0x0  }
0xdd: {  	[sflag:s23] =	ssyncadd.s32 $0xFFFFC000  }
0xde: {  	[tilespmem:s22], [sflag:$0x3] =	stream.linear.gather [spmem:s18], $0x4000, $0x38;
	[tilespmem:$0x1E800] =	vst v63  }
0xdf: {  	_ =	swait.ge [sflag:s23], $0x4000  }
0xe0: {  	[sflag:s23] =	ssyncset.done $0x0  }
0xe1: {  	[sflag:s23] =	ssyncadd.s32 $0xFFFFC000  }
0xe2: {  	[hbm4b:s19+s3] =	stream.linear.scatter [tilespmem:s22], [sflag:$0x3], $0x4000, $0x38;
	[tilespmem:$0x1E800] =	vst v63  }
0xe3: {  	_ =	swait.ge [sflag:s23], $0x4000  }
0xe4: {  	[sflag:s23] =	ssyncset.done $0x0  }
0xe5: {  	[sflag:s23] =	ssyncadd.s32 $0xFFFFC000  }
0xe6: {  	[tilespmem:s22], [sflag:$0x3] =	stream.linear.gather [spmem:s20], $0x4000, $0x38;
	[tilespmem:$0x1E800] =	vst v63  }
0xe7: {  	_ =	swait.ge [sflag:s23], $0x4000  }
0xe8: {  	[sflag:s23] =	ssyncset.done $0x0  }
0xe9: {  	[sflag:s23] =	ssyncadd.s32 $0xFFFFC000  }
0xea: {  	[hbm4b:s21+s3] =	stream.linear.scatter [tilespmem:s22], [sflag:$0x3], $0x4000, $0x38;
	[tilespmem:$0x1E800] =	vst v63  }
0xeb: {  	_ =	swait.ge [sflag:s23], $0x4000  }
0xec: {  	s0 =	sadd.s32 $0x1, s0;
	s10 =	rddreg [dreg:$0x5]  }
0xed: {  	p0 =	sne.s32 s0, s10  }
.Ltmp3:
0xee: {  	_ = 	snop;
	(pc) =	sbr.rel @p0 .LBB2_1-.Ltmp3, $3  }
0xef: {  	_ =	sdelay $0x1  }
0xf0: {  	[sflag:s23] =	ssyncset.done $0x0  }
0xf1: {  	[sflag:s23] =	ssyncadd.s32 $0xFFFFC000  }
0xf2: {  	_ =	sfence.sel $0x180000  }
0xf3: {  	[bflag:$0x0] =	sbarrier.arrive $0xFFFF  }
0xf4: {  	_ =	strace $0x90000053  }
0xf5: {  	s0 =	stileid.u32;
	[bflag:$0x2] =	sbarrier.arrive $0xFFFF  }
0xf6: {  	p0 =	sne.s32 s0, $0x0;
	s0 =	rddreg [dreg:$0x3]  }
0xf7: {  	s0 =	sadd.s32 @!p0 $0x100000, s0  }
0xf8: {  	[sflag:s0] =	ssyncadd.tile.s32 @!p0 $0x1;
	_ =	shalt  }
.Lfunc_end2:
_tile_overlayer_lowered:
.L_overlay_start_2:
0xf9: {  	(tag) =	ssettag $0x2  }
0xfa: {  	s0 =	rddreg [dreg:$0x0];
	s2 =	stileid.u32  }
0xfb: {  	s1 =	rddreg [dreg:$0x1];
	p0 =	sne.s32 s2, $0x0  }
0xfc: {  	s3 =	rddreg [dreg:$0x2];
	[bflag:$0x3] =	sbarrier.arrive $0xFFFF;
	s2 =	simm.s32 @!p0 $0x1C03  }
0xfd: {  	[timem:s3], [sflag:s2] =	dma.local @!p0 [hbm:s0], s1  }
0xfe: {  	s0 =	simm.s32 @!p0 $0x3  }
0xff: {  	_ =	swait.ge @!p0 [sflag:s0], s1  }
0x100: {  	s1 =	ssub.s32 @!p0 $0x0, s1;
	[sflag:s0] =	ssyncset.done @!p0 $0x0  }
0x101: {  	[sflag:s0] =	ssyncadd.s32 @!p0 s1  }
0x102: {  	[bflag:$0x3] =	sbarrier.arrive $0xFFFF  }
0x103: {  	_ =	shalt  }

</sc_bundles>
